<compile_context>
chip_gen: v7x
topology: tpu7x:2x2x1
jax: 0.10.2.dev20260603
libtpu: 0.0.44.dev20260713+nightly
codegen_flags: <defaults>
</compile_context>

<pallas_src>
import dataclasses
import functools

import jax
import jax.numpy as jnp
from jax import lax
from jax.experimental import pallas as pl
from jax.experimental.pallas import tpu as pltpu
from jax.experimental.pallas import tpu_sc as plsc

N = 10000
D = 128
E = 320000
K = 128
G = 16
W_GATHER = 2
E_PAD = 327680
NCHT = E_PAD // K
WCH = NCHT // 32
WG = WCH // G
RPS = 624
RTAIL = N - 16 * RPS
N_ACC = 10240
BN = 2000
NB = N // BN


def _mesh():
    return plsc.VectorSubcoreMesh(core_axis_name="c", subcore_axis_name="s")


EW = E_PAD // 32
N_H = N_ACC


def _sc_hist(colsf):

    @functools.partial(
        pl.kernel,
        out_type=jax.ShapeDtypeStruct((32, 1, N_H), jnp.float32),
        mesh=_mesh(),
        scratch_types=[
            pltpu.VMEM((EW,), jnp.int32),
            pltpu.VMEM((1, N_H), jnp.float32),
            pltpu.SemaphoreType.DMA,
        ],
        compiler_params=dataclasses.replace(pltpu.CompilerParams(),
                                            needs_layout_passes=False),
    )
    def k(c_hbm, out_hbm, colb, hv, isem):
        cid = lax.axis_index("c")
        sid = lax.axis_index("s")
        wid = sid * 2 + cid
        cp = pltpu.async_copy(c_hbm.at[pl.ds(wid * EW, EW)], colb, isem)

        z16 = jnp.zeros((16,), jnp.float32)

        @pl.loop(0, N_H // 16)
        def _(i):
            hv[0, pl.ds(i * 16, 16)] = z16

        cp.wait()
        zi = jnp.zeros((16,), jnp.int32)
        o16 = jnp.ones((16,), jnp.float32)

        @pl.loop(0, EW // 16)
        def _(i):
            idx = colb[pl.ds(i * 16, 16)]
            plsc.addupdate_scatter(hv, [zi, idx], o16)

        pltpu.sync_copy(hv, out_hbm.at[wid])

    return k(colsf)


def _dis(hist32):
    bh = 2560

    def body(h_ref, o_ref):
        s = jnp.sum(h_ref[...], axis=0, keepdims=True) + 1.0
        o_ref[...] = lax.rsqrt(s).reshape(bh, 1)

    return pl.pallas_call(
        body,
        grid=(N_H // bh,),
        in_specs=[pl.BlockSpec((32, bh), lambda i: (0, i))],
        out_specs=pl.BlockSpec((bh, 1), lambda i: (i, 0)),
        out_shape=jax.ShapeDtypeStruct((N_H, 1), jnp.float32),
    )(hist32)


ZR = 48


def _sc_agg(y, rows2, cols2):

    @functools.partial(
        pl.kernel,
        out_type=jax.ShapeDtypeStruct((2 * N, D), jnp.float32),
        mesh=_mesh(),
        scratch_types=[
            pltpu.VMEM((G, K), jnp.int32),
            pltpu.VMEM((G, K), jnp.int32),
            pltpu.VMEM((W_GATHER, K, D), jnp.float32),
            pltpu.VMEM((ZR, D), jnp.float32),
            pltpu.VMEM_SHARED((N_ACC, D), jnp.float32),
            pltpu.SemaphoreType.DMA,
            pltpu.SemaphoreType.DMA,
            pltpu.SemaphoreType.DMA,
            pltpu.SemaphoreType.DMA,
            pltpu.SemaphoreType.DMA,
        ],
    )
    def k(y_hbm, r_hbm, c_hbm, out_hbm, rowb0, colb0, gbuf,
          zbuf, acc, gsem0, gsem1, ssem0, ssem1, zsem):
        cid = lax.axis_index("c")
        sid = lax.axis_index("s")
        wid = sid * 2 + cid
        rbase = sid * RPS

        z16 = jnp.zeros((16,), jnp.float32)

        @pl.loop(0, ZR)
        def _(r):
            @pl.loop(0, D // 16)
            def _(c):
                zbuf[r, pl.ds(c * 16, 16)] = z16

        zcp = [pltpu.async_copy(zbuf, acc.at[pl.ds(rbase + i * ZR, ZR)], zsem)
               for i in range(RPS // ZR)]

        @pl.when(sid == 0)
        def _():
            pltpu.async_copy(zbuf.at[pl.ds(0, RTAIL)],
                             acc.at[pl.ds(16 * RPS, RTAIL)], zsem).wait()

        cbase = wid * WCH
        gsems = (gsem0, gsem1)
        ssems = (ssem0, ssem1)

        def process(rowb, colb):
            gcp = [None] * G
            scp = [None] * G
            gcp[0] = pltpu.async_copy(y_hbm.at[rowb.at[0]], gbuf.at[0], gsems[0])
            gcp[1] = pltpu.async_copy(y_hbm.at[rowb.at[1]], gbuf.at[1], gsems[1])
            for j in range(G):
                b = j % 2
                if 1 <= j < G - 1:
                    scp[j - 1].wait()
                    gcp[j + 1] = pltpu.async_copy(y_hbm.at[rowb.at[j + 1]],
                                                  gbuf.at[1 - b], gsems[1 - b])
                gcp[j].wait()
                scp[j] = pltpu.async_copy(gbuf.at[b], acc.at[colb.at[j]],
                                          ssems[b], add=True)
            scp[G - 2].wait()
            scp[G - 1].wait()

        for cp in zcp:
            cp.wait()
        plsc.subcore_barrier()

        @pl.loop(0, WG)
        def _(g):
            ch = cbase + g * G
            pltpu.sync_copy(r_hbm.at[pl.ds(ch, G)], rowb0)
            pltpu.sync_copy(c_hbm.at[pl.ds(ch, G)], colb0)
            process(rowb0, colb0)

        plsc.subcore_barrier()
        pltpu.sync_copy(acc.at[pl.ds(rbase, RPS)],
                        out_hbm.at[pl.ds(cid * N + rbase, RPS)])

        @pl.when(sid == 0)
        def _():
            pltpu.sync_copy(acc.at[pl.ds(16 * RPS, RTAIL)],
                            out_hbm.at[pl.ds(cid * N + 16 * RPS, RTAIL)])

    return k(y, rows2, cols2)


def _mm_first(x, w, dis):

    def body(x_ref, w_ref, d_ref, o_ref):
        o_ref[...] = jnp.dot(x_ref[...], w_ref[...]) * d_ref[...]

    return pl.pallas_call(
        body,
        grid=(NB,),
        in_specs=[
            pl.BlockSpec((BN, D), lambda i: (i, 0)),
            pl.BlockSpec((D, D), lambda i: (0, 0)),
            pl.BlockSpec((BN, 1), lambda i: (i, 0)),
        ],
        out_specs=pl.BlockSpec((BN, D), lambda i: (i, 0)),
        out_shape=jax.ShapeDtypeStruct((N, D), jnp.float32),
    )(x, w, dis)


def _mm_mid(a, y, dis, b1, w2):

    def body(p0_ref, p1_ref, y_ref, d_ref, b_ref, w_ref, o_ref):
        dis = d_ref[...]
        full = p0_ref[...] + p1_ref[...] + y_ref[...]
        hid = jnp.maximum(full * dis + b_ref[...], 0.0)
        o_ref[...] = jnp.dot(hid, w_ref[...]) * dis

    return pl.pallas_call(
        body,
        grid=(NB,),
        in_specs=[
            pl.BlockSpec((BN, D), lambda i: (i, 0)),
            pl.BlockSpec((BN, D), lambda i: (i + NB, 0)),
            pl.BlockSpec((BN, D), lambda i: (i, 0)),
            pl.BlockSpec((BN, 1), lambda i: (i, 0)),
            pl.BlockSpec((1, D), lambda i: (0, 0)),
            pl.BlockSpec((D, D), lambda i: (0, 0)),
        ],
        out_specs=pl.BlockSpec((BN, D), lambda i: (i, 0)),
        out_shape=jax.ShapeDtypeStruct((N, D), jnp.float32),
    )(a, a, y, dis, b1, w2)


def _mm_final(a, y, dis, b2, wh, bh):

    def body(p0_ref, p1_ref, y_ref, d_ref, b_ref, w_ref, bh_ref, o_ref):
        dis = d_ref[...]
        full = p0_ref[...] + p1_ref[...] + y_ref[...]
        z = full * dis + b_ref[...]
        o_ref[...] = jnp.dot(z, w_ref[...]) + bh_ref[...]

    return pl.pallas_call(
        body,
        grid=(NB,),
        in_specs=[
            pl.BlockSpec((BN, D), lambda i: (i, 0)),
            pl.BlockSpec((BN, D), lambda i: (i + NB, 0)),
            pl.BlockSpec((BN, D), lambda i: (i, 0)),
            pl.BlockSpec((BN, 1), lambda i: (i, 0)),
            pl.BlockSpec((1, D), lambda i: (0, 0)),
            pl.BlockSpec((D, D), lambda i: (0, 0)),
            pl.BlockSpec((1, D), lambda i: (0, 0)),
        ],
        out_specs=pl.BlockSpec((BN, D), lambda i: (i, 0)),
        out_shape=jax.ShapeDtypeStruct((N, D), jnp.float32),
    )(a, a, y, dis, b2, wh, bh)


def kernel(x, edge_index, W1, b1, W2, b2, Wh, bh):
    row = edge_index[0]
    col = edge_index[1]
    pad = E_PAD - E
    pad_iota = jnp.arange(pad, dtype=jnp.int32)
    rows2 = jnp.concatenate([row, pad_iota % N]).reshape(NCHT, K)
    cols_p = jnp.concatenate([col, N + pad_iota % (N_ACC - N)])
    cols2 = cols_p.reshape(NCHT, K)
    b1r = b1.reshape(1, D)
    b2r = b2.reshape(1, D)
    bhr = bh.reshape(1, D)

    hist32 = _sc_hist(cols_p).reshape(32, N_H)
    dis = _dis(hist32)
    y1 = _mm_first(x, W1, dis)
    a1 = _sc_agg(y1, rows2, cols2)
    y2 = _mm_mid(a1, y1, dis, b1r, W2)
    a2 = _sc_agg(y2, rows2, cols2)
    return _mm_final(a2, y2, dis, b2r, Wh, bhr)

# --- scband reference (transcript-rebuilt; emitter-appended) ---
"""Pipeline reference for scband-gcn-4887672783345 (READ-ONLY COPY).

The authoritative reference and input builder live on the scoring server;
editing this copy changes nothing except your own understanding.
"""

import jax, jax.numpy as jnp
import numpy as np

N = 10000
E = 320000
D_IN = 128
D_HID = 128
D_OUT = 128


def setup_inputs(seed: int = 0) -> dict:
    key = jax.random.key(seed)
    ks = jax.random.split(key, 9)
    x = jax.random.normal(ks[0], (N, D_IN), dtype=jnp.float32)
    edge_index = jax.random.randint(ks[1], (2, E), 0, N, dtype=jnp.int32)
    s1 = float(np.sqrt(2.0 / (D_IN + D_HID)))
    s2 = float(np.sqrt(2.0 / (D_HID + D_HID)))
    s3 = float(np.sqrt(2.0 / (D_HID + D_OUT)))
    W1 = jax.random.normal(ks[2], (D_IN, D_HID), dtype=jnp.float32) * s1
    b1 = jnp.zeros((D_HID,), dtype=jnp.float32)
    W2 = jax.random.normal(ks[3], (D_HID, D_HID), dtype=jnp.float32) * s2
    b2 = jnp.zeros((D_HID,), dtype=jnp.float32)
    Wh = jax.random.normal(ks[4], (D_HID, D_OUT), dtype=jnp.float32) * s3
    bh = jnp.zeros((D_OUT,), dtype=jnp.float32)
    return {"x": x, "edge_index": edge_index, "W1": W1, "b1": b1, "W2": W2, "b2": b2, "Wh": Wh, "bh": bh}


def _gcn_conv(x, edge_index, W, b):
    # GCNConv (Kipf & Welling): add self-loops, symmetric normalization, sum aggregation
    num_nodes = x.shape[0]
    loop = jnp.arange(num_nodes, dtype=edge_index.dtype)
    row = jnp.concatenate([edge_index[0], loop])  # source (x_j)
    col = jnp.concatenate([edge_index[1], loop])  # destination (aggregation target)
    deg = jnp.zeros((num_nodes,), dtype=x.dtype).at[col].add(1.0)
    deg_inv_sqrt = jnp.where(deg > 0, deg ** -0.5, 0.0)
    norm = deg_inv_sqrt[row] * deg_inv_sqrt[col]
    xw = x @ W
    msg = xw[row] * norm[:, None]
    out = jnp.zeros((num_nodes, W.shape[1]), dtype=x.dtype).at[col].add(msg)
    return out + b


def reference(x, edge_index, W1, b1, W2, b2, Wh, bh):
    # layer 1
    h = _gcn_conv(x, edge_index, W1, b1)
    h = jax.nn.relu(h)
    # dropout is identity in eval mode
    # layer 2 (last conv: no relu/dropout after it)
    h = _gcn_conv(h, edge_index, W2, b2)
    # post_mp head: linear node-level head hidden_dim -> dim_out
    out = h @ Wh + bh
    return out

if __name__ == "__main__":
    import jax
    _d = setup_inputs()
    print(jax.jit(kernel)(*tuple(_d.values())))

</pallas_src>

<mosaic_0001>
#map = affine_map<(d0, d1) -> (0)>
#map1 = affine_map<(d0, d1) -> (0, 0, 0)>
module attributes {stable_mosaic.version = 14 : i64} {
  func.func @k(%arg0: i32, %arg1: i32, %arg2: memref<327680xi32, #tpu.memory_space<hbm>>, %arg3: memref<32x1x10240xf32, #tpu.memory_space<hbm>>, %arg4: memref<10240xi32, #tpu.memory_space<vmem>>, %arg5: memref<1x10240xf32, #tpu.memory_space<vmem>>, %arg6: memref<!tpu.dma_semaphore, #tpu.memory_space<semaphore_mem>>) attributes {dimension_semantics = [#tpu.dimension_semantics<core_parallel>, #tpu.dimension_semantics<subcore_parallel>], iteration_bounds = array<i64: 2, 16>, scalar_prefetch = 0 : i64, scratch_operands = 3 : i64, tpu.core_type = #tpu.core_type<sc_vector_subcore>, window_params = [{transform_indices = #map}, {transform_indices = #map1}]} {
    %mul3A = arith.constant 2 : i32
    %mul3A_0 = arith.muli %arg1, %mul3A : i32
    %add3A = arith.addi %mul3A_0, %arg0 : i32
    %mul3A_1 = arith.constant 10240 : i32
    %mul3A_2 = arith.muli %add3A, %mul3A_1 : i32
    %dma_start3A = tpu.memref_slice %arg2[%mul3A_2] : memref<327680xi32, #tpu.memory_space<hbm>> -> memref<10240xi32, #tpu.memory_space<hbm>>
    %dma_start3A_3 = tpu.memref_slice %arg2[%mul3A_2] : memref<327680xi32, #tpu.memory_space<hbm>> -> memref<10240xi32, #tpu.memory_space<hbm>>
    tpu.enqueue_dma source(%dma_start3A_3 : memref<10240xi32, #tpu.memory_space<hbm>>) target(%arg4 : memref<10240xi32, #tpu.memory_space<vmem>>) target_semaphore(%arg6 : memref<!tpu.dma_semaphore, #tpu.memory_space<semaphore_mem>>)
    %broadcast_in_dim3A = arith.constant 0.000000e+00 : f32
    %broadcast_in_dim3A_4 = vector.broadcast %broadcast_in_dim3A : f32 to vector<16xf32>
    %scan3A = arith.constant 0 : i32
    %scan3A_5 = arith.constant 640 : i32
    %scan3A_6 = arith.addi %scan3A, %scan3A_5 : i32
    %scan3A_7 = arith.constant 1 : i32
    scf.for %scan3A_19 = %scan3A to %scan3A_6 step %scan3A_7  : i32 {
      %mul3A_20 = arith.constant 1 : i32
      %mul3A_21 = arith.muli %scan3A_19, %mul3A_20 : i32
      %add3A_22 = arith.constant 0 : i32
      %add3A_23 = arith.addi %add3A_22, %mul3A_21 : i32
      %mul3A_24 = arith.constant 16 : i32
      %mul3A_25 = arith.muli %add3A_23, %mul3A_24 : i32
      %swap3A = arith.constant 0 : i32
      %swap3A_26 = arith.index_cast %swap3A : i32 to index
      %swap3A_27 = arith.index_cast %mul3A_25 : i32 to index
      %swap3A_28 = tpu.vector_load %arg5[%swap3A_26, %swap3A_27] {strides = array<i32>} : memref<1x10240xf32, #tpu.memory_space<vmem>>, vector<16xf32>,
      tpu.vector_store %arg5[%swap3A_26, %swap3A_27], %broadcast_in_dim3A_4 {strides = array<i32>} : memref<1x10240xf32, #tpu.memory_space<vmem>>, vector<16xf32>,
    }
    %scan3A_8 = arith.constant 640 : i32
    %dma_wait3A = tpu.memref_slice %arg2[%mul3A_2] : memref<327680xi32, #tpu.memory_space<hbm>> -> memref<10240xi32, #tpu.memory_space<hbm>>
    %dma_wait3A_9 = tpu.memref_slice %arg2[%mul3A_2] : memref<327680xi32, #tpu.memory_space<hbm>> -> memref<10240xi32, #tpu.memory_space<hbm>>
    tpu.wait_dma2 semaphore(%arg6 : memref<!tpu.dma_semaphore, #tpu.memory_space<semaphore_mem>>) src(%dma_wait3A_9 : memref<10240xi32, #tpu.memory_space<hbm>>) dst(%arg4 : memref<10240xi32, #tpu.memory_space<vmem>>)
    %broadcast_in_dim3A_10 = arith.constant 0 : i32
    %broadcast_in_dim3A_11 = vector.broadcast %broadcast_in_dim3A_10 : i32 to vector<16xi32>
    %broadcast_in_dim3A_12 = arith.constant 1.000000e+00 : f32
    %broadcast_in_dim3A_13 = vector.broadcast %broadcast_in_dim3A_12 : f32 to vector<16xf32>
    %scan3A_14 = arith.constant 0 : i32
    %scan3A_15 = arith.constant 640 : i32
    %scan3A_16 = arith.addi %scan3A_14, %scan3A_15 : i32
    %scan3A_17 = arith.constant 1 : i32
    scf.for %scan3A_19 = %scan3A_14 to %scan3A_16 step %scan3A_17  : i32 {
      %mul3A_20 = arith.constant 1 : i32
      %mul3A_21 = arith.muli %scan3A_19, %mul3A_20 : i32
      %add3A_22 = arith.constant 0 : i32
      %add3A_23 = arith.addi %add3A_22, %mul3A_21 : i32
      %mul3A_24 = arith.constant 16 : i32
      %mul3A_25 = arith.muli %add3A_23, %mul3A_24 : i32
      %get3A = arith.index_cast %mul3A_25 : i32 to index
      %get3A_26 = tpu.vector_load %arg4[%get3A] {strides = array<i32>} : memref<10240xi32, #tpu.memory_space<vmem>>, vector<16xi32>,
      tpu.vector_store_idx %arg5[%broadcast_in_dim3A_11, %get3A_26], %broadcast_in_dim3A_13 {add = true} : memref<1x10240xf32, #tpu.memory_space<vmem>>[vector<16xi32>, vector<16xi32>], vector<16xf32>,
    }
    %scan3A_18 = arith.constant 640 : i32
    "tpu.region"() ({
      %run_scoped3A = tpu.sem_alloc : memref<!tpu.dma_semaphore, #tpu.memory_space<semaphore_mem>>
      %dma_start3A_19 = arith.constant 0 : i32
      %dma_start3A_20 = arith.constant 0 : i32
      %dma_start3A_21 = tpu.memref_slice %arg3[%add3A, %dma_start3A_19, %dma_start3A_20] : memref<32x1x10240xf32, #tpu.memory_space<hbm>> -> memref<1x1x10240xf32, #tpu.memory_space<hbm>>
      %dma_start3A_22 = tpu.memref_squeeze %dma_start3A_21 : memref<1x1x10240xf32, #tpu.memory_space<hbm>> -> memref<1x10240xf32, #tpu.memory_space<hbm>>
      %dma_start3A_23 = arith.constant 0 : i32
      %dma_start3A_24 = arith.constant 0 : i32
      %dma_start3A_25 = tpu.memref_slice %arg3[%add3A, %dma_start3A_23, %dma_start3A_24] : memref<32x1x10240xf32, #tpu.memory_space<hbm>> -> memref<1x1x10240xf32, #tpu.memory_space<hbm>>
      %dma_start3A_26 = tpu.memref_squeeze %dma_start3A_25 : memref<1x1x10240xf32, #tpu.memory_space<hbm>> -> memref<1x10240xf32, #tpu.memory_space<hbm>>
      tpu.enqueue_dma source(%arg5 : memref<1x10240xf32, #tpu.memory_space<vmem>>) target(%dma_start3A_26 : memref<1x10240xf32, #tpu.memory_space<hbm>>) target_semaphore(%run_scoped3A : memref<!tpu.dma_semaphore, #tpu.memory_space<semaphore_mem>>)
      %dma_wait3A_27 = arith.constant 0 : i32
      %dma_wait3A_28 = arith.constant 0 : i32
      %dma_wait3A_29 = tpu.memref_slice %arg3[%add3A, %dma_wait3A_27, %dma_wait3A_28] : memref<32x1x10240xf32, #tpu.memory_space<hbm>> -> memref<1x1x10240xf32, #tpu.memory_space<hbm>>
      %dma_wait3A_30 = tpu.memref_squeeze %dma_wait3A_29 : memref<1x1x10240xf32, #tpu.memory_space<hbm>> -> memref<1x10240xf32, #tpu.memory_space<hbm>>
      %dma_wait3A_31 = arith.constant 0 : i32
      %dma_wait3A_32 = arith.constant 0 : i32
      %dma_wait3A_33 = tpu.memref_slice %arg3[%add3A, %dma_wait3A_31, %dma_wait3A_32] : memref<32x1x10240xf32, #tpu.memory_space<hbm>> -> memref<1x1x10240xf32, #tpu.memory_space<hbm>>
      %dma_wait3A_34 = tpu.memref_squeeze %dma_wait3A_33 : memref<1x1x10240xf32, #tpu.memory_space<hbm>> -> memref<1x10240xf32, #tpu.memory_space<hbm>>
      tpu.wait_dma2 semaphore(%run_scoped3A : memref<!tpu.dma_semaphore, #tpu.memory_space<semaphore_mem>>) src(%arg5 : memref<1x10240xf32, #tpu.memory_space<vmem>>) dst(%dma_wait3A_34 : memref<1x10240xf32, #tpu.memory_space<hbm>>)
      tpu.yield
    }) : () -> ()
    return
  }
}

#map = affine_map<(d0, d1) -> (0, 0)>
module attributes {stable_mosaic.version = 14 : i64} {
  func.func @k(%arg0: i32, %arg1: i32, %arg2: memref<10000x128xf32, #tpu.memory_space<hbm>>, %arg3: memref<2560x128xi32, #tpu.memory_space<hbm>>, %arg4: memref<2560x128xi32, #tpu.memory_space<hbm>>, %arg5: memref<20000x128xf32, #tpu.memory_space<hbm>>, %arg6: memref<16x128xi32, #tpu.memory_space<vmem>>, %arg7: memref<16x128xi32, #tpu.memory_space<vmem>>, %arg8: memref<2x128x128xf32, #tpu.memory_space<vmem>>, %arg9: memref<48x128xf32, #tpu.memory_space<vmem>>, %arg10: memref<10240x128xf32, #tpu.memory_space<vmem_shared>>, %arg11: memref<!tpu.dma_semaphore, #tpu.memory_space<semaphore_mem>>, %arg12: memref<!tpu.dma_semaphore, #tpu.memory_space<semaphore_mem>>, %arg13: memref<!tpu.dma_semaphore, #tpu.memory_space<semaphore_mem>>, %arg14: memref<!tpu.dma_semaphore, #tpu.memory_space<semaphore_mem>>, %arg15: memref<!tpu.dma_semaphore, #tpu.memory_space<semaphore_mem>>) attributes {dimension_semantics = [#tpu.dimension_semantics<core_parallel>, #tpu.dimension_semantics<subcore_parallel>], iteration_bounds = array<i64: 2, 16>, scalar_prefetch = 0 : i64, scratch_operands = 10 : i64, tpu.core_type = #tpu.core_type<sc_vector_subcore>, window_params = [{transform_indices = #map}, {transform_indices = #map}, {transform_indices = #map}, {transform_indices = #map}]} {
    %mul3A = arith.constant 2 : i32
    %mul3A_0 = arith.muli %arg1, %mul3A : i32
    %add3A = arith.addi %mul3A_0, %arg0 : i32
    %mul3A_1 = arith.constant 624 : i32
    %mul3A_2 = arith.muli %arg1, %mul3A_1 : i32
    %broadcast_in_dim3A = arith.constant 0.000000e+00 : f32
    %broadcast_in_dim3A_3 = vector.broadcast %broadcast_in_dim3A : f32 to vector<16xf32>
    %scan3A = arith.constant 0 : i32
    %scan3A_4 = arith.constant 48 : i32
    %scan3A_5 = arith.addi %scan3A, %scan3A_4 : i32
    %scan3A_6 = arith.constant 1 : i32
    scf.for %scan3A_154 = %scan3A to %scan3A_5 step %scan3A_6  : i32 {
      %mul3A_155 = arith.constant 1 : i32
      %mul3A_156 = arith.muli %scan3A_154, %mul3A_155 : i32
      %add3A_157 = arith.constant 0 : i32
      %add3A_158 = arith.addi %add3A_157, %mul3A_156 : i32
      %scan3A_159 = arith.constant 0 : i32
      %scan3A_160 = arith.constant 8 : i32
      %scan3A_161 = arith.addi %scan3A_159, %scan3A_160 : i32
      %scan3A_162 = arith.constant 1 : i32
      scf.for %scan3A_164 = %scan3A_159 to %scan3A_161 step %scan3A_162  : i32 {
        %mul3A_165 = arith.constant 1 : i32
        %mul3A_166 = arith.muli %scan3A_164, %mul3A_165 : i32
        %add3A_167 = arith.constant 0 : i32
        %add3A_168 = arith.addi %add3A_167, %mul3A_166 : i32
        %mul3A_169 = arith.constant 16 : i32
        %mul3A_170 = arith.muli %add3A_168, %mul3A_169 : i32
        %swap3A = arith.index_cast %add3A_158 : i32 to index
        %swap3A_171 = arith.index_cast %mul3A_170 : i32 to index
        %swap3A_172 = tpu.vector_load %arg9[%swap3A, %swap3A_171] {strides = array<i32>} : memref<48x128xf32, #tpu.memory_space<vmem>>, vector<1x16xf32>,
        %swap3A_173 = vector.shape_cast %swap3A_172 : vector<1x16xf32> to vector<16xf32>
        %swap3A_174 = vector.shape_cast %broadcast_in_dim3A_3 : vector<16xf32> to vector<1x16xf32>
        tpu.vector_store %arg9[%swap3A, %swap3A_171], %swap3A_174 {strides = array<i32>} : memref<48x128xf32, #tpu.memory_space<vmem>>, vector<1x16xf32>,
      }
      %scan3A_163 = arith.constant 8 : i32
    }
    %scan3A_7 = arith.constant 48 : i32
    %add3A_8 = arith.constant 0 : i32
    %add3A_9 = arith.addi %mul3A_2, %add3A_8 : i32
    %dma_start3A = arith.constant 0 : i32
    %dma_start3A_10 = tpu.memref_slice %arg10[%add3A_9, %dma_start3A] : memref<10240x128xf32, #tpu.memory_space<vmem_shared>> -> memref<48x128xf32, #tpu.memory_space<vmem_shared>>
    %dma_start3A_11 = arith.constant 0 : i32
    %dma_start3A_12 = tpu.memref_slice %arg10[%add3A_9, %dma_start3A_11] : memref<10240x128xf32, #tpu.memory_space<vmem_shared>> -> memref<48x128xf32, #tpu.memory_space<vmem_shared>>
    tpu.enqueue_dma source(%arg9 : memref<48x128xf32, #tpu.memory_space<vmem>>) target(%dma_start3A_12 : memref<48x128xf32, #tpu.memory_space<vmem_shared>>) target_semaphore(%arg15 : memref<!tpu.dma_semaphore, #tpu.memory_space<semaphore_mem>>)
    %add3A_13 = arith.constant 48 : i32
    %add3A_14 = arith.addi %mul3A_2, %add3A_13 : i32
    %dma_start3A_15 = arith.constant 0 : i32
    %dma_start3A_16 = tpu.memref_slice %arg10[%add3A_14, %dma_start3A_15] : memref<10240x128xf32, #tpu.memory_space<vmem_shared>> -> memref<48x128xf32, #tpu.memory_space<vmem_shared>>
    %dma_start3A_17 = arith.constant 0 : i32
    %dma_start3A_18 = tpu.memref_slice %arg10[%add3A_14, %dma_start3A_17] : memref<10240x128xf32, #tpu.memory_space<vmem_shared>> -> memref<48x128xf32, #tpu.memory_space<vmem_shared>>
    tpu.enqueue_dma source(%arg9 : memref<48x128xf32, #tpu.memory_space<vmem>>) target(%dma_start3A_18 : memref<48x128xf32, #tpu.memory_space<vmem_shared>>) target_semaphore(%arg15 : memref<!tpu.dma_semaphore, #tpu.memory_space<semaphore_mem>>)
    %add3A_19 = arith.constant 96 : i32
    %add3A_20 = arith.addi %mul3A_2, %add3A_19 : i32
    %dma_start3A_21 = arith.constant 0 : i32
    %dma_start3A_22 = tpu.memref_slice %arg10[%add3A_20, %dma_start3A_21] : memref<10240x128xf32, #tpu.memory_space<vmem_shared>> -> memref<48x128xf32, #tpu.memory_space<vmem_shared>>
    %dma_start3A_23 = arith.constant 0 : i32
    %dma_start3A_24 = tpu.memref_slice %arg10[%add3A_20, %dma_start3A_23] : memref<10240x128xf32, #tpu.memory_space<vmem_shared>> -> memref<48x128xf32, #tpu.memory_space<vmem_shared>>
    tpu.enqueue_dma source(%arg9 : memref<48x128xf32, #tpu.memory_space<vmem>>) target(%dma_start3A_24 : memref<48x128xf32, #tpu.memory_space<vmem_shared>>) target_semaphore(%arg15 : memref<!tpu.dma_semaphore, #tpu.memory_space<semaphore_mem>>)
    %add3A_25 = arith.constant 144 : i32
    %add3A_26 = arith.addi %mul3A_2, %add3A_25 : i32
    %dma_start3A_27 = arith.constant 0 : i32
    %dma_start3A_28 = tpu.memref_slice %arg10[%add3A_26, %dma_start3A_27] : memref<10240x128xf32, #tpu.memory_space<vmem_shared>> -> memref<48x128xf32, #tpu.memory_space<vmem_shared>>
    %dma_start3A_29 = arith.constant 0 : i32
    %dma_start3A_30 = tpu.memref_slice %arg10[%add3A_26, %dma_start3A_29] : memref<10240x128xf32, #tpu.memory_space<vmem_shared>> -> memref<48x128xf32, #tpu.memory_space<vmem_shared>>
    tpu.enqueue_dma source(%arg9 : memref<48x128xf32, #tpu.memory_space<vmem>>) target(%dma_start3A_30 : memref<48x128xf32, #tpu.memory_space<vmem_shared>>) target_semaphore(%arg15 : memref<!tpu.dma_semaphore, #tpu.memory_space<semaphore_mem>>)
    %add3A_31 = arith.constant 192 : i32
    %add3A_32 = arith.addi %mul3A_2, %add3A_31 : i32
    %dma_start3A_33 = arith.constant 0 : i32
    %dma_start3A_34 = tpu.memref_slice %arg10[%add3A_32, %dma_start3A_33] : memref<10240x128xf32, #tpu.memory_space<vmem_shared>> -> memref<48x128xf32, #tpu.memory_space<vmem_shared>>
    %dma_start3A_35 = arith.constant 0 : i32
    %dma_start3A_36 = tpu.memref_slice %arg10[%add3A_32, %dma_start3A_35] : memref<10240x128xf32, #tpu.memory_space<vmem_shared>> -> memref<48x128xf32, #tpu.memory_space<vmem_shared>>
    tpu.enqueue_dma source(%arg9 : memref<48x128xf32, #tpu.memory_space<vmem>>) target(%dma_start3A_36 : memref<48x128xf32, #tpu.memory_space<vmem_shared>>) target_semaphore(%arg15 : memref<!tpu.dma_semaphore, #tpu.memory_space<semaphore_mem>>)
    %add3A_37 = arith.constant 240 : i32
    %add3A_38 = arith.addi %mul3A_2, %add3A_37 : i32
    %dma_start3A_39 = arith.constant 0 : i32
    %dma_start3A_40 = tpu.memref_slice %arg10[%add3A_38, %dma_start3A_39] : memref<10240x128xf32, #tpu.memory_space<vmem_shared>> -> memref<48x128xf32, #tpu.memory_space<vmem_shared>>
    %dma_start3A_41 = arith.constant 0 : i32
    %dma_start3A_42 = tpu.memref_slice %arg10[%add3A_38, %dma_start3A_41] : memref<10240x128xf32, #tpu.memory_space<vmem_shared>> -> memref<48x128xf32, #tpu.memory_space<vmem_shared>>
    tpu.enqueue_dma source(%arg9 : memref<48x128xf32, #tpu.memory_space<vmem>>) target(%dma_start3A_42 : memref<48x128xf32, #tpu.memory_space<vmem_shared>>) target_semaphore(%arg15 : memref<!tpu.dma_semaphore, #tpu.memory_space<semaphore_mem>>)
    %add3A_43 = arith.constant 288 : i32
    %add3A_44 = arith.addi %mul3A_2, %add3A_43 : i32
    %dma_start3A_45 = arith.constant 0 : i32
    %dma_start3A_46 = tpu.memref_slice %arg10[%add3A_44, %dma_start3A_45] : memref<10240x128xf32, #tpu.memory_space<vmem_shared>> -> memref<48x128xf32, #tpu.memory_space<vmem_shared>>
    %dma_start3A_47 = arith.constant 0 : i32
    %dma_start3A_48 = tpu.memref_slice %arg10[%add3A_44, %dma_start3A_47] : memref<10240x128xf32, #tpu.memory_space<vmem_shared>> -> memref<48x128xf32, #tpu.memory_space<vmem_shared>>
    tpu.enqueue_dma source(%arg9 : memref<48x128xf32, #tpu.memory_space<vmem>>) target(%dma_start3A_48 : memref<48x128xf32, #tpu.memory_space<vmem_shared>>) target_semaphore(%arg15 : memref<!tpu.dma_semaphore, #tpu.memory_space<semaphore_mem>>)
    %add3A_49 = arith.constant 336 : i32
    %add3A_50 = arith.addi %mul3A_2, %add3A_49 : i32
    %dma_start3A_51 = arith.constant 0 : i32
    %dma_start3A_52 = tpu.memref_slice %arg10[%add3A_50, %dma_start3A_51] : memref<10240x128xf32, #tpu.memory_space<vmem_shared>> -> memref<48x128xf32, #tpu.memory_space<vmem_shared>>
    %dma_start3A_53 = arith.constant 0 : i32
    %dma_start3A_54 = tpu.memref_slice %arg10[%add3A_50, %dma_start3A_53] : memref<10240x128xf32, #tpu.memory_space<vmem_shared>> -> memref<48x128xf32, #tpu.memory_space<vmem_shared>>
    tpu.enqueue_dma source(%arg9 : memref<48x128xf32, #tpu.memory_space<vmem>>) target(%dma_start3A_54 : memref<48x128xf32, #tpu.memory_space<vmem_shared>>) target_semaphore(%arg15 : memref<!tpu.dma_semaphore, #tpu.memory_space<semaphore_mem>>)
    %add3A_55 = arith.constant 384 : i32
    %add3A_56 = arith.addi %mul3A_2, %add3A_55 : i32
    %dma_start3A_57 = arith.constant 0 : i32
    %dma_start3A_58 = tpu.memref_slice %arg10[%add3A_56, %dma_start3A_57] : memref<10240x128xf32, #tpu.memory_space<vmem_shared>> -> memref<48x128xf32, #tpu.memory_space<vmem_shared>>
    %dma_start3A_59 = arith.constant 0 : i32
    %dma_start3A_60 = tpu.memref_slice %arg10[%add3A_56, %dma_start3A_59] : memref<10240x128xf32, #tpu.memory_space<vmem_shared>> -> memref<48x128xf32, #tpu.memory_space<vmem_shared>>
    tpu.enqueue_dma source(%arg9 : memref<48x128xf32, #tpu.memory_space<vmem>>) target(%dma_start3A_60 : memref<48x128xf32, #tpu.memory_space<vmem_shared>>) target_semaphore(%arg15 : memref<!tpu.dma_semaphore, #tpu.memory_space<semaphore_mem>>)
    %add3A_61 = arith.constant 432 : i32
    %add3A_62 = arith.addi %mul3A_2, %add3A_61 : i32
    %dma_start3A_63 = arith.constant 0 : i32
    %dma_start3A_64 = tpu.memref_slice %arg10[%add3A_62, %dma_start3A_63] : memref<10240x128xf32, #tpu.memory_space<vmem_shared>> -> memref<48x128xf32, #tpu.memory_space<vmem_shared>>
    %dma_start3A_65 = arith.constant 0 : i32
    %dma_start3A_66 = tpu.memref_slice %arg10[%add3A_62, %dma_start3A_65] : memref<10240x128xf32, #tpu.memory_space<vmem_shared>> -> memref<48x128xf32, #tpu.memory_space<vmem_shared>>
    tpu.enqueue_dma source(%arg9 : memref<48x128xf32, #tpu.memory_space<vmem>>) target(%dma_start3A_66 : memref<48x128xf32, #tpu.memory_space<vmem_shared>>) target_semaphore(%arg15 : memref<!tpu.dma_semaphore, #tpu.memory_space<semaphore_mem>>)
    %add3A_67 = arith.constant 480 : i32
    %add3A_68 = arith.addi %mul3A_2, %add3A_67 : i32
    %dma_start3A_69 = arith.constant 0 : i32
    %dma_start3A_70 = tpu.memref_slice %arg10[%add3A_68, %dma_start3A_69] : memref<10240x128xf32, #tpu.memory_space<vmem_shared>> -> memref<48x128xf32, #tpu.memory_space<vmem_shared>>
    %dma_start3A_71 = arith.constant 0 : i32
    %dma_start3A_72 = tpu.memref_slice %arg10[%add3A_68, %dma_start3A_71] : memref<10240x128xf32, #tpu.memory_space<vmem_shared>> -> memref<48x128xf32, #tpu.memory_space<vmem_shared>>
    tpu.enqueue_dma source(%arg9 : memref<48x128xf32, #tpu.memory_space<vmem>>) target(%dma_start3A_72 : memref<48x128xf32, #tpu.memory_space<vmem_shared>>) target_semaphore(%arg15 : memref<!tpu.dma_semaphore, #tpu.memory_space<semaphore_mem>>)
    %add3A_73 = arith.constant 528 : i32
    %add3A_74 = arith.addi %mul3A_2, %add3A_73 : i32
    %dma_start3A_75 = arith.constant 0 : i32
    %dma_start3A_76 = tpu.memref_slice %arg10[%add3A_74, %dma_start3A_75] : memref<10240x128xf32, #tpu.memory_space<vmem_shared>> -> memref<48x128xf32, #tpu.memory_space<vmem_shared>>
    %dma_start3A_77 = arith.constant 0 : i32
    %dma_start3A_78 = tpu.memref_slice %arg10[%add3A_74, %dma_start3A_77] : memref<10240x128xf32, #tpu.memory_space<vmem_shared>> -> memref<48x128xf32, #tpu.memory_space<vmem_shared>>
    tpu.enqueue_dma source(%arg9 : memref<48x128xf32, #tpu.memory_space<vmem>>) target(%dma_start3A_78 : memref<48x128xf32, #tpu.memory_space<vmem_shared>>) target_semaphore(%arg15 : memref<!tpu.dma_semaphore, #tpu.memory_space<semaphore_mem>>)
    %add3A_79 = arith.constant 576 : i32
    %add3A_80 = arith.addi %mul3A_2, %add3A_79 : i32
    %dma_start3A_81 = arith.constant 0 : i32
    %dma_start3A_82 = tpu.memref_slice %arg10[%add3A_80, %dma_start3A_81] : memref<10240x128xf32, #tpu.memory_space<vmem_shared>> -> memref<48x128xf32, #tpu.memory_space<vmem_shared>>
    %dma_start3A_83 = arith.constant 0 : i32
    %dma_start3A_84 = tpu.memref_slice %arg10[%add3A_80, %dma_start3A_83] : memref<10240x128xf32, #tpu.memory_space<vmem_shared>> -> memref<48x128xf32, #tpu.memory_space<vmem_shared>>
    tpu.enqueue_dma source(%arg9 : memref<48x128xf32, #tpu.memory_space<vmem>>) target(%dma_start3A_84 : memref<48x128xf32, #tpu.memory_space<vmem_shared>>) target_semaphore(%arg15 : memref<!tpu.dma_semaphore, #tpu.memory_space<semaphore_mem>>)
    %eq3A = arith.constant 0 : i32
    %eq3A_85 = arith.cmpi eq, %arg1, %eq3A : i32
    %convert_element_type3A = arith.extui %eq3A_85 : i1 to i32
    %cond3A = arith.constant 0 : i32
    %cond3A_86 = arith.cmpi ne, %convert_element_type3A, %cond3A : i32
    scf.if %cond3A_86 {
      %dma_start3A_154 = arith.constant 0 : i32
      %dma_start3A_155 = arith.constant 0 : i32
      %dma_start3A_156 = tpu.memref_slice %arg9[%dma_start3A_154, %dma_start3A_155] : memref<48x128xf32, #tpu.memory_space<vmem>> -> memref<16x128xf32, #tpu.memory_space<vmem>>
      %dma_start3A_157 = arith.constant 9984 : i32
      %dma_start3A_158 = arith.constant 0 : i32
      %dma_start3A_159 = tpu.memref_slice %arg10[%dma_start3A_157, %dma_start3A_158] : memref<10240x128xf32, #tpu.memory_space<vmem_shared>> -> memref<16x128xf32, #tpu.memory_space<vmem_shared>>
      %dma_start3A_160 = arith.constant 9984 : i32
      %dma_start3A_161 = arith.constant 0 : i32
      %dma_start3A_162 = tpu.memref_slice %arg10[%dma_start3A_160, %dma_start3A_161] : memref<10240x128xf32, #tpu.memory_space<vmem_shared>> -> memref<16x128xf32, #tpu.memory_space<vmem_shared>>
      %dma_start3A_163 = arith.constant 0 : i32
      %dma_start3A_164 = arith.constant 0 : i32
      %dma_start3A_165 = tpu.memref_slice %arg9[%dma_start3A_163, %dma_start3A_164] : memref<48x128xf32, #tpu.memory_space<vmem>> -> memref<16x128xf32, #tpu.memory_space<vmem>>
      tpu.enqueue_dma source(%dma_start3A_165 : memref<16x128xf32, #tpu.memory_space<vmem>>) target(%dma_start3A_162 : memref<16x128xf32, #tpu.memory_space<vmem_shared>>) target_semaphore(%arg15 : memref<!tpu.dma_semaphore, #tpu.memory_space<semaphore_mem>>)
      %dma_wait3A_166 = arith.constant 0 : i32
      %dma_wait3A_167 = arith.constant 0 : i32
      %dma_wait3A_168 = tpu.memref_slice %arg9[%dma_wait3A_166, %dma_wait3A_167] : memref<48x128xf32, #tpu.memory_space<vmem>> -> memref<16x128xf32, #tpu.memory_space<vmem>>
      %dma_wait3A_169 = arith.constant 9984 : i32
      %dma_wait3A_170 = arith.constant 0 : i32
      %dma_wait3A_171 = tpu.memref_slice %arg10[%dma_wait3A_169, %dma_wait3A_170] : memref<10240x128xf32, #tpu.memory_space<vmem_shared>> -> memref<16x128xf32, #tpu.memory_space<vmem_shared>>
      %dma_wait3A_172 = arith.constant 9984 : i32
      %dma_wait3A_173 = arith.constant 0 : i32
      %dma_wait3A_174 = tpu.memref_slice %arg10[%dma_wait3A_172, %dma_wait3A_173] : memref<10240x128xf32, #tpu.memory_space<vmem_shared>> -> memref<16x128xf32, #tpu.memory_space<vmem_shared>>
      %dma_wait3A_175 = arith.constant 0 : i32
      %dma_wait3A_176 = arith.constant 0 : i32
      %dma_wait3A_177 = tpu.memref_slice %arg9[%dma_wait3A_175, %dma_wait3A_176] : memref<48x128xf32, #tpu.memory_space<vmem>> -> memref<16x128xf32, #tpu.memory_space<vmem>>
      tpu.wait_dma2 semaphore(%arg15 : memref<!tpu.dma_semaphore, #tpu.memory_space<semaphore_mem>>) src(%dma_wait3A_177 : memref<16x128xf32, #tpu.memory_space<vmem>>) dst(%dma_wait3A_174 : memref<16x128xf32, #tpu.memory_space<vmem_shared>>)
    } else {
    }
    %mul3A_87 = arith.constant 80 : i32
    %mul3A_88 = arith.muli %add3A, %mul3A_87 : i32
    %dma_wait3A = arith.constant 0 : i32
    %dma_wait3A_89 = tpu.memref_slice %arg10[%add3A_9, %dma_wait3A] : memref<10240x128xf32, #tpu.memory_space<vmem_shared>> -> memref<48x128xf32, #tpu.memory_space<vmem_shared>>
    %dma_wait3A_90 = arith.constant 0 : i32
    %dma_wait3A_91 = tpu.memref_slice %arg10[%add3A_9, %dma_wait3A_90] : memref<10240x128xf32, #tpu.memory_space<vmem_shared>> -> memref<48x128xf32, #tpu.memory_space<vmem_shared>>
    tpu.wait_dma2 semaphore(%arg15 : memref<!tpu.dma_semaphore, #tpu.memory_space<semaphore_mem>>) src(%arg9 : memref<48x128xf32, #tpu.memory_space<vmem>>) dst(%dma_wait3A_91 : memref<48x128xf32, #tpu.memory_space<vmem_shared>>)
    %dma_wait3A_92 = arith.constant 0 : i32
    %dma_wait3A_93 = tpu.memref_slice %arg10[%add3A_14, %dma_wait3A_92] : memref<10240x128xf32, #tpu.memory_space<vmem_shared>> -> memref<48x128xf32, #tpu.memory_space<vmem_shared>>
    %dma_wait3A_94 = arith.constant 0 : i32
    %dma_wait3A_95 = tpu.memref_slice %arg10[%add3A_14, %dma_wait3A_94] : memref<10240x128xf32, #tpu.memory_space<vmem_shared>> -> memref<48x128xf32, #tpu.memory_space<vmem_shared>>
    tpu.wait_dma2 semaphore(%arg15 : memref<!tpu.dma_semaphore, #tpu.memory_space<semaphore_mem>>) src(%arg9 : memref<48x128xf32, #tpu.memory_space<vmem>>) dst(%dma_wait3A_95 : memref<48x128xf32, #tpu.memory_space<vmem_shared>>)
    %dma_wait3A_96 = arith.constant 0 : i32
    %dma_wait3A_97 = tpu.memref_slice %arg10[%add3A_20, %dma_wait3A_96] : memref<10240x128xf32, #tpu.memory_space<vmem_shared>> -> memref<48x128xf32, #tpu.memory_space<vmem_shared>>
    %dma_wait3A_98 = arith.constant 0 : i32
    %dma_wait3A_99 = tpu.memref_slice %arg10[%add3A_20, %dma_wait3A_98] : memref<10240x128xf32, #tpu.memory_space<vmem_shared>> -> memref<48x128xf32, #tpu.memory_space<vmem_shared>>
    tpu.wait_dma2 semaphore(%arg15 : memref<!tpu.dma_semaphore, #tpu.memory_space<semaphore_mem>>) src(%arg9 : memref<48x128xf32, #tpu.memory_space<vmem>>) dst(%dma_wait3A_99 : memref<48x128xf32, #tpu.memory_space<vmem_shared>>)
    %dma_wait3A_100 = arith.constant 0 : i32
    %dma_wait3A_101 = tpu.memref_slice %arg10[%add3A_26, %dma_wait3A_100] : memref<10240x128xf32, #tpu.memory_space<vmem_shared>> -> memref<48x128xf32, #tpu.memory_space<vmem_shared>>
    %dma_wait3A_102 = arith.constant 0 : i32
    %dma_wait3A_103 = tpu.memref_slice %arg10[%add3A_26, %dma_wait3A_102] : memref<10240x128xf32, #tpu.memory_space<vmem_shared>> -> memref<48x128xf32, #tpu.memory_space<vmem_shared>>
    tpu.wait_dma2 semaphore(%arg15 : memref<!tpu.dma_semaphore, #tpu.memory_space<semaphore_mem>>) src(%arg9 : memref<48x128xf32, #tpu.memory_space<vmem>>) dst(%dma_wait3A_103 : memref<48x128xf32, #tpu.memory_space<vmem_shared>>)
    %dma_wait3A_104 = arith.constant 0 : i32
    %dma_wait3A_105 = tpu.memref_slice %arg10[%add3A_32, %dma_wait3A_104] : memref<10240x128xf32, #tpu.memory_space<vmem_shared>> -> memref<48x128xf32, #tpu.memory_space<vmem_shared>>
    %dma_wait3A_106 = arith.constant 0 : i32
    %dma_wait3A_107 = tpu.memref_slice %arg10[%add3A_32, %dma_wait3A_106] : memref<10240x128xf32, #tpu.memory_space<vmem_shared>> -> memref<48x128xf32, #tpu.memory_space<vmem_shared>>
    tpu.wait_dma2 semaphore(%arg15 : memref<!tpu.dma_semaphore, #tpu.memory_space<semaphore_mem>>) src(%arg9 : memref<48x128xf32, #tpu.memory_space<vmem>>) dst(%dma_wait3A_107 : memref<48x128xf32, #tpu.memory_space<vmem_shared>>)
    %dma_wait3A_108 = arith.constant 0 : i32
    %dma_wait3A_109 = tpu.memref_slice %arg10[%add3A_38, %dma_wait3A_108] : memref<10240x128xf32, #tpu.memory_space<vmem_shared>> -> memref<48x128xf32, #tpu.memory_space<vmem_shared>>
    %dma_wait3A_110 = arith.constant 0 : i32
    %dma_wait3A_111 = tpu.memref_slice %arg10[%add3A_38, %dma_wait3A_110] : memref<10240x128xf32, #tpu.memory_space<vmem_shared>> -> memref<48x128xf32, #tpu.memory_space<vmem_shared>>
    tpu.wait_dma2 semaphore(%arg15 : memref<!tpu.dma_semaphore, #tpu.memory_space<semaphore_mem>>) src(%arg9 : memref<48x128xf32, #tpu.memory_space<vmem>>) dst(%dma_wait3A_111 : memref<48x128xf32, #tpu.memory_space<vmem_shared>>)
    %dma_wait3A_112 = arith.constant 0 : i32
    %dma_wait3A_113 = tpu.memref_slice %arg10[%add3A_44, %dma_wait3A_112] : memref<10240x128xf32, #tpu.memory_space<vmem_shared>> -> memref<48x128xf32, #tpu.memory_space<vmem_shared>>
    %dma_wait3A_114 = arith.constant 0 : i32
    %dma_wait3A_115 = tpu.memref_slice %arg10[%add3A_44, %dma_wait3A_114] : memref<10240x128xf32, #tpu.memory_space<vmem_shared>> -> memref<48x128xf32, #tpu.memory_space<vmem_shared>>
    tpu.wait_dma2 semaphore(%arg15 : memref<!tpu.dma_semaphore, #tpu.memory_space<semaphore_mem>>) src(%arg9 : memref<48x128xf32, #tpu.memory_space<vmem>>) dst(%dma_wait3A_115 : memref<48x128xf32, #tpu.memory_space<vmem_shared>>)
    %dma_wait3A_116 = arith.constant 0 : i32
    %dma_wait3A_117 = tpu.memref_slice %arg10[%add3A_50, %dma_wait3A_116] : memref<10240x128xf32, #tpu.memory_space<vmem_shared>> -> memref<48x128xf32, #tpu.memory_space<vmem_shared>>
    %dma_wait3A_118 = arith.constant 0 : i32
    %dma_wait3A_119 = tpu.memref_slice %arg10[%add3A_50, %dma_wait3A_118] : memref<10240x128xf32, #tpu.memory_space<vmem_shared>> -> memref<48x128xf32, #tpu.memory_space<vmem_shared>>
    tpu.wait_dma2 semaphore(%arg15 : memref<!tpu.dma_semaphore, #tpu.memory_space<semaphore_mem>>) src(%arg9 : memref<48x128xf32, #tpu.memory_space<vmem>>) dst(%dma_wait3A_119 : memref<48x128xf32, #tpu.memory_space<vmem_shared>>)
    %dma_wait3A_120 = arith.constant 0 : i32
    %dma_wait3A_121 = tpu.memref_slice %arg10[%add3A_56, %dma_wait3A_120] : memref<10240x128xf32, #tpu.memory_space<vmem_shared>> -> memref<48x128xf32, #tpu.memory_space<vmem_shared>>
    %dma_wait3A_122 = arith.constant 0 : i32
    %dma_wait3A_123 = tpu.memref_slice %arg10[%add3A_56, %dma_wait3A_122] : memref<10240x128xf32, #tpu.memory_space<vmem_shared>> -> memref<48x128xf32, #tpu.memory_space<vmem_shared>>
    tpu.wait_dma2 semaphore(%arg15 : memref<!tpu.dma_semaphore, #tpu.memory_space<semaphore_mem>>) src(%arg9 : memref<48x128xf32, #tpu.memory_space<vmem>>) dst(%dma_wait3A_123 : memref<48x128xf32, #tpu.memory_space<vmem_shared>>)
    %dma_wait3A_124 = arith.constant 0 : i32
    %dma_wait3A_125 = tpu.memref_slice %arg10[%add3A_62, %dma_wait3A_124] : memref<10240x128xf32, #tpu.memory_space<vmem_shared>> -> memref<48x128xf32, #tpu.memory_space<vmem_shared>>
    %dma_wait3A_126 = arith.constant 0 : i32
    %dma_wait3A_127 = tpu.memref_slice %arg10[%add3A_62, %dma_wait3A_126] : memref<10240x128xf32, #tpu.memory_space<vmem_shared>> -> memref<48x128xf32, #tpu.memory_space<vmem_shared>>
    tpu.wait_dma2 semaphore(%arg15 : memref<!tpu.dma_semaphore, #tpu.memory_space<semaphore_mem>>) src(%arg9 : memref<48x128xf32, #tpu.memory_space<vmem>>) dst(%dma_wait3A_127 : memref<48x128xf32, #tpu.memory_space<vmem_shared>>)
    %dma_wait3A_128 = arith.constant 0 : i32
    %dma_wait3A_129 = tpu.memref_slice %arg10[%add3A_68, %dma_wait3A_128] : memref<10240x128xf32, #tpu.memory_space<vmem_shared>> -> memref<48x128xf32, #tpu.memory_space<vmem_shared>>
    %dma_wait3A_130 = arith.constant 0 : i32
    %dma_wait3A_131 = tpu.memref_slice %arg10[%add3A_68, %dma_wait3A_130] : memref<10240x128xf32, #tpu.memory_space<vmem_shared>> -> memref<48x128xf32, #tpu.memory_space<vmem_shared>>
    tpu.wait_dma2 semaphore(%arg15 : memref<!tpu.dma_semaphore, #tpu.memory_space<semaphore_mem>>) src(%arg9 : memref<48x128xf32, #tpu.memory_space<vmem>>) dst(%dma_wait3A_131 : memref<48x128xf32, #tpu.memory_space<vmem_shared>>)
    %dma_wait3A_132 = arith.constant 0 : i32
    %dma_wait3A_133 = tpu.memref_slice %arg10[%add3A_74, %dma_wait3A_132] : memref<10240x128xf32, #tpu.memory_space<vmem_shared>> -> memref<48x128xf32, #tpu.memory_space<vmem_shared>>
    %dma_wait3A_134 = arith.constant 0 : i32
    %dma_wait3A_135 = tpu.memref_slice %arg10[%add3A_74, %dma_wait3A_134] : memref<10240x128xf32, #tpu.memory_space<vmem_shared>> -> memref<48x128xf32, #tpu.memory_space<vmem_shared>>
    tpu.wait_dma2 semaphore(%arg15 : memref<!tpu.dma_semaphore, #tpu.memory_space<semaphore_mem>>) src(%arg9 : memref<48x128xf32, #tpu.memory_space<vmem>>) dst(%dma_wait3A_135 : memref<48x128xf32, #tpu.memory_space<vmem_shared>>)
    %dma_wait3A_136 = arith.constant 0 : i32
    %dma_wait3A_137 = tpu.memref_slice %arg10[%add3A_80, %dma_wait3A_136] : memref<10240x128xf32, #tpu.memory_space<vmem_shared>> -> memref<48x128xf32, #tpu.memory_space<vmem_shared>>
    %dma_wait3A_138 = arith.constant 0 : i32
    %dma_wait3A_139 = tpu.memref_slice %arg10[%add3A_80, %dma_wait3A_138] : memref<10240x128xf32, #tpu.memory_space<vmem_shared>> -> memref<48x128xf32, #tpu.memory_space<vmem_shared>>
    tpu.wait_dma2 semaphore(%arg15 : memref<!tpu.dma_semaphore, #tpu.memory_space<semaphore_mem>>) src(%arg9 : memref<48x128xf32, #tpu.memory_space<vmem>>) dst(%dma_wait3A_139 : memref<48x128xf32, #tpu.memory_space<vmem_shared>>)
    %barrier3A = arith.constant 0 : index
    tpu.barrier barrier_id(%barrier3A)
    %scan3A_140 = arith.constant 0 : i32
    %scan3A_141 = arith.constant 5 : i32
    %scan3A_142 = arith.addi %scan3A_140, %scan3A_141 : i32
    %scan3A_143 = arith.constant 1 : i32
    scf.for %scan3A_154 = %scan3A_140 to %scan3A_142 step %scan3A_143  : i32 {
      %mul3A_155 = arith.constant 1 : i32
      %mul3A_156 = arith.muli %scan3A_154, %mul3A_155 : i32
      %add3A_157 = arith.constant 0 : i32
      %add3A_158 = arith.addi %add3A_157, %mul3A_156 : i32
      %mul3A_159 = arith.constant 16 : i32
      %mul3A_160 = arith.muli %add3A_158, %mul3A_159 : i32
      %add3A_161 = arith.addi %mul3A_88, %mul3A_160 : i32
      "tpu.region"() ({
        %run_scoped3A = tpu.sem_alloc : memref<!tpu.dma_semaphore, #tpu.memory_space<semaphore_mem>>
        %dma_start3A_930 = arith.constant 0 : i32
        %dma_start3A_931 = tpu.memref_slice %arg3[%add3A_161, %dma_start3A_930] : memref<2560x128xi32, #tpu.memory_space<hbm>> -> memref<16x128xi32, #tpu.memory_space<hbm>>
        %dma_start3A_932 = arith.constant 0 : i32
        %dma_start3A_933 = tpu.memref_slice %arg3[%add3A_161, %dma_start3A_932] : memref<2560x128xi32, #tpu.memory_space<hbm>> -> memref<16x128xi32, #tpu.memory_space<hbm>>
        tpu.enqueue_dma source(%dma_start3A_933 : memref<16x128xi32, #tpu.memory_space<hbm>>) target(%arg6 : memref<16x128xi32, #tpu.memory_space<vmem>>) target_semaphore(%run_scoped3A : memref<!tpu.dma_semaphore, #tpu.memory_space<semaphore_mem>>)
        %dma_wait3A_934 = arith.constant 0 : i32
        %dma_wait3A_935 = tpu.memref_slice %arg3[%add3A_161, %dma_wait3A_934] : memref<2560x128xi32, #tpu.memory_space<hbm>> -> memref<16x128xi32, #tpu.memory_space<hbm>>
        %dma_wait3A_936 = arith.constant 0 : i32
        %dma_wait3A_937 = tpu.memref_slice %arg3[%add3A_161, %dma_wait3A_936] : memref<2560x128xi32, #tpu.memory_space<hbm>> -> memref<16x128xi32, #tpu.memory_space<hbm>>
        tpu.wait_dma2 semaphore(%run_scoped3A : memref<!tpu.dma_semaphore, #tpu.memory_space<semaphore_mem>>) src(%dma_wait3A_937 : memref<16x128xi32, #tpu.memory_space<hbm>>) dst(%arg6 : memref<16x128xi32, #tpu.memory_space<vmem>>)
        tpu.yield
      }) : () -> ()
      "tpu.region"() ({
        %run_scoped3A = tpu.sem_alloc : memref<!tpu.dma_semaphore, #tpu.memory_space<semaphore_mem>>
        %dma_start3A_930 = arith.constant 0 : i32
        %dma_start3A_931 = tpu.memref_slice %arg4[%add3A_161, %dma_start3A_930] : memref<2560x128xi32, #tpu.memory_space<hbm>> -> memref<16x128xi32, #tpu.memory_space<hbm>>
        %dma_start3A_932 = arith.constant 0 : i32
        %dma_start3A_933 = tpu.memref_slice %arg4[%add3A_161, %dma_start3A_932] : memref<2560x128xi32, #tpu.memory_space<hbm>> -> memref<16x128xi32, #tpu.memory_space<hbm>>
        tpu.enqueue_dma source(%dma_start3A_933 : memref<16x128xi32, #tpu.memory_space<hbm>>) target(%arg7 : memref<16x128xi32, #tpu.memory_space<vmem>>) target_semaphore(%run_scoped3A : memref<!tpu.dma_semaphore, #tpu.memory_space<semaphore_mem>>)
        %dma_wait3A_934 = arith.constant 0 : i32
        %dma_wait3A_935 = tpu.memref_slice %arg4[%add3A_161, %dma_wait3A_934] : memref<2560x128xi32, #tpu.memory_space<hbm>> -> memref<16x128xi32, #tpu.memory_space<hbm>>
        %dma_wait3A_936 = arith.constant 0 : i32
        %dma_wait3A_937 = tpu.memref_slice %arg4[%add3A_161, %dma_wait3A_936] : memref<2560x128xi32, #tpu.memory_space<hbm>> -> memref<16x128xi32, #tpu.memory_space<hbm>>
        tpu.wait_dma2 semaphore(%run_scoped3A : memref<!tpu.dma_semaphore, #tpu.memory_space<semaphore_mem>>) src(%dma_wait3A_937 : memref<16x128xi32, #tpu.memory_space<hbm>>) dst(%arg7 : memref<16x128xi32, #tpu.memory_space<vmem>>)
        tpu.yield
      }) : () -> ()
      %dma_start3A_162 = arith.constant 0 : i32
      %dma_start3A_163 = arith.constant 0 : i32
      %dma_start3A_164 = arith.constant 0 : i32
      %dma_start3A_165 = arith.constant 0 : i32
      %dma_start3A_166 = tpu.memref_slice %arg8[%dma_start3A_163, %dma_start3A_164, %dma_start3A_165] : memref<2x128x128xf32, #tpu.memory_space<vmem>> -> memref<1x128x128xf32, #tpu.memory_space<vmem>>
      %dma_start3A_167 = tpu.memref_squeeze %dma_start3A_166 : memref<1x128x128xf32, #tpu.memory_space<vmem>> -> memref<128x128xf32, #tpu.memory_space<vmem>>
      %dma_start3A_168 = arith.constant 0 : i32
      %dma_start3A_169 = tpu.memref_slice %arg6[%dma_start3A_162, %dma_start3A_168] : memref<16x128xi32, #tpu.memory_space<vmem>> -> memref<1x128xi32, #tpu.memory_space<vmem>>
      %dma_start3A_170 = tpu.memref_squeeze %dma_start3A_169 : memref<1x128xi32, #tpu.memory_space<vmem>> -> memref<128xi32, #tpu.memory_space<vmem>>
      %dma_start3A_171 = arith.constant 0 : i32
      %dma_start3A_172 = arith.constant 0 : i32
      %dma_start3A_173 = tpu.memref_slice %arg2[%dma_start3A_171, %dma_start3A_172] : memref<10000x128xf32, #tpu.memory_space<hbm>> -> memref<10000x128xf32, #tpu.memory_space<hbm>>
      tpu.enqueue_indirect_dma source(%dma_start3A_173 : memref<10000x128xf32, #tpu.memory_space<hbm>>) target(%dma_start3A_167 : memref<128x128xf32, #tpu.memory_space<vmem>>) offsets(%dma_start3A_170 : memref<128xi32, #tpu.memory_space<vmem>>) semaphore(%arg11 : memref<!tpu.dma_semaphore, #tpu.memory_space<semaphore_mem>>)
      %dma_start3A_174 = arith.constant 1 : i32
      %dma_start3A_175 = arith.constant 1 : i32
      %dma_start3A_176 = arith.constant 0 : i32
      %dma_start3A_177 = arith.constant 0 : i32
      %dma_start3A_178 = tpu.memref_slice %arg8[%dma_start3A_175, %dma_start3A_176, %dma_start3A_177] : memref<2x128x128xf32, #tpu.memory_space<vmem>> -> memref<1x128x128xf32, #tpu.memory_space<vmem>>
      %dma_start3A_179 = tpu.memref_squeeze %dma_start3A_178 : memref<1x128x128xf32, #tpu.memory_space<vmem>> -> memref<128x128xf32, #tpu.memory_space<vmem>>
      %dma_start3A_180 = arith.constant 0 : i32
      %dma_start3A_181 = tpu.memref_slice %arg6[%dma_start3A_174, %dma_start3A_180] : memref<16x128xi32, #tpu.memory_space<vmem>> -> memref<1x128xi32, #tpu.memory_space<vmem>>
      %dma_start3A_182 = tpu.memref_squeeze %dma_start3A_181 : memref<1x128xi32, #tpu.memory_space<vmem>> -> memref<128xi32, #tpu.memory_space<vmem>>
      %dma_start3A_183 = arith.constant 0 : i32
      %dma_start3A_184 = arith.constant 0 : i32
      %dma_start3A_185 = tpu.memref_slice %arg2[%dma_start3A_183, %dma_start3A_184] : memref<10000x128xf32, #tpu.memory_space<hbm>> -> memref<10000x128xf32, #tpu.memory_space<hbm>>
      tpu.enqueue_indirect_dma source(%dma_start3A_185 : memref<10000x128xf32, #tpu.memory_space<hbm>>) target(%dma_start3A_179 : memref<128x128xf32, #tpu.memory_space<vmem>>) offsets(%dma_start3A_182 : memref<128xi32, #tpu.memory_space<vmem>>) semaphore(%arg12 : memref<!tpu.dma_semaphore, #tpu.memory_space<semaphore_mem>>)
      %dma_wait3A_186 = arith.constant 0 : i32
      %dma_wait3A_187 = arith.constant 0 : i32
      %dma_wait3A_188 = arith.constant 0 : i32
      %dma_wait3A_189 = arith.constant 0 : i32
      %dma_wait3A_190 = tpu.memref_slice %arg8[%dma_wait3A_187, %dma_wait3A_188, %dma_wait3A_189] : memref<2x128x128xf32, #tpu.memory_space<vmem>> -> memref<1x128x128xf32, #tpu.memory_space<vmem>>
      %dma_wait3A_191 = tpu.memref_squeeze %dma_wait3A_190 : memref<1x128x128xf32, #tpu.memory_space<vmem>> -> memref<128x128xf32, #tpu.memory_space<vmem>>
      %dma_wait3A_192 = arith.constant 0 : i32
      %dma_wait3A_193 = tpu.memref_slice %arg6[%dma_wait3A_186, %dma_wait3A_192] : memref<16x128xi32, #tpu.memory_space<vmem>> -> memref<1x128xi32, #tpu.memory_space<vmem>>
      %dma_wait3A_194 = tpu.memref_squeeze %dma_wait3A_193 : memref<1x128xi32, #tpu.memory_space<vmem>> -> memref<128xi32, #tpu.memory_space<vmem>>
      %dma_wait3A_195 = arith.constant 0 : i32
      %dma_wait3A_196 = arith.constant 0 : i32
      %dma_wait3A_197 = tpu.memref_slice %arg2[%dma_wait3A_195, %dma_wait3A_196] : memref<10000x128xf32, #tpu.memory_space<hbm>> -> memref<10000x128xf32, #tpu.memory_space<hbm>>
      tpu.wait_indirect_dma semaphore(%arg11 : memref<!tpu.dma_semaphore, #tpu.memory_space<semaphore_mem>>) src(%dma_wait3A_197 : memref<10000x128xf32, #tpu.memory_space<hbm>>) dst(%dma_wait3A_191 : memref<128x128xf32, #tpu.memory_space<vmem>>)
      %dma_start3A_198 = arith.constant 0 : i32
      %dma_start3A_199 = arith.constant 0 : i32
      %dma_start3A_200 = arith.constant 0 : i32
      %dma_start3A_201 = arith.constant 0 : i32
      %dma_start3A_202 = tpu.memref_slice %arg8[%dma_start3A_198, %dma_start3A_200, %dma_start3A_201] : memref<2x128x128xf32, #tpu.memory_space<vmem>> -> memref<1x128x128xf32, #tpu.memory_space<vmem>>
      %dma_start3A_203 = tpu.memref_squeeze %dma_start3A_202 : memref<1x128x128xf32, #tpu.memory_space<vmem>> -> memref<128x128xf32, #tpu.memory_space<vmem>>
      %dma_start3A_204 = arith.constant 0 : i32
      %dma_start3A_205 = tpu.memref_slice %arg7[%dma_start3A_199, %dma_start3A_204] : memref<16x128xi32, #tpu.memory_space<vmem>> -> memref<1x128xi32, #tpu.memory_space<vmem>>
      %dma_start3A_206 = tpu.memref_squeeze %dma_start3A_205 : memref<1x128xi32, #tpu.memory_space<vmem>> -> memref<128xi32, #tpu.memory_space<vmem>>
      %dma_start3A_207 = arith.constant 0 : i32
      %dma_start3A_208 = arith.constant 0 : i32
      %dma_start3A_209 = tpu.memref_slice %arg10[%dma_start3A_207, %dma_start3A_208] : memref<10240x128xf32, #tpu.memory_space<vmem_shared>> -> memref<10240x128xf32, #tpu.memory_space<vmem_shared>>
      tpu.enqueue_indirect_dma source(%dma_start3A_203 : memref<128x128xf32, #tpu.memory_space<vmem>>) target(%dma_start3A_209 : memref<10240x128xf32, #tpu.memory_space<vmem_shared>>) offsets(%dma_start3A_206 : memref<128xi32, #tpu.memory_space<vmem>>) semaphore(%arg13 : memref<!tpu.dma_semaphore, #tpu.memory_space<semaphore_mem>>) {add = true}
      %dma_wait3A_210 = arith.constant 0 : i32
      %dma_wait3A_211 = arith.constant 0 : i32
      %dma_wait3A_212 = arith.constant 0 : i32
      %dma_wait3A_213 = arith.constant 0 : i32
      %dma_wait3A_214 = tpu.memref_slice %arg8[%dma_wait3A_210, %dma_wait3A_212, %dma_wait3A_213] : memref<2x128x128xf32, #tpu.memory_space<vmem>> -> memref<1x128x128xf32, #tpu.memory_space<vmem>>
      %dma_wait3A_215 = tpu.memref_squeeze %dma_wait3A_214 : memref<1x128x128xf32, #tpu.memory_space<vmem>> -> memref<128x128xf32, #tpu.memory_space<vmem>>
      %dma_wait3A_216 = arith.constant 0 : i32
      %dma_wait3A_217 = tpu.memref_slice %arg7[%dma_wait3A_211, %dma_wait3A_216] : memref<16x128xi32, #tpu.memory_space<vmem>> -> memref<1x128xi32, #tpu.memory_space<vmem>>
      %dma_wait3A_218 = tpu.memref_squeeze %dma_wait3A_217 : memref<1x128xi32, #tpu.memory_space<vmem>> -> memref<128xi32, #tpu.memory_space<vmem>>
      %dma_wait3A_219 = arith.constant 0 : i32
      %dma_wait3A_220 = arith.constant 0 : i32
      %dma_wait3A_221 = tpu.memref_slice %arg10[%dma_wait3A_219, %dma_wait3A_220] : memref<10240x128xf32, #tpu.memory_space<vmem_shared>> -> memref<10240x128xf32, #tpu.memory_space<vmem_shared>>
      tpu.wait_indirect_dma semaphore(%arg13 : memref<!tpu.dma_semaphore, #tpu.memory_space<semaphore_mem>>) src(%dma_wait3A_215 : memref<128x128xf32, #tpu.memory_space<vmem>>) dst(%dma_wait3A_221 : memref<10240x128xf32, #tpu.memory_space<vmem_shared>>)
      %dma_start3A_222 = arith.constant 2 : i32
      %dma_start3A_223 = arith.constant 0 : i32
      %dma_start3A_224 = arith.constant 0 : i32
      %dma_start3A_225 = arith.constant 0 : i32
      %dma_start3A_226 = tpu.memref_slice %arg8[%dma_start3A_223, %dma_start3A_224, %dma_start3A_225] : memref<2x128x128xf32, #tpu.memory_space<vmem>> -> memref<1x128x128xf32, #tpu.memory_space<vmem>>
      %dma_start3A_227 = tpu.memref_squeeze %dma_start3A_226 : memref<1x128x128xf32, #tpu.memory_space<vmem>> -> memref<128x128xf32, #tpu.memory_space<vmem>>
      %dma_start3A_228 = arith.constant 0 : i32
      %dma_start3A_229 = tpu.memref_slice %arg6[%dma_start3A_222, %dma_start3A_228] : memref<16x128xi32, #tpu.memory_space<vmem>> -> memref<1x128xi32, #tpu.memory_space<vmem>>
      %dma_start3A_230 = tpu.memref_squeeze %dma_start3A_229 : memref<1x128xi32, #tpu.memory_space<vmem>> -> memref<128xi32, #tpu.memory_space<vmem>>
      %dma_start3A_231 = arith.constant 0 : i32
      %dma_start3A_232 = arith.constant 0 : i32
      %dma_start3A_233 = tpu.memref_slice %arg2[%dma_start3A_231, %dma_start3A_232] : memref<10000x128xf32, #tpu.memory_space<hbm>> -> memref<10000x128xf32, #tpu.memory_space<hbm>>
      tpu.enqueue_indirect_dma source(%dma_start3A_233 : memref<10000x128xf32, #tpu.memory_space<hbm>>) target(%dma_start3A_227 : memref<128x128xf32, #tpu.memory_space<vmem>>) offsets(%dma_start3A_230 : memref<128xi32, #tpu.memory_space<vmem>>) semaphore(%arg11 : memref<!tpu.dma_semaphore, #tpu.memory_space<semaphore_mem>>)
      %dma_wait3A_234 = arith.constant 1 : i32
      %dma_wait3A_235 = arith.constant 1 : i32
      %dma_wait3A_236 = arith.constant 0 : i32
      %dma_wait3A_237 = arith.constant 0 : i32
      %dma_wait3A_238 = tpu.memref_slice %arg8[%dma_wait3A_235, %dma_wait3A_236, %dma_wait3A_237] : memref<2x128x128xf32, #tpu.memory_space<vmem>> -> memref<1x128x128xf32, #tpu.memory_space<vmem>>
      %dma_wait3A_239 = tpu.memref_squeeze %dma_wait3A_238 : memref<1x128x128xf32, #tpu.memory_space<vmem>> -> memref<128x128xf32, #tpu.memory_space<vmem>>
      %dma_wait3A_240 = arith.constant 0 : i32
      %dma_wait3A_241 = tpu.memref_slice %arg6[%dma_wait3A_234, %dma_wait3A_240] : memref<16x128xi32, #tpu.memory_space<vmem>> -> memref<1x128xi32, #tpu.memory_space<vmem>>
      %dma_wait3A_242 = tpu.memref_squeeze %dma_wait3A_241 : memref<1x128xi32, #tpu.memory_space<vmem>> -> memref<128xi32, #tpu.memory_space<vmem>>
      %dma_wait3A_243 = arith.constant 0 : i32
      %dma_wait3A_244 = arith.constant 0 : i32
      %dma_wait3A_245 = tpu.memref_slice %arg2[%dma_wait3A_243, %dma_wait3A_244] : memref<10000x128xf32, #tpu.memory_space<hbm>> -> memref<10000x128xf32, #tpu.memory_space<hbm>>
      tpu.wait_indirect_dma semaphore(%arg12 : memref<!tpu.dma_semaphore, #tpu.memory_space<semaphore_mem>>) src(%dma_wait3A_245 : memref<10000x128xf32, #tpu.memory_space<hbm>>) dst(%dma_wait3A_239 : memref<128x128xf32, #tpu.memory_space<vmem>>)
      %dma_start3A_246 = arith.constant 1 : i32
      %dma_start3A_247 = arith.constant 1 : i32
      %dma_start3A_248 = arith.constant 0 : i32
      %dma_start3A_249 = arith.constant 0 : i32
      %dma_start3A_250 = tpu.memref_slice %arg8[%dma_start3A_246, %dma_start3A_248, %dma_start3A_249] : memref<2x128x128xf32, #tpu.memory_space<vmem>> -> memref<1x128x128xf32, #tpu.memory_space<vmem>>
      %dma_start3A_251 = tpu.memref_squeeze %dma_start3A_250 : memref<1x128x128xf32, #tpu.memory_space<vmem>> -> memref<128x128xf32, #tpu.memory_space<vmem>>
      %dma_start3A_252 = arith.constant 0 : i32
      %dma_start3A_253 = tpu.memref_slice %arg7[%dma_start3A_247, %dma_start3A_252] : memref<16x128xi32, #tpu.memory_space<vmem>> -> memref<1x128xi32, #tpu.memory_space<vmem>>
      %dma_start3A_254 = tpu.memref_squeeze %dma_start3A_253 : memref<1x128xi32, #tpu.memory_space<vmem>> -> memref<128xi32, #tpu.memory_space<vmem>>
      %dma_start3A_255 = arith.constant 0 : i32
      %dma_start3A_256 = arith.constant 0 : i32
      %dma_start3A_257 = tpu.memref_slice %arg10[%dma_start3A_255, %dma_start3A_256] : memref<10240x128xf32, #tpu.memory_space<vmem_shared>> -> memref<10240x128xf32, #tpu.memory_space<vmem_shared>>
      tpu.enqueue_indirect_dma source(%dma_start3A_251 : memref<128x128xf32, #tpu.memory_space<vmem>>) target(%dma_start3A_257 : memref<10240x128xf32, #tpu.memory_space<vmem_shared>>) offsets(%dma_start3A_254 : memref<128xi32, #tpu.memory_space<vmem>>) semaphore(%arg14 : memref<!tpu.dma_semaphore, #tpu.memory_space<semaphore_mem>>) {add = true}
      %dma_wait3A_258 = arith.constant 1 : i32
      %dma_wait3A_259 = arith.constant 1 : i32
      %dma_wait3A_260 = arith.constant 0 : i32
      %dma_wait3A_261 = arith.constant 0 : i32
      %dma_wait3A_262 = tpu.memref_slice %arg8[%dma_wait3A_258, %dma_wait3A_260, %dma_wait3A_261] : memref<2x128x128xf32, #tpu.memory_space<vmem>> -> memref<1x128x128xf32, #tpu.memory_space<vmem>>
      %dma_wait3A_263 = tpu.memref_squeeze %dma_wait3A_262 : memref<1x128x128xf32, #tpu.memory_space<vmem>> -> memref<128x128xf32, #tpu.memory_space<vmem>>
      %dma_wait3A_264 = arith.constant 0 : i32
      %dma_wait3A_265 = tpu.memref_slice %arg7[%dma_wait3A_259, %dma_wait3A_264] : memref<16x128xi32, #tpu.memory_space<vmem>> -> memref<1x128xi32, #tpu.memory_space<vmem>>
      %dma_wait3A_266 = tpu.memref_squeeze %dma_wait3A_265 : memref<1x128xi32, #tpu.memory_space<vmem>> -> memref<128xi32, #tpu.memory_space<vmem>>
      %dma_wait3A_267 = arith.constant 0 : i32
      %dma_wait3A_268 = arith.constant 0 : i32
      %dma_wait3A_269 = tpu.memref_slice %arg10[%dma_wait3A_267, %dma_wait3A_268] : memref<10240x128xf32, #tpu.memory_space<vmem_shared>> -> memref<10240x128xf32, #tpu.memory_space<vmem_shared>>
      tpu.wait_indirect_dma semaphore(%arg14 : memref<!tpu.dma_semaphore, #tpu.memory_space<semaphore_mem>>) src(%dma_wait3A_263 : memref<128x128xf32, #tpu.memory_space<vmem>>) dst(%dma_wait3A_269 : memref<10240x128xf32, #tpu.memory_space<vmem_shared>>)
      %dma_start3A_270 = arith.constant 3 : i32
      %dma_start3A_271 = arith.constant 1 : i32
      %dma_start3A_272 = arith.constant 0 : i32
      %dma_start3A_273 = arith.constant 0 : i32
      %dma_start3A_274 = tpu.memref_slice %arg8[%dma_start3A_271, %dma_start3A_272, %dma_start3A_273] : memref<2x128x128xf32, #tpu.memory_space<vmem>> -> memref<1x128x128xf32, #tpu.memory_space<vmem>>
      %dma_start3A_275 = tpu.memref_squeeze %dma_start3A_274 : memref<1x128x128xf32, #tpu.memory_space<vmem>> -> memref<128x128xf32, #tpu.memory_space<vmem>>
      %dma_start3A_276 = arith.constant 0 : i32
      %dma_start3A_277 = tpu.memref_slice %arg6[%dma_start3A_270, %dma_start3A_276] : memref<16x128xi32, #tpu.memory_space<vmem>> -> memref<1x128xi32, #tpu.memory_space<vmem>>
      %dma_start3A_278 = tpu.memref_squeeze %dma_start3A_277 : memref<1x128xi32, #tpu.memory_space<vmem>> -> memref<128xi32, #tpu.memory_space<vmem>>
      %dma_start3A_279 = arith.constant 0 : i32
      %dma_start3A_280 = arith.constant 0 : i32
      %dma_start3A_281 = tpu.memref_slice %arg2[%dma_start3A_279, %dma_start3A_280] : memref<10000x128xf32, #tpu.memory_space<hbm>> -> memref<10000x128xf32, #tpu.memory_space<hbm>>
      tpu.enqueue_indirect_dma source(%dma_start3A_281 : memref<10000x128xf32, #tpu.memory_space<hbm>>) target(%dma_start3A_275 : memref<128x128xf32, #tpu.memory_space<vmem>>) offsets(%dma_start3A_278 : memref<128xi32, #tpu.memory_space<vmem>>) semaphore(%arg12 : memref<!tpu.dma_semaphore, #tpu.memory_space<semaphore_mem>>)
      %dma_wait3A_282 = arith.constant 2 : i32
      %dma_wait3A_283 = arith.constant 0 : i32
      %dma_wait3A_284 = arith.constant 0 : i32
      %dma_wait3A_285 = arith.constant 0 : i32
      %dma_wait3A_286 = tpu.memref_slice %arg8[%dma_wait3A_283, %dma_wait3A_284, %dma_wait3A_285] : memref<2x128x128xf32, #tpu.memory_space<vmem>> -> memref<1x128x128xf32, #tpu.memory_space<vmem>>
      %dma_wait3A_287 = tpu.memref_squeeze %dma_wait3A_286 : memref<1x128x128xf32, #tpu.memory_space<vmem>> -> memref<128x128xf32, #tpu.memory_space<vmem>>
      %dma_wait3A_288 = arith.constant 0 : i32
      %dma_wait3A_289 = tpu.memref_slice %arg6[%dma_wait3A_282, %dma_wait3A_288] : memref<16x128xi32, #tpu.memory_space<vmem>> -> memref<1x128xi32, #tpu.memory_space<vmem>>
      %dma_wait3A_290 = tpu.memref_squeeze %dma_wait3A_289 : memref<1x128xi32, #tpu.memory_space<vmem>> -> memref<128xi32, #tpu.memory_space<vmem>>
      %dma_wait3A_291 = arith.constant 0 : i32
      %dma_wait3A_292 = arith.constant 0 : i32
      %dma_wait3A_293 = tpu.memref_slice %arg2[%dma_wait3A_291, %dma_wait3A_292] : memref<10000x128xf32, #tpu.memory_space<hbm>> -> memref<10000x128xf32, #tpu.memory_space<hbm>>
      tpu.wait_indirect_dma semaphore(%arg11 : memref<!tpu.dma_semaphore, #tpu.memory_space<semaphore_mem>>) src(%dma_wait3A_293 : memref<10000x128xf32, #tpu.memory_space<hbm>>) dst(%dma_wait3A_287 : memref<128x128xf32, #tpu.memory_space<vmem>>)
      %dma_start3A_294 = arith.constant 0 : i32
      %dma_start3A_295 = arith.constant 2 : i32
      %dma_start3A_296 = arith.constant 0 : i32
      %dma_start3A_297 = arith.constant 0 : i32
      %dma_start3A_298 = tpu.memref_slice %arg8[%dma_start3A_294, %dma_start3A_296, %dma_start3A_297] : memref<2x128x128xf32, #tpu.memory_space<vmem>> -> memref<1x128x128xf32, #tpu.memory_space<vmem>>
      %dma_start3A_299 = tpu.memref_squeeze %dma_start3A_298 : memref<1x128x128xf32, #tpu.memory_space<vmem>> -> memref<128x128xf32, #tpu.memory_space<vmem>>
      %dma_start3A_300 = arith.constant 0 : i32
      %dma_start3A_301 = tpu.memref_slice %arg7[%dma_start3A_295, %dma_start3A_300] : memref<16x128xi32, #tpu.memory_space<vmem>> -> memref<1x128xi32, #tpu.memory_space<vmem>>
      %dma_start3A_302 = tpu.memref_squeeze %dma_start3A_301 : memref<1x128xi32, #tpu.memory_space<vmem>> -> memref<128xi32, #tpu.memory_space<vmem>>
      %dma_start3A_303 = arith.constant 0 : i32
      %dma_start3A_304 = arith.constant 0 : i32
      %dma_start3A_305 = tpu.memref_slice %arg10[%dma_start3A_303, %dma_start3A_304] : memref<10240x128xf32, #tpu.memory_space<vmem_shared>> -> memref<10240x128xf32, #tpu.memory_space<vmem_shared>>
      tpu.enqueue_indirect_dma source(%dma_start3A_299 : memref<128x128xf32, #tpu.memory_space<vmem>>) target(%dma_start3A_305 : memref<10240x128xf32, #tpu.memory_space<vmem_shared>>) offsets(%dma_start3A_302 : memref<128xi32, #tpu.memory_space<vmem>>) semaphore(%arg13 : memref<!tpu.dma_semaphore, #tpu.memory_space<semaphore_mem>>) {add = true}
      %dma_wait3A_306 = arith.constant 0 : i32
      %dma_wait3A_307 = arith.constant 2 : i32
      %dma_wait3A_308 = arith.constant 0 : i32
      %dma_wait3A_309 = arith.constant 0 : i32
      %dma_wait3A_310 = tpu.memref_slice %arg8[%dma_wait3A_306, %dma_wait3A_308, %dma_wait3A_309] : memref<2x128x128xf32, #tpu.memory_space<vmem>> -> memref<1x128x128xf32, #tpu.memory_space<vmem>>
      %dma_wait3A_311 = tpu.memref_squeeze %dma_wait3A_310 : memref<1x128x128xf32, #tpu.memory_space<vmem>> -> memref<128x128xf32, #tpu.memory_space<vmem>>
      %dma_wait3A_312 = arith.constant 0 : i32
      %dma_wait3A_313 = tpu.memref_slice %arg7[%dma_wait3A_307, %dma_wait3A_312] : memref<16x128xi32, #tpu.memory_space<vmem>> -> memref<1x128xi32, #tpu.memory_space<vmem>>
      %dma_wait3A_314 = tpu.memref_squeeze %dma_wait3A_313 : memref<1x128xi32, #tpu.memory_space<vmem>> -> memref<128xi32, #tpu.memory_space<vmem>>
      %dma_wait3A_315 = arith.constant 0 : i32
      %dma_wait3A_316 = arith.constant 0 : i32
      %dma_wait3A_317 = tpu.memref_slice %arg10[%dma_wait3A_315, %dma_wait3A_316] : memref<10240x128xf32, #tpu.memory_space<vmem_shared>> -> memref<10240x128xf32, #tpu.memory_space<vmem_shared>>
      tpu.wait_indirect_dma semaphore(%arg13 : memref<!tpu.dma_semaphore, #tpu.memory_space<semaphore_mem>>) src(%dma_wait3A_311 : memref<128x128xf32, #tpu.memory_space<vmem>>) dst(%dma_wait3A_317 : memref<10240x128xf32, #tpu.memory_space<vmem_shared>>)
      %dma_start3A_318 = arith.constant 4 : i32
      %dma_start3A_319 = arith.constant 0 : i32
      %dma_start3A_320 = arith.constant 0 : i32
      %dma_start3A_321 = arith.constant 0 : i32
      %dma_start3A_322 = tpu.memref_slice %arg8[%dma_start3A_319, %dma_start3A_320, %dma_start3A_321] : memref<2x128x128xf32, #tpu.memory_space<vmem>> -> memref<1x128x128xf32, #tpu.memory_space<vmem>>
      %dma_start3A_323 = tpu.memref_squeeze %dma_start3A_322 : memref<1x128x128xf32, #tpu.memory_space<vmem>> -> memref<128x128xf32, #tpu.memory_space<vmem>>
      %dma_start3A_324 = arith.constant 0 : i32
      %dma_start3A_325 = tpu.memref_slice %arg6[%dma_start3A_318, %dma_start3A_324] : memref<16x128xi32, #tpu.memory_space<vmem>> -> memref<1x128xi32, #tpu.memory_space<vmem>>
      %dma_start3A_326 = tpu.memref_squeeze %dma_start3A_325 : memref<1x128xi32, #tpu.memory_space<vmem>> -> memref<128xi32, #tpu.memory_space<vmem>>
      %dma_start3A_327 = arith.constant 0 : i32
      %dma_start3A_328 = arith.constant 0 : i32
      %dma_start3A_329 = tpu.memref_slice %arg2[%dma_start3A_327, %dma_start3A_328] : memref<10000x128xf32, #tpu.memory_space<hbm>> -> memref<10000x128xf32, #tpu.memory_space<hbm>>
      tpu.enqueue_indirect_dma source(%dma_start3A_329 : memref<10000x128xf32, #tpu.memory_space<hbm>>) target(%dma_start3A_323 : memref<128x128xf32, #tpu.memory_space<vmem>>) offsets(%dma_start3A_326 : memref<128xi32, #tpu.memory_space<vmem>>) semaphore(%arg11 : memref<!tpu.dma_semaphore, #tpu.memory_space<semaphore_mem>>)
      %dma_wait3A_330 = arith.constant 3 : i32
      %dma_wait3A_331 = arith.constant 1 : i32
      %dma_wait3A_332 = arith.constant 0 : i32
      %dma_wait3A_333 = arith.constant 0 : i32
      %dma_wait3A_334 = tpu.memref_slice %arg8[%dma_wait3A_331, %dma_wait3A_332, %dma_wait3A_333] : memref<2x128x128xf32, #tpu.memory_space<vmem>> -> memref<1x128x128xf32, #tpu.memory_space<vmem>>
      %dma_wait3A_335 = tpu.memref_squeeze %dma_wait3A_334 : memref<1x128x128xf32, #tpu.memory_space<vmem>> -> memref<128x128xf32, #tpu.memory_space<vmem>>
      %dma_wait3A_336 = arith.constant 0 : i32
      %dma_wait3A_337 = tpu.memref_slice %arg6[%dma_wait3A_330, %dma_wait3A_336] : memref<16x128xi32, #tpu.memory_space<vmem>> -> memref<1x128xi32, #tpu.memory_space<vmem>>
      %dma_wait3A_338 = tpu.memref_squeeze %dma_wait3A_337 : memref<1x128xi32, #tpu.memory_space<vmem>> -> memref<128xi32, #tpu.memory_space<vmem>>
      %dma_wait3A_339 = arith.constant 0 : i32
      %dma_wait3A_340 = arith.constant 0 : i32
      %dma_wait3A_341 = tpu.memref_slice %arg2[%dma_wait3A_339, %dma_wait3A_340] : memref<10000x128xf32, #tpu.memory_space<hbm>> -> memref<10000x128xf32, #tpu.memory_space<hbm>>
      tpu.wait_indirect_dma semaphore(%arg12 : memref<!tpu.dma_semaphore, #tpu.memory_space<semaphore_mem>>) src(%dma_wait3A_341 : memref<10000x128xf32, #tpu.memory_space<hbm>>) dst(%dma_wait3A_335 : memref<128x128xf32, #tpu.memory_space<vmem>>)
      %dma_start3A_342 = arith.constant 1 : i32
      %dma_start3A_343 = arith.constant 3 : i32
      %dma_start3A_344 = arith.constant 0 : i32
      %dma_start3A_345 = arith.constant 0 : i32
      %dma_start3A_346 = tpu.memref_slice %arg8[%dma_start3A_342, %dma_start3A_344, %dma_start3A_345] : memref<2x128x128xf32, #tpu.memory_space<vmem>> -> memref<1x128x128xf32, #tpu.memory_space<vmem>>
      %dma_start3A_347 = tpu.memref_squeeze %dma_start3A_346 : memref<1x128x128xf32, #tpu.memory_space<vmem>> -> memref<128x128xf32, #tpu.memory_space<vmem>>
      %dma_start3A_348 = arith.constant 0 : i32
      %dma_start3A_349 = tpu.memref_slice %arg7[%dma_start3A_343, %dma_start3A_348] : memref<16x128xi32, #tpu.memory_space<vmem>> -> memref<1x128xi32, #tpu.memory_space<vmem>>
      %dma_start3A_350 = tpu.memref_squeeze %dma_start3A_349 : memref<1x128xi32, #tpu.memory_space<vmem>> -> memref<128xi32, #tpu.memory_space<vmem>>
      %dma_start3A_351 = arith.constant 0 : i32
      %dma_start3A_352 = arith.constant 0 : i32
      %dma_start3A_353 = tpu.memref_slice %arg10[%dma_start3A_351, %dma_start3A_352] : memref<10240x128xf32, #tpu.memory_space<vmem_shared>> -> memref<10240x128xf32, #tpu.memory_space<vmem_shared>>
      tpu.enqueue_indirect_dma source(%dma_start3A_347 : memref<128x128xf32, #tpu.memory_space<vmem>>) target(%dma_start3A_353 : memref<10240x128xf32, #tpu.memory_space<vmem_shared>>) offsets(%dma_start3A_350 : memref<128xi32, #tpu.memory_space<vmem>>) semaphore(%arg14 : memref<!tpu.dma_semaphore, #tpu.memory_space<semaphore_mem>>) {add = true}
      %dma_wait3A_354 = arith.constant 1 : i32
      %dma_wait3A_355 = arith.constant 3 : i32
      %dma_wait3A_356 = arith.constant 0 : i32
      %dma_wait3A_357 = arith.constant 0 : i32
      %dma_wait3A_358 = tpu.memref_slice %arg8[%dma_wait3A_354, %dma_wait3A_356, %dma_wait3A_357] : memref<2x128x128xf32, #tpu.memory_space<vmem>> -> memref<1x128x128xf32, #tpu.memory_space<vmem>>
      %dma_wait3A_359 = tpu.memref_squeeze %dma_wait3A_358 : memref<1x128x128xf32, #tpu.memory_space<vmem>> -> memref<128x128xf32, #tpu.memory_space<vmem>>
      %dma_wait3A_360 = arith.constant 0 : i32
      %dma_wait3A_361 = tpu.memref_slice %arg7[%dma_wait3A_355, %dma_wait3A_360] : memref<16x128xi32, #tpu.memory_space<vmem>> -> memref<1x128xi32, #tpu.memory_space<vmem>>
      %dma_wait3A_362 = tpu.memref_squeeze %dma_wait3A_361 : memref<1x128xi32, #tpu.memory_space<vmem>> -> memref<128xi32, #tpu.memory_space<vmem>>
      %dma_wait3A_363 = arith.constant 0 : i32
      %dma_wait3A_364 = arith.constant 0 : i32
      %dma_wait3A_365 = tpu.memref_slice %arg10[%dma_wait3A_363, %dma_wait3A_364] : memref<10240x128xf32, #tpu.memory_space<vmem_shared>> -> memref<10240x128xf32, #tpu.memory_space<vmem_shared>>
      tpu.wait_indirect_dma semaphore(%arg14 : memref<!tpu.dma_semaphore, #tpu.memory_space<semaphore_mem>>) src(%dma_wait3A_359 : memref<128x128xf32, #tpu.memory_space<vmem>>) dst(%dma_wait3A_365 : memref<10240x128xf32, #tpu.memory_space<vmem_shared>>)
      %dma_start3A_366 = arith.constant 5 : i32
      %dma_start3A_367 = arith.constant 1 : i32
      %dma_start3A_368 = arith.constant 0 : i32
      %dma_start3A_369 = arith.constant 0 : i32
      %dma_start3A_370 = tpu.memref_slice %arg8[%dma_start3A_367, %dma_start3A_368, %dma_start3A_369] : memref<2x128x128xf32, #tpu.memory_space<vmem>> -> memref<1x128x128xf32, #tpu.memory_space<vmem>>
      %dma_start3A_371 = tpu.memref_squeeze %dma_start3A_370 : memref<1x128x128xf32, #tpu.memory_space<vmem>> -> memref<128x128xf32, #tpu.memory_space<vmem>>
      %dma_start3A_372 = arith.constant 0 : i32
      %dma_start3A_373 = tpu.memref_slice %arg6[%dma_start3A_366, %dma_start3A_372] : memref<16x128xi32, #tpu.memory_space<vmem>> -> memref<1x128xi32, #tpu.memory_space<vmem>>
      %dma_start3A_374 = tpu.memref_squeeze %dma_start3A_373 : memref<1x128xi32, #tpu.memory_space<vmem>> -> memref<128xi32, #tpu.memory_space<vmem>>
      %dma_start3A_375 = arith.constant 0 : i32
      %dma_start3A_376 = arith.constant 0 : i32
      %dma_start3A_377 = tpu.memref_slice %arg2[%dma_start3A_375, %dma_start3A_376] : memref<10000x128xf32, #tpu.memory_space<hbm>> -> memref<10000x128xf32, #tpu.memory_space<hbm>>
      tpu.enqueue_indirect_dma source(%dma_start3A_377 : memref<10000x128xf32, #tpu.memory_space<hbm>>) target(%dma_start3A_371 : memref<128x128xf32, #tpu.memory_space<vmem>>) offsets(%dma_start3A_374 : memref<128xi32, #tpu.memory_space<vmem>>) semaphore(%arg12 : memref<!tpu.dma_semaphore, #tpu.memory_space<semaphore_mem>>)
      %dma_wait3A_378 = arith.constant 4 : i32
      %dma_wait3A_379 = arith.constant 0 : i32
      %dma_wait3A_380 = arith.constant 0 : i32
      %dma_wait3A_381 = arith.constant 0 : i32
      %dma_wait3A_382 = tpu.memref_slice %arg8[%dma_wait3A_379, %dma_wait3A_380, %dma_wait3A_381] : memref<2x128x128xf32, #tpu.memory_space<vmem>> -> memref<1x128x128xf32, #tpu.memory_space<vmem>>
      %dma_wait3A_383 = tpu.memref_squeeze %dma_wait3A_382 : memref<1x128x128xf32, #tpu.memory_space<vmem>> -> memref<128x128xf32, #tpu.memory_space<vmem>>
      %dma_wait3A_384 = arith.constant 0 : i32
      %dma_wait3A_385 = tpu.memref_slice %arg6[%dma_wait3A_378, %dma_wait3A_384] : memref<16x128xi32, #tpu.memory_space<vmem>> -> memref<1x128xi32, #tpu.memory_space<vmem>>
      %dma_wait3A_386 = tpu.memref_squeeze %dma_wait3A_385 : memref<1x128xi32, #tpu.memory_space<vmem>> -> memref<128xi32, #tpu.memory_space<vmem>>
      %dma_wait3A_387 = arith.constant 0 : i32
      %dma_wait3A_388 = arith.constant 0 : i32
      %dma_wait3A_389 = tpu.memref_slice %arg2[%dma_wait3A_387, %dma_wait3A_388] : memref<10000x128xf32, #tpu.memory_space<hbm>> -> memref<10000x128xf32, #tpu.memory_space<hbm>>
      tpu.wait_indirect_dma semaphore(%arg11 : memref<!tpu.dma_semaphore, #tpu.memory_space<semaphore_mem>>) src(%dma_wait3A_389 : memref<10000x128xf32, #tpu.memory_space<hbm>>) dst(%dma_wait3A_383 : memref<128x128xf32, #tpu.memory_space<vmem>>)
      %dma_start3A_390 = arith.constant 0 : i32
      %dma_start3A_391 = arith.constant 4 : i32
      %dma_start3A_392 = arith.constant 0 : i32
      %dma_start3A_393 = arith.constant 0 : i32
      %dma_start3A_394 = tpu.memref_slice %arg8[%dma_start3A_390, %dma_start3A_392, %dma_start3A_393] : memref<2x128x128xf32, #tpu.memory_space<vmem>> -> memref<1x128x128xf32, #tpu.memory_space<vmem>>
      %dma_start3A_395 = tpu.memref_squeeze %dma_start3A_394 : memref<1x128x128xf32, #tpu.memory_space<vmem>> -> memref<128x128xf32, #tpu.memory_space<vmem>>
      %dma_start3A_396 = arith.constant 0 : i32
      %dma_start3A_397 = tpu.memref_slice %arg7[%dma_start3A_391, %dma_start3A_396] : memref<16x128xi32, #tpu.memory_space<vmem>> -> memref<1x128xi32, #tpu.memory_space<vmem>>
      %dma_start3A_398 = tpu.memref_squeeze %dma_start3A_397 : memref<1x128xi32, #tpu.memory_space<vmem>> -> memref<128xi32, #tpu.memory_space<vmem>>
      %dma_start3A_399 = arith.constant 0 : i32
      %dma_start3A_400 = arith.constant 0 : i32
      %dma_start3A_401 = tpu.memref_slice %arg10[%dma_start3A_399, %dma_start3A_400] : memref<10240x128xf32, #tpu.memory_space<vmem_shared>> -> memref<10240x128xf32, #tpu.memory_space<vmem_shared>>
      tpu.enqueue_indirect_dma source(%dma_start3A_395 : memref<128x128xf32, #tpu.memory_space<vmem>>) target(%dma_start3A_401 : memref<10240x128xf32, #tpu.memory_space<vmem_shared>>) offsets(%dma_start3A_398 : memref<128xi32, #tpu.memory_space<vmem>>) semaphore(%arg13 : memref<!tpu.dma_semaphore, #tpu.memory_space<semaphore_mem>>) {add = true}
      %dma_wait3A_402 = arith.constant 0 : i32
      %dma_wait3A_403 = arith.constant 4 : i32
      %dma_wait3A_404 = arith.constant 0 : i32
      %dma_wait3A_405 = arith.constant 0 : i32
      %dma_wait3A_406 = tpu.memref_slice %arg8[%dma_wait3A_402, %dma_wait3A_404, %dma_wait3A_405] : memref<2x128x128xf32, #tpu.memory_space<vmem>> -> memref<1x128x128xf32, #tpu.memory_space<vmem>>
      %dma_wait3A_407 = tpu.memref_squeeze %dma_wait3A_406 : memref<1x128x128xf32, #tpu.memory_space<vmem>> -> memref<128x128xf32, #tpu.memory_space<vmem>>
      %dma_wait3A_408 = arith.constant 0 : i32
      %dma_wait3A_409 = tpu.memref_slice %arg7[%dma_wait3A_403, %dma_wait3A_408] : memref<16x128xi32, #tpu.memory_space<vmem>> -> memref<1x128xi32, #tpu.memory_space<vmem>>
      %dma_wait3A_410 = tpu.memref_squeeze %dma_wait3A_409 : memref<1x128xi32, #tpu.memory_space<vmem>> -> memref<128xi32, #tpu.memory_space<vmem>>
      %dma_wait3A_411 = arith.constant 0 : i32
      %dma_wait3A_412 = arith.constant 0 : i32
      %dma_wait3A_413 = tpu.memref_slice %arg10[%dma_wait3A_411, %dma_wait3A_412] : memref<10240x128xf32, #tpu.memory_space<vmem_shared>> -> memref<10240x128xf32, #tpu.memory_space<vmem_shared>>
      tpu.wait_indirect_dma semaphore(%arg13 : memref<!tpu.dma_semaphore, #tpu.memory_space<semaphore_mem>>) src(%dma_wait3A_407 : memref<128x128xf32, #tpu.memory_space<vmem>>) dst(%dma_wait3A_413 : memref<10240x128xf32, #tpu.memory_space<vmem_shared>>)
      %dma_start3A_414 = arith.constant 6 : i32
      %dma_start3A_415 = arith.constant 0 : i32
      %dma_start3A_416 = arith.constant 0 : i32
      %dma_start3A_417 = arith.constant 0 : i32
      %dma_start3A_418 = tpu.memref_slice %arg8[%dma_start3A_415, %dma_start3A_416, %dma_start3A_417] : memref<2x128x128xf32, #tpu.memory_space<vmem>> -> memref<1x128x128xf32, #tpu.memory_space<vmem>>
      %dma_start3A_419 = tpu.memref_squeeze %dma_start3A_418 : memref<1x128x128xf32, #tpu.memory_space<vmem>> -> memref<128x128xf32, #tpu.memory_space<vmem>>
      %dma_start3A_420 = arith.constant 0 : i32
      %dma_start3A_421 = tpu.memref_slice %arg6[%dma_start3A_414, %dma_start3A_420] : memref<16x128xi32, #tpu.memory_space<vmem>> -> memref<1x128xi32, #tpu.memory_space<vmem>>
      %dma_start3A_422 = tpu.memref_squeeze %dma_start3A_421 : memref<1x128xi32, #tpu.memory_space<vmem>> -> memref<128xi32, #tpu.memory_space<vmem>>
      %dma_start3A_423 = arith.constant 0 : i32
      %dma_start3A_424 = arith.constant 0 : i32
      %dma_start3A_425 = tpu.memref_slice %arg2[%dma_start3A_423, %dma_start3A_424] : memref<10000x128xf32, #tpu.memory_space<hbm>> -> memref<10000x128xf32, #tpu.memory_space<hbm>>
      tpu.enqueue_indirect_dma source(%dma_start3A_425 : memref<10000x128xf32, #tpu.memory_space<hbm>>) target(%dma_start3A_419 : memref<128x128xf32, #tpu.memory_space<vmem>>) offsets(%dma_start3A_422 : memref<128xi32, #tpu.memory_space<vmem>>) semaphore(%arg11 : memref<!tpu.dma_semaphore, #tpu.memory_space<semaphore_mem>>)
      %dma_wait3A_426 = arith.constant 5 : i32
      %dma_wait3A_427 = arith.constant 1 : i32
      %dma_wait3A_428 = arith.constant 0 : i32
      %dma_wait3A_429 = arith.constant 0 : i32
      %dma_wait3A_430 = tpu.memref_slice %arg8[%dma_wait3A_427, %dma_wait3A_428, %dma_wait3A_429] : memref<2x128x128xf32, #tpu.memory_space<vmem>> -> memref<1x128x128xf32, #tpu.memory_space<vmem>>
      %dma_wait3A_431 = tpu.memref_squeeze %dma_wait3A_430 : memref<1x128x128xf32, #tpu.memory_space<vmem>> -> memref<128x128xf32, #tpu.memory_space<vmem>>
      %dma_wait3A_432 = arith.constant 0 : i32
      %dma_wait3A_433 = tpu.memref_slice %arg6[%dma_wait3A_426, %dma_wait3A_432] : memref<16x128xi32, #tpu.memory_space<vmem>> -> memref<1x128xi32, #tpu.memory_space<vmem>>
      %dma_wait3A_434 = tpu.memref_squeeze %dma_wait3A_433 : memref<1x128xi32, #tpu.memory_space<vmem>> -> memref<128xi32, #tpu.memory_space<vmem>>
      %dma_wait3A_435 = arith.constant 0 : i32
      %dma_wait3A_436 = arith.constant 0 : i32
      %dma_wait3A_437 = tpu.memref_slice %arg2[%dma_wait3A_435, %dma_wait3A_436] : memref<10000x128xf32, #tpu.memory_space<hbm>> -> memref<10000x128xf32, #tpu.memory_space<hbm>>
      tpu.wait_indirect_dma semaphore(%arg12 : memref<!tpu.dma_semaphore, #tpu.memory_space<semaphore_mem>>) src(%dma_wait3A_437 : memref<10000x128xf32, #tpu.memory_space<hbm>>) dst(%dma_wait3A_431 : memref<128x128xf32, #tpu.memory_space<vmem>>)
      %dma_start3A_438 = arith.constant 1 : i32
      %dma_start3A_439 = arith.constant 5 : i32
      %dma_start3A_440 = arith.constant 0 : i32
      %dma_start3A_441 = arith.constant 0 : i32
      %dma_start3A_442 = tpu.memref_slice %arg8[%dma_start3A_438, %dma_start3A_440, %dma_start3A_441] : memref<2x128x128xf32, #tpu.memory_space<vmem>> -> memref<1x128x128xf32, #tpu.memory_space<vmem>>
      %dma_start3A_443 = tpu.memref_squeeze %dma_start3A_442 : memref<1x128x128xf32, #tpu.memory_space<vmem>> -> memref<128x128xf32, #tpu.memory_space<vmem>>
      %dma_start3A_444 = arith.constant 0 : i32
      %dma_start3A_445 = tpu.memref_slice %arg7[%dma_start3A_439, %dma_start3A_444] : memref<16x128xi32, #tpu.memory_space<vmem>> -> memref<1x128xi32, #tpu.memory_space<vmem>>
      %dma_start3A_446 = tpu.memref_squeeze %dma_start3A_445 : memref<1x128xi32, #tpu.memory_space<vmem>> -> memref<128xi32, #tpu.memory_space<vmem>>
      %dma_start3A_447 = arith.constant 0 : i32
      %dma_start3A_448 = arith.constant 0 : i32
      %dma_start3A_449 = tpu.memref_slice %arg10[%dma_start3A_447, %dma_start3A_448] : memref<10240x128xf32, #tpu.memory_space<vmem_shared>> -> memref<10240x128xf32, #tpu.memory_space<vmem_shared>>
      tpu.enqueue_indirect_dma source(%dma_start3A_443 : memref<128x128xf32, #tpu.memory_space<vmem>>) target(%dma_start3A_449 : memref<10240x128xf32, #tpu.memory_space<vmem_shared>>) offsets(%dma_start3A_446 : memref<128xi32, #tpu.memory_space<vmem>>) semaphore(%arg14 : memref<!tpu.dma_semaphore, #tpu.memory_space<semaphore_mem>>) {add = true}
      %dma_wait3A_450 = arith.constant 1 : i32
      %dma_wait3A_451 = arith.constant 5 : i32
      %dma_wait3A_452 = arith.constant 0 : i32
      %dma_wait3A_453 = arith.constant 0 : i32
      %dma_wait3A_454 = tpu.memref_slice %arg8[%dma_wait3A_450, %dma_wait3A_452, %dma_wait3A_453] : memref<2x128x128xf32, #tpu.memory_space<vmem>> -> memref<1x128x128xf32, #tpu.memory_space<vmem>>
      %dma_wait3A_455 = tpu.memref_squeeze %dma_wait3A_454 : memref<1x128x128xf32, #tpu.memory_space<vmem>> -> memref<128x128xf32, #tpu.memory_space<vmem>>
      %dma_wait3A_456 = arith.constant 0 : i32
      %dma_wait3A_457 = tpu.memref_slice %arg7[%dma_wait3A_451, %dma_wait3A_456] : memref<16x128xi32, #tpu.memory_space<vmem>> -> memref<1x128xi32, #tpu.memory_space<vmem>>
      %dma_wait3A_458 = tpu.memref_squeeze %dma_wait3A_457 : memref<1x128xi32, #tpu.memory_space<vmem>> -> memref<128xi32, #tpu.memory_space<vmem>>
      %dma_wait3A_459 = arith.constant 0 : i32
      %dma_wait3A_460 = arith.constant 0 : i32
      %dma_wait3A_461 = tpu.memref_slice %arg10[%dma_wait3A_459, %dma_wait3A_460] : memref<10240x128xf32, #tpu.memory_space<vmem_shared>> -> memref<10240x128xf32, #tpu.memory_space<vmem_shared>>
      tpu.wait_indirect_dma semaphore(%arg14 : memref<!tpu.dma_semaphore, #tpu.memory_space<semaphore_mem>>) src(%dma_wait3A_455 : memref<128x128xf32, #tpu.memory_space<vmem>>) dst(%dma_wait3A_461 : memref<10240x128xf32, #tpu.memory_space<vmem_shared>>)
      %dma_start3A_462 = arith.constant 7 : i32
      %dma_start3A_463 = arith.constant 1 : i32
      %dma_start3A_464 = arith.constant 0 : i32
      %dma_start3A_465 = arith.constant 0 : i32
      %dma_start3A_466 = tpu.memref_slice %arg8[%dma_start3A_463, %dma_start3A_464, %dma_start3A_465] : memref<2x128x128xf32, #tpu.memory_space<vmem>> -> memref<1x128x128xf32, #tpu.memory_space<vmem>>
      %dma_start3A_467 = tpu.memref_squeeze %dma_start3A_466 : memref<1x128x128xf32, #tpu.memory_space<vmem>> -> memref<128x128xf32, #tpu.memory_space<vmem>>
      %dma_start3A_468 = arith.constant 0 : i32
      %dma_start3A_469 = tpu.memref_slice %arg6[%dma_start3A_462, %dma_start3A_468] : memref<16x128xi32, #tpu.memory_space<vmem>> -> memref<1x128xi32, #tpu.memory_space<vmem>>
      %dma_start3A_470 = tpu.memref_squeeze %dma_start3A_469 : memref<1x128xi32, #tpu.memory_space<vmem>> -> memref<128xi32, #tpu.memory_space<vmem>>
      %dma_start3A_471 = arith.constant 0 : i32
      %dma_start3A_472 = arith.constant 0 : i32
      %dma_start3A_473 = tpu.memref_slice %arg2[%dma_start3A_471, %dma_start3A_472] : memref<10000x128xf32, #tpu.memory_space<hbm>> -> memref<10000x128xf32, #tpu.memory_space<hbm>>
      tpu.enqueue_indirect_dma source(%dma_start3A_473 : memref<10000x128xf32, #tpu.memory_space<hbm>>) target(%dma_start3A_467 : memref<128x128xf32, #tpu.memory_space<vmem>>) offsets(%dma_start3A_470 : memref<128xi32, #tpu.memory_space<vmem>>) semaphore(%arg12 : memref<!tpu.dma_semaphore, #tpu.memory_space<semaphore_mem>>)
      %dma_wait3A_474 = arith.constant 6 : i32
      %dma_wait3A_475 = arith.constant 0 : i32
      %dma_wait3A_476 = arith.constant 0 : i32
      %dma_wait3A_477 = arith.constant 0 : i32
      %dma_wait3A_478 = tpu.memref_slice %arg8[%dma_wait3A_475, %dma_wait3A_476, %dma_wait3A_477] : memref<2x128x128xf32, #tpu.memory_space<vmem>> -> memref<1x128x128xf32, #tpu.memory_space<vmem>>
      %dma_wait3A_479 = tpu.memref_squeeze %dma_wait3A_478 : memref<1x128x128xf32, #tpu.memory_space<vmem>> -> memref<128x128xf32, #tpu.memory_space<vmem>>
      %dma_wait3A_480 = arith.constant 0 : i32
      %dma_wait3A_481 = tpu.memref_slice %arg6[%dma_wait3A_474, %dma_wait3A_480] : memref<16x128xi32, #tpu.memory_space<vmem>> -> memref<1x128xi32, #tpu.memory_space<vmem>>
      %dma_wait3A_482 = tpu.memref_squeeze %dma_wait3A_481 : memref<1x128xi32, #tpu.memory_space<vmem>> -> memref<128xi32, #tpu.memory_space<vmem>>
      %dma_wait3A_483 = arith.constant 0 : i32
      %dma_wait3A_484 = arith.constant 0 : i32
      %dma_wait3A_485 = tpu.memref_slice %arg2[%dma_wait3A_483, %dma_wait3A_484] : memref<10000x128xf32, #tpu.memory_space<hbm>> -> memref<10000x128xf32, #tpu.memory_space<hbm>>
      tpu.wait_indirect_dma semaphore(%arg11 : memref<!tpu.dma_semaphore, #tpu.memory_space<semaphore_mem>>) src(%dma_wait3A_485 : memref<10000x128xf32, #tpu.memory_space<hbm>>) dst(%dma_wait3A_479 : memref<128x128xf32, #tpu.memory_space<vmem>>)
      %dma_start3A_486 = arith.constant 0 : i32
      %dma_start3A_487 = arith.constant 6 : i32
      %dma_start3A_488 = arith.constant 0 : i32
      %dma_start3A_489 = arith.constant 0 : i32
      %dma_start3A_490 = tpu.memref_slice %arg8[%dma_start3A_486, %dma_start3A_488, %dma_start3A_489] : memref<2x128x128xf32, #tpu.memory_space<vmem>> -> memref<1x128x128xf32, #tpu.memory_space<vmem>>
      %dma_start3A_491 = tpu.memref_squeeze %dma_start3A_490 : memref<1x128x128xf32, #tpu.memory_space<vmem>> -> memref<128x128xf32, #tpu.memory_space<vmem>>
      %dma_start3A_492 = arith.constant 0 : i32
      %dma_start3A_493 = tpu.memref_slice %arg7[%dma_start3A_487, %dma_start3A_492] : memref<16x128xi32, #tpu.memory_space<vmem>> -> memref<1x128xi32, #tpu.memory_space<vmem>>
      %dma_start3A_494 = tpu.memref_squeeze %dma_start3A_493 : memref<1x128xi32, #tpu.memory_space<vmem>> -> memref<128xi32, #tpu.memory_space<vmem>>
      %dma_start3A_495 = arith.constant 0 : i32
      %dma_start3A_496 = arith.constant 0 : i32
      %dma_start3A_497 = tpu.memref_slice %arg10[%dma_start3A_495, %dma_start3A_496] : memref<10240x128xf32, #tpu.memory_space<vmem_shared>> -> memref<10240x128xf32, #tpu.memory_space<vmem_shared>>
      tpu.enqueue_indirect_dma source(%dma_start3A_491 : memref<128x128xf32, #tpu.memory_space<vmem>>) target(%dma_start3A_497 : memref<10240x128xf32, #tpu.memory_space<vmem_shared>>) offsets(%dma_start3A_494 : memref<128xi32, #tpu.memory_space<vmem>>) semaphore(%arg13 : memref<!tpu.dma_semaphore, #tpu.memory_space<semaphore_mem>>) {add = true}
      %dma_wait3A_498 = arith.constant 0 : i32
      %dma_wait3A_499 = arith.constant 6 : i32
      %dma_wait3A_500 = arith.constant 0 : i32
      %dma_wait3A_501 = arith.constant 0 : i32
      %dma_wait3A_502 = tpu.memref_slice %arg8[%dma_wait3A_498, %dma_wait3A_500, %dma_wait3A_501] : memref<2x128x128xf32, #tpu.memory_space<vmem>> -> memref<1x128x128xf32, #tpu.memory_space<vmem>>
      %dma_wait3A_503 = tpu.memref_squeeze %dma_wait3A_502 : memref<1x128x128xf32, #tpu.memory_space<vmem>> -> memref<128x128xf32, #tpu.memory_space<vmem>>
      %dma_wait3A_504 = arith.constant 0 : i32
      %dma_wait3A_505 = tpu.memref_slice %arg7[%dma_wait3A_499, %dma_wait3A_504] : memref<16x128xi32, #tpu.memory_space<vmem>> -> memref<1x128xi32, #tpu.memory_space<vmem>>
      %dma_wait3A_506 = tpu.memref_squeeze %dma_wait3A_505 : memref<1x128xi32, #tpu.memory_space<vmem>> -> memref<128xi32, #tpu.memory_space<vmem>>
      %dma_wait3A_507 = arith.constant 0 : i32
      %dma_wait3A_508 = arith.constant 0 : i32
      %dma_wait3A_509 = tpu.memref_slice %arg10[%dma_wait3A_507, %dma_wait3A_508] : memref<10240x128xf32, #tpu.memory_space<vmem_shared>> -> memref<10240x128xf32, #tpu.memory_space<vmem_shared>>
      tpu.wait_indirect_dma semaphore(%arg13 : memref<!tpu.dma_semaphore, #tpu.memory_space<semaphore_mem>>) src(%dma_wait3A_503 : memref<128x128xf32, #tpu.memory_space<vmem>>) dst(%dma_wait3A_509 : memref<10240x128xf32, #tpu.memory_space<vmem_shared>>)
      %dma_start3A_510 = arith.constant 8 : i32
      %dma_start3A_511 = arith.constant 0 : i32
      %dma_start3A_512 = arith.constant 0 : i32
      %dma_start3A_513 = arith.constant 0 : i32
      %dma_start3A_514 = tpu.memref_slice %arg8[%dma_start3A_511, %dma_start3A_512, %dma_start3A_513] : memref<2x128x128xf32, #tpu.memory_space<vmem>> -> memref<1x128x128xf32, #tpu.memory_space<vmem>>
      %dma_start3A_515 = tpu.memref_squeeze %dma_start3A_514 : memref<1x128x128xf32, #tpu.memory_space<vmem>> -> memref<128x128xf32, #tpu.memory_space<vmem>>
      %dma_start3A_516 = arith.constant 0 : i32
      %dma_start3A_517 = tpu.memref_slice %arg6[%dma_start3A_510, %dma_start3A_516] : memref<16x128xi32, #tpu.memory_space<vmem>> -> memref<1x128xi32, #tpu.memory_space<vmem>>
      %dma_start3A_518 = tpu.memref_squeeze %dma_start3A_517 : memref<1x128xi32, #tpu.memory_space<vmem>> -> memref<128xi32, #tpu.memory_space<vmem>>
      %dma_start3A_519 = arith.constant 0 : i32
      %dma_start3A_520 = arith.constant 0 : i32
      %dma_start3A_521 = tpu.memref_slice %arg2[%dma_start3A_519, %dma_start3A_520] : memref<10000x128xf32, #tpu.memory_space<hbm>> -> memref<10000x128xf32, #tpu.memory_space<hbm>>
      tpu.enqueue_indirect_dma source(%dma_start3A_521 : memref<10000x128xf32, #tpu.memory_space<hbm>>) target(%dma_start3A_515 : memref<128x128xf32, #tpu.memory_space<vmem>>) offsets(%dma_start3A_518 : memref<128xi32, #tpu.memory_space<vmem>>) semaphore(%arg11 : memref<!tpu.dma_semaphore, #tpu.memory_space<semaphore_mem>>)
      %dma_wait3A_522 = arith.constant 7 : i32
      %dma_wait3A_523 = arith.constant 1 : i32
      %dma_wait3A_524 = arith.constant 0 : i32
      %dma_wait3A_525 = arith.constant 0 : i32
      %dma_wait3A_526 = tpu.memref_slice %arg8[%dma_wait3A_523, %dma_wait3A_524, %dma_wait3A_525] : memref<2x128x128xf32, #tpu.memory_space<vmem>> -> memref<1x128x128xf32, #tpu.memory_space<vmem>>
      %dma_wait3A_527 = tpu.memref_squeeze %dma_wait3A_526 : memref<1x128x128xf32, #tpu.memory_space<vmem>> -> memref<128x128xf32, #tpu.memory_space<vmem>>
      %dma_wait3A_528 = arith.constant 0 : i32
      %dma_wait3A_529 = tpu.memref_slice %arg6[%dma_wait3A_522, %dma_wait3A_528] : memref<16x128xi32, #tpu.memory_space<vmem>> -> memref<1x128xi32, #tpu.memory_space<vmem>>
      %dma_wait3A_530 = tpu.memref_squeeze %dma_wait3A_529 : memref<1x128xi32, #tpu.memory_space<vmem>> -> memref<128xi32, #tpu.memory_space<vmem>>
      %dma_wait3A_531 = arith.constant 0 : i32
      %dma_wait3A_532 = arith.constant 0 : i32
      %dma_wait3A_533 = tpu.memref_slice %arg2[%dma_wait3A_531, %dma_wait3A_532] : memref<10000x128xf32, #tpu.memory_space<hbm>> -> memref<10000x128xf32, #tpu.memory_space<hbm>>
      tpu.wait_indirect_dma semaphore(%arg12 : memref<!tpu.dma_semaphore, #tpu.memory_space<semaphore_mem>>) src(%dma_wait3A_533 : memref<10000x128xf32, #tpu.memory_space<hbm>>) dst(%dma_wait3A_527 : memref<128x128xf32, #tpu.memory_space<vmem>>)
      %dma_start3A_534 = arith.constant 1 : i32
      %dma_start3A_535 = arith.constant 7 : i32
      %dma_start3A_536 = arith.constant 0 : i32
      %dma_start3A_537 = arith.constant 0 : i32
      %dma_start3A_538 = tpu.memref_slice %arg8[%dma_start3A_534, %dma_start3A_536, %dma_start3A_537] : memref<2x128x128xf32, #tpu.memory_space<vmem>> -> memref<1x128x128xf32, #tpu.memory_space<vmem>>
      %dma_start3A_539 = tpu.memref_squeeze %dma_start3A_538 : memref<1x128x128xf32, #tpu.memory_space<vmem>> -> memref<128x128xf32, #tpu.memory_space<vmem>>
      %dma_start3A_540 = arith.constant 0 : i32
      %dma_start3A_541 = tpu.memref_slice %arg7[%dma_start3A_535, %dma_start3A_540] : memref<16x128xi32, #tpu.memory_space<vmem>> -> memref<1x128xi32, #tpu.memory_space<vmem>>
      %dma_start3A_542 = tpu.memref_squeeze %dma_start3A_541 : memref<1x128xi32, #tpu.memory_space<vmem>> -> memref<128xi32, #tpu.memory_space<vmem>>
      %dma_start3A_543 = arith.constant 0 : i32
      %dma_start3A_544 = arith.constant 0 : i32
      %dma_start3A_545 = tpu.memref_slice %arg10[%dma_start3A_543, %dma_start3A_544] : memref<10240x128xf32, #tpu.memory_space<vmem_shared>> -> memref<10240x128xf32, #tpu.memory_space<vmem_shared>>
      tpu.enqueue_indirect_dma source(%dma_start3A_539 : memref<128x128xf32, #tpu.memory_space<vmem>>) target(%dma_start3A_545 : memref<10240x128xf32, #tpu.memory_space<vmem_shared>>) offsets(%dma_start3A_542 : memref<128xi32, #tpu.memory_space<vmem>>) semaphore(%arg14 : memref<!tpu.dma_semaphore, #tpu.memory_space<semaphore_mem>>) {add = true}
      %dma_wait3A_546 = arith.constant 1 : i32
      %dma_wait3A_547 = arith.constant 7 : i32
      %dma_wait3A_548 = arith.constant 0 : i32
      %dma_wait3A_549 = arith.constant 0 : i32
      %dma_wait3A_550 = tpu.memref_slice %arg8[%dma_wait3A_546, %dma_wait3A_548, %dma_wait3A_549] : memref<2x128x128xf32, #tpu.memory_space<vmem>> -> memref<1x128x128xf32, #tpu.memory_space<vmem>>
      %dma_wait3A_551 = tpu.memref_squeeze %dma_wait3A_550 : memref<1x128x128xf32, #tpu.memory_space<vmem>> -> memref<128x128xf32, #tpu.memory_space<vmem>>
      %dma_wait3A_552 = arith.constant 0 : i32
      %dma_wait3A_553 = tpu.memref_slice %arg7[%dma_wait3A_547, %dma_wait3A_552] : memref<16x128xi32, #tpu.memory_space<vmem>> -> memref<1x128xi32, #tpu.memory_space<vmem>>
      %dma_wait3A_554 = tpu.memref_squeeze %dma_wait3A_553 : memref<1x128xi32, #tpu.memory_space<vmem>> -> memref<128xi32, #tpu.memory_space<vmem>>
      %dma_wait3A_555 = arith.constant 0 : i32
      %dma_wait3A_556 = arith.constant 0 : i32
      %dma_wait3A_557 = tpu.memref_slice %arg10[%dma_wait3A_555, %dma_wait3A_556] : memref<10240x128xf32, #tpu.memory_space<vmem_shared>> -> memref<10240x128xf32, #tpu.memory_space<vmem_shared>>
      tpu.wait_indirect_dma semaphore(%arg14 : memref<!tpu.dma_semaphore, #tpu.memory_space<semaphore_mem>>) src(%dma_wait3A_551 : memref<128x128xf32, #tpu.memory_space<vmem>>) dst(%dma_wait3A_557 : memref<10240x128xf32, #tpu.memory_space<vmem_shared>>)
      %dma_start3A_558 = arith.constant 9 : i32
      %dma_start3A_559 = arith.constant 1 : i32
      %dma_start3A_560 = arith.constant 0 : i32
      %dma_start3A_561 = arith.constant 0 : i32
      %dma_start3A_562 = tpu.memref_slice %arg8[%dma_start3A_559, %dma_start3A_560, %dma_start3A_561] : memref<2x128x128xf32, #tpu.memory_space<vmem>> -> memref<1x128x128xf32, #tpu.memory_space<vmem>>
      %dma_start3A_563 = tpu.memref_squeeze %dma_start3A_562 : memref<1x128x128xf32, #tpu.memory_space<vmem>> -> memref<128x128xf32, #tpu.memory_space<vmem>>
      %dma_start3A_564 = arith.constant 0 : i32
      %dma_start3A_565 = tpu.memref_slice %arg6[%dma_start3A_558, %dma_start3A_564] : memref<16x128xi32, #tpu.memory_space<vmem>> -> memref<1x128xi32, #tpu.memory_space<vmem>>
      %dma_start3A_566 = tpu.memref_squeeze %dma_start3A_565 : memref<1x128xi32, #tpu.memory_space<vmem>> -> memref<128xi32, #tpu.memory_space<vmem>>
      %dma_start3A_567 = arith.constant 0 : i32
      %dma_start3A_568 = arith.constant 0 : i32
      %dma_start3A_569 = tpu.memref_slice %arg2[%dma_start3A_567, %dma_start3A_568] : memref<10000x128xf32, #tpu.memory_space<hbm>> -> memref<10000x128xf32, #tpu.memory_space<hbm>>
      tpu.enqueue_indirect_dma source(%dma_start3A_569 : memref<10000x128xf32, #tpu.memory_space<hbm>>) target(%dma_start3A_563 : memref<128x128xf32, #tpu.memory_space<vmem>>) offsets(%dma_start3A_566 : memref<128xi32, #tpu.memory_space<vmem>>) semaphore(%arg12 : memref<!tpu.dma_semaphore, #tpu.memory_space<semaphore_mem>>)
      %dma_wait3A_570 = arith.constant 8 : i32
      %dma_wait3A_571 = arith.constant 0 : i32
      %dma_wait3A_572 = arith.constant 0 : i32
      %dma_wait3A_573 = arith.constant 0 : i32
      %dma_wait3A_574 = tpu.memref_slice %arg8[%dma_wait3A_571, %dma_wait3A_572, %dma_wait3A_573] : memref<2x128x128xf32, #tpu.memory_space<vmem>> -> memref<1x128x128xf32, #tpu.memory_space<vmem>>
      %dma_wait3A_575 = tpu.memref_squeeze %dma_wait3A_574 : memref<1x128x128xf32, #tpu.memory_space<vmem>> -> memref<128x128xf32, #tpu.memory_space<vmem>>
      %dma_wait3A_576 = arith.constant 0 : i32
      %dma_wait3A_577 = tpu.memref_slice %arg6[%dma_wait3A_570, %dma_wait3A_576] : memref<16x128xi32, #tpu.memory_space<vmem>> -> memref<1x128xi32, #tpu.memory_space<vmem>>
      %dma_wait3A_578 = tpu.memref_squeeze %dma_wait3A_577 : memref<1x128xi32, #tpu.memory_space<vmem>> -> memref<128xi32, #tpu.memory_space<vmem>>
      %dma_wait3A_579 = arith.constant 0 : i32
      %dma_wait3A_580 = arith.constant 0 : i32
      %dma_wait3A_581 = tpu.memref_slice %arg2[%dma_wait3A_579, %dma_wait3A_580] : memref<10000x128xf32, #tpu.memory_space<hbm>> -> memref<10000x128xf32, #tpu.memory_space<hbm>>
      tpu.wait_indirect_dma semaphore(%arg11 : memref<!tpu.dma_semaphore, #tpu.memory_space<semaphore_mem>>) src(%dma_wait3A_581 : memref<10000x128xf32, #tpu.memory_space<hbm>>) dst(%dma_wait3A_575 : memref<128x128xf32, #tpu.memory_space<vmem>>)
      %dma_start3A_582 = arith.constant 0 : i32
      %dma_start3A_583 = arith.constant 8 : i32
      %dma_start3A_584 = arith.constant 0 : i32
      %dma_start3A_585 = arith.constant 0 : i32
      %dma_start3A_586 = tpu.memref_slice %arg8[%dma_start3A_582, %dma_start3A_584, %dma_start3A_585] : memref<2x128x128xf32, #tpu.memory_space<vmem>> -> memref<1x128x128xf32, #tpu.memory_space<vmem>>
      %dma_start3A_587 = tpu.memref_squeeze %dma_start3A_586 : memref<1x128x128xf32, #tpu.memory_space<vmem>> -> memref<128x128xf32, #tpu.memory_space<vmem>>
      %dma_start3A_588 = arith.constant 0 : i32
      %dma_start3A_589 = tpu.memref_slice %arg7[%dma_start3A_583, %dma_start3A_588] : memref<16x128xi32, #tpu.memory_space<vmem>> -> memref<1x128xi32, #tpu.memory_space<vmem>>
      %dma_start3A_590 = tpu.memref_squeeze %dma_start3A_589 : memref<1x128xi32, #tpu.memory_space<vmem>> -> memref<128xi32, #tpu.memory_space<vmem>>
      %dma_start3A_591 = arith.constant 0 : i32
      %dma_start3A_592 = arith.constant 0 : i32
      %dma_start3A_593 = tpu.memref_slice %arg10[%dma_start3A_591, %dma_start3A_592] : memref<10240x128xf32, #tpu.memory_space<vmem_shared>> -> memref<10240x128xf32, #tpu.memory_space<vmem_shared>>
      tpu.enqueue_indirect_dma source(%dma_start3A_587 : memref<128x128xf32, #tpu.memory_space<vmem>>) target(%dma_start3A_593 : memref<10240x128xf32, #tpu.memory_space<vmem_shared>>) offsets(%dma_start3A_590 : memref<128xi32, #tpu.memory_space<vmem>>) semaphore(%arg13 : memref<!tpu.dma_semaphore, #tpu.memory_space<semaphore_mem>>) {add = true}
      %dma_wait3A_594 = arith.constant 0 : i32
      %dma_wait3A_595 = arith.constant 8 : i32
      %dma_wait3A_596 = arith.constant 0 : i32
      %dma_wait3A_597 = arith.constant 0 : i32
      %dma_wait3A_598 = tpu.memref_slice %arg8[%dma_wait3A_594, %dma_wait3A_596, %dma_wait3A_597] : memref<2x128x128xf32, #tpu.memory_space<vmem>> -> memref<1x128x128xf32, #tpu.memory_space<vmem>>
      %dma_wait3A_599 = tpu.memref_squeeze %dma_wait3A_598 : memref<1x128x128xf32, #tpu.memory_space<vmem>> -> memref<128x128xf32, #tpu.memory_space<vmem>>
      %dma_wait3A_600 = arith.constant 0 : i32
      %dma_wait3A_601 = tpu.memref_slice %arg7[%dma_wait3A_595, %dma_wait3A_600] : memref<16x128xi32, #tpu.memory_space<vmem>> -> memref<1x128xi32, #tpu.memory_space<vmem>>
      %dma_wait3A_602 = tpu.memref_squeeze %dma_wait3A_601 : memref<1x128xi32, #tpu.memory_space<vmem>> -> memref<128xi32, #tpu.memory_space<vmem>>
      %dma_wait3A_603 = arith.constant 0 : i32
      %dma_wait3A_604 = arith.constant 0 : i32
      %dma_wait3A_605 = tpu.memref_slice %arg10[%dma_wait3A_603, %dma_wait3A_604] : memref<10240x128xf32, #tpu.memory_space<vmem_shared>> -> memref<10240x128xf32, #tpu.memory_space<vmem_shared>>
      tpu.wait_indirect_dma semaphore(%arg13 : memref<!tpu.dma_semaphore, #tpu.memory_space<semaphore_mem>>) src(%dma_wait3A_599 : memref<128x128xf32, #tpu.memory_space<vmem>>) dst(%dma_wait3A_605 : memref<10240x128xf32, #tpu.memory_space<vmem_shared>>)
      %dma_start3A_606 = arith.constant 10 : i32
      %dma_start3A_607 = arith.constant 0 : i32
      %dma_start3A_608 = arith.constant 0 : i32
      %dma_start3A_609 = arith.constant 0 : i32
      %dma_start3A_610 = tpu.memref_slice %arg8[%dma_start3A_607, %dma_start3A_608, %dma_start3A_609] : memref<2x128x128xf32, #tpu.memory_space<vmem>> -> memref<1x128x128xf32, #tpu.memory_space<vmem>>
      %dma_start3A_611 = tpu.memref_squeeze %dma_start3A_610 : memref<1x128x128xf32, #tpu.memory_space<vmem>> -> memref<128x128xf32, #tpu.memory_space<vmem>>
      %dma_start3A_612 = arith.constant 0 : i32
      %dma_start3A_613 = tpu.memref_slice %arg6[%dma_start3A_606, %dma_start3A_612] : memref<16x128xi32, #tpu.memory_space<vmem>> -> memref<1x128xi32, #tpu.memory_space<vmem>>
      %dma_start3A_614 = tpu.memref_squeeze %dma_start3A_613 : memref<1x128xi32, #tpu.memory_space<vmem>> -> memref<128xi32, #tpu.memory_space<vmem>>
      %dma_start3A_615 = arith.constant 0 : i32
      %dma_start3A_616 = arith.constant 0 : i32
      %dma_start3A_617 = tpu.memref_slice %arg2[%dma_start3A_615, %dma_start3A_616] : memref<10000x128xf32, #tpu.memory_space<hbm>> -> memref<10000x128xf32, #tpu.memory_space<hbm>>
      tpu.enqueue_indirect_dma source(%dma_start3A_617 : memref<10000x128xf32, #tpu.memory_space<hbm>>) target(%dma_start3A_611 : memref<128x128xf32, #tpu.memory_space<vmem>>) offsets(%dma_start3A_614 : memref<128xi32, #tpu.memory_space<vmem>>) semaphore(%arg11 : memref<!tpu.dma_semaphore, #tpu.memory_space<semaphore_mem>>)
      %dma_wait3A_618 = arith.constant 9 : i32
      %dma_wait3A_619 = arith.constant 1 : i32
      %dma_wait3A_620 = arith.constant 0 : i32
      %dma_wait3A_621 = arith.constant 0 : i32
      %dma_wait3A_622 = tpu.memref_slice %arg8[%dma_wait3A_619, %dma_wait3A_620, %dma_wait3A_621] : memref<2x128x128xf32, #tpu.memory_space<vmem>> -> memref<1x128x128xf32, #tpu.memory_space<vmem>>
      %dma_wait3A_623 = tpu.memref_squeeze %dma_wait3A_622 : memref<1x128x128xf32, #tpu.memory_space<vmem>> -> memref<128x128xf32, #tpu.memory_space<vmem>>
      %dma_wait3A_624 = arith.constant 0 : i32
      %dma_wait3A_625 = tpu.memref_slice %arg6[%dma_wait3A_618, %dma_wait3A_624] : memref<16x128xi32, #tpu.memory_space<vmem>> -> memref<1x128xi32, #tpu.memory_space<vmem>>
      %dma_wait3A_626 = tpu.memref_squeeze %dma_wait3A_625 : memref<1x128xi32, #tpu.memory_space<vmem>> -> memref<128xi32, #tpu.memory_space<vmem>>
      %dma_wait3A_627 = arith.constant 0 : i32
      %dma_wait3A_628 = arith.constant 0 : i32
      %dma_wait3A_629 = tpu.memref_slice %arg2[%dma_wait3A_627, %dma_wait3A_628] : memref<10000x128xf32, #tpu.memory_space<hbm>> -> memref<10000x128xf32, #tpu.memory_space<hbm>>
      tpu.wait_indirect_dma semaphore(%arg12 : memref<!tpu.dma_semaphore, #tpu.memory_space<semaphore_mem>>) src(%dma_wait3A_629 : memref<10000x128xf32, #tpu.memory_space<hbm>>) dst(%dma_wait3A_623 : memref<128x128xf32, #tpu.memory_space<vmem>>)
      %dma_start3A_630 = arith.constant 1 : i32
      %dma_start3A_631 = arith.constant 9 : i32
      %dma_start3A_632 = arith.constant 0 : i32
      %dma_start3A_633 = arith.constant 0 : i32
      %dma_start3A_634 = tpu.memref_slice %arg8[%dma_start3A_630, %dma_start3A_632, %dma_start3A_633] : memref<2x128x128xf32, #tpu.memory_space<vmem>> -> memref<1x128x128xf32, #tpu.memory_space<vmem>>
      %dma_start3A_635 = tpu.memref_squeeze %dma_start3A_634 : memref<1x128x128xf32, #tpu.memory_space<vmem>> -> memref<128x128xf32, #tpu.memory_space<vmem>>
      %dma_start3A_636 = arith.constant 0 : i32
      %dma_start3A_637 = tpu.memref_slice %arg7[%dma_start3A_631, %dma_start3A_636] : memref<16x128xi32, #tpu.memory_space<vmem>> -> memref<1x128xi32, #tpu.memory_space<vmem>>
      %dma_start3A_638 = tpu.memref_squeeze %dma_start3A_637 : memref<1x128xi32, #tpu.memory_space<vmem>> -> memref<128xi32, #tpu.memory_space<vmem>>
      %dma_start3A_639 = arith.constant 0 : i32
      %dma_start3A_640 = arith.constant 0 : i32
      %dma_start3A_641 = tpu.memref_slice %arg10[%dma_start3A_639, %dma_start3A_640] : memref<10240x128xf32, #tpu.memory_space<vmem_shared>> -> memref<10240x128xf32, #tpu.memory_space<vmem_shared>>
      tpu.enqueue_indirect_dma source(%dma_start3A_635 : memref<128x128xf32, #tpu.memory_space<vmem>>) target(%dma_start3A_641 : memref<10240x128xf32, #tpu.memory_space<vmem_shared>>) offsets(%dma_start3A_638 : memref<128xi32, #tpu.memory_space<vmem>>) semaphore(%arg14 : memref<!tpu.dma_semaphore, #tpu.memory_space<semaphore_mem>>) {add = true}
      %dma_wait3A_642 = arith.constant 1 : i32
      %dma_wait3A_643 = arith.constant 9 : i32
      %dma_wait3A_644 = arith.constant 0 : i32
      %dma_wait3A_645 = arith.constant 0 : i32
      %dma_wait3A_646 = tpu.memref_slice %arg8[%dma_wait3A_642, %dma_wait3A_644, %dma_wait3A_645] : memref<2x128x128xf32, #tpu.memory_space<vmem>> -> memref<1x128x128xf32, #tpu.memory_space<vmem>>
      %dma_wait3A_647 = tpu.memref_squeeze %dma_wait3A_646 : memref<1x128x128xf32, #tpu.memory_space<vmem>> -> memref<128x128xf32, #tpu.memory_space<vmem>>
      %dma_wait3A_648 = arith.constant 0 : i32
      %dma_wait3A_649 = tpu.memref_slice %arg7[%dma_wait3A_643, %dma_wait3A_648] : memref<16x128xi32, #tpu.memory_space<vmem>> -> memref<1x128xi32, #tpu.memory_space<vmem>>
      %dma_wait3A_650 = tpu.memref_squeeze %dma_wait3A_649 : memref<1x128xi32, #tpu.memory_space<vmem>> -> memref<128xi32, #tpu.memory_space<vmem>>
      %dma_wait3A_651 = arith.constant 0 : i32
      %dma_wait3A_652 = arith.constant 0 : i32
      %dma_wait3A_653 = tpu.memref_slice %arg10[%dma_wait3A_651, %dma_wait3A_652] : memref<10240x128xf32, #tpu.memory_space<vmem_shared>> -> memref<10240x128xf32, #tpu.memory_space<vmem_shared>>
      tpu.wait_indirect_dma semaphore(%arg14 : memref<!tpu.dma_semaphore, #tpu.memory_space<semaphore_mem>>) src(%dma_wait3A_647 : memref<128x128xf32, #tpu.memory_space<vmem>>) dst(%dma_wait3A_653 : memref<10240x128xf32, #tpu.memory_space<vmem_shared>>)
      %dma_start3A_654 = arith.constant 11 : i32
      %dma_start3A_655 = arith.constant 1 : i32
      %dma_start3A_656 = arith.constant 0 : i32
      %dma_start3A_657 = arith.constant 0 : i32
      %dma_start3A_658 = tpu.memref_slice %arg8[%dma_start3A_655, %dma_start3A_656, %dma_start3A_657] : memref<2x128x128xf32, #tpu.memory_space<vmem>> -> memref<1x128x128xf32, #tpu.memory_space<vmem>>
      %dma_start3A_659 = tpu.memref_squeeze %dma_start3A_658 : memref<1x128x128xf32, #tpu.memory_space<vmem>> -> memref<128x128xf32, #tpu.memory_space<vmem>>
      %dma_start3A_660 = arith.constant 0 : i32
      %dma_start3A_661 = tpu.memref_slice %arg6[%dma_start3A_654, %dma_start3A_660] : memref<16x128xi32, #tpu.memory_space<vmem>> -> memref<1x128xi32, #tpu.memory_space<vmem>>
      %dma_start3A_662 = tpu.memref_squeeze %dma_start3A_661 : memref<1x128xi32, #tpu.memory_space<vmem>> -> memref<128xi32, #tpu.memory_space<vmem>>
      %dma_start3A_663 = arith.constant 0 : i32
      %dma_start3A_664 = arith.constant 0 : i32
      %dma_start3A_665 = tpu.memref_slice %arg2[%dma_start3A_663, %dma_start3A_664] : memref<10000x128xf32, #tpu.memory_space<hbm>> -> memref<10000x128xf32, #tpu.memory_space<hbm>>
      tpu.enqueue_indirect_dma source(%dma_start3A_665 : memref<10000x128xf32, #tpu.memory_space<hbm>>) target(%dma_start3A_659 : memref<128x128xf32, #tpu.memory_space<vmem>>) offsets(%dma_start3A_662 : memref<128xi32, #tpu.memory_space<vmem>>) semaphore(%arg12 : memref<!tpu.dma_semaphore, #tpu.memory_space<semaphore_mem>>)
      %dma_wait3A_666 = arith.constant 10 : i32
      %dma_wait3A_667 = arith.constant 0 : i32
      %dma_wait3A_668 = arith.constant 0 : i32
      %dma_wait3A_669 = arith.constant 0 : i32
      %dma_wait3A_670 = tpu.memref_slice %arg8[%dma_wait3A_667, %dma_wait3A_668, %dma_wait3A_669] : memref<2x128x128xf32, #tpu.memory_space<vmem>> -> memref<1x128x128xf32, #tpu.memory_space<vmem>>
      %dma_wait3A_671 = tpu.memref_squeeze %dma_wait3A_670 : memref<1x128x128xf32, #tpu.memory_space<vmem>> -> memref<128x128xf32, #tpu.memory_space<vmem>>
      %dma_wait3A_672 = arith.constant 0 : i32
      %dma_wait3A_673 = tpu.memref_slice %arg6[%dma_wait3A_666, %dma_wait3A_672] : memref<16x128xi32, #tpu.memory_space<vmem>> -> memref<1x128xi32, #tpu.memory_space<vmem>>
      %dma_wait3A_674 = tpu.memref_squeeze %dma_wait3A_673 : memref<1x128xi32, #tpu.memory_space<vmem>> -> memref<128xi32, #tpu.memory_space<vmem>>
      %dma_wait3A_675 = arith.constant 0 : i32
      %dma_wait3A_676 = arith.constant 0 : i32
      %dma_wait3A_677 = tpu.memref_slice %arg2[%dma_wait3A_675, %dma_wait3A_676] : memref<10000x128xf32, #tpu.memory_space<hbm>> -> memref<10000x128xf32, #tpu.memory_space<hbm>>
      tpu.wait_indirect_dma semaphore(%arg11 : memref<!tpu.dma_semaphore, #tpu.memory_space<semaphore_mem>>) src(%dma_wait3A_677 : memref<10000x128xf32, #tpu.memory_space<hbm>>) dst(%dma_wait3A_671 : memref<128x128xf32, #tpu.memory_space<vmem>>)
      %dma_start3A_678 = arith.constant 0 : i32
      %dma_start3A_679 = arith.constant 10 : i32
      %dma_start3A_680 = arith.constant 0 : i32
      %dma_start3A_681 = arith.constant 0 : i32
      %dma_start3A_682 = tpu.memref_slice %arg8[%dma_start3A_678, %dma_start3A_680, %dma_start3A_681] : memref<2x128x128xf32, #tpu.memory_space<vmem>> -> memref<1x128x128xf32, #tpu.memory_space<vmem>>
      %dma_start3A_683 = tpu.memref_squeeze %dma_start3A_682 : memref<1x128x128xf32, #tpu.memory_space<vmem>> -> memref<128x128xf32, #tpu.memory_space<vmem>>
      %dma_start3A_684 = arith.constant 0 : i32
      %dma_start3A_685 = tpu.memref_slice %arg7[%dma_start3A_679, %dma_start3A_684] : memref<16x128xi32, #tpu.memory_space<vmem>> -> memref<1x128xi32, #tpu.memory_space<vmem>>
      %dma_start3A_686 = tpu.memref_squeeze %dma_start3A_685 : memref<1x128xi32, #tpu.memory_space<vmem>> -> memref<128xi32, #tpu.memory_space<vmem>>
      %dma_start3A_687 = arith.constant 0 : i32
      %dma_start3A_688 = arith.constant 0 : i32
      %dma_start3A_689 = tpu.memref_slice %arg10[%dma_start3A_687, %dma_start3A_688] : memref<10240x128xf32, #tpu.memory_space<vmem_shared>> -> memref<10240x128xf32, #tpu.memory_space<vmem_shared>>
      tpu.enqueue_indirect_dma source(%dma_start3A_683 : memref<128x128xf32, #tpu.memory_space<vmem>>) target(%dma_start3A_689 : memref<10240x128xf32, #tpu.memory_space<vmem_shared>>) offsets(%dma_start3A_686 : memref<128xi32, #tpu.memory_space<vmem>>) semaphore(%arg13 : memref<!tpu.dma_semaphore, #tpu.memory_space<semaphore_mem>>) {add = true}
      %dma_wait3A_690 = arith.constant 0 : i32
      %dma_wait3A_691 = arith.constant 10 : i32
      %dma_wait3A_692 = arith.constant 0 : i32
      %dma_wait3A_693 = arith.constant 0 : i32
      %dma_wait3A_694 = tpu.memref_slice %arg8[%dma_wait3A_690, %dma_wait3A_692, %dma_wait3A_693] : memref<2x128x128xf32, #tpu.memory_space<vmem>> -> memref<1x128x128xf32, #tpu.memory_space<vmem>>
      %dma_wait3A_695 = tpu.memref_squeeze %dma_wait3A_694 : memref<1x128x128xf32, #tpu.memory_space<vmem>> -> memref<128x128xf32, #tpu.memory_space<vmem>>
      %dma_wait3A_696 = arith.constant 0 : i32
      %dma_wait3A_697 = tpu.memref_slice %arg7[%dma_wait3A_691, %dma_wait3A_696] : memref<16x128xi32, #tpu.memory_space<vmem>> -> memref<1x128xi32, #tpu.memory_space<vmem>>
      %dma_wait3A_698 = tpu.memref_squeeze %dma_wait3A_697 : memref<1x128xi32, #tpu.memory_space<vmem>> -> memref<128xi32, #tpu.memory_space<vmem>>
      %dma_wait3A_699 = arith.constant 0 : i32
      %dma_wait3A_700 = arith.constant 0 : i32
      %dma_wait3A_701 = tpu.memref_slice %arg10[%dma_wait3A_699, %dma_wait3A_700] : memref<10240x128xf32, #tpu.memory_space<vmem_shared>> -> memref<10240x128xf32, #tpu.memory_space<vmem_shared>>
      tpu.wait_indirect_dma semaphore(%arg13 : memref<!tpu.dma_semaphore, #tpu.memory_space<semaphore_mem>>) src(%dma_wait3A_695 : memref<128x128xf32, #tpu.memory_space<vmem>>) dst(%dma_wait3A_701 : memref<10240x128xf32, #tpu.memory_space<vmem_shared>>)
      %dma_start3A_702 = arith.constant 12 : i32
      %dma_start3A_703 = arith.constant 0 : i32
      %dma_start3A_704 = arith.constant 0 : i32
      %dma_start3A_705 = arith.constant 0 : i32
      %dma_start3A_706 = tpu.memref_slice %arg8[%dma_start3A_703, %dma_start3A_704, %dma_start3A_705] : memref<2x128x128xf32, #tpu.memory_space<vmem>> -> memref<1x128x128xf32, #tpu.memory_space<vmem>>
      %dma_start3A_707 = tpu.memref_squeeze %dma_start3A_706 : memref<1x128x128xf32, #tpu.memory_space<vmem>> -> memref<128x128xf32, #tpu.memory_space<vmem>>
      %dma_start3A_708 = arith.constant 0 : i32
      %dma_start3A_709 = tpu.memref_slice %arg6[%dma_start3A_702, %dma_start3A_708] : memref<16x128xi32, #tpu.memory_space<vmem>> -> memref<1x128xi32, #tpu.memory_space<vmem>>
      %dma_start3A_710 = tpu.memref_squeeze %dma_start3A_709 : memref<1x128xi32, #tpu.memory_space<vmem>> -> memref<128xi32, #tpu.memory_space<vmem>>
      %dma_start3A_711 = arith.constant 0 : i32
      %dma_start3A_712 = arith.constant 0 : i32
      %dma_start3A_713 = tpu.memref_slice %arg2[%dma_start3A_711, %dma_start3A_712] : memref<10000x128xf32, #tpu.memory_space<hbm>> -> memref<10000x128xf32, #tpu.memory_space<hbm>>
      tpu.enqueue_indirect_dma source(%dma_start3A_713 : memref<10000x128xf32, #tpu.memory_space<hbm>>) target(%dma_start3A_707 : memref<128x128xf32, #tpu.memory_space<vmem>>) offsets(%dma_start3A_710 : memref<128xi32, #tpu.memory_space<vmem>>) semaphore(%arg11 : memref<!tpu.dma_semaphore, #tpu.memory_space<semaphore_mem>>)
      %dma_wait3A_714 = arith.constant 11 : i32
      %dma_wait3A_715 = arith.constant 1 : i32
      %dma_wait3A_716 = arith.constant 0 : i32
      %dma_wait3A_717 = arith.constant 0 : i32
      %dma_wait3A_718 = tpu.memref_slice %arg8[%dma_wait3A_715, %dma_wait3A_716, %dma_wait3A_717] : memref<2x128x128xf32, #tpu.memory_space<vmem>> -> memref<1x128x128xf32, #tpu.memory_space<vmem>>
      %dma_wait3A_719 = tpu.memref_squeeze %dma_wait3A_718 : memref<1x128x128xf32, #tpu.memory_space<vmem>> -> memref<128x128xf32, #tpu.memory_space<vmem>>
      %dma_wait3A_720 = arith.constant 0 : i32
      %dma_wait3A_721 = tpu.memref_slice %arg6[%dma_wait3A_714, %dma_wait3A_720] : memref<16x128xi32, #tpu.memory_space<vmem>> -> memref<1x128xi32, #tpu.memory_space<vmem>>
      %dma_wait3A_722 = tpu.memref_squeeze %dma_wait3A_721 : memref<1x128xi32, #tpu.memory_space<vmem>> -> memref<128xi32, #tpu.memory_space<vmem>>
      %dma_wait3A_723 = arith.constant 0 : i32
      %dma_wait3A_724 = arith.constant 0 : i32
      %dma_wait3A_725 = tpu.memref_slice %arg2[%dma_wait3A_723, %dma_wait3A_724] : memref<10000x128xf32, #tpu.memory_space<hbm>> -> memref<10000x128xf32, #tpu.memory_space<hbm>>
      tpu.wait_indirect_dma semaphore(%arg12 : memref<!tpu.dma_semaphore, #tpu.memory_space<semaphore_mem>>) src(%dma_wait3A_725 : memref<10000x128xf32, #tpu.memory_space<hbm>>) dst(%dma_wait3A_719 : memref<128x128xf32, #tpu.memory_space<vmem>>)
      %dma_start3A_726 = arith.constant 1 : i32
      %dma_start3A_727 = arith.constant 11 : i32
      %dma_start3A_728 = arith.constant 0 : i32
      %dma_start3A_729 = arith.constant 0 : i32
      %dma_start3A_730 = tpu.memref_slice %arg8[%dma_start3A_726, %dma_start3A_728, %dma_start3A_729] : memref<2x128x128xf32, #tpu.memory_space<vmem>> -> memref<1x128x128xf32, #tpu.memory_space<vmem>>
      %dma_start3A_731 = tpu.memref_squeeze %dma_start3A_730 : memref<1x128x128xf32, #tpu.memory_space<vmem>> -> memref<128x128xf32, #tpu.memory_space<vmem>>
      %dma_start3A_732 = arith.constant 0 : i32
      %dma_start3A_733 = tpu.memref_slice %arg7[%dma_start3A_727, %dma_start3A_732] : memref<16x128xi32, #tpu.memory_space<vmem>> -> memref<1x128xi32, #tpu.memory_space<vmem>>
      %dma_start3A_734 = tpu.memref_squeeze %dma_start3A_733 : memref<1x128xi32, #tpu.memory_space<vmem>> -> memref<128xi32, #tpu.memory_space<vmem>>
      %dma_start3A_735 = arith.constant 0 : i32
      %dma_start3A_736 = arith.constant 0 : i32
      %dma_start3A_737 = tpu.memref_slice %arg10[%dma_start3A_735, %dma_start3A_736] : memref<10240x128xf32, #tpu.memory_space<vmem_shared>> -> memref<10240x128xf32, #tpu.memory_space<vmem_shared>>
      tpu.enqueue_indirect_dma source(%dma_start3A_731 : memref<128x128xf32, #tpu.memory_space<vmem>>) target(%dma_start3A_737 : memref<10240x128xf32, #tpu.memory_space<vmem_shared>>) offsets(%dma_start3A_734 : memref<128xi32, #tpu.memory_space<vmem>>) semaphore(%arg14 : memref<!tpu.dma_semaphore, #tpu.memory_space<semaphore_mem>>) {add = true}
      %dma_wait3A_738 = arith.constant 1 : i32
      %dma_wait3A_739 = arith.constant 11 : i32
      %dma_wait3A_740 = arith.constant 0 : i32
      %dma_wait3A_741 = arith.constant 0 : i32
      %dma_wait3A_742 = tpu.memref_slice %arg8[%dma_wait3A_738, %dma_wait3A_740, %dma_wait3A_741] : memref<2x128x128xf32, #tpu.memory_space<vmem>> -> memref<1x128x128xf32, #tpu.memory_space<vmem>>
      %dma_wait3A_743 = tpu.memref_squeeze %dma_wait3A_742 : memref<1x128x128xf32, #tpu.memory_space<vmem>> -> memref<128x128xf32, #tpu.memory_space<vmem>>
      %dma_wait3A_744 = arith.constant 0 : i32
      %dma_wait3A_745 = tpu.memref_slice %arg7[%dma_wait3A_739, %dma_wait3A_744] : memref<16x128xi32, #tpu.memory_space<vmem>> -> memref<1x128xi32, #tpu.memory_space<vmem>>
      %dma_wait3A_746 = tpu.memref_squeeze %dma_wait3A_745 : memref<1x128xi32, #tpu.memory_space<vmem>> -> memref<128xi32, #tpu.memory_space<vmem>>
      %dma_wait3A_747 = arith.constant 0 : i32
      %dma_wait3A_748 = arith.constant 0 : i32
      %dma_wait3A_749 = tpu.memref_slice %arg10[%dma_wait3A_747, %dma_wait3A_748] : memref<10240x128xf32, #tpu.memory_space<vmem_shared>> -> memref<10240x128xf32, #tpu.memory_space<vmem_shared>>
      tpu.wait_indirect_dma semaphore(%arg14 : memref<!tpu.dma_semaphore, #tpu.memory_space<semaphore_mem>>) src(%dma_wait3A_743 : memref<128x128xf32, #tpu.memory_space<vmem>>) dst(%dma_wait3A_749 : memref<10240x128xf32, #tpu.memory_space<vmem_shared>>)
      %dma_start3A_750 = arith.constant 13 : i32
      %dma_start3A_751 = arith.constant 1 : i32
      %dma_start3A_752 = arith.constant 0 : i32
      %dma_start3A_753 = arith.constant 0 : i32
      %dma_start3A_754 = tpu.memref_slice %arg8[%dma_start3A_751, %dma_start3A_752, %dma_start3A_753] : memref<2x128x128xf32, #tpu.memory_space<vmem>> -> memref<1x128x128xf32, #tpu.memory_space<vmem>>
      %dma_start3A_755 = tpu.memref_squeeze %dma_start3A_754 : memref<1x128x128xf32, #tpu.memory_space<vmem>> -> memref<128x128xf32, #tpu.memory_space<vmem>>
      %dma_start3A_756 = arith.constant 0 : i32
      %dma_start3A_757 = tpu.memref_slice %arg6[%dma_start3A_750, %dma_start3A_756] : memref<16x128xi32, #tpu.memory_space<vmem>> -> memref<1x128xi32, #tpu.memory_space<vmem>>
      %dma_start3A_758 = tpu.memref_squeeze %dma_start3A_757 : memref<1x128xi32, #tpu.memory_space<vmem>> -> memref<128xi32, #tpu.memory_space<vmem>>
      %dma_start3A_759 = arith.constant 0 : i32
      %dma_start3A_760 = arith.constant 0 : i32
      %dma_start3A_761 = tpu.memref_slice %arg2[%dma_start3A_759, %dma_start3A_760] : memref<10000x128xf32, #tpu.memory_space<hbm>> -> memref<10000x128xf32, #tpu.memory_space<hbm>>
      tpu.enqueue_indirect_dma source(%dma_start3A_761 : memref<10000x128xf32, #tpu.memory_space<hbm>>) target(%dma_start3A_755 : memref<128x128xf32, #tpu.memory_space<vmem>>) offsets(%dma_start3A_758 : memref<128xi32, #tpu.memory_space<vmem>>) semaphore(%arg12 : memref<!tpu.dma_semaphore, #tpu.memory_space<semaphore_mem>>)
      %dma_wait3A_762 = arith.constant 12 : i32
      %dma_wait3A_763 = arith.constant 0 : i32
      %dma_wait3A_764 = arith.constant 0 : i32
      %dma_wait3A_765 = arith.constant 0 : i32
      %dma_wait3A_766 = tpu.memref_slice %arg8[%dma_wait3A_763, %dma_wait3A_764, %dma_wait3A_765] : memref<2x128x128xf32, #tpu.memory_space<vmem>> -> memref<1x128x128xf32, #tpu.memory_space<vmem>>
      %dma_wait3A_767 = tpu.memref_squeeze %dma_wait3A_766 : memref<1x128x128xf32, #tpu.memory_space<vmem>> -> memref<128x128xf32, #tpu.memory_space<vmem>>
      %dma_wait3A_768 = arith.constant 0 : i32
      %dma_wait3A_769 = tpu.memref_slice %arg6[%dma_wait3A_762, %dma_wait3A_768] : memref<16x128xi32, #tpu.memory_space<vmem>> -> memref<1x128xi32, #tpu.memory_space<vmem>>
      %dma_wait3A_770 = tpu.memref_squeeze %dma_wait3A_769 : memref<1x128xi32, #tpu.memory_space<vmem>> -> memref<128xi32, #tpu.memory_space<vmem>>
      %dma_wait3A_771 = arith.constant 0 : i32
      %dma_wait3A_772 = arith.constant 0 : i32
      %dma_wait3A_773 = tpu.memref_slice %arg2[%dma_wait3A_771, %dma_wait3A_772] : memref<10000x128xf32, #tpu.memory_space<hbm>> -> memref<10000x128xf32, #tpu.memory_space<hbm>>
      tpu.wait_indirect_dma semaphore(%arg11 : memref<!tpu.dma_semaphore, #tpu.memory_space<semaphore_mem>>) src(%dma_wait3A_773 : memref<10000x128xf32, #tpu.memory_space<hbm>>) dst(%dma_wait3A_767 : memref<128x128xf32, #tpu.memory_space<vmem>>)
      %dma_start3A_774 = arith.constant 0 : i32
      %dma_start3A_775 = arith.constant 12 : i32
      %dma_start3A_776 = arith.constant 0 : i32
      %dma_start3A_777 = arith.constant 0 : i32
      %dma_start3A_778 = tpu.memref_slice %arg8[%dma_start3A_774, %dma_start3A_776, %dma_start3A_777] : memref<2x128x128xf32, #tpu.memory_space<vmem>> -> memref<1x128x128xf32, #tpu.memory_space<vmem>>
      %dma_start3A_779 = tpu.memref_squeeze %dma_start3A_778 : memref<1x128x128xf32, #tpu.memory_space<vmem>> -> memref<128x128xf32, #tpu.memory_space<vmem>>
      %dma_start3A_780 = arith.constant 0 : i32
      %dma_start3A_781 = tpu.memref_slice %arg7[%dma_start3A_775, %dma_start3A_780] : memref<16x128xi32, #tpu.memory_space<vmem>> -> memref<1x128xi32, #tpu.memory_space<vmem>>
      %dma_start3A_782 = tpu.memref_squeeze %dma_start3A_781 : memref<1x128xi32, #tpu.memory_space<vmem>> -> memref<128xi32, #tpu.memory_space<vmem>>
      %dma_start3A_783 = arith.constant 0 : i32
      %dma_start3A_784 = arith.constant 0 : i32
      %dma_start3A_785 = tpu.memref_slice %arg10[%dma_start3A_783, %dma_start3A_784] : memref<10240x128xf32, #tpu.memory_space<vmem_shared>> -> memref<10240x128xf32, #tpu.memory_space<vmem_shared>>
      tpu.enqueue_indirect_dma source(%dma_start3A_779 : memref<128x128xf32, #tpu.memory_space<vmem>>) target(%dma_start3A_785 : memref<10240x128xf32, #tpu.memory_space<vmem_shared>>) offsets(%dma_start3A_782 : memref<128xi32, #tpu.memory_space<vmem>>) semaphore(%arg13 : memref<!tpu.dma_semaphore, #tpu.memory_space<semaphore_mem>>) {add = true}
      %dma_wait3A_786 = arith.constant 0 : i32
      %dma_wait3A_787 = arith.constant 12 : i32
      %dma_wait3A_788 = arith.constant 0 : i32
      %dma_wait3A_789 = arith.constant 0 : i32
      %dma_wait3A_790 = tpu.memref_slice %arg8[%dma_wait3A_786, %dma_wait3A_788, %dma_wait3A_789] : memref<2x128x128xf32, #tpu.memory_space<vmem>> -> memref<1x128x128xf32, #tpu.memory_space<vmem>>
      %dma_wait3A_791 = tpu.memref_squeeze %dma_wait3A_790 : memref<1x128x128xf32, #tpu.memory_space<vmem>> -> memref<128x128xf32, #tpu.memory_space<vmem>>
      %dma_wait3A_792 = arith.constant 0 : i32
      %dma_wait3A_793 = tpu.memref_slice %arg7[%dma_wait3A_787, %dma_wait3A_792] : memref<16x128xi32, #tpu.memory_space<vmem>> -> memref<1x128xi32, #tpu.memory_space<vmem>>
      %dma_wait3A_794 = tpu.memref_squeeze %dma_wait3A_793 : memref<1x128xi32, #tpu.memory_space<vmem>> -> memref<128xi32, #tpu.memory_space<vmem>>
      %dma_wait3A_795 = arith.constant 0 : i32
      %dma_wait3A_796 = arith.constant 0 : i32
      %dma_wait3A_797 = tpu.memref_slice %arg10[%dma_wait3A_795, %dma_wait3A_796] : memref<10240x128xf32, #tpu.memory_space<vmem_shared>> -> memref<10240x128xf32, #tpu.memory_space<vmem_shared>>
      tpu.wait_indirect_dma semaphore(%arg13 : memref<!tpu.dma_semaphore, #tpu.memory_space<semaphore_mem>>) src(%dma_wait3A_791 : memref<128x128xf32, #tpu.memory_space<vmem>>) dst(%dma_wait3A_797 : memref<10240x128xf32, #tpu.memory_space<vmem_shared>>)
      %dma_start3A_798 = arith.constant 14 : i32
      %dma_start3A_799 = arith.constant 0 : i32
      %dma_start3A_800 = arith.constant 0 : i32
      %dma_start3A_801 = arith.constant 0 : i32
      %dma_start3A_802 = tpu.memref_slice %arg8[%dma_start3A_799, %dma_start3A_800, %dma_start3A_801] : memref<2x128x128xf32, #tpu.memory_space<vmem>> -> memref<1x128x128xf32, #tpu.memory_space<vmem>>
      %dma_start3A_803 = tpu.memref_squeeze %dma_start3A_802 : memref<1x128x128xf32, #tpu.memory_space<vmem>> -> memref<128x128xf32, #tpu.memory_space<vmem>>
      %dma_start3A_804 = arith.constant 0 : i32
      %dma_start3A_805 = tpu.memref_slice %arg6[%dma_start3A_798, %dma_start3A_804] : memref<16x128xi32, #tpu.memory_space<vmem>> -> memref<1x128xi32, #tpu.memory_space<vmem>>
      %dma_start3A_806 = tpu.memref_squeeze %dma_start3A_805 : memref<1x128xi32, #tpu.memory_space<vmem>> -> memref<128xi32, #tpu.memory_space<vmem>>
      %dma_start3A_807 = arith.constant 0 : i32
      %dma_start3A_808 = arith.constant 0 : i32
      %dma_start3A_809 = tpu.memref_slice %arg2[%dma_start3A_807, %dma_start3A_808] : memref<10000x128xf32, #tpu.memory_space<hbm>> -> memref<10000x128xf32, #tpu.memory_space<hbm>>
      tpu.enqueue_indirect_dma source(%dma_start3A_809 : memref<10000x128xf32, #tpu.memory_space<hbm>>) target(%dma_start3A_803 : memref<128x128xf32, #tpu.memory_space<vmem>>) offsets(%dma_start3A_806 : memref<128xi32, #tpu.memory_space<vmem>>) semaphore(%arg11 : memref<!tpu.dma_semaphore, #tpu.memory_space<semaphore_mem>>)
      %dma_wait3A_810 = arith.constant 13 : i32
      %dma_wait3A_811 = arith.constant 1 : i32
      %dma_wait3A_812 = arith.constant 0 : i32
      %dma_wait3A_813 = arith.constant 0 : i32
      %dma_wait3A_814 = tpu.memref_slice %arg8[%dma_wait3A_811, %dma_wait3A_812, %dma_wait3A_813] : memref<2x128x128xf32, #tpu.memory_space<vmem>> -> memref<1x128x128xf32, #tpu.memory_space<vmem>>
      %dma_wait3A_815 = tpu.memref_squeeze %dma_wait3A_814 : memref<1x128x128xf32, #tpu.memory_space<vmem>> -> memref<128x128xf32, #tpu.memory_space<vmem>>
      %dma_wait3A_816 = arith.constant 0 : i32
      %dma_wait3A_817 = tpu.memref_slice %arg6[%dma_wait3A_810, %dma_wait3A_816] : memref<16x128xi32, #tpu.memory_space<vmem>> -> memref<1x128xi32, #tpu.memory_space<vmem>>
      %dma_wait3A_818 = tpu.memref_squeeze %dma_wait3A_817 : memref<1x128xi32, #tpu.memory_space<vmem>> -> memref<128xi32, #tpu.memory_space<vmem>>
      %dma_wait3A_819 = arith.constant 0 : i32
      %dma_wait3A_820 = arith.constant 0 : i32
      %dma_wait3A_821 = tpu.memref_slice %arg2[%dma_wait3A_819, %dma_wait3A_820] : memref<10000x128xf32, #tpu.memory_space<hbm>> -> memref<10000x128xf32, #tpu.memory_space<hbm>>
      tpu.wait_indirect_dma semaphore(%arg12 : memref<!tpu.dma_semaphore, #tpu.memory_space<semaphore_mem>>) src(%dma_wait3A_821 : memref<10000x128xf32, #tpu.memory_space<hbm>>) dst(%dma_wait3A_815 : memref<128x128xf32, #tpu.memory_space<vmem>>)
      %dma_start3A_822 = arith.constant 1 : i32
      %dma_start3A_823 = arith.constant 13 : i32
      %dma_start3A_824 = arith.constant 0 : i32
      %dma_start3A_825 = arith.constant 0 : i32
      %dma_start3A_826 = tpu.memref_slice %arg8[%dma_start3A_822, %dma_start3A_824, %dma_start3A_825] : memref<2x128x128xf32, #tpu.memory_space<vmem>> -> memref<1x128x128xf32, #tpu.memory_space<vmem>>
      %dma_start3A_827 = tpu.memref_squeeze %dma_start3A_826 : memref<1x128x128xf32, #tpu.memory_space<vmem>> -> memref<128x128xf32, #tpu.memory_space<vmem>>
      %dma_start3A_828 = arith.constant 0 : i32
      %dma_start3A_829 = tpu.memref_slice %arg7[%dma_start3A_823, %dma_start3A_828] : memref<16x128xi32, #tpu.memory_space<vmem>> -> memref<1x128xi32, #tpu.memory_space<vmem>>
      %dma_start3A_830 = tpu.memref_squeeze %dma_start3A_829 : memref<1x128xi32, #tpu.memory_space<vmem>> -> memref<128xi32, #tpu.memory_space<vmem>>
      %dma_start3A_831 = arith.constant 0 : i32
      %dma_start3A_832 = arith.constant 0 : i32
      %dma_start3A_833 = tpu.memref_slice %arg10[%dma_start3A_831, %dma_start3A_832] : memref<10240x128xf32, #tpu.memory_space<vmem_shared>> -> memref<10240x128xf32, #tpu.memory_space<vmem_shared>>
      tpu.enqueue_indirect_dma source(%dma_start3A_827 : memref<128x128xf32, #tpu.memory_space<vmem>>) target(%dma_start3A_833 : memref<10240x128xf32, #tpu.memory_space<vmem_shared>>) offsets(%dma_start3A_830 : memref<128xi32, #tpu.memory_space<vmem>>) semaphore(%arg14 : memref<!tpu.dma_semaphore, #tpu.memory_space<semaphore_mem>>) {add = true}
      %dma_wait3A_834 = arith.constant 1 : i32
      %dma_wait3A_835 = arith.constant 13 : i32
      %dma_wait3A_836 = arith.constant 0 : i32
      %dma_wait3A_837 = arith.constant 0 : i32
      %dma_wait3A_838 = tpu.memref_slice %arg8[%dma_wait3A_834, %dma_wait3A_836, %dma_wait3A_837] : memref<2x128x128xf32, #tpu.memory_space<vmem>> -> memref<1x128x128xf32, #tpu.memory_space<vmem>>
      %dma_wait3A_839 = tpu.memref_squeeze %dma_wait3A_838 : memref<1x128x128xf32, #tpu.memory_space<vmem>> -> memref<128x128xf32, #tpu.memory_space<vmem>>
      %dma_wait3A_840 = arith.constant 0 : i32
      %dma_wait3A_841 = tpu.memref_slice %arg7[%dma_wait3A_835, %dma_wait3A_840] : memref<16x128xi32, #tpu.memory_space<vmem>> -> memref<1x128xi32, #tpu.memory_space<vmem>>
      %dma_wait3A_842 = tpu.memref_squeeze %dma_wait3A_841 : memref<1x128xi32, #tpu.memory_space<vmem>> -> memref<128xi32, #tpu.memory_space<vmem>>
      %dma_wait3A_843 = arith.constant 0 : i32
      %dma_wait3A_844 = arith.constant 0 : i32
      %dma_wait3A_845 = tpu.memref_slice %arg10[%dma_wait3A_843, %dma_wait3A_844] : memref<10240x128xf32, #tpu.memory_space<vmem_shared>> -> memref<10240x128xf32, #tpu.memory_space<vmem_shared>>
      tpu.wait_indirect_dma semaphore(%arg14 : memref<!tpu.dma_semaphore, #tpu.memory_space<semaphore_mem>>) src(%dma_wait3A_839 : memref<128x128xf32, #tpu.memory_space<vmem>>) dst(%dma_wait3A_845 : memref<10240x128xf32, #tpu.memory_space<vmem_shared>>)
      %dma_start3A_846 = arith.constant 15 : i32
      %dma_start3A_847 = arith.constant 1 : i32
      %dma_start3A_848 = arith.constant 0 : i32
      %dma_start3A_849 = arith.constant 0 : i32
      %dma_start3A_850 = tpu.memref_slice %arg8[%dma_start3A_847, %dma_start3A_848, %dma_start3A_849] : memref<2x128x128xf32, #tpu.memory_space<vmem>> -> memref<1x128x128xf32, #tpu.memory_space<vmem>>
      %dma_start3A_851 = tpu.memref_squeeze %dma_start3A_850 : memref<1x128x128xf32, #tpu.memory_space<vmem>> -> memref<128x128xf32, #tpu.memory_space<vmem>>
      %dma_start3A_852 = arith.constant 0 : i32
      %dma_start3A_853 = tpu.memref_slice %arg6[%dma_start3A_846, %dma_start3A_852] : memref<16x128xi32, #tpu.memory_space<vmem>> -> memref<1x128xi32, #tpu.memory_space<vmem>>
      %dma_start3A_854 = tpu.memref_squeeze %dma_start3A_853 : memref<1x128xi32, #tpu.memory_space<vmem>> -> memref<128xi32, #tpu.memory_space<vmem>>
      %dma_start3A_855 = arith.constant 0 : i32
      %dma_start3A_856 = arith.constant 0 : i32
      %dma_start3A_857 = tpu.memref_slice %arg2[%dma_start3A_855, %dma_start3A_856] : memref<10000x128xf32, #tpu.memory_space<hbm>> -> memref<10000x128xf32, #tpu.memory_space<hbm>>
      tpu.enqueue_indirect_dma source(%dma_start3A_857 : memref<10000x128xf32, #tpu.memory_space<hbm>>) target(%dma_start3A_851 : memref<128x128xf32, #tpu.memory_space<vmem>>) offsets(%dma_start3A_854 : memref<128xi32, #tpu.memory_space<vmem>>) semaphore(%arg12 : memref<!tpu.dma_semaphore, #tpu.memory_space<semaphore_mem>>)
      %dma_wait3A_858 = arith.constant 14 : i32
      %dma_wait3A_859 = arith.constant 0 : i32
      %dma_wait3A_860 = arith.constant 0 : i32
      %dma_wait3A_861 = arith.constant 0 : i32
      %dma_wait3A_862 = tpu.memref_slice %arg8[%dma_wait3A_859, %dma_wait3A_860, %dma_wait3A_861] : memref<2x128x128xf32, #tpu.memory_space<vmem>> -> memref<1x128x128xf32, #tpu.memory_space<vmem>>
      %dma_wait3A_863 = tpu.memref_squeeze %dma_wait3A_862 : memref<1x128x128xf32, #tpu.memory_space<vmem>> -> memref<128x128xf32, #tpu.memory_space<vmem>>
      %dma_wait3A_864 = arith.constant 0 : i32
      %dma_wait3A_865 = tpu.memref_slice %arg6[%dma_wait3A_858, %dma_wait3A_864] : memref<16x128xi32, #tpu.memory_space<vmem>> -> memref<1x128xi32, #tpu.memory_space<vmem>>
      %dma_wait3A_866 = tpu.memref_squeeze %dma_wait3A_865 : memref<1x128xi32, #tpu.memory_space<vmem>> -> memref<128xi32, #tpu.memory_space<vmem>>
      %dma_wait3A_867 = arith.constant 0 : i32
      %dma_wait3A_868 = arith.constant 0 : i32
      %dma_wait3A_869 = tpu.memref_slice %arg2[%dma_wait3A_867, %dma_wait3A_868] : memref<10000x128xf32, #tpu.memory_space<hbm>> -> memref<10000x128xf32, #tpu.memory_space<hbm>>
      tpu.wait_indirect_dma semaphore(%arg11 : memref<!tpu.dma_semaphore, #tpu.memory_space<semaphore_mem>>) src(%dma_wait3A_869 : memref<10000x128xf32, #tpu.memory_space<hbm>>) dst(%dma_wait3A_863 : memref<128x128xf32, #tpu.memory_space<vmem>>)
      %dma_start3A_870 = arith.constant 0 : i32
      %dma_start3A_871 = arith.constant 14 : i32
      %dma_start3A_872 = arith.constant 0 : i32
      %dma_start3A_873 = arith.constant 0 : i32
      %dma_start3A_874 = tpu.memref_slice %arg8[%dma_start3A_870, %dma_start3A_872, %dma_start3A_873] : memref<2x128x128xf32, #tpu.memory_space<vmem>> -> memref<1x128x128xf32, #tpu.memory_space<vmem>>
      %dma_start3A_875 = tpu.memref_squeeze %dma_start3A_874 : memref<1x128x128xf32, #tpu.memory_space<vmem>> -> memref<128x128xf32, #tpu.memory_space<vmem>>
      %dma_start3A_876 = arith.constant 0 : i32
      %dma_start3A_877 = tpu.memref_slice %arg7[%dma_start3A_871, %dma_start3A_876] : memref<16x128xi32, #tpu.memory_space<vmem>> -> memref<1x128xi32, #tpu.memory_space<vmem>>
      %dma_start3A_878 = tpu.memref_squeeze %dma_start3A_877 : memref<1x128xi32, #tpu.memory_space<vmem>> -> memref<128xi32, #tpu.memory_space<vmem>>
      %dma_start3A_879 = arith.constant 0 : i32
      %dma_start3A_880 = arith.constant 0 : i32
      %dma_start3A_881 = tpu.memref_slice %arg10[%dma_start3A_879, %dma_start3A_880] : memref<10240x128xf32, #tpu.memory_space<vmem_shared>> -> memref<10240x128xf32, #tpu.memory_space<vmem_shared>>
      tpu.enqueue_indirect_dma source(%dma_start3A_875 : memref<128x128xf32, #tpu.memory_space<vmem>>) target(%dma_start3A_881 : memref<10240x128xf32, #tpu.memory_space<vmem_shared>>) offsets(%dma_start3A_878 : memref<128xi32, #tpu.memory_space<vmem>>) semaphore(%arg13 : memref<!tpu.dma_semaphore, #tpu.memory_space<semaphore_mem>>) {add = true}
      %dma_wait3A_882 = arith.constant 15 : i32
      %dma_wait3A_883 = arith.constant 1 : i32
      %dma_wait3A_884 = arith.constant 0 : i32
      %dma_wait3A_885 = arith.constant 0 : i32
      %dma_wait3A_886 = tpu.memref_slice %arg8[%dma_wait3A_883, %dma_wait3A_884, %dma_wait3A_885] : memref<2x128x128xf32, #tpu.memory_space<vmem>> -> memref<1x128x128xf32, #tpu.memory_space<vmem>>
      %dma_wait3A_887 = tpu.memref_squeeze %dma_wait3A_886 : memref<1x128x128xf32, #tpu.memory_space<vmem>> -> memref<128x128xf32, #tpu.memory_space<vmem>>
      %dma_wait3A_888 = arith.constant 0 : i32
      %dma_wait3A_889 = tpu.memref_slice %arg6[%dma_wait3A_882, %dma_wait3A_888] : memref<16x128xi32, #tpu.memory_space<vmem>> -> memref<1x128xi32, #tpu.memory_space<vmem>>
      %dma_wait3A_890 = tpu.memref_squeeze %dma_wait3A_889 : memref<1x128xi32, #tpu.memory_space<vmem>> -> memref<128xi32, #tpu.memory_space<vmem>>
      %dma_wait3A_891 = arith.constant 0 : i32
      %dma_wait3A_892 = arith.constant 0 : i32
      %dma_wait3A_893 = tpu.memref_slice %arg2[%dma_wait3A_891, %dma_wait3A_892] : memref<10000x128xf32, #tpu.memory_space<hbm>> -> memref<10000x128xf32, #tpu.memory_space<hbm>>
      tpu.wait_indirect_dma semaphore(%arg12 : memref<!tpu.dma_semaphore, #tpu.memory_space<semaphore_mem>>) src(%dma_wait3A_893 : memref<10000x128xf32, #tpu.memory_space<hbm>>) dst(%dma_wait3A_887 : memref<128x128xf32, #tpu.memory_space<vmem>>)
      %dma_start3A_894 = arith.constant 1 : i32
      %dma_start3A_895 = arith.constant 15 : i32
      %dma_start3A_896 = arith.constant 0 : i32
      %dma_start3A_897 = arith.constant 0 : i32
      %dma_start3A_898 = tpu.memref_slice %arg8[%dma_start3A_894, %dma_start3A_896, %dma_start3A_897] : memref<2x128x128xf32, #tpu.memory_space<vmem>> -> memref<1x128x128xf32, #tpu.memory_space<vmem>>
      %dma_start3A_899 = tpu.memref_squeeze %dma_start3A_898 : memref<1x128x128xf32, #tpu.memory_space<vmem>> -> memref<128x128xf32, #tpu.memory_space<vmem>>
      %dma_start3A_900 = arith.constant 0 : i32
      %dma_start3A_901 = tpu.memref_slice %arg7[%dma_start3A_895, %dma_start3A_900] : memref<16x128xi32, #tpu.memory_space<vmem>> -> memref<1x128xi32, #tpu.memory_space<vmem>>
      %dma_start3A_902 = tpu.memref_squeeze %dma_start3A_901 : memref<1x128xi32, #tpu.memory_space<vmem>> -> memref<128xi32, #tpu.memory_space<vmem>>
      %dma_start3A_903 = arith.constant 0 : i32
      %dma_start3A_904 = arith.constant 0 : i32
      %dma_start3A_905 = tpu.memref_slice %arg10[%dma_start3A_903, %dma_start3A_904] : memref<10240x128xf32, #tpu.memory_space<vmem_shared>> -> memref<10240x128xf32, #tpu.memory_space<vmem_shared>>
      tpu.enqueue_indirect_dma source(%dma_start3A_899 : memref<128x128xf32, #tpu.memory_space<vmem>>) target(%dma_start3A_905 : memref<10240x128xf32, #tpu.memory_space<vmem_shared>>) offsets(%dma_start3A_902 : memref<128xi32, #tpu.memory_space<vmem>>) semaphore(%arg14 : memref<!tpu.dma_semaphore, #tpu.memory_space<semaphore_mem>>) {add = true}
      %dma_wait3A_906 = arith.constant 0 : i32
      %dma_wait3A_907 = arith.constant 14 : i32
      %dma_wait3A_908 = arith.constant 0 : i32
      %dma_wait3A_909 = arith.constant 0 : i32
      %dma_wait3A_910 = tpu.memref_slice %arg8[%dma_wait3A_906, %dma_wait3A_908, %dma_wait3A_909] : memref<2x128x128xf32, #tpu.memory_space<vmem>> -> memref<1x128x128xf32, #tpu.memory_space<vmem>>
      %dma_wait3A_911 = tpu.memref_squeeze %dma_wait3A_910 : memref<1x128x128xf32, #tpu.memory_space<vmem>> -> memref<128x128xf32, #tpu.memory_space<vmem>>
      %dma_wait3A_912 = arith.constant 0 : i32
      %dma_wait3A_913 = tpu.memref_slice %arg7[%dma_wait3A_907, %dma_wait3A_912] : memref<16x128xi32, #tpu.memory_space<vmem>> -> memref<1x128xi32, #tpu.memory_space<vmem>>
      %dma_wait3A_914 = tpu.memref_squeeze %dma_wait3A_913 : memref<1x128xi32, #tpu.memory_space<vmem>> -> memref<128xi32, #tpu.memory_space<vmem>>
      %dma_wait3A_915 = arith.constant 0 : i32
      %dma_wait3A_916 = arith.constant 0 : i32
      %dma_wait3A_917 = tpu.memref_slice %arg10[%dma_wait3A_915, %dma_wait3A_916] : memref<10240x128xf32, #tpu.memory_space<vmem_shared>> -> memref<10240x128xf32, #tpu.memory_space<vmem_shared>>
      tpu.wait_indirect_dma semaphore(%arg13 : memref<!tpu.dma_semaphore, #tpu.memory_space<semaphore_mem>>) src(%dma_wait3A_911 : memref<128x128xf32, #tpu.memory_space<vmem>>) dst(%dma_wait3A_917 : memref<10240x128xf32, #tpu.memory_space<vmem_shared>>)
      %dma_wait3A_918 = arith.constant 1 : i32
      %dma_wait3A_919 = arith.constant 15 : i32
      %dma_wait3A_920 = arith.constant 0 : i32
      %dma_wait3A_921 = arith.constant 0 : i32
      %dma_wait3A_922 = tpu.memref_slice %arg8[%dma_wait3A_918, %dma_wait3A_920, %dma_wait3A_921] : memref<2x128x128xf32, #tpu.memory_space<vmem>> -> memref<1x128x128xf32, #tpu.memory_space<vmem>>
      %dma_wait3A_923 = tpu.memref_squeeze %dma_wait3A_922 : memref<1x128x128xf32, #tpu.memory_space<vmem>> -> memref<128x128xf32, #tpu.memory_space<vmem>>
      %dma_wait3A_924 = arith.constant 0 : i32
      %dma_wait3A_925 = tpu.memref_slice %arg7[%dma_wait3A_919, %dma_wait3A_924] : memref<16x128xi32, #tpu.memory_space<vmem>> -> memref<1x128xi32, #tpu.memory_space<vmem>>
      %dma_wait3A_926 = tpu.memref_squeeze %dma_wait3A_925 : memref<1x128xi32, #tpu.memory_space<vmem>> -> memref<128xi32, #tpu.memory_space<vmem>>
      %dma_wait3A_927 = arith.constant 0 : i32
      %dma_wait3A_928 = arith.constant 0 : i32
      %dma_wait3A_929 = tpu.memref_slice %arg10[%dma_wait3A_927, %dma_wait3A_928] : memref<10240x128xf32, #tpu.memory_space<vmem_shared>> -> memref<10240x128xf32, #tpu.memory_space<vmem_shared>>
      tpu.wait_indirect_dma semaphore(%arg14 : memref<!tpu.dma_semaphore, #tpu.memory_space<semaphore_mem>>) src(%dma_wait3A_923 : memref<128x128xf32, #tpu.memory_space<vmem>>) dst(%dma_wait3A_929 : memref<10240x128xf32, #tpu.memory_space<vmem_shared>>)
    }
    %scan3A_144 = arith.constant 5 : i32
    %barrier3A_145 = arith.constant 0 : index
    tpu.barrier barrier_id(%barrier3A_145)
    %mul3A_146 = arith.constant 10000 : i32
    %mul3A_147 = arith.muli %arg0, %mul3A_146 : i32
    %add3A_148 = arith.addi %mul3A_147, %mul3A_2 : i32
    "tpu.region"() ({
      %run_scoped3A = tpu.sem_alloc : memref<!tpu.dma_semaphore, #tpu.memory_space<semaphore_mem>>
      %dma_start3A_154 = arith.constant 0 : i32
      %dma_start3A_155 = tpu.memref_slice %arg5[%add3A_148, %dma_start3A_154] : memref<20000x128xf32, #tpu.memory_space<hbm>> -> memref<624x128xf32, #tpu.memory_space<hbm>>
      %dma_start3A_156 = arith.constant 0 : i32
      %dma_start3A_157 = tpu.memref_slice %arg10[%mul3A_2, %dma_start3A_156] : memref<10240x128xf32, #tpu.memory_space<vmem_shared>> -> memref<624x128xf32, #tpu.memory_space<vmem_shared>>
      tpu.enqueue_dma source(%dma_start3A_157 : memref<624x128xf32, #tpu.memory_space<vmem_shared>>) target(%dma_start3A_155 : memref<624x128xf32, #tpu.memory_space<hbm>>) target_semaphore(%run_scoped3A : memref<!tpu.dma_semaphore, #tpu.memory_space<semaphore_mem>>)
      %dma_wait3A_158 = arith.constant 0 : i32
      %dma_wait3A_159 = tpu.memref_slice %arg5[%add3A_148, %dma_wait3A_158] : memref<20000x128xf32, #tpu.memory_space<hbm>> -> memref<624x128xf32, #tpu.memory_space<hbm>>
      %dma_wait3A_160 = arith.constant 0 : i32
      %dma_wait3A_161 = tpu.memref_slice %arg10[%mul3A_2, %dma_wait3A_160] : memref<10240x128xf32, #tpu.memory_space<vmem_shared>> -> memref<624x128xf32, #tpu.memory_space<vmem_shared>>
      tpu.wait_dma2 semaphore(%run_scoped3A : memref<!tpu.dma_semaphore, #tpu.memory_space<semaphore_mem>>) src(%dma_wait3A_161 : memref<624x128xf32, #tpu.memory_space<vmem_shared>>) dst(%dma_wait3A_159 : memref<624x128xf32, #tpu.memory_space<hbm>>)
      tpu.yield
    }) : () -> ()
    %eq3A_149 = arith.constant 0 : i32
    %eq3A_150 = arith.cmpi eq, %arg1, %eq3A_149 : i32
    %convert_element_type3A_151 = arith.extui %eq3A_150 : i1 to i32
    %cond3A_152 = arith.constant 0 : i32
    %cond3A_153 = arith.cmpi ne, %convert_element_type3A_151, %cond3A_152 : i32
    scf.if %cond3A_153 {
      %mul3A_154 = arith.constant 10000 : i32
      %mul3A_155 = arith.muli %arg0, %mul3A_154 : i32
      %add3A_156 = arith.constant 9984 : i32
      %add3A_157 = arith.addi %mul3A_155, %add3A_156 : i32
      "tpu.region"() ({
        %run_scoped3A = tpu.sem_alloc : memref<!tpu.dma_semaphore, #tpu.memory_space<semaphore_mem>>
        %dma_start3A_158 = arith.constant 0 : i32
        %dma_start3A_159 = tpu.memref_slice %arg5[%add3A_157, %dma_start3A_158] : memref<20000x128xf32, #tpu.memory_space<hbm>> -> memref<16x128xf32, #tpu.memory_space<hbm>>
        %dma_start3A_160 = arith.constant 9984 : i32
        %dma_start3A_161 = arith.constant 0 : i32
        %dma_start3A_162 = tpu.memref_slice %arg10[%dma_start3A_160, %dma_start3A_161] : memref<10240x128xf32, #tpu.memory_space<vmem_shared>> -> memref<16x128xf32, #tpu.memory_space<vmem_shared>>
        tpu.enqueue_dma source(%dma_start3A_162 : memref<16x128xf32, #tpu.memory_space<vmem_shared>>) target(%dma_start3A_159 : memref<16x128xf32, #tpu.memory_space<hbm>>) target_semaphore(%run_scoped3A : memref<!tpu.dma_semaphore, #tpu.memory_space<semaphore_mem>>)
        %dma_wait3A_163 = arith.constant 0 : i32
        %dma_wait3A_164 = tpu.memref_slice %arg5[%add3A_157, %dma_wait3A_163] : memref<20000x128xf32, #tpu.memory_space<hbm>> -> memref<16x128xf32, #tpu.memory_space<hbm>>
        %dma_wait3A_165 = arith.constant 9984 : i32
        %dma_wait3A_166 = arith.constant 0 : i32
        %dma_wait3A_167 = tpu.memref_slice %arg10[%dma_wait3A_165, %dma_wait3A_166] : memref<10240x128xf32, #tpu.memory_space<vmem_shared>> -> memref<16x128xf32, #tpu.memory_space<vmem_shared>>
        tpu.wait_dma2 semaphore(%run_scoped3A : memref<!tpu.dma_semaphore, #tpu.memory_space<semaphore_mem>>) src(%dma_wait3A_167 : memref<16x128xf32, #tpu.memory_space<vmem_shared>>) dst(%dma_wait3A_164 : memref<16x128xf32, #tpu.memory_space<hbm>>)
        tpu.yield
      }) : () -> ()
    } else {
    }
    return
  }
}

#map = affine_map<(d0, d1) -> (0, 0)>
module attributes {stable_mosaic.version = 14 : i64} {
  func.func @k(%arg0: i32, %arg1: i32, %arg2: memref<10000x128xf32, #tpu.memory_space<hbm>>, %arg3: memref<2560x128xi32, #tpu.memory_space<hbm>>, %arg4: memref<2560x128xi32, #tpu.memory_space<hbm>>, %arg5: memref<20000x128xf32, #tpu.memory_space<hbm>>, %arg6: memref<16x128xi32, #tpu.memory_space<vmem>>, %arg7: memref<16x128xi32, #tpu.memory_space<vmem>>, %arg8: memref<2x128x128xf32, #tpu.memory_space<vmem>>, %arg9: memref<48x128xf32, #tpu.memory_space<vmem>>, %arg10: memref<10240x128xf32, #tpu.memory_space<vmem_shared>>, %arg11: memref<!tpu.dma_semaphore, #tpu.memory_space<semaphore_mem>>, %arg12: memref<!tpu.dma_semaphore, #tpu.memory_space<semaphore_mem>>, %arg13: memref<!tpu.dma_semaphore, #tpu.memory_space<semaphore_mem>>, %arg14: memref<!tpu.dma_semaphore, #tpu.memory_space<semaphore_mem>>, %arg15: memref<!tpu.dma_semaphore, #tpu.memory_space<semaphore_mem>>) attributes {dimension_semantics = [#tpu.dimension_semantics<core_parallel>, #tpu.dimension_semantics<subcore_parallel>], iteration_bounds = array<i64: 2, 16>, scalar_prefetch = 0 : i64, scratch_operands = 10 : i64, tpu.core_type = #tpu.core_type<sc_vector_subcore>, window_params = [{transform_indices = #map}, {transform_indices = #map}, {transform_indices = #map}, {transform_indices = #map}]} {
    %mul3A = arith.constant 2 : i32
    %mul3A_0 = arith.muli %arg1, %mul3A : i32
    %add3A = arith.addi %mul3A_0, %arg0 : i32
    %mul3A_1 = arith.constant 624 : i32
    %mul3A_2 = arith.muli %arg1, %mul3A_1 : i32
    %broadcast_in_dim3A = arith.constant 0.000000e+00 : f32
    %broadcast_in_dim3A_3 = vector.broadcast %broadcast_in_dim3A : f32 to vector<16xf32>
    %scan3A = arith.constant 0 : i32
    %scan3A_4 = arith.constant 48 : i32
    %scan3A_5 = arith.addi %scan3A, %scan3A_4 : i32
    %scan3A_6 = arith.constant 1 : i32
    scf.for %scan3A_154 = %scan3A to %scan3A_5 step %scan3A_6  : i32 {
      %mul3A_155 = arith.constant 1 : i32
      %mul3A_156 = arith.muli %scan3A_154, %mul3A_155 : i32
      %add3A_157 = arith.constant 0 : i32
      %add3A_158 = arith.addi %add3A_157, %mul3A_156 : i32
      %scan3A_159 = arith.constant 0 : i32
      %scan3A_160 = arith.constant 8 : i32
      %scan3A_161 = arith.addi %scan3A_159, %scan3A_160 : i32
      %scan3A_162 = arith.constant 1 : i32
      scf.for %scan3A_164 = %scan3A_159 to %scan3A_161 step %scan3A_162  : i32 {
        %mul3A_165 = arith.constant 1 : i32
        %mul3A_166 = arith.muli %scan3A_164, %mul3A_165 : i32
        %add3A_167 = arith.constant 0 : i32
        %add3A_168 = arith.addi %add3A_167, %mul3A_166 : i32
        %mul3A_169 = arith.constant 16 : i32
        %mul3A_170 = arith.muli %add3A_168, %mul3A_169 : i32
        %swap3A = arith.index_cast %add3A_158 : i32 to index
        %swap3A_171 = arith.index_cast %mul3A_170 : i32 to index
        %swap3A_172 = tpu.vector_load %arg9[%swap3A, %swap3A_171] {strides = array<i32>} : memref<48x128xf32, #tpu.memory_space<vmem>>, vector<1x16xf32>,
        %swap3A_173 = vector.shape_cast %swap3A_172 : vector<1x16xf32> to vector<16xf32>
        %swap3A_174 = vector.shape_cast %broadcast_in_dim3A_3 : vector<16xf32> to vector<1x16xf32>
        tpu.vector_store %arg9[%swap3A, %swap3A_171], %swap3A_174 {strides = array<i32>} : memref<48x128xf32, #tpu.memory_space<vmem>>, vector<1x16xf32>,
      }
      %scan3A_163 = arith.constant 8 : i32
    }
    %scan3A_7 = arith.constant 48 : i32
    %add3A_8 = arith.constant 0 : i32
    %add3A_9 = arith.addi %mul3A_2, %add3A_8 : i32
    %dma_start3A = arith.constant 0 : i32
    %dma_start3A_10 = tpu.memref_slice %arg10[%add3A_9, %dma_start3A] : memref<10240x128xf32, #tpu.memory_space<vmem_shared>> -> memref<48x128xf32, #tpu.memory_space<vmem_shared>>
    %dma_start3A_11 = arith.constant 0 : i32
    %dma_start3A_12 = tpu.memref_slice %arg10[%add3A_9, %dma_start3A_11] : memref<10240x128xf32, #tpu.memory_space<vmem_shared>> -> memref<48x128xf32, #tpu.memory_space<vmem_shared>>
    tpu.enqueue_dma source(%arg9 : memref<48x128xf32, #tpu.memory_space<vmem>>) target(%dma_start3A_12 : memref<48x128xf32, #tpu.memory_space<vmem_shared>>) target_semaphore(%arg15 : memref<!tpu.dma_semaphore, #tpu.memory_space<semaphore_mem>>)
    %add3A_13 = arith.constant 48 : i32
    %add3A_14 = arith.addi %mul3A_2, %add3A_13 : i32
    %dma_start3A_15 = arith.constant 0 : i32
    %dma_start3A_16 = tpu.memref_slice %arg10[%add3A_14, %dma_start3A_15] : memref<10240x128xf32, #tpu.memory_space<vmem_shared>> -> memref<48x128xf32, #tpu.memory_space<vmem_shared>>
    %dma_start3A_17 = arith.constant 0 : i32
    %dma_start3A_18 = tpu.memref_slice %arg10[%add3A_14, %dma_start3A_17] : memref<10240x128xf32, #tpu.memory_space<vmem_shared>> -> memref<48x128xf32, #tpu.memory_space<vmem_shared>>
    tpu.enqueue_dma source(%arg9 : memref<48x128xf32, #tpu.memory_space<vmem>>) target(%dma_start3A_18 : memref<48x128xf32, #tpu.memory_space<vmem_shared>>) target_semaphore(%arg15 : memref<!tpu.dma_semaphore, #tpu.memory_space<semaphore_mem>>)
    %add3A_19 = arith.constant 96 : i32
    %add3A_20 = arith.addi %mul3A_2, %add3A_19 : i32
    %dma_start3A_21 = arith.constant 0 : i32
    %dma_start3A_22 = tpu.memref_slice %arg10[%add3A_20, %dma_start3A_21] : memref<10240x128xf32, #tpu.memory_space<vmem_shared>> -> memref<48x128xf32, #tpu.memory_space<vmem_shared>>
    %dma_start3A_23 = arith.constant 0 : i32
    %dma_start3A_24 = tpu.memref_slice %arg10[%add3A_20, %dma_start3A_23] : memref<10240x128xf32, #tpu.memory_space<vmem_shared>> -> memref<48x128xf32, #tpu.memory_space<vmem_shared>>
    tpu.enqueue_dma source(%arg9 : memref<48x128xf32, #tpu.memory_space<vmem>>) target(%dma_start3A_24 : memref<48x128xf32, #tpu.memory_space<vmem_shared>>) target_semaphore(%arg15 : memref<!tpu.dma_semaphore, #tpu.memory_space<semaphore_mem>>)
    %add3A_25 = arith.constant 144 : i32
    %add3A_26 = arith.addi %mul3A_2, %add3A_25 : i32
    %dma_start3A_27 = arith.constant 0 : i32
    %dma_start3A_28 = tpu.memref_slice %arg10[%add3A_26, %dma_start3A_27] : memref<10240x128xf32, #tpu.memory_space<vmem_shared>> -> memref<48x128xf32, #tpu.memory_space<vmem_shared>>
    %dma_start3A_29 = arith.constant 0 : i32
    %dma_start3A_30 = tpu.memref_slice %arg10[%add3A_26, %dma_start3A_29] : memref<10240x128xf32, #tpu.memory_space<vmem_shared>> -> memref<48x128xf32, #tpu.memory_space<vmem_shared>>
    tpu.enqueue_dma source(%arg9 : memref<48x128xf32, #tpu.memory_space<vmem>>) target(%dma_start3A_30 : memref<48x128xf32, #tpu.memory_space<vmem_shared>>) target_semaphore(%arg15 : memref<!tpu.dma_semaphore, #tpu.memory_space<semaphore_mem>>)
    %add3A_31 = arith.constant 192 : i32
    %add3A_32 = arith.addi %mul3A_2, %add3A_31 : i32
    %dma_start3A_33 = arith.constant 0 : i32
    %dma_start3A_34 = tpu.memref_slice %arg10[%add3A_32, %dma_start3A_33] : memref<10240x128xf32, #tpu.memory_space<vmem_shared>> -> memref<48x128xf32, #tpu.memory_space<vmem_shared>>
    %dma_start3A_35 = arith.constant 0 : i32
    %dma_start3A_36 = tpu.memref_slice %arg10[%add3A_32, %dma_start3A_35] : memref<10240x128xf32, #tpu.memory_space<vmem_shared>> -> memref<48x128xf32, #tpu.memory_space<vmem_shared>>
    tpu.enqueue_dma source(%arg9 : memref<48x128xf32, #tpu.memory_space<vmem>>) target(%dma_start3A_36 : memref<48x128xf32, #tpu.memory_space<vmem_shared>>) target_semaphore(%arg15 : memref<!tpu.dma_semaphore, #tpu.memory_space<semaphore_mem>>)
    %add3A_37 = arith.constant 240 : i32
    %add3A_38 = arith.addi %mul3A_2, %add3A_37 : i32
    %dma_start3A_39 = arith.constant 0 : i32
    %dma_start3A_40 = tpu.memref_slice %arg10[%add3A_38, %dma_start3A_39] : memref<10240x128xf32, #tpu.memory_space<vmem_shared>> -> memref<48x128xf32, #tpu.memory_space<vmem_shared>>
    %dma_start3A_41 = arith.constant 0 : i32
    %dma_start3A_42 = tpu.memref_slice %arg10[%add3A_38, %dma_start3A_41] : memref<10240x128xf32, #tpu.memory_space<vmem_shared>> -> memref<48x128xf32, #tpu.memory_space<vmem_shared>>
    tpu.enqueue_dma source(%arg9 : memref<48x128xf32, #tpu.memory_space<vmem>>) target(%dma_start3A_42 : memref<48x128xf32, #tpu.memory_space<vmem_shared>>) target_semaphore(%arg15 : memref<!tpu.dma_semaphore, #tpu.memory_space<semaphore_mem>>)
    %add3A_43 = arith.constant 288 : i32
    %add3A_44 = arith.addi %mul3A_2, %add3A_43 : i32
    %dma_start3A_45 = arith.constant 0 : i32
    %dma_start3A_46 = tpu.memref_slice %arg10[%add3A_44, %dma_start3A_45] : memref<10240x128xf32, #tpu.memory_space<vmem_shared>> -> memref<48x128xf32, #tpu.memory_space<vmem_shared>>
    %dma_start3A_47 = arith.constant 0 : i32
    %dma_start3A_48 = tpu.memref_slice %arg10[%add3A_44, %dma_start3A_47] : memref<10240x128xf32, #tpu.memory_space<vmem_shared>> -> memref<48x128xf32, #tpu.memory_space<vmem_shared>>
    tpu.enqueue_dma source(%arg9 : memref<48x128xf32, #tpu.memory_space<vmem>>) target(%dma_start3A_48 : memref<48x128xf32, #tpu.memory_space<vmem_shared>>) target_semaphore(%arg15 : memref<!tpu.dma_semaphore, #tpu.memory_space<semaphore_mem>>)
    %add3A_49 = arith.constant 336 : i32
    %add3A_50 = arith.addi %mul3A_2, %add3A_49 : i32
    %dma_start3A_51 = arith.constant 0 : i32
    %dma_start3A_52 = tpu.memref_slice %arg10[%add3A_50, %dma_start3A_51] : memref<10240x128xf32, #tpu.memory_space<vmem_shared>> -> memref<48x128xf32, #tpu.memory_space<vmem_shared>>
    %dma_start3A_53 = arith.constant 0 : i32
    %dma_start3A_54 = tpu.memref_slice %arg10[%add3A_50, %dma_start3A_53] : memref<10240x128xf32, #tpu.memory_space<vmem_shared>> -> memref<48x128xf32, #tpu.memory_space<vmem_shared>>
    tpu.enqueue_dma source(%arg9 : memref<48x128xf32, #tpu.memory_space<vmem>>) target(%dma_start3A_54 : memref<48x128xf32, #tpu.memory_space<vmem_shared>>) target_semaphore(%arg15 : memref<!tpu.dma_semaphore, #tpu.memory_space<semaphore_mem>>)
    %add3A_55 = arith.constant 384 : i32
    %add3A_56 = arith.addi %mul3A_2, %add3A_55 : i32
    %dma_start3A_57 = arith.constant 0 : i32
    %dma_start3A_58 = tpu.memref_slice %arg10[%add3A_56, %dma_start3A_57] : memref<10240x128xf32, #tpu.memory_space<vmem_shared>> -> memref<48x128xf32, #tpu.memory_space<vmem_shared>>
    %dma_start3A_59 = arith.constant 0 : i32
    %dma_start3A_60 = tpu.memref_slice %arg10[%add3A_56, %dma_start3A_59] : memref<10240x128xf32, #tpu.memory_space<vmem_shared>> -> memref<48x128xf32, #tpu.memory_space<vmem_shared>>
    tpu.enqueue_dma source(%arg9 : memref<48x128xf32, #tpu.memory_space<vmem>>) target(%dma_start3A_60 : memref<48x128xf32, #tpu.memory_space<vmem_shared>>) target_semaphore(%arg15 : memref<!tpu.dma_semaphore, #tpu.memory_space<semaphore_mem>>)
    %add3A_61 = arith.constant 432 : i32
    %add3A_62 = arith.addi %mul3A_2, %add3A_61 : i32
    %dma_start3A_63 = arith.constant 0 : i32
    %dma_start3A_64 = tpu.memref_slice %arg10[%add3A_62, %dma_start3A_63] : memref<10240x128xf32, #tpu.memory_space<vmem_shared>> -> memref<48x128xf32, #tpu.memory_space<vmem_shared>>
    %dma_start3A_65 = arith.constant 0 : i32
    %dma_start3A_66 = tpu.memref_slice %arg10[%add3A_62, %dma_start3A_65] : memref<10240x128xf32, #tpu.memory_space<vmem_shared>> -> memref<48x128xf32, #tpu.memory_space<vmem_shared>>
    tpu.enqueue_dma source(%arg9 : memref<48x128xf32, #tpu.memory_space<vmem>>) target(%dma_start3A_66 : memref<48x128xf32, #tpu.memory_space<vmem_shared>>) target_semaphore(%arg15 : memref<!tpu.dma_semaphore, #tpu.memory_space<semaphore_mem>>)
    %add3A_67 = arith.constant 480 : i32
    %add3A_68 = arith.addi %mul3A_2, %add3A_67 : i32
    %dma_start3A_69 = arith.constant 0 : i32
    %dma_start3A_70 = tpu.memref_slice %arg10[%add3A_68, %dma_start3A_69] : memref<10240x128xf32, #tpu.memory_space<vmem_shared>> -> memref<48x128xf32, #tpu.memory_space<vmem_shared>>
    %dma_start3A_71 = arith.constant 0 : i32
    %dma_start3A_72 = tpu.memref_slice %arg10[%add3A_68, %dma_start3A_71] : memref<10240x128xf32, #tpu.memory_space<vmem_shared>> -> memref<48x128xf32, #tpu.memory_space<vmem_shared>>
    tpu.enqueue_dma source(%arg9 : memref<48x128xf32, #tpu.memory_space<vmem>>) target(%dma_start3A_72 : memref<48x128xf32, #tpu.memory_space<vmem_shared>>) target_semaphore(%arg15 : memref<!tpu.dma_semaphore, #tpu.memory_space<semaphore_mem>>)
    %add3A_73 = arith.constant 528 : i32
    %add3A_74 = arith.addi %mul3A_2, %add3A_73 : i32
    %dma_start3A_75 = arith.constant 0 : i32
    %dma_start3A_76 = tpu.memref_slice %arg10[%add3A_74, %dma_start3A_75] : memref<10240x128xf32, #tpu.memory_space<vmem_shared>> -> memref<48x128xf32, #tpu.memory_space<vmem_shared>>
    %dma_start3A_77 = arith.constant 0 : i32
    %dma_start3A_78 = tpu.memref_slice %arg10[%add3A_74, %dma_start3A_77] : memref<10240x128xf32, #tpu.memory_space<vmem_shared>> -> memref<48x128xf32, #tpu.memory_space<vmem_shared>>
    tpu.enqueue_dma source(%arg9 : memref<48x128xf32, #tpu.memory_space<vmem>>) target(%dma_start3A_78 : memref<48x128xf32, #tpu.memory_space<vmem_shared>>) target_semaphore(%arg15 : memref<!tpu.dma_semaphore, #tpu.memory_space<semaphore_mem>>)
    %add3A_79 = arith.constant 576 : i32
    %add3A_80 = arith.addi %mul3A_2, %add3A_79 : i32
    %dma_start3A_81 = arith.constant 0 : i32
    %dma_start3A_82 = tpu.memref_slice %arg10[%add3A_80, %dma_start3A_81] : memref<10240x128xf32, #tpu.memory_space<vmem_shared>> -> memref<48x128xf32, #tpu.memory_space<vmem_shared>>
    %dma_start3A_83 = arith.constant 0 : i32
    %dma_start3A_84 = tpu.memref_slice %arg10[%add3A_80, %dma_start3A_83] : memref<10240x128xf32, #tpu.memory_space<vmem_shared>> -> memref<48x128xf32, #tpu.memory_space<vmem_shared>>
    tpu.enqueue_dma source(%arg9 : memref<48x128xf32, #tpu.memory_space<vmem>>) target(%dma_start3A_84 : memref<48x128xf32, #tpu.memory_space<vmem_shared>>) target_semaphore(%arg15 : memref<!tpu.dma_semaphore, #tpu.memory_space<semaphore_mem>>)
    %eq3A = arith.constant 0 : i32
    %eq3A_85 = arith.cmpi eq, %arg1, %eq3A : i32
    %convert_element_type3A = arith.extui %eq3A_85 : i1 to i32
    %cond3A = arith.constant 0 : i32
    %cond3A_86 = arith.cmpi ne, %convert_element_type3A, %cond3A : i32
    scf.if %cond3A_86 {
      %dma_start3A_154 = arith.constant 0 : i32
      %dma_start3A_155 = arith.constant 0 : i32
      %dma_start3A_156 = tpu.memref_slice %arg9[%dma_start3A_154, %dma_start3A_155] : memref<48x128xf32, #tpu.memory_space<vmem>> -> memref<16x128xf32, #tpu.memory_space<vmem>>
      %dma_start3A_157 = arith.constant 9984 : i32
      %dma_start3A_158 = arith.constant 0 : i32
      %dma_start3A_159 = tpu.memref_slice %arg10[%dma_start3A_157, %dma_start3A_158] : memref<10240x128xf32, #tpu.memory_space<vmem_shared>> -> memref<16x128xf32, #tpu.memory_space<vmem_shared>>
      %dma_start3A_160 = arith.constant 9984 : i32
      %dma_start3A_161 = arith.constant 0 : i32
      %dma_start3A_162 = tpu.memref_slice %arg10[%dma_start3A_160, %dma_start3A_161] : memref<10240x128xf32, #tpu.memory_space<vmem_shared>> -> memref<16x128xf32, #tpu.memory_space<vmem_shared>>
      %dma_start3A_163 = arith.constant 0 : i32
      %dma_start3A_164 = arith.constant 0 : i32
      %dma_start3A_165 = tpu.memref_slice %arg9[%dma_start3A_163, %dma_start3A_164] : memref<48x128xf32, #tpu.memory_space<vmem>> -> memref<16x128xf32, #tpu.memory_space<vmem>>
      tpu.enqueue_dma source(%dma_start3A_165 : memref<16x128xf32, #tpu.memory_space<vmem>>) target(%dma_start3A_162 : memref<16x128xf32, #tpu.memory_space<vmem_shared>>) target_semaphore(%arg15 : memref<!tpu.dma_semaphore, #tpu.memory_space<semaphore_mem>>)
      %dma_wait3A_166 = arith.constant 0 : i32
      %dma_wait3A_167 = arith.constant 0 : i32
      %dma_wait3A_168 = tpu.memref_slice %arg9[%dma_wait3A_166, %dma_wait3A_167] : memref<48x128xf32, #tpu.memory_space<vmem>> -> memref<16x128xf32, #tpu.memory_space<vmem>>
      %dma_wait3A_169 = arith.constant 9984 : i32
      %dma_wait3A_170 = arith.constant 0 : i32
      %dma_wait3A_171 = tpu.memref_slice %arg10[%dma_wait3A_169, %dma_wait3A_170] : memref<10240x128xf32, #tpu.memory_space<vmem_shared>> -> memref<16x128xf32, #tpu.memory_space<vmem_shared>>
      %dma_wait3A_172 = arith.constant 9984 : i32
      %dma_wait3A_173 = arith.constant 0 : i32
      %dma_wait3A_174 = tpu.memref_slice %arg10[%dma_wait3A_172, %dma_wait3A_173] : memref<10240x128xf32, #tpu.memory_space<vmem_shared>> -> memref<16x128xf32, #tpu.memory_space<vmem_shared>>
      %dma_wait3A_175 = arith.constant 0 : i32
      %dma_wait3A_176 = arith.constant 0 : i32
      %dma_wait3A_177 = tpu.memref_slice %arg9[%dma_wait3A_175, %dma_wait3A_176] : memref<48x128xf32, #tpu.memory_space<vmem>> -> memref<16x128xf32, #tpu.memory_space<vmem>>
      tpu.wait_dma2 semaphore(%arg15 : memref<!tpu.dma_semaphore, #tpu.memory_space<semaphore_mem>>) src(%dma_wait3A_177 : memref<16x128xf32, #tpu.memory_space<vmem>>) dst(%dma_wait3A_174 : memref<16x128xf32, #tpu.memory_space<vmem_shared>>)
    } else {
    }
    %mul3A_87 = arith.constant 80 : i32
    %mul3A_88 = arith.muli %add3A, %mul3A_87 : i32
    %dma_wait3A = arith.constant 0 : i32
    %dma_wait3A_89 = tpu.memref_slice %arg10[%add3A_9, %dma_wait3A] : memref<10240x128xf32, #tpu.memory_space<vmem_shared>> -> memref<48x128xf32, #tpu.memory_space<vmem_shared>>
    %dma_wait3A_90 = arith.constant 0 : i32
    %dma_wait3A_91 = tpu.memref_slice %arg10[%add3A_9, %dma_wait3A_90] : memref<10240x128xf32, #tpu.memory_space<vmem_shared>> -> memref<48x128xf32, #tpu.memory_space<vmem_shared>>
    tpu.wait_dma2 semaphore(%arg15 : memref<!tpu.dma_semaphore, #tpu.memory_space<semaphore_mem>>) src(%arg9 : memref<48x128xf32, #tpu.memory_space<vmem>>) dst(%dma_wait3A_91 : memref<48x128xf32, #tpu.memory_space<vmem_shared>>)
    %dma_wait3A_92 = arith.constant 0 : i32
    %dma_wait3A_93 = tpu.memref_slice %arg10[%add3A_14, %dma_wait3A_92] : memref<10240x128xf32, #tpu.memory_space<vmem_shared>> -> memref<48x128xf32, #tpu.memory_space<vmem_shared>>
    %dma_wait3A_94 = arith.constant 0 : i32
    %dma_wait3A_95 = tpu.memref_slice %arg10[%add3A_14, %dma_wait3A_94] : memref<10240x128xf32, #tpu.memory_space<vmem_shared>> -> memref<48x128xf32, #tpu.memory_space<vmem_shared>>
    tpu.wait_dma2 semaphore(%arg15 : memref<!tpu.dma_semaphore, #tpu.memory_space<semaphore_mem>>) src(%arg9 : memref<48x128xf32, #tpu.memory_space<vmem>>) dst(%dma_wait3A_95 : memref<48x128xf32, #tpu.memory_space<vmem_shared>>)
    %dma_wait3A_96 = arith.constant 0 : i32
    %dma_wait3A_97 = tpu.memref_slice %arg10[%add3A_20, %dma_wait3A_96] : memref<10240x128xf32, #tpu.memory_space<vmem_shared>> -> memref<48x128xf32, #tpu.memory_space<vmem_shared>>
    %dma_wait3A_98 = arith.constant 0 : i32
    %dma_wait3A_99 = tpu.memref_slice %arg10[%add3A_20, %dma_wait3A_98] : memref<10240x128xf32, #tpu.memory_space<vmem_shared>> -> memref<48x128xf32, #tpu.memory_space<vmem_shared>>
    tpu.wait_dma2 semaphore(%arg15 : memref<!tpu.dma_semaphore, #tpu.memory_space<semaphore_mem>>) src(%arg9 : memref<48x128xf32, #tpu.memory_space<vmem>>) dst(%dma_wait3A_99 : memref<48x128xf32, #tpu.memory_space<vmem_shared>>)
    %dma_wait3A_100 = arith.constant 0 : i32
    %dma_wait3A_101 = tpu.memref_slice %arg10[%add3A_26, %dma_wait3A_100] : memref<10240x128xf32, #tpu.memory_space<vmem_shared>> -> memref<48x128xf32, #tpu.memory_space<vmem_shared>>
    %dma_wait3A_102 = arith.constant 0 : i32
    %dma_wait3A_103 = tpu.memref_slice %arg10[%add3A_26, %dma_wait3A_102] : memref<10240x128xf32, #tpu.memory_space<vmem_shared>> -> memref<48x128xf32, #tpu.memory_space<vmem_shared>>
    tpu.wait_dma2 semaphore(%arg15 : memref<!tpu.dma_semaphore, #tpu.memory_space<semaphore_mem>>) src(%arg9 : memref<48x128xf32, #tpu.memory_space<vmem>>) dst(%dma_wait3A_103 : memref<48x128xf32, #tpu.memory_space<vmem_shared>>)
    %dma_wait3A_104 = arith.constant 0 : i32
    %dma_wait3A_105 = tpu.memref_slice %arg10[%add3A_32, %dma_wait3A_104] : memref<10240x128xf32, #tpu.memory_space<vmem_shared>> -> memref<48x128xf32, #tpu.memory_space<vmem_shared>>
    %dma_wait3A_106 = arith.constant 0 : i32
    %dma_wait3A_107 = tpu.memref_slice %arg10[%add3A_32, %dma_wait3A_106] : memref<10240x128xf32, #tpu.memory_space<vmem_shared>> -> memref<48x128xf32, #tpu.memory_space<vmem_shared>>
    tpu.wait_dma2 semaphore(%arg15 : memref<!tpu.dma_semaphore, #tpu.memory_space<semaphore_mem>>) src(%arg9 : memref<48x128xf32, #tpu.memory_space<vmem>>) dst(%dma_wait3A_107 : memref<48x128xf32, #tpu.memory_space<vmem_shared>>)
    %dma_wait3A_108 = arith.constant 0 : i32
    %dma_wait3A_109 = tpu.memref_slice %arg10[%add3A_38, %dma_wait3A_108] : memref<10240x128xf32, #tpu.memory_space<vmem_shared>> -> memref<48x128xf32, #tpu.memory_space<vmem_shared>>
    %dma_wait3A_110 = arith.constant 0 : i32
    %dma_wait3A_111 = tpu.memref_slice %arg10[%add3A_38, %dma_wait3A_110] : memref<10240x128xf32, #tpu.memory_space<vmem_shared>> -> memref<48x128xf32, #tpu.memory_space<vmem_shared>>
    tpu.wait_dma2 semaphore(%arg15 : memref<!tpu.dma_semaphore, #tpu.memory_space<semaphore_mem>>) src(%arg9 : memref<48x128xf32, #tpu.memory_space<vmem>>) dst(%dma_wait3A_111 : memref<48x128xf32, #tpu.memory_space<vmem_shared>>)
    %dma_wait3A_112 = arith.constant 0 : i32
    %dma_wait3A_113 = tpu.memref_slice %arg10[%add3A_44, %dma_wait3A_112] : memref<10240x128xf32, #tpu.memory_space<vmem_shared>> -> memref<48x128xf32, #tpu.memory_space<vmem_shared>>
    %dma_wait3A_114 = arith.constant 0 : i32
    %dma_wait3A_115 = tpu.memref_slice %arg10[%add3A_44, %dma_wait3A_114] : memref<10240x128xf32, #tpu.memory_space<vmem_shared>> -> memref<48x128xf32, #tpu.memory_space<vmem_shared>>
    tpu.wait_dma2 semaphore(%arg15 : memref<!tpu.dma_semaphore, #tpu.memory_space<semaphore_mem>>) src(%arg9 : memref<48x128xf32, #tpu.memory_space<vmem>>) dst(%dma_wait3A_115 : memref<48x128xf32, #tpu.memory_space<vmem_shared>>)
    %dma_wait3A_116 = arith.constant 0 : i32
    %dma_wait3A_117 = tpu.memref_slice %arg10[%add3A_50, %dma_wait3A_116] : memref<10240x128xf32, #tpu.memory_space<vmem_shared>> -> memref<48x128xf32, #tpu.memory_space<vmem_shared>>
    %dma_wait3A_118 = arith.constant 0 : i32
    %dma_wait3A_119 = tpu.memref_slice %arg10[%add3A_50, %dma_wait3A_118] : memref<10240x128xf32, #tpu.memory_space<vmem_shared>> -> memref<48x128xf32, #tpu.memory_space<vmem_shared>>
    tpu.wait_dma2 semaphore(%arg15 : memref<!tpu.dma_semaphore, #tpu.memory_space<semaphore_mem>>) src(%arg9 : memref<48x128xf32, #tpu.memory_space<vmem>>) dst(%dma_wait3A_119 : memref<48x128xf32, #tpu.memory_space<vmem_shared>>)
    %dma_wait3A_120 = arith.constant 0 : i32
    %dma_wait3A_121 = tpu.memref_slice %arg10[%add3A_56, %dma_wait3A_120] : memref<10240x128xf32, #tpu.memory_space<vmem_shared>> -> memref<48x128xf32, #tpu.memory_space<vmem_shared>>
    %dma_wait3A_122 = arith.constant 0 : i32
    %dma_wait3A_123 = tpu.memref_slice %arg10[%add3A_56, %dma_wait3A_122] : memref<10240x128xf32, #tpu.memory_space<vmem_shared>> -> memref<48x128xf32, #tpu.memory_space<vmem_shared>>
    tpu.wait_dma2 semaphore(%arg15 : memref<!tpu.dma_semaphore, #tpu.memory_space<semaphore_mem>>) src(%arg9 : memref<48x128xf32, #tpu.memory_space<vmem>>) dst(%dma_wait3A_123 : memref<48x128xf32, #tpu.memory_space<vmem_shared>>)
    %dma_wait3A_124 = arith.constant 0 : i32
    %dma_wait3A_125 = tpu.memref_slice %arg10[%add3A_62, %dma_wait3A_124] : memref<10240x128xf32, #tpu.memory_space<vmem_shared>> -> memref<48x128xf32, #tpu.memory_space<vmem_shared>>
    %dma_wait3A_126 = arith.constant 0 : i32
    %dma_wait3A_127 = tpu.memref_slice %arg10[%add3A_62, %dma_wait3A_126] : memref<10240x128xf32, #tpu.memory_space<vmem_shared>> -> memref<48x128xf32, #tpu.memory_space<vmem_shared>>
    tpu.wait_dma2 semaphore(%arg15 : memref<!tpu.dma_semaphore, #tpu.memory_space<semaphore_mem>>) src(%arg9 : memref<48x128xf32, #tpu.memory_space<vmem>>) dst(%dma_wait3A_127 : memref<48x128xf32, #tpu.memory_space<vmem_shared>>)
    %dma_wait3A_128 = arith.constant 0 : i32
    %dma_wait3A_129 = tpu.memref_slice %arg10[%add3A_68, %dma_wait3A_128] : memref<10240x128xf32, #tpu.memory_space<vmem_shared>> -> memref<48x128xf32, #tpu.memory_space<vmem_shared>>
    %dma_wait3A_130 = arith.constant 0 : i32
    %dma_wait3A_131 = tpu.memref_slice %arg10[%add3A_68, %dma_wait3A_130] : memref<10240x128xf32, #tpu.memory_space<vmem_shared>> -> memref<48x128xf32, #tpu.memory_space<vmem_shared>>
    tpu.wait_dma2 semaphore(%arg15 : memref<!tpu.dma_semaphore, #tpu.memory_space<semaphore_mem>>) src(%arg9 : memref<48x128xf32, #tpu.memory_space<vmem>>) dst(%dma_wait3A_131 : memref<48x128xf32, #tpu.memory_space<vmem_shared>>)
    %dma_wait3A_132 = arith.constant 0 : i32
    %dma_wait3A_133 = tpu.memref_slice %arg10[%add3A_74, %dma_wait3A_132] : memref<10240x128xf32, #tpu.memory_space<vmem_shared>> -> memref<48x128xf32, #tpu.memory_space<vmem_shared>>
    %dma_wait3A_134 = arith.constant 0 : i32
    %dma_wait3A_135 = tpu.memref_slice %arg10[%add3A_74, %dma_wait3A_134] : memref<10240x128xf32, #tpu.memory_space<vmem_shared>> -> memref<48x128xf32, #tpu.memory_space<vmem_shared>>
    tpu.wait_dma2 semaphore(%arg15 : memref<!tpu.dma_semaphore, #tpu.memory_space<semaphore_mem>>) src(%arg9 : memref<48x128xf32, #tpu.memory_space<vmem>>) dst(%dma_wait3A_135 : memref<48x128xf32, #tpu.memory_space<vmem_shared>>)
    %dma_wait3A_136 = arith.constant 0 : i32
    %dma_wait3A_137 = tpu.memref_slice %arg10[%add3A_80, %dma_wait3A_136] : memref<10240x128xf32, #tpu.memory_space<vmem_shared>> -> memref<48x128xf32, #tpu.memory_space<vmem_shared>>
    %dma_wait3A_138 = arith.constant 0 : i32
    %dma_wait3A_139 = tpu.memref_slice %arg10[%add3A_80, %dma_wait3A_138] : memref<10240x128xf32, #tpu.memory_space<vmem_shared>> -> memref<48x128xf32, #tpu.memory_space<vmem_shared>>
    tpu.wait_dma2 semaphore(%arg15 : memref<!tpu.dma_semaphore, #tpu.memory_space<semaphore_mem>>) src(%arg9 : memref<48x128xf32, #tpu.memory_space<vmem>>) dst(%dma_wait3A_139 : memref<48x128xf32, #tpu.memory_space<vmem_shared>>)
    %barrier3A = arith.constant 0 : index
    tpu.barrier barrier_id(%barrier3A)
    %scan3A_140 = arith.constant 0 : i32
    %scan3A_141 = arith.constant 5 : i32
    %scan3A_142 = arith.addi %scan3A_140, %scan3A_141 : i32
    %scan3A_143 = arith.constant 1 : i32
    scf.for %scan3A_154 = %scan3A_140 to %scan3A_142 step %scan3A_143  : i32 {
      %mul3A_155 = arith.constant 1 : i32
      %mul3A_156 = arith.muli %scan3A_154, %mul3A_155 : i32
      %add3A_157 = arith.constant 0 : i32
      %add3A_158 = arith.addi %add3A_157, %mul3A_156 : i32
      %mul3A_159 = arith.constant 16 : i32
      %mul3A_160 = arith.muli %add3A_158, %mul3A_159 : i32
      %add3A_161 = arith.addi %mul3A_88, %mul3A_160 : i32
      "tpu.region"() ({
        %run_scoped3A = tpu.sem_alloc : memref<!tpu.dma_semaphore, #tpu.memory_space<semaphore_mem>>
        %dma_start3A_930 = arith.constant 0 : i32
        %dma_start3A_931 = tpu.memref_slice %arg3[%add3A_161, %dma_start3A_930] : memref<2560x128xi32, #tpu.memory_space<hbm>> -> memref<16x128xi32, #tpu.memory_space<hbm>>
        %dma_start3A_932 = arith.constant 0 : i32
        %dma_start3A_933 = tpu.memref_slice %arg3[%add3A_161, %dma_start3A_932] : memref<2560x128xi32, #tpu.memory_space<hbm>> -> memref<16x128xi32, #tpu.memory_space<hbm>>
        tpu.enqueue_dma source(%dma_start3A_933 : memref<16x128xi32, #tpu.memory_space<hbm>>) target(%arg6 : memref<16x128xi32, #tpu.memory_space<vmem>>) target_semaphore(%run_scoped3A : memref<!tpu.dma_semaphore, #tpu.memory_space<semaphore_mem>>)
        %dma_wait3A_934 = arith.constant 0 : i32
        %dma_wait3A_935 = tpu.memref_slice %arg3[%add3A_161, %dma_wait3A_934] : memref<2560x128xi32, #tpu.memory_space<hbm>> -> memref<16x128xi32, #tpu.memory_space<hbm>>
        %dma_wait3A_936 = arith.constant 0 : i32
        %dma_wait3A_937 = tpu.memref_slice %arg3[%add3A_161, %dma_wait3A_936] : memref<2560x128xi32, #tpu.memory_space<hbm>> -> memref<16x128xi32, #tpu.memory_space<hbm>>
        tpu.wait_dma2 semaphore(%run_scoped3A : memref<!tpu.dma_semaphore, #tpu.memory_space<semaphore_mem>>) src(%dma_wait3A_937 : memref<16x128xi32, #tpu.memory_space<hbm>>) dst(%arg6 : memref<16x128xi32, #tpu.memory_space<vmem>>)
        tpu.yield
      }) : () -> ()
      "tpu.region"() ({
        %run_scoped3A = tpu.sem_alloc : memref<!tpu.dma_semaphore, #tpu.memory_space<semaphore_mem>>
        %dma_start3A_930 = arith.constant 0 : i32
        %dma_start3A_931 = tpu.memref_slice %arg4[%add3A_161, %dma_start3A_930] : memref<2560x128xi32, #tpu.memory_space<hbm>> -> memref<16x128xi32, #tpu.memory_space<hbm>>
        %dma_start3A_932 = arith.constant 0 : i32
        %dma_start3A_933 = tpu.memref_slice %arg4[%add3A_161, %dma_start3A_932] : memref<2560x128xi32, #tpu.memory_space<hbm>> -> memref<16x128xi32, #tpu.memory_space<hbm>>
        tpu.enqueue_dma source(%dma_start3A_933 : memref<16x128xi32, #tpu.memory_space<hbm>>) target(%arg7 : memref<16x128xi32, #tpu.memory_space<vmem>>) target_semaphore(%run_scoped3A : memref<!tpu.dma_semaphore, #tpu.memory_space<semaphore_mem>>)
        %dma_wait3A_934 = arith.constant 0 : i32
        %dma_wait3A_935 = tpu.memref_slice %arg4[%add3A_161, %dma_wait3A_934] : memref<2560x128xi32, #tpu.memory_space<hbm>> -> memref<16x128xi32, #tpu.memory_space<hbm>>
        %dma_wait3A_936 = arith.constant 0 : i32
        %dma_wait3A_937 = tpu.memref_slice %arg4[%add3A_161, %dma_wait3A_936] : memref<2560x128xi32, #tpu.memory_space<hbm>> -> memref<16x128xi32, #tpu.memory_space<hbm>>
        tpu.wait_dma2 semaphore(%run_scoped3A : memref<!tpu.dma_semaphore, #tpu.memory_space<semaphore_mem>>) src(%dma_wait3A_937 : memref<16x128xi32, #tpu.memory_space<hbm>>) dst(%arg7 : memref<16x128xi32, #tpu.memory_space<vmem>>)
        tpu.yield
      }) : () -> ()
      %dma_start3A_162 = arith.constant 0 : i32
      %dma_start3A_163 = arith.constant 0 : i32
      %dma_start3A_164 = arith.constant 0 : i32
      %dma_start3A_165 = arith.constant 0 : i32
      %dma_start3A_166 = tpu.memref_slice %arg8[%dma_start3A_163, %dma_start3A_164, %dma_start3A_165] : memref<2x128x128xf32, #tpu.memory_space<vmem>> -> memref<1x128x128xf32, #tpu.memory_space<vmem>>
      %dma_start3A_167 = tpu.memref_squeeze %dma_start3A_166 : memref<1x128x128xf32, #tpu.memory_space<vmem>> -> memref<128x128xf32, #tpu.memory_space<vmem>>
      %dma_start3A_168 = arith.constant 0 : i32
      %dma_start3A_169 = tpu.memref_slice %arg6[%dma_start3A_162, %dma_start3A_168] : memref<16x128xi32, #tpu.memory_space<vmem>> -> memref<1x128xi32, #tpu.memory_space<vmem>>
      %dma_start3A_170 = tpu.memref_squeeze %dma_start3A_169 : memref<1x128xi32, #tpu.memory_space<vmem>> -> memref<128xi32, #tpu.memory_space<vmem>>
      %dma_start3A_171 = arith.constant 0 : i32
      %dma_start3A_172 = arith.constant 0 : i32
      %dma_start3A_173 = tpu.memref_slice %arg2[%dma_start3A_171, %dma_start3A_172] : memref<10000x128xf32, #tpu.memory_space<hbm>> -> memref<10000x128xf32, #tpu.memory_space<hbm>>
      tpu.enqueue_indirect_dma source(%dma_start3A_173 : memref<10000x128xf32, #tpu.memory_space<hbm>>) target(%dma_start3A_167 : memref<128x128xf32, #tpu.memory_space<vmem>>) offsets(%dma_start3A_170 : memref<128xi32, #tpu.memory_space<vmem>>) semaphore(%arg11 : memref<!tpu.dma_semaphore, #tpu.memory_space<semaphore_mem>>)
      %dma_start3A_174 = arith.constant 1 : i32
      %dma_start3A_175 = arith.constant 1 : i32
      %dma_start3A_176 = arith.constant 0 : i32
      %dma_start3A_177 = arith.constant 0 : i32
      %dma_start3A_178 = tpu.memref_slice %arg8[%dma_start3A_175, %dma_start3A_176, %dma_start3A_177] : memref<2x128x128xf32, #tpu.memory_space<vmem>> -> memref<1x128x128xf32, #tpu.memory_space<vmem>>
      %dma_start3A_179 = tpu.memref_squeeze %dma_start3A_178 : memref<1x128x128xf32, #tpu.memory_space<vmem>> -> memref<128x128xf32, #tpu.memory_space<vmem>>
      %dma_start3A_180 = arith.constant 0 : i32
      %dma_start3A_181 = tpu.memref_slice %arg6[%dma_start3A_174, %dma_start3A_180] : memref<16x128xi32, #tpu.memory_space<vmem>> -> memref<1x128xi32, #tpu.memory_space<vmem>>
      %dma_start3A_182 = tpu.memref_squeeze %dma_start3A_181 : memref<1x128xi32, #tpu.memory_space<vmem>> -> memref<128xi32, #tpu.memory_space<vmem>>
      %dma_start3A_183 = arith.constant 0 : i32
      %dma_start3A_184 = arith.constant 0 : i32
      %dma_start3A_185 = tpu.memref_slice %arg2[%dma_start3A_183, %dma_start3A_184] : memref<10000x128xf32, #tpu.memory_space<hbm>> -> memref<10000x128xf32, #tpu.memory_space<hbm>>
      tpu.enqueue_indirect_dma source(%dma_start3A_185 : memref<10000x128xf32, #tpu.memory_space<hbm>>) target(%dma_start3A_179 : memref<128x128xf32, #tpu.memory_space<vmem>>) offsets(%dma_start3A_182 : memref<128xi32, #tpu.memory_space<vmem>>) semaphore(%arg12 : memref<!tpu.dma_semaphore, #tpu.memory_space<semaphore_mem>>)
      %dma_wait3A_186 = arith.constant 0 : i32
      %dma_wait3A_187 = arith.constant 0 : i32
      %dma_wait3A_188 = arith.constant 0 : i32
      %dma_wait3A_189 = arith.constant 0 : i32
      %dma_wait3A_190 = tpu.memref_slice %arg8[%dma_wait3A_187, %dma_wait3A_188, %dma_wait3A_189] : memref<2x128x128xf32, #tpu.memory_space<vmem>> -> memref<1x128x128xf32, #tpu.memory_space<vmem>>
      %dma_wait3A_191 = tpu.memref_squeeze %dma_wait3A_190 : memref<1x128x128xf32, #tpu.memory_space<vmem>> -> memref<128x128xf32, #tpu.memory_space<vmem>>
      %dma_wait3A_192 = arith.constant 0 : i32
      %dma_wait3A_193 = tpu.memref_slice %arg6[%dma_wait3A_186, %dma_wait3A_192] : memref<16x128xi32, #tpu.memory_space<vmem>> -> memref<1x128xi32, #tpu.memory_space<vmem>>
      %dma_wait3A_194 = tpu.memref_squeeze %dma_wait3A_193 : memref<1x128xi32, #tpu.memory_space<vmem>> -> memref<128xi32, #tpu.memory_space<vmem>>
      %dma_wait3A_195 = arith.constant 0 : i32
      %dma_wait3A_196 = arith.constant 0 : i32
      %dma_wait3A_197 = tpu.memref_slice %arg2[%dma_wait3A_195, %dma_wait3A_196] : memref<10000x128xf32, #tpu.memory_space<hbm>> -> memref<10000x128xf32, #tpu.memory_space<hbm>>
      tpu.wait_indirect_dma semaphore(%arg11 : memref<!tpu.dma_semaphore, #tpu.memory_space<semaphore_mem>>) src(%dma_wait3A_197 : memref<10000x128xf32, #tpu.memory_space<hbm>>) dst(%dma_wait3A_191 : memref<128x128xf32, #tpu.memory_space<vmem>>)
      %dma_start3A_198 = arith.constant 0 : i32
      %dma_start3A_199 = arith.constant 0 : i32
      %dma_start3A_200 = arith.constant 0 : i32
      %dma_start3A_201 = arith.constant 0 : i32
      %dma_start3A_202 = tpu.memref_slice %arg8[%dma_start3A_198, %dma_start3A_200, %dma_start3A_201] : memref<2x128x128xf32, #tpu.memory_space<vmem>> -> memref<1x128x128xf32, #tpu.memory_space<vmem>>
      %dma_start3A_203 = tpu.memref_squeeze %dma_start3A_202 : memref<1x128x128xf32, #tpu.memory_space<vmem>> -> memref<128x128xf32, #tpu.memory_space<vmem>>
      %dma_start3A_204 = arith.constant 0 : i32
      %dma_start3A_205 = tpu.memref_slice %arg7[%dma_start3A_199, %dma_start3A_204] : memref<16x128xi32, #tpu.memory_space<vmem>> -> memref<1x128xi32, #tpu.memory_space<vmem>>
      %dma_start3A_206 = tpu.memref_squeeze %dma_start3A_205 : memref<1x128xi32, #tpu.memory_space<vmem>> -> memref<128xi32, #tpu.memory_space<vmem>>
      %dma_start3A_207 = arith.constant 0 : i32
      %dma_start3A_208 = arith.constant 0 : i32
      %dma_start3A_209 = tpu.memref_slice %arg10[%dma_start3A_207, %dma_start3A_208] : memref<10240x128xf32, #tpu.memory_space<vmem_shared>> -> memref<10240x128xf32, #tpu.memory_space<vmem_shared>>
      tpu.enqueue_indirect_dma source(%dma_start3A_203 : memref<128x128xf32, #tpu.memory_space<vmem>>) target(%dma_start3A_209 : memref<10240x128xf32, #tpu.memory_space<vmem_shared>>) offsets(%dma_start3A_206 : memref<128xi32, #tpu.memory_space<vmem>>) semaphore(%arg13 : memref<!tpu.dma_semaphore, #tpu.memory_space<semaphore_mem>>) {add = true}
      %dma_wait3A_210 = arith.constant 0 : i32
      %dma_wait3A_211 = arith.constant 0 : i32
      %dma_wait3A_212 = arith.constant 0 : i32
      %dma_wait3A_213 = arith.constant 0 : i32
      %dma_wait3A_214 = tpu.memref_slice %arg8[%dma_wait3A_210, %dma_wait3A_212, %dma_wait3A_213] : memref<2x128x128xf32, #tpu.memory_space<vmem>> -> memref<1x128x128xf32, #tpu.memory_space<vmem>>
      %dma_wait3A_215 = tpu.memref_squeeze %dma_wait3A_214 : memref<1x128x128xf32, #tpu.memory_space<vmem>> -> memref<128x128xf32, #tpu.memory_space<vmem>>
      %dma_wait3A_216 = arith.constant 0 : i32
      %dma_wait3A_217 = tpu.memref_slice %arg7[%dma_wait3A_211, %dma_wait3A_216] : memref<16x128xi32, #tpu.memory_space<vmem>> -> memref<1x128xi32, #tpu.memory_space<vmem>>
      %dma_wait3A_218 = tpu.memref_squeeze %dma_wait3A_217 : memref<1x128xi32, #tpu.memory_space<vmem>> -> memref<128xi32, #tpu.memory_space<vmem>>
      %dma_wait3A_219 = arith.constant 0 : i32
      %dma_wait3A_220 = arith.constant 0 : i32
      %dma_wait3A_221 = tpu.memref_slice %arg10[%dma_wait3A_219, %dma_wait3A_220] : memref<10240x128xf32, #tpu.memory_space<vmem_shared>> -> memref<10240x128xf32, #tpu.memory_space<vmem_shared>>
      tpu.wait_indirect_dma semaphore(%arg13 : memref<!tpu.dma_semaphore, #tpu.memory_space<semaphore_mem>>) src(%dma_wait3A_215 : memref<128x128xf32, #tpu.memory_space<vmem>>) dst(%dma_wait3A_221 : memref<10240x128xf32, #tpu.memory_space<vmem_shared>>)
      %dma_start3A_222 = arith.constant 2 : i32
      %dma_start3A_223 = arith.constant 0 : i32
      %dma_start3A_224 = arith.constant 0 : i32
      %dma_start3A_225 = arith.constant 0 : i32
      %dma_start3A_226 = tpu.memref_slice %arg8[%dma_start3A_223, %dma_start3A_224, %dma_start3A_225] : memref<2x128x128xf32, #tpu.memory_space<vmem>> -> memref<1x128x128xf32, #tpu.memory_space<vmem>>
      %dma_start3A_227 = tpu.memref_squeeze %dma_start3A_226 : memref<1x128x128xf32, #tpu.memory_space<vmem>> -> memref<128x128xf32, #tpu.memory_space<vmem>>
      %dma_start3A_228 = arith.constant 0 : i32
      %dma_start3A_229 = tpu.memref_slice %arg6[%dma_start3A_222, %dma_start3A_228] : memref<16x128xi32, #tpu.memory_space<vmem>> -> memref<1x128xi32, #tpu.memory_space<vmem>>
      %dma_start3A_230 = tpu.memref_squeeze %dma_start3A_229 : memref<1x128xi32, #tpu.memory_space<vmem>> -> memref<128xi32, #tpu.memory_space<vmem>>
      %dma_start3A_231 = arith.constant 0 : i32
      %dma_start3A_232 = arith.constant 0 : i32
      %dma_start3A_233 = tpu.memref_slice %arg2[%dma_start3A_231, %dma_start3A_232] : memref<10000x128xf32, #tpu.memory_space<hbm>> -> memref<10000x128xf32, #tpu.memory_space<hbm>>
      tpu.enqueue_indirect_dma source(%dma_start3A_233 : memref<10000x128xf32, #tpu.memory_space<hbm>>) target(%dma_start3A_227 : memref<128x128xf32, #tpu.memory_space<vmem>>) offsets(%dma_start3A_230 : memref<128xi32, #tpu.memory_space<vmem>>) semaphore(%arg11 : memref<!tpu.dma_semaphore, #tpu.memory_space<semaphore_mem>>)
      %dma_wait3A_234 = arith.constant 1 : i32
      %dma_wait3A_235 = arith.constant 1 : i32
      %dma_wait3A_236 = arith.constant 0 : i32
      %dma_wait3A_237 = arith.constant 0 : i32
      %dma_wait3A_238 = tpu.memref_slice %arg8[%dma_wait3A_235, %dma_wait3A_236, %dma_wait3A_237] : memref<2x128x128xf32, #tpu.memory_space<vmem>> -> memref<1x128x128xf32, #tpu.memory_space<vmem>>
      %dma_wait3A_239 = tpu.memref_squeeze %dma_wait3A_238 : memref<1x128x128xf32, #tpu.memory_space<vmem>> -> memref<128x128xf32, #tpu.memory_space<vmem>>
      %dma_wait3A_240 = arith.constant 0 : i32
      %dma_wait3A_241 = tpu.memref_slice %arg6[%dma_wait3A_234, %dma_wait3A_240] : memref<16x128xi32, #tpu.memory_space<vmem>> -> memref<1x128xi32, #tpu.memory_space<vmem>>
      %dma_wait3A_242 = tpu.memref_squeeze %dma_wait3A_241 : memref<1x128xi32, #tpu.memory_space<vmem>> -> memref<128xi32, #tpu.memory_space<vmem>>
      %dma_wait3A_243 = arith.constant 0 : i32
      %dma_wait3A_244 = arith.constant 0 : i32
      %dma_wait3A_245 = tpu.memref_slice %arg2[%dma_wait3A_243, %dma_wait3A_244] : memref<10000x128xf32, #tpu.memory_space<hbm>> -> memref<10000x128xf32, #tpu.memory_space<hbm>>
      tpu.wait_indirect_dma semaphore(%arg12 : memref<!tpu.dma_semaphore, #tpu.memory_space<semaphore_mem>>) src(%dma_wait3A_245 : memref<10000x128xf32, #tpu.memory_space<hbm>>) dst(%dma_wait3A_239 : memref<128x128xf32, #tpu.memory_space<vmem>>)
      %dma_start3A_246 = arith.constant 1 : i32
      %dma_start3A_247 = arith.constant 1 : i32
      %dma_start3A_248 = arith.constant 0 : i32
      %dma_start3A_249 = arith.constant 0 : i32
      %dma_start3A_250 = tpu.memref_slice %arg8[%dma_start3A_246, %dma_start3A_248, %dma_start3A_249] : memref<2x128x128xf32, #tpu.memory_space<vmem>> -> memref<1x128x128xf32, #tpu.memory_space<vmem>>
      %dma_start3A_251 = tpu.memref_squeeze %dma_start3A_250 : memref<1x128x128xf32, #tpu.memory_space<vmem>> -> memref<128x128xf32, #tpu.memory_space<vmem>>
      %dma_start3A_252 = arith.constant 0 : i32
      %dma_start3A_253 = tpu.memref_slice %arg7[%dma_start3A_247, %dma_start3A_252] : memref<16x128xi32, #tpu.memory_space<vmem>> -> memref<1x128xi32, #tpu.memory_space<vmem>>
      %dma_start3A_254 = tpu.memref_squeeze %dma_start3A_253 : memref<1x128xi32, #tpu.memory_space<vmem>> -> memref<128xi32, #tpu.memory_space<vmem>>
      %dma_start3A_255 = arith.constant 0 : i32
      %dma_start3A_256 = arith.constant 0 : i32
      %dma_start3A_257 = tpu.memref_slice %arg10[%dma_start3A_255, %dma_start3A_256] : memref<10240x128xf32, #tpu.memory_space<vmem_shared>> -> memref<10240x128xf32, #tpu.memory_space<vmem_shared>>
      tpu.enqueue_indirect_dma source(%dma_start3A_251 : memref<128x128xf32, #tpu.memory_space<vmem>>) target(%dma_start3A_257 : memref<10240x128xf32, #tpu.memory_space<vmem_shared>>) offsets(%dma_start3A_254 : memref<128xi32, #tpu.memory_space<vmem>>) semaphore(%arg14 : memref<!tpu.dma_semaphore, #tpu.memory_space<semaphore_mem>>) {add = true}
      %dma_wait3A_258 = arith.constant 1 : i32
      %dma_wait3A_259 = arith.constant 1 : i32
      %dma_wait3A_260 = arith.constant 0 : i32
      %dma_wait3A_261 = arith.constant 0 : i32
      %dma_wait3A_262 = tpu.memref_slice %arg8[%dma_wait3A_258, %dma_wait3A_260, %dma_wait3A_261] : memref<2x128x128xf32, #tpu.memory_space<vmem>> -> memref<1x128x128xf32, #tpu.memory_space<vmem>>
      %dma_wait3A_263 = tpu.memref_squeeze %dma_wait3A_262 : memref<1x128x128xf32, #tpu.memory_space<vmem>> -> memref<128x128xf32, #tpu.memory_space<vmem>>
      %dma_wait3A_264 = arith.constant 0 : i32
      %dma_wait3A_265 = tpu.memref_slice %arg7[%dma_wait3A_259, %dma_wait3A_264] : memref<16x128xi32, #tpu.memory_space<vmem>> -> memref<1x128xi32, #tpu.memory_space<vmem>>
      %dma_wait3A_266 = tpu.memref_squeeze %dma_wait3A_265 : memref<1x128xi32, #tpu.memory_space<vmem>> -> memref<128xi32, #tpu.memory_space<vmem>>
      %dma_wait3A_267 = arith.constant 0 : i32
      %dma_wait3A_268 = arith.constant 0 : i32
      %dma_wait3A_269 = tpu.memref_slice %arg10[%dma_wait3A_267, %dma_wait3A_268] : memref<10240x128xf32, #tpu.memory_space<vmem_shared>> -> memref<10240x128xf32, #tpu.memory_space<vmem_shared>>
      tpu.wait_indirect_dma semaphore(%arg14 : memref<!tpu.dma_semaphore, #tpu.memory_space<semaphore_mem>>) src(%dma_wait3A_263 : memref<128x128xf32, #tpu.memory_space<vmem>>) dst(%dma_wait3A_269 : memref<10240x128xf32, #tpu.memory_space<vmem_shared>>)
      %dma_start3A_270 = arith.constant 3 : i32
      %dma_start3A_271 = arith.constant 1 : i32
      %dma_start3A_272 = arith.constant 0 : i32
      %dma_start3A_273 = arith.constant 0 : i32
      %dma_start3A_274 = tpu.memref_slice %arg8[%dma_start3A_271, %dma_start3A_272, %dma_start3A_273] : memref<2x128x128xf32, #tpu.memory_space<vmem>> -> memref<1x128x128xf32, #tpu.memory_space<vmem>>
      %dma_start3A_275 = tpu.memref_squeeze %dma_start3A_274 : memref<1x128x128xf32, #tpu.memory_space<vmem>> -> memref<128x128xf32, #tpu.memory_space<vmem>>
      %dma_start3A_276 = arith.constant 0 : i32
      %dma_start3A_277 = tpu.memref_slice %arg6[%dma_start3A_270, %dma_start3A_276] : memref<16x128xi32, #tpu.memory_space<vmem>> -> memref<1x128xi32, #tpu.memory_space<vmem>>
      %dma_start3A_278 = tpu.memref_squeeze %dma_start3A_277 : memref<1x128xi32, #tpu.memory_space<vmem>> -> memref<128xi32, #tpu.memory_space<vmem>>
      %dma_start3A_279 = arith.constant 0 : i32
      %dma_start3A_280 = arith.constant 0 : i32
      %dma_start3A_281 = tpu.memref_slice %arg2[%dma_start3A_279, %dma_start3A_280] : memref<10000x128xf32, #tpu.memory_space<hbm>> -> memref<10000x128xf32, #tpu.memory_space<hbm>>
      tpu.enqueue_indirect_dma source(%dma_start3A_281 : memref<10000x128xf32, #tpu.memory_space<hbm>>) target(%dma_start3A_275 : memref<128x128xf32, #tpu.memory_space<vmem>>) offsets(%dma_start3A_278 : memref<128xi32, #tpu.memory_space<vmem>>) semaphore(%arg12 : memref<!tpu.dma_semaphore, #tpu.memory_space<semaphore_mem>>)
      %dma_wait3A_282 = arith.constant 2 : i32
      %dma_wait3A_283 = arith.constant 0 : i32
      %dma_wait3A_284 = arith.constant 0 : i32
      %dma_wait3A_285 = arith.constant 0 : i32
      %dma_wait3A_286 = tpu.memref_slice %arg8[%dma_wait3A_283, %dma_wait3A_284, %dma_wait3A_285] : memref<2x128x128xf32, #tpu.memory_space<vmem>> -> memref<1x128x128xf32, #tpu.memory_space<vmem>>
      %dma_wait3A_287 = tpu.memref_squeeze %dma_wait3A_286 : memref<1x128x128xf32, #tpu.memory_space<vmem>> -> memref<128x128xf32, #tpu.memory_space<vmem>>
      %dma_wait3A_288 = arith.constant 0 : i32
      %dma_wait3A_289 = tpu.memref_slice %arg6[%dma_wait3A_282, %dma_wait3A_288] : memref<16x128xi32, #tpu.memory_space<vmem>> -> memref<1x128xi32, #tpu.memory_space<vmem>>
      %dma_wait3A_290 = tpu.memref_squeeze %dma_wait3A_289 : memref<1x128xi32, #tpu.memory_space<vmem>> -> memref<128xi32, #tpu.memory_space<vmem>>
      %dma_wait3A_291 = arith.constant 0 : i32
      %dma_wait3A_292 = arith.constant 0 : i32
      %dma_wait3A_293 = tpu.memref_slice %arg2[%dma_wait3A_291, %dma_wait3A_292] : memref<10000x128xf32, #tpu.memory_space<hbm>> -> memref<10000x128xf32, #tpu.memory_space<hbm>>
      tpu.wait_indirect_dma semaphore(%arg11 : memref<!tpu.dma_semaphore, #tpu.memory_space<semaphore_mem>>) src(%dma_wait3A_293 : memref<10000x128xf32, #tpu.memory_space<hbm>>) dst(%dma_wait3A_287 : memref<128x128xf32, #tpu.memory_space<vmem>>)
      %dma_start3A_294 = arith.constant 0 : i32
      %dma_start3A_295 = arith.constant 2 : i32
      %dma_start3A_296 = arith.constant 0 : i32
      %dma_start3A_297 = arith.constant 0 : i32
      %dma_start3A_298 = tpu.memref_slice %arg8[%dma_start3A_294, %dma_start3A_296, %dma_start3A_297] : memref<2x128x128xf32, #tpu.memory_space<vmem>> -> memref<1x128x128xf32, #tpu.memory_space<vmem>>
      %dma_start3A_299 = tpu.memref_squeeze %dma_start3A_298 : memref<1x128x128xf32, #tpu.memory_space<vmem>> -> memref<128x128xf32, #tpu.memory_space<vmem>>
      %dma_start3A_300 = arith.constant 0 : i32
      %dma_start3A_301 = tpu.memref_slice %arg7[%dma_start3A_295, %dma_start3A_300] : memref<16x128xi32, #tpu.memory_space<vmem>> -> memref<1x128xi32, #tpu.memory_space<vmem>>
      %dma_start3A_302 = tpu.memref_squeeze %dma_start3A_301 : memref<1x128xi32, #tpu.memory_space<vmem>> -> memref<128xi32, #tpu.memory_space<vmem>>
      %dma_start3A_303 = arith.constant 0 : i32
      %dma_start3A_304 = arith.constant 0 : i32
      %dma_start3A_305 = tpu.memref_slice %arg10[%dma_start3A_303, %dma_start3A_304] : memref<10240x128xf32, #tpu.memory_space<vmem_shared>> -> memref<10240x128xf32, #tpu.memory_space<vmem_shared>>
      tpu.enqueue_indirect_dma source(%dma_start3A_299 : memref<128x128xf32, #tpu.memory_space<vmem>>) target(%dma_start3A_305 : memref<10240x128xf32, #tpu.memory_space<vmem_shared>>) offsets(%dma_start3A_302 : memref<128xi32, #tpu.memory_space<vmem>>) semaphore(%arg13 : memref<!tpu.dma_semaphore, #tpu.memory_space<semaphore_mem>>) {add = true}
      %dma_wait3A_306 = arith.constant 0 : i32
      %dma_wait3A_307 = arith.constant 2 : i32
      %dma_wait3A_308 = arith.constant 0 : i32
      %dma_wait3A_309 = arith.constant 0 : i32
      %dma_wait3A_310 = tpu.memref_slice %arg8[%dma_wait3A_306, %dma_wait3A_308, %dma_wait3A_309] : memref<2x128x128xf32, #tpu.memory_space<vmem>> -> memref<1x128x128xf32, #tpu.memory_space<vmem>>
      %dma_wait3A_311 = tpu.memref_squeeze %dma_wait3A_310 : memref<1x128x128xf32, #tpu.memory_space<vmem>> -> memref<128x128xf32, #tpu.memory_space<vmem>>
      %dma_wait3A_312 = arith.constant 0 : i32
      %dma_wait3A_313 = tpu.memref_slice %arg7[%dma_wait3A_307, %dma_wait3A_312] : memref<16x128xi32, #tpu.memory_space<vmem>> -> memref<1x128xi32, #tpu.memory_space<vmem>>
      %dma_wait3A_314 = tpu.memref_squeeze %dma_wait3A_313 : memref<1x128xi32, #tpu.memory_space<vmem>> -> memref<128xi32, #tpu.memory_space<vmem>>
      %dma_wait3A_315 = arith.constant 0 : i32
      %dma_wait3A_316 = arith.constant 0 : i32
      %dma_wait3A_317 = tpu.memref_slice %arg10[%dma_wait3A_315, %dma_wait3A_316] : memref<10240x128xf32, #tpu.memory_space<vmem_shared>> -> memref<10240x128xf32, #tpu.memory_space<vmem_shared>>
      tpu.wait_indirect_dma semaphore(%arg13 : memref<!tpu.dma_semaphore, #tpu.memory_space<semaphore_mem>>) src(%dma_wait3A_311 : memref<128x128xf32, #tpu.memory_space<vmem>>) dst(%dma_wait3A_317 : memref<10240x128xf32, #tpu.memory_space<vmem_shared>>)
      %dma_start3A_318 = arith.constant 4 : i32
      %dma_start3A_319 = arith.constant 0 : i32
      %dma_start3A_320 = arith.constant 0 : i32
      %dma_start3A_321 = arith.constant 0 : i32
      %dma_start3A_322 = tpu.memref_slice %arg8[%dma_start3A_319, %dma_start3A_320, %dma_start3A_321] : memref<2x128x128xf32, #tpu.memory_space<vmem>> -> memref<1x128x128xf32, #tpu.memory_space<vmem>>
      %dma_start3A_323 = tpu.memref_squeeze %dma_start3A_322 : memref<1x128x128xf32, #tpu.memory_space<vmem>> -> memref<128x128xf32, #tpu.memory_space<vmem>>
      %dma_start3A_324 = arith.constant 0 : i32
      %dma_start3A_325 = tpu.memref_slice %arg6[%dma_start3A_318, %dma_start3A_324] : memref<16x128xi32, #tpu.memory_space<vmem>> -> memref<1x128xi32, #tpu.memory_space<vmem>>
      %dma_start3A_326 = tpu.memref_squeeze %dma_start3A_325 : memref<1x128xi32, #tpu.memory_space<vmem>> -> memref<128xi32, #tpu.memory_space<vmem>>
      %dma_start3A_327 = arith.constant 0 : i32
      %dma_start3A_328 = arith.constant 0 : i32
      %dma_start3A_329 = tpu.memref_slice %arg2[%dma_start3A_327, %dma_start3A_328] : memref<10000x128xf32, #tpu.memory_space<hbm>> -> memref<10000x128xf32, #tpu.memory_space<hbm>>
      tpu.enqueue_indirect_dma source(%dma_start3A_329 : memref<10000x128xf32, #tpu.memory_space<hbm>>) target(%dma_start3A_323 : memref<128x128xf32, #tpu.memory_space<vmem>>) offsets(%dma_start3A_326 : memref<128xi32, #tpu.memory_space<vmem>>) semaphore(%arg11 : memref<!tpu.dma_semaphore, #tpu.memory_space<semaphore_mem>>)
      %dma_wait3A_330 = arith.constant 3 : i32
      %dma_wait3A_331 = arith.constant 1 : i32
      %dma_wait3A_332 = arith.constant 0 : i32
      %dma_wait3A_333 = arith.constant 0 : i32
      %dma_wait3A_334 = tpu.memref_slice %arg8[%dma_wait3A_331, %dma_wait3A_332, %dma_wait3A_333] : memref<2x128x128xf32, #tpu.memory_space<vmem>> -> memref<1x128x128xf32, #tpu.memory_space<vmem>>
      %dma_wait3A_335 = tpu.memref_squeeze %dma_wait3A_334 : memref<1x128x128xf32, #tpu.memory_space<vmem>> -> memref<128x128xf32, #tpu.memory_space<vmem>>
      %dma_wait3A_336 = arith.constant 0 : i32
      %dma_wait3A_337 = tpu.memref_slice %arg6[%dma_wait3A_330, %dma_wait3A_336] : memref<16x128xi32, #tpu.memory_space<vmem>> -> memref<1x128xi32, #tpu.memory_space<vmem>>
      %dma_wait3A_338 = tpu.memref_squeeze %dma_wait3A_337 : memref<1x128xi32, #tpu.memory_space<vmem>> -> memref<128xi32, #tpu.memory_space<vmem>>
      %dma_wait3A_339 = arith.constant 0 : i32
      %dma_wait3A_340 = arith.constant 0 : i32
      %dma_wait3A_341 = tpu.memref_slice %arg2[%dma_wait3A_339, %dma_wait3A_340] : memref<10000x128xf32, #tpu.memory_space<hbm>> -> memref<10000x128xf32, #tpu.memory_space<hbm>>
      tpu.wait_indirect_dma semaphore(%arg12 : memref<!tpu.dma_semaphore, #tpu.memory_space<semaphore_mem>>) src(%dma_wait3A_341 : memref<10000x128xf32, #tpu.memory_space<hbm>>) dst(%dma_wait3A_335 : memref<128x128xf32, #tpu.memory_space<vmem>>)
      %dma_start3A_342 = arith.constant 1 : i32
      %dma_start3A_343 = arith.constant 3 : i32
      %dma_start3A_344 = arith.constant 0 : i32
      %dma_start3A_345 = arith.constant 0 : i32
      %dma_start3A_346 = tpu.memref_slice %arg8[%dma_start3A_342, %dma_start3A_344, %dma_start3A_345] : memref<2x128x128xf32, #tpu.memory_space<vmem>> -> memref<1x128x128xf32, #tpu.memory_space<vmem>>
      %dma_start3A_347 = tpu.memref_squeeze %dma_start3A_346 : memref<1x128x128xf32, #tpu.memory_space<vmem>> -> memref<128x128xf32, #tpu.memory_space<vmem>>
      %dma_start3A_348 = arith.constant 0 : i32
      %dma_start3A_349 = tpu.memref_slice %arg7[%dma_start3A_343, %dma_start3A_348] : memref<16x128xi32, #tpu.memory_space<vmem>> -> memref<1x128xi32, #tpu.memory_space<vmem>>
      %dma_start3A_350 = tpu.memref_squeeze %dma_start3A_349 : memref<1x128xi32, #tpu.memory_space<vmem>> -> memref<128xi32, #tpu.memory_space<vmem>>
      %dma_start3A_351 = arith.constant 0 : i32
      %dma_start3A_352 = arith.constant 0 : i32
      %dma_start3A_353 = tpu.memref_slice %arg10[%dma_start3A_351, %dma_start3A_352] : memref<10240x128xf32, #tpu.memory_space<vmem_shared>> -> memref<10240x128xf32, #tpu.memory_space<vmem_shared>>
      tpu.enqueue_indirect_dma source(%dma_start3A_347 : memref<128x128xf32, #tpu.memory_space<vmem>>) target(%dma_start3A_353 : memref<10240x128xf32, #tpu.memory_space<vmem_shared>>) offsets(%dma_start3A_350 : memref<128xi32, #tpu.memory_space<vmem>>) semaphore(%arg14 : memref<!tpu.dma_semaphore, #tpu.memory_space<semaphore_mem>>) {add = true}
      %dma_wait3A_354 = arith.constant 1 : i32
      %dma_wait3A_355 = arith.constant 3 : i32
      %dma_wait3A_356 = arith.constant 0 : i32
      %dma_wait3A_357 = arith.constant 0 : i32
      %dma_wait3A_358 = tpu.memref_slice %arg8[%dma_wait3A_354, %dma_wait3A_356, %dma_wait3A_357] : memref<2x128x128xf32, #tpu.memory_space<vmem>> -> memref<1x128x128xf32, #tpu.memory_space<vmem>>
      %dma_wait3A_359 = tpu.memref_squeeze %dma_wait3A_358 : memref<1x128x128xf32, #tpu.memory_space<vmem>> -> memref<128x128xf32, #tpu.memory_space<vmem>>
      %dma_wait3A_360 = arith.constant 0 : i32
      %dma_wait3A_361 = tpu.memref_slice %arg7[%dma_wait3A_355, %dma_wait3A_360] : memref<16x128xi32, #tpu.memory_space<vmem>> -> memref<1x128xi32, #tpu.memory_space<vmem>>
      %dma_wait3A_362 = tpu.memref_squeeze %dma_wait3A_361 : memref<1x128xi32, #tpu.memory_space<vmem>> -> memref<128xi32, #tpu.memory_space<vmem>>
      %dma_wait3A_363 = arith.constant 0 : i32
      %dma_wait3A_364 = arith.constant 0 : i32
      %dma_wait3A_365 = tpu.memref_slice %arg10[%dma_wait3A_363, %dma_wait3A_364] : memref<10240x128xf32, #tpu.memory_space<vmem_shared>> -> memref<10240x128xf32, #tpu.memory_space<vmem_shared>>
      tpu.wait_indirect_dma semaphore(%arg14 : memref<!tpu.dma_semaphore, #tpu.memory_space<semaphore_mem>>) src(%dma_wait3A_359 : memref<128x128xf32, #tpu.memory_space<vmem>>) dst(%dma_wait3A_365 : memref<10240x128xf32, #tpu.memory_space<vmem_shared>>)
      %dma_start3A_366 = arith.constant 5 : i32
      %dma_start3A_367 = arith.constant 1 : i32
      %dma_start3A_368 = arith.constant 0 : i32
      %dma_start3A_369 = arith.constant 0 : i32
      %dma_start3A_370 = tpu.memref_slice %arg8[%dma_start3A_367, %dma_start3A_368, %dma_start3A_369] : memref<2x128x128xf32, #tpu.memory_space<vmem>> -> memref<1x128x128xf32, #tpu.memory_space<vmem>>
      %dma_start3A_371 = tpu.memref_squeeze %dma_start3A_370 : memref<1x128x128xf32, #tpu.memory_space<vmem>> -> memref<128x128xf32, #tpu.memory_space<vmem>>
      %dma_start3A_372 = arith.constant 0 : i32
      %dma_start3A_373 = tpu.memref_slice %arg6[%dma_start3A_366, %dma_start3A_372] : memref<16x128xi32, #tpu.memory_space<vmem>> -> memref<1x128xi32, #tpu.memory_space<vmem>>
      %dma_start3A_374 = tpu.memref_squeeze %dma_start3A_373 : memref<1x128xi32, #tpu.memory_space<vmem>> -> memref<128xi32, #tpu.memory_space<vmem>>
      %dma_start3A_375 = arith.constant 0 : i32
      %dma_start3A_376 = arith.constant 0 : i32
      %dma_start3A_377 = tpu.memref_slice %arg2[%dma_start3A_375, %dma_start3A_376] : memref<10000x128xf32, #tpu.memory_space<hbm>> -> memref<10000x128xf32, #tpu.memory_space<hbm>>
      tpu.enqueue_indirect_dma source(%dma_start3A_377 : memref<10000x128xf32, #tpu.memory_space<hbm>>) target(%dma_start3A_371 : memref<128x128xf32, #tpu.memory_space<vmem>>) offsets(%dma_start3A_374 : memref<128xi32, #tpu.memory_space<vmem>>) semaphore(%arg12 : memref<!tpu.dma_semaphore, #tpu.memory_space<semaphore_mem>>)
      %dma_wait3A_378 = arith.constant 4 : i32
      %dma_wait3A_379 = arith.constant 0 : i32
      %dma_wait3A_380 = arith.constant 0 : i32
      %dma_wait3A_381 = arith.constant 0 : i32
      %dma_wait3A_382 = tpu.memref_slice %arg8[%dma_wait3A_379, %dma_wait3A_380, %dma_wait3A_381] : memref<2x128x128xf32, #tpu.memory_space<vmem>> -> memref<1x128x128xf32, #tpu.memory_space<vmem>>
      %dma_wait3A_383 = tpu.memref_squeeze %dma_wait3A_382 : memref<1x128x128xf32, #tpu.memory_space<vmem>> -> memref<128x128xf32, #tpu.memory_space<vmem>>
      %dma_wait3A_384 = arith.constant 0 : i32
      %dma_wait3A_385 = tpu.memref_slice %arg6[%dma_wait3A_378, %dma_wait3A_384] : memref<16x128xi32, #tpu.memory_space<vmem>> -> memref<1x128xi32, #tpu.memory_space<vmem>>
      %dma_wait3A_386 = tpu.memref_squeeze %dma_wait3A_385 : memref<1x128xi32, #tpu.memory_space<vmem>> -> memref<128xi32, #tpu.memory_space<vmem>>
      %dma_wait3A_387 = arith.constant 0 : i32
      %dma_wait3A_388 = arith.constant 0 : i32
      %dma_wait3A_389 = tpu.memref_slice %arg2[%dma_wait3A_387, %dma_wait3A_388] : memref<10000x128xf32, #tpu.memory_space<hbm>> -> memref<10000x128xf32, #tpu.memory_space<hbm>>
      tpu.wait_indirect_dma semaphore(%arg11 : memref<!tpu.dma_semaphore, #tpu.memory_space<semaphore_mem>>) src(%dma_wait3A_389 : memref<10000x128xf32, #tpu.memory_space<hbm>>) dst(%dma_wait3A_383 : memref<128x128xf32, #tpu.memory_space<vmem>>)
      %dma_start3A_390 = arith.constant 0 : i32
      %dma_start3A_391 = arith.constant 4 : i32
      %dma_start3A_392 = arith.constant 0 : i32
      %dma_start3A_393 = arith.constant 0 : i32
      %dma_start3A_394 = tpu.memref_slice %arg8[%dma_start3A_390, %dma_start3A_392, %dma_start3A_393] : memref<2x128x128xf32, #tpu.memory_space<vmem>> -> memref<1x128x128xf32, #tpu.memory_space<vmem>>
      %dma_start3A_395 = tpu.memref_squeeze %dma_start3A_394 : memref<1x128x128xf32, #tpu.memory_space<vmem>> -> memref<128x128xf32, #tpu.memory_space<vmem>>
      %dma_start3A_396 = arith.constant 0 : i32
      %dma_start3A_397 = tpu.memref_slice %arg7[%dma_start3A_391, %dma_start3A_396] : memref<16x128xi32, #tpu.memory_space<vmem>> -> memref<1x128xi32, #tpu.memory_space<vmem>>
      %dma_start3A_398 = tpu.memref_squeeze %dma_start3A_397 : memref<1x128xi32, #tpu.memory_space<vmem>> -> memref<128xi32, #tpu.memory_space<vmem>>
      %dma_start3A_399 = arith.constant 0 : i32
      %dma_start3A_400 = arith.constant 0 : i32
      %dma_start3A_401 = tpu.memref_slice %arg10[%dma_start3A_399, %dma_start3A_400] : memref<10240x128xf32, #tpu.memory_space<vmem_shared>> -> memref<10240x128xf32, #tpu.memory_space<vmem_shared>>
      tpu.enqueue_indirect_dma source(%dma_start3A_395 : memref<128x128xf32, #tpu.memory_space<vmem>>) target(%dma_start3A_401 : memref<10240x128xf32, #tpu.memory_space<vmem_shared>>) offsets(%dma_start3A_398 : memref<128xi32, #tpu.memory_space<vmem>>) semaphore(%arg13 : memref<!tpu.dma_semaphore, #tpu.memory_space<semaphore_mem>>) {add = true}
      %dma_wait3A_402 = arith.constant 0 : i32
      %dma_wait3A_403 = arith.constant 4 : i32
      %dma_wait3A_404 = arith.constant 0 : i32
      %dma_wait3A_405 = arith.constant 0 : i32
      %dma_wait3A_406 = tpu.memref_slice %arg8[%dma_wait3A_402, %dma_wait3A_404, %dma_wait3A_405] : memref<2x128x128xf32, #tpu.memory_space<vmem>> -> memref<1x128x128xf32, #tpu.memory_space<vmem>>
      %dma_wait3A_407 = tpu.memref_squeeze %dma_wait3A_406 : memref<1x128x128xf32, #tpu.memory_space<vmem>> -> memref<128x128xf32, #tpu.memory_space<vmem>>
      %dma_wait3A_408 = arith.constant 0 : i32
      %dma_wait3A_409 = tpu.memref_slice %arg7[%dma_wait3A_403, %dma_wait3A_408] : memref<16x128xi32, #tpu.memory_space<vmem>> -> memref<1x128xi32, #tpu.memory_space<vmem>>
      %dma_wait3A_410 = tpu.memref_squeeze %dma_wait3A_409 : memref<1x128xi32, #tpu.memory_space<vmem>> -> memref<128xi32, #tpu.memory_space<vmem>>
      %dma_wait3A_411 = arith.constant 0 : i32
      %dma_wait3A_412 = arith.constant 0 : i32
      %dma_wait3A_413 = tpu.memref_slice %arg10[%dma_wait3A_411, %dma_wait3A_412] : memref<10240x128xf32, #tpu.memory_space<vmem_shared>> -> memref<10240x128xf32, #tpu.memory_space<vmem_shared>>
      tpu.wait_indirect_dma semaphore(%arg13 : memref<!tpu.dma_semaphore, #tpu.memory_space<semaphore_mem>>) src(%dma_wait3A_407 : memref<128x128xf32, #tpu.memory_space<vmem>>) dst(%dma_wait3A_413 : memref<10240x128xf32, #tpu.memory_space<vmem_shared>>)
      %dma_start3A_414 = arith.constant 6 : i32
      %dma_start3A_415 = arith.constant 0 : i32
      %dma_start3A_416 = arith.constant 0 : i32
      %dma_start3A_417 = arith.constant 0 : i32
      %dma_start3A_418 = tpu.memref_slice %arg8[%dma_start3A_415, %dma_start3A_416, %dma_start3A_417] : memref<2x128x128xf32, #tpu.memory_space<vmem>> -> memref<1x128x128xf32, #tpu.memory_space<vmem>>
      %dma_start3A_419 = tpu.memref_squeeze %dma_start3A_418 : memref<1x128x128xf32, #tpu.memory_space<vmem>> -> memref<128x128xf32, #tpu.memory_space<vmem>>
      %dma_start3A_420 = arith.constant 0 : i32
      %dma_start3A_421 = tpu.memref_slice %arg6[%dma_start3A_414, %dma_start3A_420] : memref<16x128xi32, #tpu.memory_space<vmem>> -> memref<1x128xi32, #tpu.memory_space<vmem>>
      %dma_start3A_422 = tpu.memref_squeeze %dma_start3A_421 : memref<1x128xi32, #tpu.memory_space<vmem>> -> memref<128xi32, #tpu.memory_space<vmem>>
      %dma_start3A_423 = arith.constant 0 : i32
      %dma_start3A_424 = arith.constant 0 : i32
      %dma_start3A_425 = tpu.memref_slice %arg2[%dma_start3A_423, %dma_start3A_424] : memref<10000x128xf32, #tpu.memory_space<hbm>> -> memref<10000x128xf32, #tpu.memory_space<hbm>>
      tpu.enqueue_indirect_dma source(%dma_start3A_425 : memref<10000x128xf32, #tpu.memory_space<hbm>>) target(%dma_start3A_419 : memref<128x128xf32, #tpu.memory_space<vmem>>) offsets(%dma_start3A_422 : memref<128xi32, #tpu.memory_space<vmem>>) semaphore(%arg11 : memref<!tpu.dma_semaphore, #tpu.memory_space<semaphore_mem>>)
      %dma_wait3A_426 = arith.constant 5 : i32
      %dma_wait3A_427 = arith.constant 1 : i32
      %dma_wait3A_428 = arith.constant 0 : i32
      %dma_wait3A_429 = arith.constant 0 : i32
      %dma_wait3A_430 = tpu.memref_slice %arg8[%dma_wait3A_427, %dma_wait3A_428, %dma_wait3A_429] : memref<2x128x128xf32, #tpu.memory_space<vmem>> -> memref<1x128x128xf32, #tpu.memory_space<vmem>>
      %dma_wait3A_431 = tpu.memref_squeeze %dma_wait3A_430 : memref<1x128x128xf32, #tpu.memory_space<vmem>> -> memref<128x128xf32, #tpu.memory_space<vmem>>
      %dma_wait3A_432 = arith.constant 0 : i32
      %dma_wait3A_433 = tpu.memref_slice %arg6[%dma_wait3A_426, %dma_wait3A_432] : memref<16x128xi32, #tpu.memory_space<vmem>> -> memref<1x128xi32, #tpu.memory_space<vmem>>
      %dma_wait3A_434 = tpu.memref_squeeze %dma_wait3A_433 : memref<1x128xi32, #tpu.memory_space<vmem>> -> memref<128xi32, #tpu.memory_space<vmem>>
      %dma_wait3A_435 = arith.constant 0 : i32
      %dma_wait3A_436 = arith.constant 0 : i32
      %dma_wait3A_437 = tpu.memref_slice %arg2[%dma_wait3A_435, %dma_wait3A_436] : memref<10000x128xf32, #tpu.memory_space<hbm>> -> memref<10000x128xf32, #tpu.memory_space<hbm>>
      tpu.wait_indirect_dma semaphore(%arg12 : memref<!tpu.dma_semaphore, #tpu.memory_space<semaphore_mem>>) src(%dma_wait3A_437 : memref<10000x128xf32, #tpu.memory_space<hbm>>) dst(%dma_wait3A_431 : memref<128x128xf32, #tpu.memory_space<vmem>>)
      %dma_start3A_438 = arith.constant 1 : i32
      %dma_start3A_439 = arith.constant 5 : i32
      %dma_start3A_440 = arith.constant 0 : i32
      %dma_start3A_441 = arith.constant 0 : i32
      %dma_start3A_442 = tpu.memref_slice %arg8[%dma_start3A_438, %dma_start3A_440, %dma_start3A_441] : memref<2x128x128xf32, #tpu.memory_space<vmem>> -> memref<1x128x128xf32, #tpu.memory_space<vmem>>
      %dma_start3A_443 = tpu.memref_squeeze %dma_start3A_442 : memref<1x128x128xf32, #tpu.memory_space<vmem>> -> memref<128x128xf32, #tpu.memory_space<vmem>>
      %dma_start3A_444 = arith.constant 0 : i32
      %dma_start3A_445 = tpu.memref_slice %arg7[%dma_start3A_439, %dma_start3A_444] : memref<16x128xi32, #tpu.memory_space<vmem>> -> memref<1x128xi32, #tpu.memory_space<vmem>>
      %dma_start3A_446 = tpu.memref_squeeze %dma_start3A_445 : memref<1x128xi32, #tpu.memory_space<vmem>> -> memref<128xi32, #tpu.memory_space<vmem>>
      %dma_start3A_447 = arith.constant 0 : i32
      %dma_start3A_448 = arith.constant 0 : i32
      %dma_start3A_449 = tpu.memref_slice %arg10[%dma_start3A_447, %dma_start3A_448] : memref<10240x128xf32, #tpu.memory_space<vmem_shared>> -> memref<10240x128xf32, #tpu.memory_space<vmem_shared>>
      tpu.enqueue_indirect_dma source(%dma_start3A_443 : memref<128x128xf32, #tpu.memory_space<vmem>>) target(%dma_start3A_449 : memref<10240x128xf32, #tpu.memory_space<vmem_shared>>) offsets(%dma_start3A_446 : memref<128xi32, #tpu.memory_space<vmem>>) semaphore(%arg14 : memref<!tpu.dma_semaphore, #tpu.memory_space<semaphore_mem>>) {add = true}
      %dma_wait3A_450 = arith.constant 1 : i32
      %dma_wait3A_451 = arith.constant 5 : i32
      %dma_wait3A_452 = arith.constant 0 : i32
      %dma_wait3A_453 = arith.constant 0 : i32
      %dma_wait3A_454 = tpu.memref_slice %arg8[%dma_wait3A_450, %dma_wait3A_452, %dma_wait3A_453] : memref<2x128x128xf32, #tpu.memory_space<vmem>> -> memref<1x128x128xf32, #tpu.memory_space<vmem>>
      %dma_wait3A_455 = tpu.memref_squeeze %dma_wait3A_454 : memref<1x128x128xf32, #tpu.memory_space<vmem>> -> memref<128x128xf32, #tpu.memory_space<vmem>>
      %dma_wait3A_456 = arith.constant 0 : i32
      %dma_wait3A_457 = tpu.memref_slice %arg7[%dma_wait3A_451, %dma_wait3A_456] : memref<16x128xi32, #tpu.memory_space<vmem>> -> memref<1x128xi32, #tpu.memory_space<vmem>>
      %dma_wait3A_458 = tpu.memref_squeeze %dma_wait3A_457 : memref<1x128xi32, #tpu.memory_space<vmem>> -> memref<128xi32, #tpu.memory_space<vmem>>
      %dma_wait3A_459 = arith.constant 0 : i32
      %dma_wait3A_460 = arith.constant 0 : i32
      %dma_wait3A_461 = tpu.memref_slice %arg10[%dma_wait3A_459, %dma_wait3A_460] : memref<10240x128xf32, #tpu.memory_space<vmem_shared>> -> memref<10240x128xf32, #tpu.memory_space<vmem_shared>>
      tpu.wait_indirect_dma semaphore(%arg14 : memref<!tpu.dma_semaphore, #tpu.memory_space<semaphore_mem>>) src(%dma_wait3A_455 : memref<128x128xf32, #tpu.memory_space<vmem>>) dst(%dma_wait3A_461 : memref<10240x128xf32, #tpu.memory_space<vmem_shared>>)
      %dma_start3A_462 = arith.constant 7 : i32
      %dma_start3A_463 = arith.constant 1 : i32
      %dma_start3A_464 = arith.constant 0 : i32
      %dma_start3A_465 = arith.constant 0 : i32
      %dma_start3A_466 = tpu.memref_slice %arg8[%dma_start3A_463, %dma_start3A_464, %dma_start3A_465] : memref<2x128x128xf32, #tpu.memory_space<vmem>> -> memref<1x128x128xf32, #tpu.memory_space<vmem>>
      %dma_start3A_467 = tpu.memref_squeeze %dma_start3A_466 : memref<1x128x128xf32, #tpu.memory_space<vmem>> -> memref<128x128xf32, #tpu.memory_space<vmem>>
      %dma_start3A_468 = arith.constant 0 : i32
      %dma_start3A_469 = tpu.memref_slice %arg6[%dma_start3A_462, %dma_start3A_468] : memref<16x128xi32, #tpu.memory_space<vmem>> -> memref<1x128xi32, #tpu.memory_space<vmem>>
      %dma_start3A_470 = tpu.memref_squeeze %dma_start3A_469 : memref<1x128xi32, #tpu.memory_space<vmem>> -> memref<128xi32, #tpu.memory_space<vmem>>
      %dma_start3A_471 = arith.constant 0 : i32
      %dma_start3A_472 = arith.constant 0 : i32
      %dma_start3A_473 = tpu.memref_slice %arg2[%dma_start3A_471, %dma_start3A_472] : memref<10000x128xf32, #tpu.memory_space<hbm>> -> memref<10000x128xf32, #tpu.memory_space<hbm>>
      tpu.enqueue_indirect_dma source(%dma_start3A_473 : memref<10000x128xf32, #tpu.memory_space<hbm>>) target(%dma_start3A_467 : memref<128x128xf32, #tpu.memory_space<vmem>>) offsets(%dma_start3A_470 : memref<128xi32, #tpu.memory_space<vmem>>) semaphore(%arg12 : memref<!tpu.dma_semaphore, #tpu.memory_space<semaphore_mem>>)
      %dma_wait3A_474 = arith.constant 6 : i32
      %dma_wait3A_475 = arith.constant 0 : i32
      %dma_wait3A_476 = arith.constant 0 : i32
      %dma_wait3A_477 = arith.constant 0 : i32
      %dma_wait3A_478 = tpu.memref_slice %arg8[%dma_wait3A_475, %dma_wait3A_476, %dma_wait3A_477] : memref<2x128x128xf32, #tpu.memory_space<vmem>> -> memref<1x128x128xf32, #tpu.memory_space<vmem>>
      %dma_wait3A_479 = tpu.memref_squeeze %dma_wait3A_478 : memref<1x128x128xf32, #tpu.memory_space<vmem>> -> memref<128x128xf32, #tpu.memory_space<vmem>>
      %dma_wait3A_480 = arith.constant 0 : i32
      %dma_wait3A_481 = tpu.memref_slice %arg6[%dma_wait3A_474, %dma_wait3A_480] : memref<16x128xi32, #tpu.memory_space<vmem>> -> memref<1x128xi32, #tpu.memory_space<vmem>>
      %dma_wait3A_482 = tpu.memref_squeeze %dma_wait3A_481 : memref<1x128xi32, #tpu.memory_space<vmem>> -> memref<128xi32, #tpu.memory_space<vmem>>
      %dma_wait3A_483 = arith.constant 0 : i32
      %dma_wait3A_484 = arith.constant 0 : i32
      %dma_wait3A_485 = tpu.memref_slice %arg2[%dma_wait3A_483, %dma_wait3A_484] : memref<10000x128xf32, #tpu.memory_space<hbm>> -> memref<10000x128xf32, #tpu.memory_space<hbm>>
      tpu.wait_indirect_dma semaphore(%arg11 : memref<!tpu.dma_semaphore, #tpu.memory_space<semaphore_mem>>) src(%dma_wait3A_485 : memref<10000x128xf32, #tpu.memory_space<hbm>>) dst(%dma_wait3A_479 : memref<128x128xf32, #tpu.memory_space<vmem>>)
      %dma_start3A_486 = arith.constant 0 : i32
      %dma_start3A_487 = arith.constant 6 : i32
      %dma_start3A_488 = arith.constant 0 : i32
      %dma_start3A_489 = arith.constant 0 : i32
      %dma_start3A_490 = tpu.memref_slice %arg8[%dma_start3A_486, %dma_start3A_488, %dma_start3A_489] : memref<2x128x128xf32, #tpu.memory_space<vmem>> -> memref<1x128x128xf32, #tpu.memory_space<vmem>>
      %dma_start3A_491 = tpu.memref_squeeze %dma_start3A_490 : memref<1x128x128xf32, #tpu.memory_space<vmem>> -> memref<128x128xf32, #tpu.memory_space<vmem>>
      %dma_start3A_492 = arith.constant 0 : i32
      %dma_start3A_493 = tpu.memref_slice %arg7[%dma_start3A_487, %dma_start3A_492] : memref<16x128xi32, #tpu.memory_space<vmem>> -> memref<1x128xi32, #tpu.memory_space<vmem>>
      %dma_start3A_494 = tpu.memref_squeeze %dma_start3A_493 : memref<1x128xi32, #tpu.memory_space<vmem>> -> memref<128xi32, #tpu.memory_space<vmem>>
      %dma_start3A_495 = arith.constant 0 : i32
      %dma_start3A_496 = arith.constant 0 : i32
      %dma_start3A_497 = tpu.memref_slice %arg10[%dma_start3A_495, %dma_start3A_496] : memref<10240x128xf32, #tpu.memory_space<vmem_shared>> -> memref<10240x128xf32, #tpu.memory_space<vmem_shared>>
      tpu.enqueue_indirect_dma source(%dma_start3A_491 : memref<128x128xf32, #tpu.memory_space<vmem>>) target(%dma_start3A_497 : memref<10240x128xf32, #tpu.memory_space<vmem_shared>>) offsets(%dma_start3A_494 : memref<128xi32, #tpu.memory_space<vmem>>) semaphore(%arg13 : memref<!tpu.dma_semaphore, #tpu.memory_space<semaphore_mem>>) {add = true}
      %dma_wait3A_498 = arith.constant 0 : i32
      %dma_wait3A_499 = arith.constant 6 : i32
      %dma_wait3A_500 = arith.constant 0 : i32
      %dma_wait3A_501 = arith.constant 0 : i32
      %dma_wait3A_502 = tpu.memref_slice %arg8[%dma_wait3A_498, %dma_wait3A_500, %dma_wait3A_501] : memref<2x128x128xf32, #tpu.memory_space<vmem>> -> memref<1x128x128xf32, #tpu.memory_space<vmem>>
      %dma_wait3A_503 = tpu.memref_squeeze %dma_wait3A_502 : memref<1x128x128xf32, #tpu.memory_space<vmem>> -> memref<128x128xf32, #tpu.memory_space<vmem>>
      %dma_wait3A_504 = arith.constant 0 : i32
      %dma_wait3A_505 = tpu.memref_slice %arg7[%dma_wait3A_499, %dma_wait3A_504] : memref<16x128xi32, #tpu.memory_space<vmem>> -> memref<1x128xi32, #tpu.memory_space<vmem>>
      %dma_wait3A_506 = tpu.memref_squeeze %dma_wait3A_505 : memref<1x128xi32, #tpu.memory_space<vmem>> -> memref<128xi32, #tpu.memory_space<vmem>>
      %dma_wait3A_507 = arith.constant 0 : i32
      %dma_wait3A_508 = arith.constant 0 : i32
      %dma_wait3A_509 = tpu.memref_slice %arg10[%dma_wait3A_507, %dma_wait3A_508] : memref<10240x128xf32, #tpu.memory_space<vmem_shared>> -> memref<10240x128xf32, #tpu.memory_space<vmem_shared>>
      tpu.wait_indirect_dma semaphore(%arg13 : memref<!tpu.dma_semaphore, #tpu.memory_space<semaphore_mem>>) src(%dma_wait3A_503 : memref<128x128xf32, #tpu.memory_space<vmem>>) dst(%dma_wait3A_509 : memref<10240x128xf32, #tpu.memory_space<vmem_shared>>)
      %dma_start3A_510 = arith.constant 8 : i32
      %dma_start3A_511 = arith.constant 0 : i32
      %dma_start3A_512 = arith.constant 0 : i32
      %dma_start3A_513 = arith.constant 0 : i32
      %dma_start3A_514 = tpu.memref_slice %arg8[%dma_start3A_511, %dma_start3A_512, %dma_start3A_513] : memref<2x128x128xf32, #tpu.memory_space<vmem>> -> memref<1x128x128xf32, #tpu.memory_space<vmem>>
      %dma_start3A_515 = tpu.memref_squeeze %dma_start3A_514 : memref<1x128x128xf32, #tpu.memory_space<vmem>> -> memref<128x128xf32, #tpu.memory_space<vmem>>
      %dma_start3A_516 = arith.constant 0 : i32
      %dma_start3A_517 = tpu.memref_slice %arg6[%dma_start3A_510, %dma_start3A_516] : memref<16x128xi32, #tpu.memory_space<vmem>> -> memref<1x128xi32, #tpu.memory_space<vmem>>
      %dma_start3A_518 = tpu.memref_squeeze %dma_start3A_517 : memref<1x128xi32, #tpu.memory_space<vmem>> -> memref<128xi32, #tpu.memory_space<vmem>>
      %dma_start3A_519 = arith.constant 0 : i32
      %dma_start3A_520 = arith.constant 0 : i32
      %dma_start3A_521 = tpu.memref_slice %arg2[%dma_start3A_519, %dma_start3A_520] : memref<10000x128xf32, #tpu.memory_space<hbm>> -> memref<10000x128xf32, #tpu.memory_space<hbm>>
      tpu.enqueue_indirect_dma source(%dma_start3A_521 : memref<10000x128xf32, #tpu.memory_space<hbm>>) target(%dma_start3A_515 : memref<128x128xf32, #tpu.memory_space<vmem>>) offsets(%dma_start3A_518 : memref<128xi32, #tpu.memory_space<vmem>>) semaphore(%arg11 : memref<!tpu.dma_semaphore, #tpu.memory_space<semaphore_mem>>)
      %dma_wait3A_522 = arith.constant 7 : i32
      %dma_wait3A_523 = arith.constant 1 : i32
      %dma_wait3A_524 = arith.constant 0 : i32
      %dma_wait3A_525 = arith.constant 0 : i32
      %dma_wait3A_526 = tpu.memref_slice %arg8[%dma_wait3A_523, %dma_wait3A_524, %dma_wait3A_525] : memref<2x128x128xf32, #tpu.memory_space<vmem>> -> memref<1x128x128xf32, #tpu.memory_space<vmem>>
      %dma_wait3A_527 = tpu.memref_squeeze %dma_wait3A_526 : memref<1x128x128xf32, #tpu.memory_space<vmem>> -> memref<128x128xf32, #tpu.memory_space<vmem>>
      %dma_wait3A_528 = arith.constant 0 : i32
      %dma_wait3A_529 = tpu.memref_slice %arg6[%dma_wait3A_522, %dma_wait3A_528] : memref<16x128xi32, #tpu.memory_space<vmem>> -> memref<1x128xi32, #tpu.memory_space<vmem>>
      %dma_wait3A_530 = tpu.memref_squeeze %dma_wait3A_529 : memref<1x128xi32, #tpu.memory_space<vmem>> -> memref<128xi32, #tpu.memory_space<vmem>>
      %dma_wait3A_531 = arith.constant 0 : i32
      %dma_wait3A_532 = arith.constant 0 : i32
      %dma_wait3A_533 = tpu.memref_slice %arg2[%dma_wait3A_531, %dma_wait3A_532] : memref<10000x128xf32, #tpu.memory_space<hbm>> -> memref<10000x128xf32, #tpu.memory_space<hbm>>
      tpu.wait_indirect_dma semaphore(%arg12 : memref<!tpu.dma_semaphore, #tpu.memory_space<semaphore_mem>>) src(%dma_wait3A_533 : memref<10000x128xf32, #tpu.memory_space<hbm>>) dst(%dma_wait3A_527 : memref<128x128xf32, #tpu.memory_space<vmem>>)
      %dma_start3A_534 = arith.constant 1 : i32
      %dma_start3A_535 = arith.constant 7 : i32
      %dma_start3A_536 = arith.constant 0 : i32
      %dma_start3A_537 = arith.constant 0 : i32
      %dma_start3A_538 = tpu.memref_slice %arg8[%dma_start3A_534, %dma_start3A_536, %dma_start3A_537] : memref<2x128x128xf32, #tpu.memory_space<vmem>> -> memref<1x128x128xf32, #tpu.memory_space<vmem>>
      %dma_start3A_539 = tpu.memref_squeeze %dma_start3A_538 : memref<1x128x128xf32, #tpu.memory_space<vmem>> -> memref<128x128xf32, #tpu.memory_space<vmem>>
      %dma_start3A_540 = arith.constant 0 : i32
      %dma_start3A_541 = tpu.memref_slice %arg7[%dma_start3A_535, %dma_start3A_540] : memref<16x128xi32, #tpu.memory_space<vmem>> -> memref<1x128xi32, #tpu.memory_space<vmem>>
      %dma_start3A_542 = tpu.memref_squeeze %dma_start3A_541 : memref<1x128xi32, #tpu.memory_space<vmem>> -> memref<128xi32, #tpu.memory_space<vmem>>
      %dma_start3A_543 = arith.constant 0 : i32
      %dma_start3A_544 = arith.constant 0 : i32
      %dma_start3A_545 = tpu.memref_slice %arg10[%dma_start3A_543, %dma_start3A_544] : memref<10240x128xf32, #tpu.memory_space<vmem_shared>> -> memref<10240x128xf32, #tpu.memory_space<vmem_shared>>
      tpu.enqueue_indirect_dma source(%dma_start3A_539 : memref<128x128xf32, #tpu.memory_space<vmem>>) target(%dma_start3A_545 : memref<10240x128xf32, #tpu.memory_space<vmem_shared>>) offsets(%dma_start3A_542 : memref<128xi32, #tpu.memory_space<vmem>>) semaphore(%arg14 : memref<!tpu.dma_semaphore, #tpu.memory_space<semaphore_mem>>) {add = true}
      %dma_wait3A_546 = arith.constant 1 : i32
      %dma_wait3A_547 = arith.constant 7 : i32
      %dma_wait3A_548 = arith.constant 0 : i32
      %dma_wait3A_549 = arith.constant 0 : i32
      %dma_wait3A_550 = tpu.memref_slice %arg8[%dma_wait3A_546, %dma_wait3A_548, %dma_wait3A_549] : memref<2x128x128xf32, #tpu.memory_space<vmem>> -> memref<1x128x128xf32, #tpu.memory_space<vmem>>
      %dma_wait3A_551 = tpu.memref_squeeze %dma_wait3A_550 : memref<1x128x128xf32, #tpu.memory_space<vmem>> -> memref<128x128xf32, #tpu.memory_space<vmem>>
      %dma_wait3A_552 = arith.constant 0 : i32
      %dma_wait3A_553 = tpu.memref_slice %arg7[%dma_wait3A_547, %dma_wait3A_552] : memref<16x128xi32, #tpu.memory_space<vmem>> -> memref<1x128xi32, #tpu.memory_space<vmem>>
      %dma_wait3A_554 = tpu.memref_squeeze %dma_wait3A_553 : memref<1x128xi32, #tpu.memory_space<vmem>> -> memref<128xi32, #tpu.memory_space<vmem>>
      %dma_wait3A_555 = arith.constant 0 : i32
      %dma_wait3A_556 = arith.constant 0 : i32
      %dma_wait3A_557 = tpu.memref_slice %arg10[%dma_wait3A_555, %dma_wait3A_556] : memref<10240x128xf32, #tpu.memory_space<vmem_shared>> -> memref<10240x128xf32, #tpu.memory_space<vmem_shared>>
      tpu.wait_indirect_dma semaphore(%arg14 : memref<!tpu.dma_semaphore, #tpu.memory_space<semaphore_mem>>) src(%dma_wait3A_551 : memref<128x128xf32, #tpu.memory_space<vmem>>) dst(%dma_wait3A_557 : memref<10240x128xf32, #tpu.memory_space<vmem_shared>>)
      %dma_start3A_558 = arith.constant 9 : i32
      %dma_start3A_559 = arith.constant 1 : i32
      %dma_start3A_560 = arith.constant 0 : i32
      %dma_start3A_561 = arith.constant 0 : i32
      %dma_start3A_562 = tpu.memref_slice %arg8[%dma_start3A_559, %dma_start3A_560, %dma_start3A_561] : memref<2x128x128xf32, #tpu.memory_space<vmem>> -> memref<1x128x128xf32, #tpu.memory_space<vmem>>
      %dma_start3A_563 = tpu.memref_squeeze %dma_start3A_562 : memref<1x128x128xf32, #tpu.memory_space<vmem>> -> memref<128x128xf32, #tpu.memory_space<vmem>>
      %dma_start3A_564 = arith.constant 0 : i32
      %dma_start3A_565 = tpu.memref_slice %arg6[%dma_start3A_558, %dma_start3A_564] : memref<16x128xi32, #tpu.memory_space<vmem>> -> memref<1x128xi32, #tpu.memory_space<vmem>>
      %dma_start3A_566 = tpu.memref_squeeze %dma_start3A_565 : memref<1x128xi32, #tpu.memory_space<vmem>> -> memref<128xi32, #tpu.memory_space<vmem>>
      %dma_start3A_567 = arith.constant 0 : i32
      %dma_start3A_568 = arith.constant 0 : i32
      %dma_start3A_569 = tpu.memref_slice %arg2[%dma_start3A_567, %dma_start3A_568] : memref<10000x128xf32, #tpu.memory_space<hbm>> -> memref<10000x128xf32, #tpu.memory_space<hbm>>
      tpu.enqueue_indirect_dma source(%dma_start3A_569 : memref<10000x128xf32, #tpu.memory_space<hbm>>) target(%dma_start3A_563 : memref<128x128xf32, #tpu.memory_space<vmem>>) offsets(%dma_start3A_566 : memref<128xi32, #tpu.memory_space<vmem>>) semaphore(%arg12 : memref<!tpu.dma_semaphore, #tpu.memory_space<semaphore_mem>>)
      %dma_wait3A_570 = arith.constant 8 : i32
      %dma_wait3A_571 = arith.constant 0 : i32
      %dma_wait3A_572 = arith.constant 0 : i32
      %dma_wait3A_573 = arith.constant 0 : i32
      %dma_wait3A_574 = tpu.memref_slice %arg8[%dma_wait3A_571, %dma_wait3A_572, %dma_wait3A_573] : memref<2x128x128xf32, #tpu.memory_space<vmem>> -> memref<1x128x128xf32, #tpu.memory_space<vmem>>
      %dma_wait3A_575 = tpu.memref_squeeze %dma_wait3A_574 : memref<1x128x128xf32, #tpu.memory_space<vmem>> -> memref<128x128xf32, #tpu.memory_space<vmem>>
      %dma_wait3A_576 = arith.constant 0 : i32
      %dma_wait3A_577 = tpu.memref_slice %arg6[%dma_wait3A_570, %dma_wait3A_576] : memref<16x128xi32, #tpu.memory_space<vmem>> -> memref<1x128xi32, #tpu.memory_space<vmem>>
      %dma_wait3A_578 = tpu.memref_squeeze %dma_wait3A_577 : memref<1x128xi32, #tpu.memory_space<vmem>> -> memref<128xi32, #tpu.memory_space<vmem>>
      %dma_wait3A_579 = arith.constant 0 : i32
      %dma_wait3A_580 = arith.constant 0 : i32
      %dma_wait3A_581 = tpu.memref_slice %arg2[%dma_wait3A_579, %dma_wait3A_580] : memref<10000x128xf32, #tpu.memory_space<hbm>> -> memref<10000x128xf32, #tpu.memory_space<hbm>>
      tpu.wait_indirect_dma semaphore(%arg11 : memref<!tpu.dma_semaphore, #tpu.memory_space<semaphore_mem>>) src(%dma_wait3A_581 : memref<10000x128xf32, #tpu.memory_space<hbm>>) dst(%dma_wait3A_575 : memref<128x128xf32, #tpu.memory_space<vmem>>)
      %dma_start3A_582 = arith.constant 0 : i32
      %dma_start3A_583 = arith.constant 8 : i32
      %dma_start3A_584 = arith.constant 0 : i32
      %dma_start3A_585 = arith.constant 0 : i32
      %dma_start3A_586 = tpu.memref_slice %arg8[%dma_start3A_582, %dma_start3A_584, %dma_start3A_585] : memref<2x128x128xf32, #tpu.memory_space<vmem>> -> memref<1x128x128xf32, #tpu.memory_space<vmem>>
      %dma_start3A_587 = tpu.memref_squeeze %dma_start3A_586 : memref<1x128x128xf32, #tpu.memory_space<vmem>> -> memref<128x128xf32, #tpu.memory_space<vmem>>
      %dma_start3A_588 = arith.constant 0 : i32
      %dma_start3A_589 = tpu.memref_slice %arg7[%dma_start3A_583, %dma_start3A_588] : memref<16x128xi32, #tpu.memory_space<vmem>> -> memref<1x128xi32, #tpu.memory_space<vmem>>
      %dma_start3A_590 = tpu.memref_squeeze %dma_start3A_589 : memref<1x128xi32, #tpu.memory_space<vmem>> -> memref<128xi32, #tpu.memory_space<vmem>>
      %dma_start3A_591 = arith.constant 0 : i32
      %dma_start3A_592 = arith.constant 0 : i32
      %dma_start3A_593 = tpu.memref_slice %arg10[%dma_start3A_591, %dma_start3A_592] : memref<10240x128xf32, #tpu.memory_space<vmem_shared>> -> memref<10240x128xf32, #tpu.memory_space<vmem_shared>>
      tpu.enqueue_indirect_dma source(%dma_start3A_587 : memref<128x128xf32, #tpu.memory_space<vmem>>) target(%dma_start3A_593 : memref<10240x128xf32, #tpu.memory_space<vmem_shared>>) offsets(%dma_start3A_590 : memref<128xi32, #tpu.memory_space<vmem>>) semaphore(%arg13 : memref<!tpu.dma_semaphore, #tpu.memory_space<semaphore_mem>>) {add = true}
      %dma_wait3A_594 = arith.constant 0 : i32
      %dma_wait3A_595 = arith.constant 8 : i32
      %dma_wait3A_596 = arith.constant 0 : i32
      %dma_wait3A_597 = arith.constant 0 : i32
      %dma_wait3A_598 = tpu.memref_slice %arg8[%dma_wait3A_594, %dma_wait3A_596, %dma_wait3A_597] : memref<2x128x128xf32, #tpu.memory_space<vmem>> -> memref<1x128x128xf32, #tpu.memory_space<vmem>>
      %dma_wait3A_599 = tpu.memref_squeeze %dma_wait3A_598 : memref<1x128x128xf32, #tpu.memory_space<vmem>> -> memref<128x128xf32, #tpu.memory_space<vmem>>
      %dma_wait3A_600 = arith.constant 0 : i32
      %dma_wait3A_601 = tpu.memref_slice %arg7[%dma_wait3A_595, %dma_wait3A_600] : memref<16x128xi32, #tpu.memory_space<vmem>> -> memref<1x128xi32, #tpu.memory_space<vmem>>
      %dma_wait3A_602 = tpu.memref_squeeze %dma_wait3A_601 : memref<1x128xi32, #tpu.memory_space<vmem>> -> memref<128xi32, #tpu.memory_space<vmem>>
      %dma_wait3A_603 = arith.constant 0 : i32
      %dma_wait3A_604 = arith.constant 0 : i32
      %dma_wait3A_605 = tpu.memref_slice %arg10[%dma_wait3A_603, %dma_wait3A_604] : memref<10240x128xf32, #tpu.memory_space<vmem_shared>> -> memref<10240x128xf32, #tpu.memory_space<vmem_shared>>
      tpu.wait_indirect_dma semaphore(%arg13 : memref<!tpu.dma_semaphore, #tpu.memory_space<semaphore_mem>>) src(%dma_wait3A_599 : memref<128x128xf32, #tpu.memory_space<vmem>>) dst(%dma_wait3A_605 : memref<10240x128xf32, #tpu.memory_space<vmem_shared>>)
      %dma_start3A_606 = arith.constant 10 : i32
      %dma_start3A_607 = arith.constant 0 : i32
      %dma_start3A_608 = arith.constant 0 : i32
      %dma_start3A_609 = arith.constant 0 : i32
      %dma_start3A_610 = tpu.memref_slice %arg8[%dma_start3A_607, %dma_start3A_608, %dma_start3A_609] : memref<2x128x128xf32, #tpu.memory_space<vmem>> -> memref<1x128x128xf32, #tpu.memory_space<vmem>>
      %dma_start3A_611 = tpu.memref_squeeze %dma_start3A_610 : memref<1x128x128xf32, #tpu.memory_space<vmem>> -> memref<128x128xf32, #tpu.memory_space<vmem>>
      %dma_start3A_612 = arith.constant 0 : i32
      %dma_start3A_613 = tpu.memref_slice %arg6[%dma_start3A_606, %dma_start3A_612] : memref<16x128xi32, #tpu.memory_space<vmem>> -> memref<1x128xi32, #tpu.memory_space<vmem>>
      %dma_start3A_614 = tpu.memref_squeeze %dma_start3A_613 : memref<1x128xi32, #tpu.memory_space<vmem>> -> memref<128xi32, #tpu.memory_space<vmem>>
      %dma_start3A_615 = arith.constant 0 : i32
      %dma_start3A_616 = arith.constant 0 : i32
      %dma_start3A_617 = tpu.memref_slice %arg2[%dma_start3A_615, %dma_start3A_616] : memref<10000x128xf32, #tpu.memory_space<hbm>> -> memref<10000x128xf32, #tpu.memory_space<hbm>>
      tpu.enqueue_indirect_dma source(%dma_start3A_617 : memref<10000x128xf32, #tpu.memory_space<hbm>>) target(%dma_start3A_611 : memref<128x128xf32, #tpu.memory_space<vmem>>) offsets(%dma_start3A_614 : memref<128xi32, #tpu.memory_space<vmem>>) semaphore(%arg11 : memref<!tpu.dma_semaphore, #tpu.memory_space<semaphore_mem>>)
      %dma_wait3A_618 = arith.constant 9 : i32
      %dma_wait3A_619 = arith.constant 1 : i32
      %dma_wait3A_620 = arith.constant 0 : i32
      %dma_wait3A_621 = arith.constant 0 : i32
      %dma_wait3A_622 = tpu.memref_slice %arg8[%dma_wait3A_619, %dma_wait3A_620, %dma_wait3A_621] : memref<2x128x128xf32, #tpu.memory_space<vmem>> -> memref<1x128x128xf32, #tpu.memory_space<vmem>>
      %dma_wait3A_623 = tpu.memref_squeeze %dma_wait3A_622 : memref<1x128x128xf32, #tpu.memory_space<vmem>> -> memref<128x128xf32, #tpu.memory_space<vmem>>
      %dma_wait3A_624 = arith.constant 0 : i32
      %dma_wait3A_625 = tpu.memref_slice %arg6[%dma_wait3A_618, %dma_wait3A_624] : memref<16x128xi32, #tpu.memory_space<vmem>> -> memref<1x128xi32, #tpu.memory_space<vmem>>
      %dma_wait3A_626 = tpu.memref_squeeze %dma_wait3A_625 : memref<1x128xi32, #tpu.memory_space<vmem>> -> memref<128xi32, #tpu.memory_space<vmem>>
      %dma_wait3A_627 = arith.constant 0 : i32
      %dma_wait3A_628 = arith.constant 0 : i32
      %dma_wait3A_629 = tpu.memref_slice %arg2[%dma_wait3A_627, %dma_wait3A_628] : memref<10000x128xf32, #tpu.memory_space<hbm>> -> memref<10000x128xf32, #tpu.memory_space<hbm>>
      tpu.wait_indirect_dma semaphore(%arg12 : memref<!tpu.dma_semaphore, #tpu.memory_space<semaphore_mem>>) src(%dma_wait3A_629 : memref<10000x128xf32, #tpu.memory_space<hbm>>) dst(%dma_wait3A_623 : memref<128x128xf32, #tpu.memory_space<vmem>>)
      %dma_start3A_630 = arith.constant 1 : i32
      %dma_start3A_631 = arith.constant 9 : i32
      %dma_start3A_632 = arith.constant 0 : i32
      %dma_start3A_633 = arith.constant 0 : i32
      %dma_start3A_634 = tpu.memref_slice %arg8[%dma_start3A_630, %dma_start3A_632, %dma_start3A_633] : memref<2x128x128xf32, #tpu.memory_space<vmem>> -> memref<1x128x128xf32, #tpu.memory_space<vmem>>
      %dma_start3A_635 = tpu.memref_squeeze %dma_start3A_634 : memref<1x128x128xf32, #tpu.memory_space<vmem>> -> memref<128x128xf32, #tpu.memory_space<vmem>>
      %dma_start3A_636 = arith.constant 0 : i32
      %dma_start3A_637 = tpu.memref_slice %arg7[%dma_start3A_631, %dma_start3A_636] : memref<16x128xi32, #tpu.memory_space<vmem>> -> memref<1x128xi32, #tpu.memory_space<vmem>>
      %dma_start3A_638 = tpu.memref_squeeze %dma_start3A_637 : memref<1x128xi32, #tpu.memory_space<vmem>> -> memref<128xi32, #tpu.memory_space<vmem>>
      %dma_start3A_639 = arith.constant 0 : i32
      %dma_start3A_640 = arith.constant 0 : i32
      %dma_start3A_641 = tpu.memref_slice %arg10[%dma_start3A_639, %dma_start3A_640] : memref<10240x128xf32, #tpu.memory_space<vmem_shared>> -> memref<10240x128xf32, #tpu.memory_space<vmem_shared>>
      tpu.enqueue_indirect_dma source(%dma_start3A_635 : memref<128x128xf32, #tpu.memory_space<vmem>>) target(%dma_start3A_641 : memref<10240x128xf32, #tpu.memory_space<vmem_shared>>) offsets(%dma_start3A_638 : memref<128xi32, #tpu.memory_space<vmem>>) semaphore(%arg14 : memref<!tpu.dma_semaphore, #tpu.memory_space<semaphore_mem>>) {add = true}
      %dma_wait3A_642 = arith.constant 1 : i32
      %dma_wait3A_643 = arith.constant 9 : i32
      %dma_wait3A_644 = arith.constant 0 : i32
      %dma_wait3A_645 = arith.constant 0 : i32
      %dma_wait3A_646 = tpu.memref_slice %arg8[%dma_wait3A_642, %dma_wait3A_644, %dma_wait3A_645] : memref<2x128x128xf32, #tpu.memory_space<vmem>> -> memref<1x128x128xf32, #tpu.memory_space<vmem>>
      %dma_wait3A_647 = tpu.memref_squeeze %dma_wait3A_646 : memref<1x128x128xf32, #tpu.memory_space<vmem>> -> memref<128x128xf32, #tpu.memory_space<vmem>>
      %dma_wait3A_648 = arith.constant 0 : i32
      %dma_wait3A_649 = tpu.memref_slice %arg7[%dma_wait3A_643, %dma_wait3A_648] : memref<16x128xi32, #tpu.memory_space<vmem>> -> memref<1x128xi32, #tpu.memory_space<vmem>>
      %dma_wait3A_650 = tpu.memref_squeeze %dma_wait3A_649 : memref<1x128xi32, #tpu.memory_space<vmem>> -> memref<128xi32, #tpu.memory_space<vmem>>
      %dma_wait3A_651 = arith.constant 0 : i32
      %dma_wait3A_652 = arith.constant 0 : i32
      %dma_wait3A_653 = tpu.memref_slice %arg10[%dma_wait3A_651, %dma_wait3A_652] : memref<10240x128xf32, #tpu.memory_space<vmem_shared>> -> memref<10240x128xf32, #tpu.memory_space<vmem_shared>>
      tpu.wait_indirect_dma semaphore(%arg14 : memref<!tpu.dma_semaphore, #tpu.memory_space<semaphore_mem>>) src(%dma_wait3A_647 : memref<128x128xf32, #tpu.memory_space<vmem>>) dst(%dma_wait3A_653 : memref<10240x128xf32, #tpu.memory_space<vmem_shared>>)
      %dma_start3A_654 = arith.constant 11 : i32
      %dma_start3A_655 = arith.constant 1 : i32
      %dma_start3A_656 = arith.constant 0 : i32
      %dma_start3A_657 = arith.constant 0 : i32
      %dma_start3A_658 = tpu.memref_slice %arg8[%dma_start3A_655, %dma_start3A_656, %dma_start3A_657] : memref<2x128x128xf32, #tpu.memory_space<vmem>> -> memref<1x128x128xf32, #tpu.memory_space<vmem>>
      %dma_start3A_659 = tpu.memref_squeeze %dma_start3A_658 : memref<1x128x128xf32, #tpu.memory_space<vmem>> -> memref<128x128xf32, #tpu.memory_space<vmem>>
      %dma_start3A_660 = arith.constant 0 : i32
      %dma_start3A_661 = tpu.memref_slice %arg6[%dma_start3A_654, %dma_start3A_660] : memref<16x128xi32, #tpu.memory_space<vmem>> -> memref<1x128xi32, #tpu.memory_space<vmem>>
      %dma_start3A_662 = tpu.memref_squeeze %dma_start3A_661 : memref<1x128xi32, #tpu.memory_space<vmem>> -> memref<128xi32, #tpu.memory_space<vmem>>
      %dma_start3A_663 = arith.constant 0 : i32
      %dma_start3A_664 = arith.constant 0 : i32
      %dma_start3A_665 = tpu.memref_slice %arg2[%dma_start3A_663, %dma_start3A_664] : memref<10000x128xf32, #tpu.memory_space<hbm>> -> memref<10000x128xf32, #tpu.memory_space<hbm>>
      tpu.enqueue_indirect_dma source(%dma_start3A_665 : memref<10000x128xf32, #tpu.memory_space<hbm>>) target(%dma_start3A_659 : memref<128x128xf32, #tpu.memory_space<vmem>>) offsets(%dma_start3A_662 : memref<128xi32, #tpu.memory_space<vmem>>) semaphore(%arg12 : memref<!tpu.dma_semaphore, #tpu.memory_space<semaphore_mem>>)
      %dma_wait3A_666 = arith.constant 10 : i32
      %dma_wait3A_667 = arith.constant 0 : i32
      %dma_wait3A_668 = arith.constant 0 : i32
      %dma_wait3A_669 = arith.constant 0 : i32
      %dma_wait3A_670 = tpu.memref_slice %arg8[%dma_wait3A_667, %dma_wait3A_668, %dma_wait3A_669] : memref<2x128x128xf32, #tpu.memory_space<vmem>> -> memref<1x128x128xf32, #tpu.memory_space<vmem>>
      %dma_wait3A_671 = tpu.memref_squeeze %dma_wait3A_670 : memref<1x128x128xf32, #tpu.memory_space<vmem>> -> memref<128x128xf32, #tpu.memory_space<vmem>>
      %dma_wait3A_672 = arith.constant 0 : i32
      %dma_wait3A_673 = tpu.memref_slice %arg6[%dma_wait3A_666, %dma_wait3A_672] : memref<16x128xi32, #tpu.memory_space<vmem>> -> memref<1x128xi32, #tpu.memory_space<vmem>>
      %dma_wait3A_674 = tpu.memref_squeeze %dma_wait3A_673 : memref<1x128xi32, #tpu.memory_space<vmem>> -> memref<128xi32, #tpu.memory_space<vmem>>
      %dma_wait3A_675 = arith.constant 0 : i32
      %dma_wait3A_676 = arith.constant 0 : i32
      %dma_wait3A_677 = tpu.memref_slice %arg2[%dma_wait3A_675, %dma_wait3A_676] : memref<10000x128xf32, #tpu.memory_space<hbm>> -> memref<10000x128xf32, #tpu.memory_space<hbm>>
      tpu.wait_indirect_dma semaphore(%arg11 : memref<!tpu.dma_semaphore, #tpu.memory_space<semaphore_mem>>) src(%dma_wait3A_677 : memref<10000x128xf32, #tpu.memory_space<hbm>>) dst(%dma_wait3A_671 : memref<128x128xf32, #tpu.memory_space<vmem>>)
      %dma_start3A_678 = arith.constant 0 : i32
      %dma_start3A_679 = arith.constant 10 : i32
      %dma_start3A_680 = arith.constant 0 : i32
      %dma_start3A_681 = arith.constant 0 : i32
      %dma_start3A_682 = tpu.memref_slice %arg8[%dma_start3A_678, %dma_start3A_680, %dma_start3A_681] : memref<2x128x128xf32, #tpu.memory_space<vmem>> -> memref<1x128x128xf32, #tpu.memory_space<vmem>>
      %dma_start3A_683 = tpu.memref_squeeze %dma_start3A_682 : memref<1x128x128xf32, #tpu.memory_space<vmem>> -> memref<128x128xf32, #tpu.memory_space<vmem>>
      %dma_start3A_684 = arith.constant 0 : i32
      %dma_start3A_685 = tpu.memref_slice %arg7[%dma_start3A_679, %dma_start3A_684] : memref<16x128xi32, #tpu.memory_space<vmem>> -> memref<1x128xi32, #tpu.memory_space<vmem>>
      %dma_start3A_686 = tpu.memref_squeeze %dma_start3A_685 : memref<1x128xi32, #tpu.memory_space<vmem>> -> memref<128xi32, #tpu.memory_space<vmem>>
      %dma_start3A_687 = arith.constant 0 : i32
      %dma_start3A_688 = arith.constant 0 : i32
      %dma_start3A_689 = tpu.memref_slice %arg10[%dma_start3A_687, %dma_start3A_688] : memref<10240x128xf32, #tpu.memory_space<vmem_shared>> -> memref<10240x128xf32, #tpu.memory_space<vmem_shared>>
      tpu.enqueue_indirect_dma source(%dma_start3A_683 : memref<128x128xf32, #tpu.memory_space<vmem>>) target(%dma_start3A_689 : memref<10240x128xf32, #tpu.memory_space<vmem_shared>>) offsets(%dma_start3A_686 : memref<128xi32, #tpu.memory_space<vmem>>) semaphore(%arg13 : memref<!tpu.dma_semaphore, #tpu.memory_space<semaphore_mem>>) {add = true}
      %dma_wait3A_690 = arith.constant 0 : i32
      %dma_wait3A_691 = arith.constant 10 : i32
      %dma_wait3A_692 = arith.constant 0 : i32
      %dma_wait3A_693 = arith.constant 0 : i32
      %dma_wait3A_694 = tpu.memref_slice %arg8[%dma_wait3A_690, %dma_wait3A_692, %dma_wait3A_693] : memref<2x128x128xf32, #tpu.memory_space<vmem>> -> memref<1x128x128xf32, #tpu.memory_space<vmem>>
      %dma_wait3A_695 = tpu.memref_squeeze %dma_wait3A_694 : memref<1x128x128xf32, #tpu.memory_space<vmem>> -> memref<128x128xf32, #tpu.memory_space<vmem>>
      %dma_wait3A_696 = arith.constant 0 : i32
      %dma_wait3A_697 = tpu.memref_slice %arg7[%dma_wait3A_691, %dma_wait3A_696] : memref<16x128xi32, #tpu.memory_space<vmem>> -> memref<1x128xi32, #tpu.memory_space<vmem>>
      %dma_wait3A_698 = tpu.memref_squeeze %dma_wait3A_697 : memref<1x128xi32, #tpu.memory_space<vmem>> -> memref<128xi32, #tpu.memory_space<vmem>>
      %dma_wait3A_699 = arith.constant 0 : i32
      %dma_wait3A_700 = arith.constant 0 : i32
      %dma_wait3A_701 = tpu.memref_slice %arg10[%dma_wait3A_699, %dma_wait3A_700] : memref<10240x128xf32, #tpu.memory_space<vmem_shared>> -> memref<10240x128xf32, #tpu.memory_space<vmem_shared>>
      tpu.wait_indirect_dma semaphore(%arg13 : memref<!tpu.dma_semaphore, #tpu.memory_space<semaphore_mem>>) src(%dma_wait3A_695 : memref<128x128xf32, #tpu.memory_space<vmem>>) dst(%dma_wait3A_701 : memref<10240x128xf32, #tpu.memory_space<vmem_shared>>)
      %dma_start3A_702 = arith.constant 12 : i32
      %dma_start3A_703 = arith.constant 0 : i32
      %dma_start3A_704 = arith.constant 0 : i32
      %dma_start3A_705 = arith.constant 0 : i32
      %dma_start3A_706 = tpu.memref_slice %arg8[%dma_start3A_703, %dma_start3A_704, %dma_start3A_705] : memref<2x128x128xf32, #tpu.memory_space<vmem>> -> memref<1x128x128xf32, #tpu.memory_space<vmem>>
      %dma_start3A_707 = tpu.memref_squeeze %dma_start3A_706 : memref<1x128x128xf32, #tpu.memory_space<vmem>> -> memref<128x128xf32, #tpu.memory_space<vmem>>
      %dma_start3A_708 = arith.constant 0 : i32
      %dma_start3A_709 = tpu.memref_slice %arg6[%dma_start3A_702, %dma_start3A_708] : memref<16x128xi32, #tpu.memory_space<vmem>> -> memref<1x128xi32, #tpu.memory_space<vmem>>
      %dma_start3A_710 = tpu.memref_squeeze %dma_start3A_709 : memref<1x128xi32, #tpu.memory_space<vmem>> -> memref<128xi32, #tpu.memory_space<vmem>>
      %dma_start3A_711 = arith.constant 0 : i32
      %dma_start3A_712 = arith.constant 0 : i32
      %dma_start3A_713 = tpu.memref_slice %arg2[%dma_start3A_711, %dma_start3A_712] : memref<10000x128xf32, #tpu.memory_space<hbm>> -> memref<10000x128xf32, #tpu.memory_space<hbm>>
      tpu.enqueue_indirect_dma source(%dma_start3A_713 : memref<10000x128xf32, #tpu.memory_space<hbm>>) target(%dma_start3A_707 : memref<128x128xf32, #tpu.memory_space<vmem>>) offsets(%dma_start3A_710 : memref<128xi32, #tpu.memory_space<vmem>>) semaphore(%arg11 : memref<!tpu.dma_semaphore, #tpu.memory_space<semaphore_mem>>)
      %dma_wait3A_714 = arith.constant 11 : i32
      %dma_wait3A_715 = arith.constant 1 : i32
      %dma_wait3A_716 = arith.constant 0 : i32
      %dma_wait3A_717 = arith.constant 0 : i32
      %dma_wait3A_718 = tpu.memref_slice %arg8[%dma_wait3A_715, %dma_wait3A_716, %dma_wait3A_717] : memref<2x128x128xf32, #tpu.memory_space<vmem>> -> memref<1x128x128xf32, #tpu.memory_space<vmem>>
      %dma_wait3A_719 = tpu.memref_squeeze %dma_wait3A_718 : memref<1x128x128xf32, #tpu.memory_space<vmem>> -> memref<128x128xf32, #tpu.memory_space<vmem>>
      %dma_wait3A_720 = arith.constant 0 : i32
      %dma_wait3A_721 = tpu.memref_slice %arg6[%dma_wait3A_714, %dma_wait3A_720] : memref<16x128xi32, #tpu.memory_space<vmem>> -> memref<1x128xi32, #tpu.memory_space<vmem>>
      %dma_wait3A_722 = tpu.memref_squeeze %dma_wait3A_721 : memref<1x128xi32, #tpu.memory_space<vmem>> -> memref<128xi32, #tpu.memory_space<vmem>>
      %dma_wait3A_723 = arith.constant 0 : i32
      %dma_wait3A_724 = arith.constant 0 : i32
      %dma_wait3A_725 = tpu.memref_slice %arg2[%dma_wait3A_723, %dma_wait3A_724] : memref<10000x128xf32, #tpu.memory_space<hbm>> -> memref<10000x128xf32, #tpu.memory_space<hbm>>
      tpu.wait_indirect_dma semaphore(%arg12 : memref<!tpu.dma_semaphore, #tpu.memory_space<semaphore_mem>>) src(%dma_wait3A_725 : memref<10000x128xf32, #tpu.memory_space<hbm>>) dst(%dma_wait3A_719 : memref<128x128xf32, #tpu.memory_space<vmem>>)
      %dma_start3A_726 = arith.constant 1 : i32
      %dma_start3A_727 = arith.constant 11 : i32
      %dma_start3A_728 = arith.constant 0 : i32
      %dma_start3A_729 = arith.constant 0 : i32
      %dma_start3A_730 = tpu.memref_slice %arg8[%dma_start3A_726, %dma_start3A_728, %dma_start3A_729] : memref<2x128x128xf32, #tpu.memory_space<vmem>> -> memref<1x128x128xf32, #tpu.memory_space<vmem>>
      %dma_start3A_731 = tpu.memref_squeeze %dma_start3A_730 : memref<1x128x128xf32, #tpu.memory_space<vmem>> -> memref<128x128xf32, #tpu.memory_space<vmem>>
      %dma_start3A_732 = arith.constant 0 : i32
      %dma_start3A_733 = tpu.memref_slice %arg7[%dma_start3A_727, %dma_start3A_732] : memref<16x128xi32, #tpu.memory_space<vmem>> -> memref<1x128xi32, #tpu.memory_space<vmem>>
      %dma_start3A_734 = tpu.memref_squeeze %dma_start3A_733 : memref<1x128xi32, #tpu.memory_space<vmem>> -> memref<128xi32, #tpu.memory_space<vmem>>
      %dma_start3A_735 = arith.constant 0 : i32
      %dma_start3A_736 = arith.constant 0 : i32
      %dma_start3A_737 = tpu.memref_slice %arg10[%dma_start3A_735, %dma_start3A_736] : memref<10240x128xf32, #tpu.memory_space<vmem_shared>> -> memref<10240x128xf32, #tpu.memory_space<vmem_shared>>
      tpu.enqueue_indirect_dma source(%dma_start3A_731 : memref<128x128xf32, #tpu.memory_space<vmem>>) target(%dma_start3A_737 : memref<10240x128xf32, #tpu.memory_space<vmem_shared>>) offsets(%dma_start3A_734 : memref<128xi32, #tpu.memory_space<vmem>>) semaphore(%arg14 : memref<!tpu.dma_semaphore, #tpu.memory_space<semaphore_mem>>) {add = true}
      %dma_wait3A_738 = arith.constant 1 : i32
      %dma_wait3A_739 = arith.constant 11 : i32
      %dma_wait3A_740 = arith.constant 0 : i32
      %dma_wait3A_741 = arith.constant 0 : i32
      %dma_wait3A_742 = tpu.memref_slice %arg8[%dma_wait3A_738, %dma_wait3A_740, %dma_wait3A_741] : memref<2x128x128xf32, #tpu.memory_space<vmem>> -> memref<1x128x128xf32, #tpu.memory_space<vmem>>
      %dma_wait3A_743 = tpu.memref_squeeze %dma_wait3A_742 : memref<1x128x128xf32, #tpu.memory_space<vmem>> -> memref<128x128xf32, #tpu.memory_space<vmem>>
      %dma_wait3A_744 = arith.constant 0 : i32
      %dma_wait3A_745 = tpu.memref_slice %arg7[%dma_wait3A_739, %dma_wait3A_744] : memref<16x128xi32, #tpu.memory_space<vmem>> -> memref<1x128xi32, #tpu.memory_space<vmem>>
      %dma_wait3A_746 = tpu.memref_squeeze %dma_wait3A_745 : memref<1x128xi32, #tpu.memory_space<vmem>> -> memref<128xi32, #tpu.memory_space<vmem>>
      %dma_wait3A_747 = arith.constant 0 : i32
      %dma_wait3A_748 = arith.constant 0 : i32
      %dma_wait3A_749 = tpu.memref_slice %arg10[%dma_wait3A_747, %dma_wait3A_748] : memref<10240x128xf32, #tpu.memory_space<vmem_shared>> -> memref<10240x128xf32, #tpu.memory_space<vmem_shared>>
      tpu.wait_indirect_dma semaphore(%arg14 : memref<!tpu.dma_semaphore, #tpu.memory_space<semaphore_mem>>) src(%dma_wait3A_743 : memref<128x128xf32, #tpu.memory_space<vmem>>) dst(%dma_wait3A_749 : memref<10240x128xf32, #tpu.memory_space<vmem_shared>>)
      %dma_start3A_750 = arith.constant 13 : i32
      %dma_start3A_751 = arith.constant 1 : i32
      %dma_start3A_752 = arith.constant 0 : i32
      %dma_start3A_753 = arith.constant 0 : i32
      %dma_start3A_754 = tpu.memref_slice %arg8[%dma_start3A_751, %dma_start3A_752, %dma_start3A_753] : memref<2x128x128xf32, #tpu.memory_space<vmem>> -> memref<1x128x128xf32, #tpu.memory_space<vmem>>
      %dma_start3A_755 = tpu.memref_squeeze %dma_start3A_754 : memref<1x128x128xf32, #tpu.memory_space<vmem>> -> memref<128x128xf32, #tpu.memory_space<vmem>>
      %dma_start3A_756 = arith.constant 0 : i32
      %dma_start3A_757 = tpu.memref_slice %arg6[%dma_start3A_750, %dma_start3A_756] : memref<16x128xi32, #tpu.memory_space<vmem>> -> memref<1x128xi32, #tpu.memory_space<vmem>>
      %dma_start3A_758 = tpu.memref_squeeze %dma_start3A_757 : memref<1x128xi32, #tpu.memory_space<vmem>> -> memref<128xi32, #tpu.memory_space<vmem>>
      %dma_start3A_759 = arith.constant 0 : i32
      %dma_start3A_760 = arith.constant 0 : i32
      %dma_start3A_761 = tpu.memref_slice %arg2[%dma_start3A_759, %dma_start3A_760] : memref<10000x128xf32, #tpu.memory_space<hbm>> -> memref<10000x128xf32, #tpu.memory_space<hbm>>
      tpu.enqueue_indirect_dma source(%dma_start3A_761 : memref<10000x128xf32, #tpu.memory_space<hbm>>) target(%dma_start3A_755 : memref<128x128xf32, #tpu.memory_space<vmem>>) offsets(%dma_start3A_758 : memref<128xi32, #tpu.memory_space<vmem>>) semaphore(%arg12 : memref<!tpu.dma_semaphore, #tpu.memory_space<semaphore_mem>>)
      %dma_wait3A_762 = arith.constant 12 : i32
      %dma_wait3A_763 = arith.constant 0 : i32
      %dma_wait3A_764 = arith.constant 0 : i32
      %dma_wait3A_765 = arith.constant 0 : i32
      %dma_wait3A_766 = tpu.memref_slice %arg8[%dma_wait3A_763, %dma_wait3A_764, %dma_wait3A_765] : memref<2x128x128xf32, #tpu.memory_space<vmem>> -> memref<1x128x128xf32, #tpu.memory_space<vmem>>
      %dma_wait3A_767 = tpu.memref_squeeze %dma_wait3A_766 : memref<1x128x128xf32, #tpu.memory_space<vmem>> -> memref<128x128xf32, #tpu.memory_space<vmem>>
      %dma_wait3A_768 = arith.constant 0 : i32
      %dma_wait3A_769 = tpu.memref_slice %arg6[%dma_wait3A_762, %dma_wait3A_768] : memref<16x128xi32, #tpu.memory_space<vmem>> -> memref<1x128xi32, #tpu.memory_space<vmem>>
      %dma_wait3A_770 = tpu.memref_squeeze %dma_wait3A_769 : memref<1x128xi32, #tpu.memory_space<vmem>> -> memref<128xi32, #tpu.memory_space<vmem>>
      %dma_wait3A_771 = arith.constant 0 : i32
      %dma_wait3A_772 = arith.constant 0 : i32
      %dma_wait3A_773 = tpu.memref_slice %arg2[%dma_wait3A_771, %dma_wait3A_772] : memref<10000x128xf32, #tpu.memory_space<hbm>> -> memref<10000x128xf32, #tpu.memory_space<hbm>>
      tpu.wait_indirect_dma semaphore(%arg11 : memref<!tpu.dma_semaphore, #tpu.memory_space<semaphore_mem>>) src(%dma_wait3A_773 : memref<10000x128xf32, #tpu.memory_space<hbm>>) dst(%dma_wait3A_767 : memref<128x128xf32, #tpu.memory_space<vmem>>)
      %dma_start3A_774 = arith.constant 0 : i32
      %dma_start3A_775 = arith.constant 12 : i32
      %dma_start3A_776 = arith.constant 0 : i32
      %dma_start3A_777 = arith.constant 0 : i32
      %dma_start3A_778 = tpu.memref_slice %arg8[%dma_start3A_774, %dma_start3A_776, %dma_start3A_777] : memref<2x128x128xf32, #tpu.memory_space<vmem>> -> memref<1x128x128xf32, #tpu.memory_space<vmem>>
      %dma_start3A_779 = tpu.memref_squeeze %dma_start3A_778 : memref<1x128x128xf32, #tpu.memory_space<vmem>> -> memref<128x128xf32, #tpu.memory_space<vmem>>
      %dma_start3A_780 = arith.constant 0 : i32
      %dma_start3A_781 = tpu.memref_slice %arg7[%dma_start3A_775, %dma_start3A_780] : memref<16x128xi32, #tpu.memory_space<vmem>> -> memref<1x128xi32, #tpu.memory_space<vmem>>
      %dma_start3A_782 = tpu.memref_squeeze %dma_start3A_781 : memref<1x128xi32, #tpu.memory_space<vmem>> -> memref<128xi32, #tpu.memory_space<vmem>>
      %dma_start3A_783 = arith.constant 0 : i32
      %dma_start3A_784 = arith.constant 0 : i32
      %dma_start3A_785 = tpu.memref_slice %arg10[%dma_start3A_783, %dma_start3A_784] : memref<10240x128xf32, #tpu.memory_space<vmem_shared>> -> memref<10240x128xf32, #tpu.memory_space<vmem_shared>>
      tpu.enqueue_indirect_dma source(%dma_start3A_779 : memref<128x128xf32, #tpu.memory_space<vmem>>) target(%dma_start3A_785 : memref<10240x128xf32, #tpu.memory_space<vmem_shared>>) offsets(%dma_start3A_782 : memref<128xi32, #tpu.memory_space<vmem>>) semaphore(%arg13 : memref<!tpu.dma_semaphore, #tpu.memory_space<semaphore_mem>>) {add = true}
      %dma_wait3A_786 = arith.constant 0 : i32
      %dma_wait3A_787 = arith.constant 12 : i32
      %dma_wait3A_788 = arith.constant 0 : i32
      %dma_wait3A_789 = arith.constant 0 : i32
      %dma_wait3A_790 = tpu.memref_slice %arg8[%dma_wait3A_786, %dma_wait3A_788, %dma_wait3A_789] : memref<2x128x128xf32, #tpu.memory_space<vmem>> -> memref<1x128x128xf32, #tpu.memory_space<vmem>>
      %dma_wait3A_791 = tpu.memref_squeeze %dma_wait3A_790 : memref<1x128x128xf32, #tpu.memory_space<vmem>> -> memref<128x128xf32, #tpu.memory_space<vmem>>
      %dma_wait3A_792 = arith.constant 0 : i32
      %dma_wait3A_793 = tpu.memref_slice %arg7[%dma_wait3A_787, %dma_wait3A_792] : memref<16x128xi32, #tpu.memory_space<vmem>> -> memref<1x128xi32, #tpu.memory_space<vmem>>
      %dma_wait3A_794 = tpu.memref_squeeze %dma_wait3A_793 : memref<1x128xi32, #tpu.memory_space<vmem>> -> memref<128xi32, #tpu.memory_space<vmem>>
      %dma_wait3A_795 = arith.constant 0 : i32
      %dma_wait3A_796 = arith.constant 0 : i32
      %dma_wait3A_797 = tpu.memref_slice %arg10[%dma_wait3A_795, %dma_wait3A_796] : memref<10240x128xf32, #tpu.memory_space<vmem_shared>> -> memref<10240x128xf32, #tpu.memory_space<vmem_shared>>
      tpu.wait_indirect_dma semaphore(%arg13 : memref<!tpu.dma_semaphore, #tpu.memory_space<semaphore_mem>>) src(%dma_wait3A_791 : memref<128x128xf32, #tpu.memory_space<vmem>>) dst(%dma_wait3A_797 : memref<10240x128xf32, #tpu.memory_space<vmem_shared>>)
      %dma_start3A_798 = arith.constant 14 : i32
      %dma_start3A_799 = arith.constant 0 : i32
      %dma_start3A_800 = arith.constant 0 : i32
      %dma_start3A_801 = arith.constant 0 : i32
      %dma_start3A_802 = tpu.memref_slice %arg8[%dma_start3A_799, %dma_start3A_800, %dma_start3A_801] : memref<2x128x128xf32, #tpu.memory_space<vmem>> -> memref<1x128x128xf32, #tpu.memory_space<vmem>>
      %dma_start3A_803 = tpu.memref_squeeze %dma_start3A_802 : memref<1x128x128xf32, #tpu.memory_space<vmem>> -> memref<128x128xf32, #tpu.memory_space<vmem>>
      %dma_start3A_804 = arith.constant 0 : i32
      %dma_start3A_805 = tpu.memref_slice %arg6[%dma_start3A_798, %dma_start3A_804] : memref<16x128xi32, #tpu.memory_space<vmem>> -> memref<1x128xi32, #tpu.memory_space<vmem>>
      %dma_start3A_806 = tpu.memref_squeeze %dma_start3A_805 : memref<1x128xi32, #tpu.memory_space<vmem>> -> memref<128xi32, #tpu.memory_space<vmem>>
      %dma_start3A_807 = arith.constant 0 : i32
      %dma_start3A_808 = arith.constant 0 : i32
      %dma_start3A_809 = tpu.memref_slice %arg2[%dma_start3A_807, %dma_start3A_808] : memref<10000x128xf32, #tpu.memory_space<hbm>> -> memref<10000x128xf32, #tpu.memory_space<hbm>>
      tpu.enqueue_indirect_dma source(%dma_start3A_809 : memref<10000x128xf32, #tpu.memory_space<hbm>>) target(%dma_start3A_803 : memref<128x128xf32, #tpu.memory_space<vmem>>) offsets(%dma_start3A_806 : memref<128xi32, #tpu.memory_space<vmem>>) semaphore(%arg11 : memref<!tpu.dma_semaphore, #tpu.memory_space<semaphore_mem>>)
      %dma_wait3A_810 = arith.constant 13 : i32
      %dma_wait3A_811 = arith.constant 1 : i32
      %dma_wait3A_812 = arith.constant 0 : i32
      %dma_wait3A_813 = arith.constant 0 : i32
      %dma_wait3A_814 = tpu.memref_slice %arg8[%dma_wait3A_811, %dma_wait3A_812, %dma_wait3A_813] : memref<2x128x128xf32, #tpu.memory_space<vmem>> -> memref<1x128x128xf32, #tpu.memory_space<vmem>>
      %dma_wait3A_815 = tpu.memref_squeeze %dma_wait3A_814 : memref<1x128x128xf32, #tpu.memory_space<vmem>> -> memref<128x128xf32, #tpu.memory_space<vmem>>
      %dma_wait3A_816 = arith.constant 0 : i32
      %dma_wait3A_817 = tpu.memref_slice %arg6[%dma_wait3A_810, %dma_wait3A_816] : memref<16x128xi32, #tpu.memory_space<vmem>> -> memref<1x128xi32, #tpu.memory_space<vmem>>
      %dma_wait3A_818 = tpu.memref_squeeze %dma_wait3A_817 : memref<1x128xi32, #tpu.memory_space<vmem>> -> memref<128xi32, #tpu.memory_space<vmem>>
      %dma_wait3A_819 = arith.constant 0 : i32
      %dma_wait3A_820 = arith.constant 0 : i32
      %dma_wait3A_821 = tpu.memref_slice %arg2[%dma_wait3A_819, %dma_wait3A_820] : memref<10000x128xf32, #tpu.memory_space<hbm>> -> memref<10000x128xf32, #tpu.memory_space<hbm>>
      tpu.wait_indirect_dma semaphore(%arg12 : memref<!tpu.dma_semaphore, #tpu.memory_space<semaphore_mem>>) src(%dma_wait3A_821 : memref<10000x128xf32, #tpu.memory_space<hbm>>) dst(%dma_wait3A_815 : memref<128x128xf32, #tpu.memory_space<vmem>>)
      %dma_start3A_822 = arith.constant 1 : i32
      %dma_start3A_823 = arith.constant 13 : i32
      %dma_start3A_824 = arith.constant 0 : i32
      %dma_start3A_825 = arith.constant 0 : i32
      %dma_start3A_826 = tpu.memref_slice %arg8[%dma_start3A_822, %dma_start3A_824, %dma_start3A_825] : memref<2x128x128xf32, #tpu.memory_space<vmem>> -> memref<1x128x128xf32, #tpu.memory_space<vmem>>
      %dma_start3A_827 = tpu.memref_squeeze %dma_start3A_826 : memref<1x128x128xf32, #tpu.memory_space<vmem>> -> memref<128x128xf32, #tpu.memory_space<vmem>>
      %dma_start3A_828 = arith.constant 0 : i32
      %dma_start3A_829 = tpu.memref_slice %arg7[%dma_start3A_823, %dma_start3A_828] : memref<16x128xi32, #tpu.memory_space<vmem>> -> memref<1x128xi32, #tpu.memory_space<vmem>>
      %dma_start3A_830 = tpu.memref_squeeze %dma_start3A_829 : memref<1x128xi32, #tpu.memory_space<vmem>> -> memref<128xi32, #tpu.memory_space<vmem>>
      %dma_start3A_831 = arith.constant 0 : i32
      %dma_start3A_832 = arith.constant 0 : i32
      %dma_start3A_833 = tpu.memref_slice %arg10[%dma_start3A_831, %dma_start3A_832] : memref<10240x128xf32, #tpu.memory_space<vmem_shared>> -> memref<10240x128xf32, #tpu.memory_space<vmem_shared>>
      tpu.enqueue_indirect_dma source(%dma_start3A_827 : memref<128x128xf32, #tpu.memory_space<vmem>>) target(%dma_start3A_833 : memref<10240x128xf32, #tpu.memory_space<vmem_shared>>) offsets(%dma_start3A_830 : memref<128xi32, #tpu.memory_space<vmem>>) semaphore(%arg14 : memref<!tpu.dma_semaphore, #tpu.memory_space<semaphore_mem>>) {add = true}
      %dma_wait3A_834 = arith.constant 1 : i32
      %dma_wait3A_835 = arith.constant 13 : i32
      %dma_wait3A_836 = arith.constant 0 : i32
      %dma_wait3A_837 = arith.constant 0 : i32
      %dma_wait3A_838 = tpu.memref_slice %arg8[%dma_wait3A_834, %dma_wait3A_836, %dma_wait3A_837] : memref<2x128x128xf32, #tpu.memory_space<vmem>> -> memref<1x128x128xf32, #tpu.memory_space<vmem>>
      %dma_wait3A_839 = tpu.memref_squeeze %dma_wait3A_838 : memref<1x128x128xf32, #tpu.memory_space<vmem>> -> memref<128x128xf32, #tpu.memory_space<vmem>>
      %dma_wait3A_840 = arith.constant 0 : i32
      %dma_wait3A_841 = tpu.memref_slice %arg7[%dma_wait3A_835, %dma_wait3A_840] : memref<16x128xi32, #tpu.memory_space<vmem>> -> memref<1x128xi32, #tpu.memory_space<vmem>>
      %dma_wait3A_842 = tpu.memref_squeeze %dma_wait3A_841 : memref<1x128xi32, #tpu.memory_space<vmem>> -> memref<128xi32, #tpu.memory_space<vmem>>
      %dma_wait3A_843 = arith.constant 0 : i32
      %dma_wait3A_844 = arith.constant 0 : i32
      %dma_wait3A_845 = tpu.memref_slice %arg10[%dma_wait3A_843, %dma_wait3A_844] : memref<10240x128xf32, #tpu.memory_space<vmem_shared>> -> memref<10240x128xf32, #tpu.memory_space<vmem_shared>>
      tpu.wait_indirect_dma semaphore(%arg14 : memref<!tpu.dma_semaphore, #tpu.memory_space<semaphore_mem>>) src(%dma_wait3A_839 : memref<128x128xf32, #tpu.memory_space<vmem>>) dst(%dma_wait3A_845 : memref<10240x128xf32, #tpu.memory_space<vmem_shared>>)
      %dma_start3A_846 = arith.constant 15 : i32
      %dma_start3A_847 = arith.constant 1 : i32
      %dma_start3A_848 = arith.constant 0 : i32
      %dma_start3A_849 = arith.constant 0 : i32
      %dma_start3A_850 = tpu.memref_slice %arg8[%dma_start3A_847, %dma_start3A_848, %dma_start3A_849] : memref<2x128x128xf32, #tpu.memory_space<vmem>> -> memref<1x128x128xf32, #tpu.memory_space<vmem>>
      %dma_start3A_851 = tpu.memref_squeeze %dma_start3A_850 : memref<1x128x128xf32, #tpu.memory_space<vmem>> -> memref<128x128xf32, #tpu.memory_space<vmem>>
      %dma_start3A_852 = arith.constant 0 : i32
      %dma_start3A_853 = tpu.memref_slice %arg6[%dma_start3A_846, %dma_start3A_852] : memref<16x128xi32, #tpu.memory_space<vmem>> -> memref<1x128xi32, #tpu.memory_space<vmem>>
      %dma_start3A_854 = tpu.memref_squeeze %dma_start3A_853 : memref<1x128xi32, #tpu.memory_space<vmem>> -> memref<128xi32, #tpu.memory_space<vmem>>
      %dma_start3A_855 = arith.constant 0 : i32
      %dma_start3A_856 = arith.constant 0 : i32
      %dma_start3A_857 = tpu.memref_slice %arg2[%dma_start3A_855, %dma_start3A_856] : memref<10000x128xf32, #tpu.memory_space<hbm>> -> memref<10000x128xf32, #tpu.memory_space<hbm>>
      tpu.enqueue_indirect_dma source(%dma_start3A_857 : memref<10000x128xf32, #tpu.memory_space<hbm>>) target(%dma_start3A_851 : memref<128x128xf32, #tpu.memory_space<vmem>>) offsets(%dma_start3A_854 : memref<128xi32, #tpu.memory_space<vmem>>) semaphore(%arg12 : memref<!tpu.dma_semaphore, #tpu.memory_space<semaphore_mem>>)
      %dma_wait3A_858 = arith.constant 14 : i32
      %dma_wait3A_859 = arith.constant 0 : i32
      %dma_wait3A_860 = arith.constant 0 : i32
      %dma_wait3A_861 = arith.constant 0 : i32
      %dma_wait3A_862 = tpu.memref_slice %arg8[%dma_wait3A_859, %dma_wait3A_860, %dma_wait3A_861] : memref<2x128x128xf32, #tpu.memory_space<vmem>> -> memref<1x128x128xf32, #tpu.memory_space<vmem>>
      %dma_wait3A_863 = tpu.memref_squeeze %dma_wait3A_862 : memref<1x128x128xf32, #tpu.memory_space<vmem>> -> memref<128x128xf32, #tpu.memory_space<vmem>>
      %dma_wait3A_864 = arith.constant 0 : i32
      %dma_wait3A_865 = tpu.memref_slice %arg6[%dma_wait3A_858, %dma_wait3A_864] : memref<16x128xi32, #tpu.memory_space<vmem>> -> memref<1x128xi32, #tpu.memory_space<vmem>>
      %dma_wait3A_866 = tpu.memref_squeeze %dma_wait3A_865 : memref<1x128xi32, #tpu.memory_space<vmem>> -> memref<128xi32, #tpu.memory_space<vmem>>
      %dma_wait3A_867 = arith.constant 0 : i32
      %dma_wait3A_868 = arith.constant 0 : i32
      %dma_wait3A_869 = tpu.memref_slice %arg2[%dma_wait3A_867, %dma_wait3A_868] : memref<10000x128xf32, #tpu.memory_space<hbm>> -> memref<10000x128xf32, #tpu.memory_space<hbm>>
      tpu.wait_indirect_dma semaphore(%arg11 : memref<!tpu.dma_semaphore, #tpu.memory_space<semaphore_mem>>) src(%dma_wait3A_869 : memref<10000x128xf32, #tpu.memory_space<hbm>>) dst(%dma_wait3A_863 : memref<128x128xf32, #tpu.memory_space<vmem>>)
      %dma_start3A_870 = arith.constant 0 : i32
      %dma_start3A_871 = arith.constant 14 : i32
      %dma_start3A_872 = arith.constant 0 : i32
      %dma_start3A_873 = arith.constant 0 : i32
      %dma_start3A_874 = tpu.memref_slice %arg8[%dma_start3A_870, %dma_start3A_872, %dma_start3A_873] : memref<2x128x128xf32, #tpu.memory_space<vmem>> -> memref<1x128x128xf32, #tpu.memory_space<vmem>>
      %dma_start3A_875 = tpu.memref_squeeze %dma_start3A_874 : memref<1x128x128xf32, #tpu.memory_space<vmem>> -> memref<128x128xf32, #tpu.memory_space<vmem>>
      %dma_start3A_876 = arith.constant 0 : i32
      %dma_start3A_877 = tpu.memref_slice %arg7[%dma_start3A_871, %dma_start3A_876] : memref<16x128xi32, #tpu.memory_space<vmem>> -> memref<1x128xi32, #tpu.memory_space<vmem>>
      %dma_start3A_878 = tpu.memref_squeeze %dma_start3A_877 : memref<1x128xi32, #tpu.memory_space<vmem>> -> memref<128xi32, #tpu.memory_space<vmem>>
      %dma_start3A_879 = arith.constant 0 : i32
      %dma_start3A_880 = arith.constant 0 : i32
      %dma_start3A_881 = tpu.memref_slice %arg10[%dma_start3A_879, %dma_start3A_880] : memref<10240x128xf32, #tpu.memory_space<vmem_shared>> -> memref<10240x128xf32, #tpu.memory_space<vmem_shared>>
      tpu.enqueue_indirect_dma source(%dma_start3A_875 : memref<128x128xf32, #tpu.memory_space<vmem>>) target(%dma_start3A_881 : memref<10240x128xf32, #tpu.memory_space<vmem_shared>>) offsets(%dma_start3A_878 : memref<128xi32, #tpu.memory_space<vmem>>) semaphore(%arg13 : memref<!tpu.dma_semaphore, #tpu.memory_space<semaphore_mem>>) {add = true}
      %dma_wait3A_882 = arith.constant 15 : i32
      %dma_wait3A_883 = arith.constant 1 : i32
      %dma_wait3A_884 = arith.constant 0 : i32
      %dma_wait3A_885 = arith.constant 0 : i32
      %dma_wait3A_886 = tpu.memref_slice %arg8[%dma_wait3A_883, %dma_wait3A_884, %dma_wait3A_885] : memref<2x128x128xf32, #tpu.memory_space<vmem>> -> memref<1x128x128xf32, #tpu.memory_space<vmem>>
      %dma_wait3A_887 = tpu.memref_squeeze %dma_wait3A_886 : memref<1x128x128xf32, #tpu.memory_space<vmem>> -> memref<128x128xf32, #tpu.memory_space<vmem>>
      %dma_wait3A_888 = arith.constant 0 : i32
      %dma_wait3A_889 = tpu.memref_slice %arg6[%dma_wait3A_882, %dma_wait3A_888] : memref<16x128xi32, #tpu.memory_space<vmem>> -> memref<1x128xi32, #tpu.memory_space<vmem>>
      %dma_wait3A_890 = tpu.memref_squeeze %dma_wait3A_889 : memref<1x128xi32, #tpu.memory_space<vmem>> -> memref<128xi32, #tpu.memory_space<vmem>>
      %dma_wait3A_891 = arith.constant 0 : i32
      %dma_wait3A_892 = arith.constant 0 : i32
      %dma_wait3A_893 = tpu.memref_slice %arg2[%dma_wait3A_891, %dma_wait3A_892] : memref<10000x128xf32, #tpu.memory_space<hbm>> -> memref<10000x128xf32, #tpu.memory_space<hbm>>
      tpu.wait_indirect_dma semaphore(%arg12 : memref<!tpu.dma_semaphore, #tpu.memory_space<semaphore_mem>>) src(%dma_wait3A_893 : memref<10000x128xf32, #tpu.memory_space<hbm>>) dst(%dma_wait3A_887 : memref<128x128xf32, #tpu.memory_space<vmem>>)
      %dma_start3A_894 = arith.constant 1 : i32
      %dma_start3A_895 = arith.constant 15 : i32
      %dma_start3A_896 = arith.constant 0 : i32
      %dma_start3A_897 = arith.constant 0 : i32
      %dma_start3A_898 = tpu.memref_slice %arg8[%dma_start3A_894, %dma_start3A_896, %dma_start3A_897] : memref<2x128x128xf32, #tpu.memory_space<vmem>> -> memref<1x128x128xf32, #tpu.memory_space<vmem>>
      %dma_start3A_899 = tpu.memref_squeeze %dma_start3A_898 : memref<1x128x128xf32, #tpu.memory_space<vmem>> -> memref<128x128xf32, #tpu.memory_space<vmem>>
      %dma_start3A_900 = arith.constant 0 : i32
      %dma_start3A_901 = tpu.memref_slice %arg7[%dma_start3A_895, %dma_start3A_900] : memref<16x128xi32, #tpu.memory_space<vmem>> -> memref<1x128xi32, #tpu.memory_space<vmem>>
      %dma_start3A_902 = tpu.memref_squeeze %dma_start3A_901 : memref<1x128xi32, #tpu.memory_space<vmem>> -> memref<128xi32, #tpu.memory_space<vmem>>
      %dma_start3A_903 = arith.constant 0 : i32
      %dma_start3A_904 = arith.constant 0 : i32
      %dma_start3A_905 = tpu.memref_slice %arg10[%dma_start3A_903, %dma_start3A_904] : memref<10240x128xf32, #tpu.memory_space<vmem_shared>> -> memref<10240x128xf32, #tpu.memory_space<vmem_shared>>
      tpu.enqueue_indirect_dma source(%dma_start3A_899 : memref<128x128xf32, #tpu.memory_space<vmem>>) target(%dma_start3A_905 : memref<10240x128xf32, #tpu.memory_space<vmem_shared>>) offsets(%dma_start3A_902 : memref<128xi32, #tpu.memory_space<vmem>>) semaphore(%arg14 : memref<!tpu.dma_semaphore, #tpu.memory_space<semaphore_mem>>) {add = true}
      %dma_wait3A_906 = arith.constant 0 : i32
      %dma_wait3A_907 = arith.constant 14 : i32
      %dma_wait3A_908 = arith.constant 0 : i32
      %dma_wait3A_909 = arith.constant 0 : i32
      %dma_wait3A_910 = tpu.memref_slice %arg8[%dma_wait3A_906, %dma_wait3A_908, %dma_wait3A_909] : memref<2x128x128xf32, #tpu.memory_space<vmem>> -> memref<1x128x128xf32, #tpu.memory_space<vmem>>
      %dma_wait3A_911 = tpu.memref_squeeze %dma_wait3A_910 : memref<1x128x128xf32, #tpu.memory_space<vmem>> -> memref<128x128xf32, #tpu.memory_space<vmem>>
      %dma_wait3A_912 = arith.constant 0 : i32
      %dma_wait3A_913 = tpu.memref_slice %arg7[%dma_wait3A_907, %dma_wait3A_912] : memref<16x128xi32, #tpu.memory_space<vmem>> -> memref<1x128xi32, #tpu.memory_space<vmem>>
      %dma_wait3A_914 = tpu.memref_squeeze %dma_wait3A_913 : memref<1x128xi32, #tpu.memory_space<vmem>> -> memref<128xi32, #tpu.memory_space<vmem>>
      %dma_wait3A_915 = arith.constant 0 : i32
      %dma_wait3A_916 = arith.constant 0 : i32
      %dma_wait3A_917 = tpu.memref_slice %arg10[%dma_wait3A_915, %dma_wait3A_916] : memref<10240x128xf32, #tpu.memory_space<vmem_shared>> -> memref<10240x128xf32, #tpu.memory_space<vmem_shared>>
      tpu.wait_indirect_dma semaphore(%arg13 : memref<!tpu.dma_semaphore, #tpu.memory_space<semaphore_mem>>) src(%dma_wait3A_911 : memref<128x128xf32, #tpu.memory_space<vmem>>) dst(%dma_wait3A_917 : memref<10240x128xf32, #tpu.memory_space<vmem_shared>>)
      %dma_wait3A_918 = arith.constant 1 : i32
      %dma_wait3A_919 = arith.constant 15 : i32
      %dma_wait3A_920 = arith.constant 0 : i32
      %dma_wait3A_921 = arith.constant 0 : i32
      %dma_wait3A_922 = tpu.memref_slice %arg8[%dma_wait3A_918, %dma_wait3A_920, %dma_wait3A_921] : memref<2x128x128xf32, #tpu.memory_space<vmem>> -> memref<1x128x128xf32, #tpu.memory_space<vmem>>
      %dma_wait3A_923 = tpu.memref_squeeze %dma_wait3A_922 : memref<1x128x128xf32, #tpu.memory_space<vmem>> -> memref<128x128xf32, #tpu.memory_space<vmem>>
      %dma_wait3A_924 = arith.constant 0 : i32
      %dma_wait3A_925 = tpu.memref_slice %arg7[%dma_wait3A_919, %dma_wait3A_924] : memref<16x128xi32, #tpu.memory_space<vmem>> -> memref<1x128xi32, #tpu.memory_space<vmem>>
      %dma_wait3A_926 = tpu.memref_squeeze %dma_wait3A_925 : memref<1x128xi32, #tpu.memory_space<vmem>> -> memref<128xi32, #tpu.memory_space<vmem>>
      %dma_wait3A_927 = arith.constant 0 : i32
      %dma_wait3A_928 = arith.constant 0 : i32
      %dma_wait3A_929 = tpu.memref_slice %arg10[%dma_wait3A_927, %dma_wait3A_928] : memref<10240x128xf32, #tpu.memory_space<vmem_shared>> -> memref<10240x128xf32, #tpu.memory_space<vmem_shared>>
      tpu.wait_indirect_dma semaphore(%arg14 : memref<!tpu.dma_semaphore, #tpu.memory_space<semaphore_mem>>) src(%dma_wait3A_923 : memref<128x128xf32, #tpu.memory_space<vmem>>) dst(%dma_wait3A_929 : memref<10240x128xf32, #tpu.memory_space<vmem_shared>>)
    }
    %scan3A_144 = arith.constant 5 : i32
    %barrier3A_145 = arith.constant 0 : index
    tpu.barrier barrier_id(%barrier3A_145)
    %mul3A_146 = arith.constant 10000 : i32
    %mul3A_147 = arith.muli %arg0, %mul3A_146 : i32
    %add3A_148 = arith.addi %mul3A_147, %mul3A_2 : i32
    "tpu.region"() ({
      %run_scoped3A = tpu.sem_alloc : memref<!tpu.dma_semaphore, #tpu.memory_space<semaphore_mem>>
      %dma_start3A_154 = arith.constant 0 : i32
      %dma_start3A_155 = tpu.memref_slice %arg5[%add3A_148, %dma_start3A_154] : memref<20000x128xf32, #tpu.memory_space<hbm>> -> memref<624x128xf32, #tpu.memory_space<hbm>>
      %dma_start3A_156 = arith.constant 0 : i32
      %dma_start3A_157 = tpu.memref_slice %arg10[%mul3A_2, %dma_start3A_156] : memref<10240x128xf32, #tpu.memory_space<vmem_shared>> -> memref<624x128xf32, #tpu.memory_space<vmem_shared>>
      tpu.enqueue_dma source(%dma_start3A_157 : memref<624x128xf32, #tpu.memory_space<vmem_shared>>) target(%dma_start3A_155 : memref<624x128xf32, #tpu.memory_space<hbm>>) target_semaphore(%run_scoped3A : memref<!tpu.dma_semaphore, #tpu.memory_space<semaphore_mem>>)
      %dma_wait3A_158 = arith.constant 0 : i32
      %dma_wait3A_159 = tpu.memref_slice %arg5[%add3A_148, %dma_wait3A_158] : memref<20000x128xf32, #tpu.memory_space<hbm>> -> memref<624x128xf32, #tpu.memory_space<hbm>>
      %dma_wait3A_160 = arith.constant 0 : i32
      %dma_wait3A_161 = tpu.memref_slice %arg10[%mul3A_2, %dma_wait3A_160] : memref<10240x128xf32, #tpu.memory_space<vmem_shared>> -> memref<624x128xf32, #tpu.memory_space<vmem_shared>>
      tpu.wait_dma2 semaphore(%run_scoped3A : memref<!tpu.dma_semaphore, #tpu.memory_space<semaphore_mem>>) src(%dma_wait3A_161 : memref<624x128xf32, #tpu.memory_space<vmem_shared>>) dst(%dma_wait3A_159 : memref<624x128xf32, #tpu.memory_space<hbm>>)
      tpu.yield
    }) : () -> ()
    %eq3A_149 = arith.constant 0 : i32
    %eq3A_150 = arith.cmpi eq, %arg1, %eq3A_149 : i32
    %convert_element_type3A_151 = arith.extui %eq3A_150 : i1 to i32
    %cond3A_152 = arith.constant 0 : i32
    %cond3A_153 = arith.cmpi ne, %convert_element_type3A_151, %cond3A_152 : i32
    scf.if %cond3A_153 {
      %mul3A_154 = arith.constant 10000 : i32
      %mul3A_155 = arith.muli %arg0, %mul3A_154 : i32
      %add3A_156 = arith.constant 9984 : i32
      %add3A_157 = arith.addi %mul3A_155, %add3A_156 : i32
      "tpu.region"() ({
        %run_scoped3A = tpu.sem_alloc : memref<!tpu.dma_semaphore, #tpu.memory_space<semaphore_mem>>
        %dma_start3A_158 = arith.constant 0 : i32
        %dma_start3A_159 = tpu.memref_slice %arg5[%add3A_157, %dma_start3A_158] : memref<20000x128xf32, #tpu.memory_space<hbm>> -> memref<16x128xf32, #tpu.memory_space<hbm>>
        %dma_start3A_160 = arith.constant 9984 : i32
        %dma_start3A_161 = arith.constant 0 : i32
        %dma_start3A_162 = tpu.memref_slice %arg10[%dma_start3A_160, %dma_start3A_161] : memref<10240x128xf32, #tpu.memory_space<vmem_shared>> -> memref<16x128xf32, #tpu.memory_space<vmem_shared>>
        tpu.enqueue_dma source(%dma_start3A_162 : memref<16x128xf32, #tpu.memory_space<vmem_shared>>) target(%dma_start3A_159 : memref<16x128xf32, #tpu.memory_space<hbm>>) target_semaphore(%run_scoped3A : memref<!tpu.dma_semaphore, #tpu.memory_space<semaphore_mem>>)
        %dma_wait3A_163 = arith.constant 0 : i32
        %dma_wait3A_164 = tpu.memref_slice %arg5[%add3A_157, %dma_wait3A_163] : memref<20000x128xf32, #tpu.memory_space<hbm>> -> memref<16x128xf32, #tpu.memory_space<hbm>>
        %dma_wait3A_165 = arith.constant 9984 : i32
        %dma_wait3A_166 = arith.constant 0 : i32
        %dma_wait3A_167 = tpu.memref_slice %arg10[%dma_wait3A_165, %dma_wait3A_166] : memref<10240x128xf32, #tpu.memory_space<vmem_shared>> -> memref<16x128xf32, #tpu.memory_space<vmem_shared>>
        tpu.wait_dma2 semaphore(%run_scoped3A : memref<!tpu.dma_semaphore, #tpu.memory_space<semaphore_mem>>) src(%dma_wait3A_167 : memref<16x128xf32, #tpu.memory_space<vmem_shared>>) dst(%dma_wait3A_164 : memref<16x128xf32, #tpu.memory_space<hbm>>)
        tpu.yield
      }) : () -> ()
    } else {
    }
    return
  }
}

module attributes {stable_mosaic.version = 14 : i64} {
  func.func @body(%arg0: i32, %arg1: memref<32x2560xf32, #tpu.memory_space<vmem>>, %arg2: memref<2560x1xf32, #tpu.memory_space<vmem>>) attributes {dimension_semantics = [#tpu.dimension_semantics<arbitrary>], iteration_bounds = array<i64: 4>, scalar_prefetch = 0 : i64, scratch_operands = 0 : i64, tpu.core_type = #tpu.core_type<tc>, window_params = [{transform_indices = @transform_0, window_bounds = array<i64: 32, 2560>}, {transform_indices = @transform_1, window_bounds = array<i64: 2560, 1>}]} {
    %get3A = arith.constant 0 : index
    %get3A_0 = arith.constant 0 : index
    %get3A_1 = vector.load %arg1[%get3A, %get3A_0] : memref<32x2560xf32, #tpu.memory_space<vmem>>, vector<32x2560xf32>
    %reduce_sum3A = arith.constant dense<0.000000e+00> : vector<2560xf32>
    %reduce_sum3A_2 = vector.multi_reduction <add>, %get3A_1, %reduce_sum3A [0] : vector<32x2560xf32> to vector<2560xf32>
    %broadcast_in_dim3A = vector.shape_cast %reduce_sum3A_2 : vector<2560xf32> to vector<1x2560xf32>
    %add3A = arith.constant 1.000000e+00 : f32
    %add3A_3 = vector.broadcast %add3A : f32 to vector<1x2560xf32>
    %add3A_4 = arith.addf %broadcast_in_dim3A, %add3A_3 : vector<1x2560xf32>
    %rsqrt3A = math.rsqrt %add3A_4 : vector<1x2560xf32>
    %reshape3A = vector.shape_cast %rsqrt3A : vector<1x2560xf32> to vector<2560x1xf32>
    %swap3A = arith.constant 0 : index
    %swap3A_5 = arith.constant 0 : index
    %swap3A_6 = vector.load %arg2[%swap3A, %swap3A_5] : memref<2560x1xf32, #tpu.memory_space<vmem>>, vector<2560x1xf32>
    tpu.vector_store %arg2[%swap3A, %swap3A_5], %reshape3A {strides = array<i32>} : memref<2560x1xf32, #tpu.memory_space<vmem>>, vector<2560x1xf32>,
    return
  }
  func.func @transform_0(%arg0: i32) -> (i32, i32) {
    %c0_i32 = arith.constant 0 : i32
    %c0_i32_0 = arith.constant 0 : i32
    return %c0_i32, %arg0 : i32, i32
  }
  func.func @transform_1(%arg0: i32) -> (i32, i32) {
    %c0_i32 = arith.constant 0 : i32
    %c0_i32_0 = arith.constant 0 : i32
    return %arg0, %c0_i32 : i32, i32
  }
}

module attributes {stable_mosaic.version = 14 : i64} {
  func.func @body(%arg0: i32, %arg1: memref<2000x128xf32, #tpu.memory_space<vmem>>, %arg2: memref<128x128xf32, #tpu.memory_space<vmem>>, %arg3: memref<2000x1xf32, #tpu.memory_space<vmem>>, %arg4: memref<2000x128xf32, #tpu.memory_space<vmem>>) attributes {dimension_semantics = [#tpu.dimension_semantics<arbitrary>], iteration_bounds = array<i64: 5>, scalar_prefetch = 0 : i64, scratch_operands = 0 : i64, tpu.core_type = #tpu.core_type<tc>, window_params = [{transform_indices = @transform_0, window_bounds = array<i64: 2000, 128>}, {pipeline_mode = #tpu.pipeline_mode<synchronous>, transform_indices = @transform_1, window_bounds = array<i64: 128, 128>}, {transform_indices = @transform_2, window_bounds = array<i64: 2000, 1>}, {transform_indices = @transform_3, window_bounds = array<i64: 2000, 128>}]} {
    %get3A = arith.constant 0 : index
    %get3A_0 = arith.constant 0 : index
    %get3A_1 = vector.load %arg1[%get3A, %get3A_0] : memref<2000x128xf32, #tpu.memory_space<vmem>>, vector<2000x128xf32>
    %get3A_2 = arith.constant 0 : index
    %get3A_3 = arith.constant 0 : index
    %get3A_4 = vector.load %arg2[%get3A_2, %get3A_3] : memref<128x128xf32, #tpu.memory_space<vmem>>, vector<128x128xf32>
    %dot_general3A = arith.constant dense<0.000000e+00> : vector<2000x128xf32>
    %dot_general3A_5 = tpu.matmul %get3A_1, %get3A_4, %dot_general3A {dimension_numbers = #tpu.dot_dimension_numbers<[1], [0], [0], [1], [0, 0, 1, 1], [], []>, transpose_lhs_hint = false} : vector<2000x128xf32>, vector<128x128xf32>, vector<2000x128xf32> -> vector<2000x128xf32>
    %get3A_6 = arith.constant 0 : index
    %get3A_7 = arith.constant 0 : index
    %get3A_8 = vector.load %arg3[%get3A_6, %get3A_7] : memref<2000x1xf32, #tpu.memory_space<vmem>>, vector<2000x1xf32>
    %mul3A = vector.broadcast %get3A_8 : vector<2000x1xf32> to vector<2000x128xf32>
    %mul3A_9 = arith.mulf %dot_general3A_5, %mul3A : vector<2000x128xf32>
    %swap3A = arith.constant 0 : index
    %swap3A_10 = arith.constant 0 : index
    %swap3A_11 = vector.load %arg4[%swap3A, %swap3A_10] : memref<2000x128xf32, #tpu.memory_space<vmem>>, vector<2000x128xf32>
    tpu.vector_store %arg4[%swap3A, %swap3A_10], %mul3A_9 {strides = array<i32>} : memref<2000x128xf32, #tpu.memory_space<vmem>>, vector<2000x128xf32>,
    return
  }
  func.func @transform_0(%arg0: i32) -> (i32, i32) {
    %c0_i32 = arith.constant 0 : i32
    %c0_i32_0 = arith.constant 0 : i32
    return %arg0, %c0_i32 : i32, i32
  }
  func.func @transform_1(%arg0: i32) -> (i32, i32) {
    %c0_i32 = arith.constant 0 : i32
    %c0_i32_0 = arith.constant 0 : i32
    %c0_i32_1 = arith.constant 0 : i32
    return %c0_i32, %c0_i32_0 : i32, i32
  }
  func.func @transform_2(%arg0: i32) -> (i32, i32) {
    %c0_i32 = arith.constant 0 : i32
    %c0_i32_0 = arith.constant 0 : i32
    return %arg0, %c0_i32 : i32, i32
  }
  func.func @transform_3(%arg0: i32) -> (i32, i32) {
    %c0_i32 = arith.constant 0 : i32
    %c0_i32_0 = arith.constant 0 : i32
    return %arg0, %c0_i32 : i32, i32
  }
}

module attributes {stable_mosaic.version = 14 : i64} {
  func.func @body(%arg0: i32, %arg1: memref<2000x128xf32, #tpu.memory_space<vmem>>, %arg2: memref<2000x128xf32, #tpu.memory_space<vmem>>, %arg3: memref<2000x128xf32, #tpu.memory_space<vmem>>, %arg4: memref<2000x1xf32, #tpu.memory_space<vmem>>, %arg5: memref<1x128xf32, #tpu.memory_space<vmem>>, %arg6: memref<128x128xf32, #tpu.memory_space<vmem>>, %arg7: memref<2000x128xf32, #tpu.memory_space<vmem>>) attributes {dimension_semantics = [#tpu.dimension_semantics<arbitrary>], iteration_bounds = array<i64: 5>, scalar_prefetch = 0 : i64, scratch_operands = 0 : i64, tpu.core_type = #tpu.core_type<tc>, window_params = [{transform_indices = @transform_0, window_bounds = array<i64: 2000, 128>}, {transform_indices = @transform_1, window_bounds = array<i64: 2000, 128>}, {transform_indices = @transform_2, window_bounds = array<i64: 2000, 128>}, {transform_indices = @transform_3, window_bounds = array<i64: 2000, 1>}, {pipeline_mode = #tpu.pipeline_mode<synchronous>, transform_indices = @transform_4, window_bounds = array<i64: 1, 128>}, {pipeline_mode = #tpu.pipeline_mode<synchronous>, transform_indices = @transform_5, window_bounds = array<i64: 128, 128>}, {transform_indices = @transform_6, window_bounds = array<i64: 2000, 128>}]} {
    %get3A = arith.constant 0 : index
    %get3A_0 = arith.constant 0 : index
    %get3A_1 = vector.load %arg4[%get3A, %get3A_0] : memref<2000x1xf32, #tpu.memory_space<vmem>>, vector<2000x1xf32>
    %get3A_2 = arith.constant 0 : index
    %get3A_3 = arith.constant 0 : index
    %get3A_4 = vector.load %arg1[%get3A_2, %get3A_3] : memref<2000x128xf32, #tpu.memory_space<vmem>>, vector<2000x128xf32>
    %get3A_5 = arith.constant 0 : index
    %get3A_6 = arith.constant 0 : index
    %get3A_7 = vector.load %arg2[%get3A_5, %get3A_6] : memref<2000x128xf32, #tpu.memory_space<vmem>>, vector<2000x128xf32>
    %add3A = arith.addf %get3A_4, %get3A_7 : vector<2000x128xf32>
    %get3A_8 = arith.constant 0 : index
    %get3A_9 = arith.constant 0 : index
    %get3A_10 = vector.load %arg3[%get3A_8, %get3A_9] : memref<2000x128xf32, #tpu.memory_space<vmem>>, vector<2000x128xf32>
    %add3A_11 = arith.addf %add3A, %get3A_10 : vector<2000x128xf32>
    %mul3A = vector.broadcast %get3A_1 : vector<2000x1xf32> to vector<2000x128xf32>
    %mul3A_12 = arith.mulf %add3A_11, %mul3A : vector<2000x128xf32>
    %get3A_13 = arith.constant 0 : index
    %get3A_14 = arith.constant 0 : index
    %get3A_15 = vector.load %arg5[%get3A_13, %get3A_14] : memref<1x128xf32, #tpu.memory_space<vmem>>, vector<1x128xf32>
    %add3A_16 = vector.broadcast %get3A_15 : vector<1x128xf32> to vector<2000x128xf32>
    %add3A_17 = arith.addf %mul3A_12, %add3A_16 : vector<2000x128xf32>
    %max3A = arith.constant 0.000000e+00 : f32
    %max3A_18 = vector.broadcast %max3A : f32 to vector<2000x128xf32>
    %max3A_19 = arith.maximumf %add3A_17, %max3A_18 : vector<2000x128xf32>
    %get3A_20 = arith.constant 0 : index
    %get3A_21 = arith.constant 0 : index
    %get3A_22 = vector.load %arg6[%get3A_20, %get3A_21] : memref<128x128xf32, #tpu.memory_space<vmem>>, vector<128x128xf32>
    %dot_general3A = arith.constant dense<0.000000e+00> : vector<2000x128xf32>
    %dot_general3A_23 = tpu.matmul %max3A_19, %get3A_22, %dot_general3A {dimension_numbers = #tpu.dot_dimension_numbers<[1], [0], [0], [1], [0, 0, 1, 1], [], []>, transpose_lhs_hint = false} : vector<2000x128xf32>, vector<128x128xf32>, vector<2000x128xf32> -> vector<2000x128xf32>
    %mul3A_24 = vector.broadcast %get3A_1 : vector<2000x1xf32> to vector<2000x128xf32>
    %mul3A_25 = arith.mulf %dot_general3A_23, %mul3A_24 : vector<2000x128xf32>
    %swap3A = arith.constant 0 : index
    %swap3A_26 = arith.constant 0 : index
    %swap3A_27 = vector.load %arg7[%swap3A, %swap3A_26] : memref<2000x128xf32, #tpu.memory_space<vmem>>, vector<2000x128xf32>
    tpu.vector_store %arg7[%swap3A, %swap3A_26], %mul3A_25 {strides = array<i32>} : memref<2000x128xf32, #tpu.memory_space<vmem>>, vector<2000x128xf32>,
    return
  }
  func.func @transform_0(%arg0: i32) -> (i32, i32) {
    %c0_i32 = arith.constant 0 : i32
    %c0_i32_0 = arith.constant 0 : i32
    return %arg0, %c0_i32 : i32, i32
  }
  func.func @transform_1(%arg0: i32) -> (i32, i32) {
    %add3A = arith.constant 5 : i32
    %add3A_0 = arith.addi %arg0, %add3A : i32
    %c0_i32 = arith.constant 0 : i32
    %c0_i32_1 = arith.constant 0 : i32
    return %add3A_0, %c0_i32 : i32, i32
  }
  func.func @transform_2(%arg0: i32) -> (i32, i32) {
    %c0_i32 = arith.constant 0 : i32
    %c0_i32_0 = arith.constant 0 : i32
    return %arg0, %c0_i32 : i32, i32
  }
  func.func @transform_3(%arg0: i32) -> (i32, i32) {
    %c0_i32 = arith.constant 0 : i32
    %c0_i32_0 = arith.constant 0 : i32
    return %arg0, %c0_i32 : i32, i32
  }
  func.func @transform_4(%arg0: i32) -> (i32, i32) {
    %c0_i32 = arith.constant 0 : i32
    %c0_i32_0 = arith.constant 0 : i32
    %c0_i32_1 = arith.constant 0 : i32
    return %c0_i32, %c0_i32_0 : i32, i32
  }
  func.func @transform_5(%arg0: i32) -> (i32, i32) {
    %c0_i32 = arith.constant 0 : i32
    %c0_i32_0 = arith.constant 0 : i32
    %c0_i32_1 = arith.constant 0 : i32
    return %c0_i32, %c0_i32_0 : i32, i32
  }
  func.func @transform_6(%arg0: i32) -> (i32, i32) {
    %c0_i32 = arith.constant 0 : i32
    %c0_i32_0 = arith.constant 0 : i32
    return %arg0, %c0_i32 : i32, i32
  }
}

module attributes {stable_mosaic.version = 14 : i64} {
  func.func @body(%arg0: i32, %arg1: memref<2000x128xf32, #tpu.memory_space<vmem>>, %arg2: memref<2000x128xf32, #tpu.memory_space<vmem>>, %arg3: memref<2000x128xf32, #tpu.memory_space<vmem>>, %arg4: memref<2000x1xf32, #tpu.memory_space<vmem>>, %arg5: memref<1x128xf32, #tpu.memory_space<vmem>>, %arg6: memref<128x128xf32, #tpu.memory_space<vmem>>, %arg7: memref<1x128xf32, #tpu.memory_space<vmem>>, %arg8: memref<2000x128xf32, #tpu.memory_space<vmem>>) attributes {dimension_semantics = [#tpu.dimension_semantics<arbitrary>], iteration_bounds = array<i64: 5>, scalar_prefetch = 0 : i64, scratch_operands = 0 : i64, tpu.core_type = #tpu.core_type<tc>, window_params = [{transform_indices = @transform_0, window_bounds = array<i64: 2000, 128>}, {transform_indices = @transform_1, window_bounds = array<i64: 2000, 128>}, {transform_indices = @transform_2, window_bounds = array<i64: 2000, 128>}, {transform_indices = @transform_3, window_bounds = array<i64: 2000, 1>}, {pipeline_mode = #tpu.pipeline_mode<synchronous>, transform_indices = @transform_4, window_bounds = array<i64: 1, 128>}, {pipeline_mode = #tpu.pipeline_mode<synchronous>, transform_indices = @transform_5, window_bounds = array<i64: 128, 128>}, {pipeline_mode = #tpu.pipeline_mode<synchronous>, transform_indices = @transform_6, window_bounds = array<i64: 1, 128>}, {transform_indices = @transform_7, window_bounds = array<i64: 2000, 128>}]} {
    %get3A = arith.constant 0 : index
    %get3A_0 = arith.constant 0 : index
    %get3A_1 = vector.load %arg4[%get3A, %get3A_0] : memref<2000x1xf32, #tpu.memory_space<vmem>>, vector<2000x1xf32>
    %get3A_2 = arith.constant 0 : index
    %get3A_3 = arith.constant 0 : index
    %get3A_4 = vector.load %arg1[%get3A_2, %get3A_3] : memref<2000x128xf32, #tpu.memory_space<vmem>>, vector<2000x128xf32>
    %get3A_5 = arith.constant 0 : index
    %get3A_6 = arith.constant 0 : index
    %get3A_7 = vector.load %arg2[%get3A_5, %get3A_6] : memref<2000x128xf32, #tpu.memory_space<vmem>>, vector<2000x128xf32>
    %add3A = arith.addf %get3A_4, %get3A_7 : vector<2000x128xf32>
    %get3A_8 = arith.constant 0 : index
    %get3A_9 = arith.constant 0 : index
    %get3A_10 = vector.load %arg3[%get3A_8, %get3A_9] : memref<2000x128xf32, #tpu.memory_space<vmem>>, vector<2000x128xf32>
    %add3A_11 = arith.addf %add3A, %get3A_10 : vector<2000x128xf32>
    %mul3A = vector.broadcast %get3A_1 : vector<2000x1xf32> to vector<2000x128xf32>
    %mul3A_12 = arith.mulf %add3A_11, %mul3A : vector<2000x128xf32>
    %get3A_13 = arith.constant 0 : index
    %get3A_14 = arith.constant 0 : index
    %get3A_15 = vector.load %arg5[%get3A_13, %get3A_14] : memref<1x128xf32, #tpu.memory_space<vmem>>, vector<1x128xf32>
    %add3A_16 = vector.broadcast %get3A_15 : vector<1x128xf32> to vector<2000x128xf32>
    %add3A_17 = arith.addf %mul3A_12, %add3A_16 : vector<2000x128xf32>
    %get3A_18 = arith.constant 0 : index
    %get3A_19 = arith.constant 0 : index
    %get3A_20 = vector.load %arg6[%get3A_18, %get3A_19] : memref<128x128xf32, #tpu.memory_space<vmem>>, vector<128x128xf32>
    %dot_general3A = arith.constant dense<0.000000e+00> : vector<2000x128xf32>
    %dot_general3A_21 = tpu.matmul %add3A_17, %get3A_20, %dot_general3A {dimension_numbers = #tpu.dot_dimension_numbers<[1], [0], [0], [1], [0, 0, 1, 1], [], []>, transpose_lhs_hint = false} : vector<2000x128xf32>, vector<128x128xf32>, vector<2000x128xf32> -> vector<2000x128xf32>
    %get3A_22 = arith.constant 0 : index
    %get3A_23 = arith.constant 0 : index
    %get3A_24 = vector.load %arg7[%get3A_22, %get3A_23] : memref<1x128xf32, #tpu.memory_space<vmem>>, vector<1x128xf32>
    %add3A_25 = vector.broadcast %get3A_24 : vector<1x128xf32> to vector<2000x128xf32>
    %add3A_26 = arith.addf %dot_general3A_21, %add3A_25 : vector<2000x128xf32>
    %swap3A = arith.constant 0 : index
    %swap3A_27 = arith.constant 0 : index
    %swap3A_28 = vector.load %arg8[%swap3A, %swap3A_27] : memref<2000x128xf32, #tpu.memory_space<vmem>>, vector<2000x128xf32>
    tpu.vector_store %arg8[%swap3A, %swap3A_27], %add3A_26 {strides = array<i32>} : memref<2000x128xf32, #tpu.memory_space<vmem>>, vector<2000x128xf32>,
    return
  }
  func.func @transform_0(%arg0: i32) -> (i32, i32) {
    %c0_i32 = arith.constant 0 : i32
    %c0_i32_0 = arith.constant 0 : i32
    return %arg0, %c0_i32 : i32, i32
  }
  func.func @transform_1(%arg0: i32) -> (i32, i32) {
    %add3A = arith.constant 5 : i32
    %add3A_0 = arith.addi %arg0, %add3A : i32
    %c0_i32 = arith.constant 0 : i32
    %c0_i32_1 = arith.constant 0 : i32
    return %add3A_0, %c0_i32 : i32, i32
  }
  func.func @transform_2(%arg0: i32) -> (i32, i32) {
    %c0_i32 = arith.constant 0 : i32
    %c0_i32_0 = arith.constant 0 : i32
    return %arg0, %c0_i32 : i32, i32
  }
  func.func @transform_3(%arg0: i32) -> (i32, i32) {
    %c0_i32 = arith.constant 0 : i32
    %c0_i32_0 = arith.constant 0 : i32
    return %arg0, %c0_i32 : i32, i32
  }
  func.func @transform_4(%arg0: i32) -> (i32, i32) {
    %c0_i32 = arith.constant 0 : i32
    %c0_i32_0 = arith.constant 0 : i32
    %c0_i32_1 = arith.constant 0 : i32
    return %c0_i32, %c0_i32_0 : i32, i32
  }
  func.func @transform_5(%arg0: i32) -> (i32, i32) {
    %c0_i32 = arith.constant 0 : i32
    %c0_i32_0 = arith.constant 0 : i32
    %c0_i32_1 = arith.constant 0 : i32
    return %c0_i32, %c0_i32_0 : i32, i32
  }
  func.func @transform_6(%arg0: i32) -> (i32, i32) {
    %c0_i32 = arith.constant 0 : i32
    %c0_i32_0 = arith.constant 0 : i32
    %c0_i32_1 = arith.constant 0 : i32
    return %c0_i32, %c0_i32_0 : i32, i32
  }
  func.func @transform_7(%arg0: i32) -> (i32, i32) {
    %c0_i32 = arith.constant 0 : i32
    %c0_i32_0 = arith.constant 0 : i32
    return %arg0, %c0_i32 : i32, i32
  }
}

</mosaic_0001>

<sc_bundles>
// kernel: kernel.12.cloned.1.call-start
scs
__scs_entry_jumppad:
0x0: {  	(pc) =	sbr.rel $0x88, $3  }
0x1: {  	(tag) =	ssettag $0x0;
	lr =	simm.s32 $0x1  }
0x2: {  	[smem:$0x3F99] =	sst lr;
	_ =	strace $0xD0000000  }
0x3: {  	_ = 	snop  }
0x4: {  	_ = 	snop  }
0x5: {  	_ = 	snop  }
0x6: {  	_ = 	snop  }
0x7: {  	_ = 	snop  }
__scs_overlays_trampoline_lowered:
0x8: {  	[smem:$0x3FA8] =	sst s0  }
0x9: {  	[smem:$0x3FA9] =	sst s1  }
0xa: {  	[smem:$0x3FAA] =	sst s2  }
0xb: {  	[smem:$0x3FAB] =	sst s3  }
0xc: {  	[smem:$0x3FAC] =	sst s4  }
0xd: {  	[smem:$0x3FAD] =	sst s5  }
0xe: {  	[smem:$0x3FAE] =	sst s6  }
0xf: {  	[smem:$0x3FAF] =	sst s7  }
0x10: {  	[smem:$0x3FB0] =	sst s8  }
0x11: {  	[smem:$0x3FB1] =	sst s9;
	s0 =	simm.s32 @!p0 $0x0  }
0x12: {  	s1 =	sld [smem:$0x3F97];
	s0 =	simm.s32 @p0 $0x1  }
0x13: {  	[smem:$0x3FB2] =	sst s0;
	s0 =	simm.s32 @!p1 $0x0  }
0x14: {  	s2 =	sld [smem:$0x3F96];
	s0 =	simm.s32 @p1 $0x1  }
0x15: {  	[smem:$0x3FB3] =	sst s0;
	s0 =	simm.s32 @!p2 $0x0  }
0x16: {  	s3 =	sld [smem:$0x3FDB];
	s0 =	simm.s32 @p2 $0x1  }
0x17: {  	s4 =	simm.s32 $0x1BF5;
	[smem:$0x3FB5] =	sst s0  }
0x18: {  	s0 =	sld [smem:$0x3F98];
	_ =	swait.ge [sflag:s4], $0x0  }
0x19: {  	s7 =	sld [smem:$0x3F99]  }
0x1a: {  	s8 =	sadd.s32 $0xFFFFE003, lr  }
0x1b: {  	s9 =	sadd.s32 $0xFFFFFEF7, lr;
	s5 =	simm.s32 $0xFFFFFFFF;
	p2 =	slt.u32 s8, $0xFFFFF086  }
0x1c: {  	p1 =	slt.u32 s9, $0xF7A;
	s5 =	simm.s32 @!p2 $0x0  }
0x1d: {  	s5 =	simm.s32 @p1 $0x1;
	p0 =	seq.s32 s7, s2  }
0x1e: {  	s7 =	smul.u32 @!p0 $0xF7A, s2;
	p2 =	seq.s32 @!p0 s5, $0x0  }
0x1f: {  	s9 =	smul.u32 $0xF7A, s1;
	s8 =	simm.s32 @!p0 $0x1BF5;
	p2 =	por !p2, p0  }
0x20: {  	[sflag:s8] =	ssyncset.s32 @!p0 $0xFFFFF086;
	s6 =	sadd.s32 @!p0 s3, s7;
	s7 =	simm.s32 @!p0 $0x108  }
0x21: {  	s3 =	sadd.s32 s3, s9;
	s6 =	sadd.s32 @!p0 $0x88, s6;
	s7 =	simm.s32 @p2 $0x1082  }
0x22: {  	[simem:s7], [sflag:s8] =	dma.local @!p0 [hbm:s6], $0xF7A  }
0x23: {  	s9 =	sor.u32 $0xD0000000, s2;
	s6 =	simm.s32 $0x108;
	_ =	swait.ge @!p0 [sflag:s8], $0x0  }
0x24: {  	s3 =	sadd.s32 $0x88, s3;
	s6 =	simm.s32 @!p1 $0x1082;
	[sflag:s4] =	ssyncset.s32 $0xFFFFF086  }
0x25: {  	[simem:s6], [sflag:s4] =	dma.local [hbm:s3], $0xF7A  }
0x26: {  	[smem:$0x3F99] =	sst s1;
	(tag) =	ssettag s2;
	_ =	strace s9  }
0x27: {  	s1 =	sld [smem:$0x3FA9]  }
0x28: {  	s2 =	sld [smem:$0x3FAA]  }
0x29: {  	s4 =	sld [smem:$0x3FAC]  }
0x2a: {  	p0 =	seq.s32 s5, $0x0;
	s5 =	sld [smem:$0x3FAD]  }
0x2b: {  	s6 =	sld [smem:$0x3FAE]  }
0x2c: {  	s7 =	sld [smem:$0x3FAF]  }
0x2d: {  	s3 =	simm.s32 $0x108;
	s8 =	sld [smem:$0x3FB0]  }
0x2e: {  	s3 =	simm.s32 @!p0 $0x1082;
	s9 =	sld [smem:$0x3FB1]  }
0x2f: {  	lr =	sadd.s32 s0, s3;
	s0 =	sld [smem:$0x3FA8]  }
0x30: {  	s3 =	sld [smem:$0x3FAB]  }
0x31: {  	[smem:$0x3FB4] =	sst s10  }
0x32: {  	s10 =	sld [smem:$0x3FB2];
	_ =	sdelay $0x3  }
0x33: {  	p0 =	seq.s32 s10, $0x1;
	s10 =	sld [smem:$0x3FB4];
	_ =	sdelay $0x3  }
0x34: {  	[smem:$0x3FB4] =	sst s10  }
0x35: {  	s10 =	sld [smem:$0x3FB3];
	_ =	sdelay $0x3  }
0x36: {  	p1 =	seq.s32 s10, $0x1;
	s10 =	sld [smem:$0x3FB4];
	_ =	sdelay $0x3  }
0x37: {  	[smem:$0x3FB4] =	sst s10  }
0x38: {  	s10 =	sld [smem:$0x3FB5]  }
0x39: {  	_ = 	snop;
	(pc) =	sbr.ind lr, $3  }
0x3a: {  	_ = 	snop  }
0x3b: {  	_ = 	snop  }
0x3c: {  	p2 =	seq.s32 s10, $0x1;
	s10 =	sld [smem:$0x3FB4]  }
0x3d: {  	_ =	shalt  }
0x3e: {  	_ =	shalt  }
0x3f: {  	_ =	shalt  }
0x40: {  	_ =	shalt  }
0x41: {  	_ =	shalt  }
0x42: {  	_ =	shalt  }
0x43: {  	_ =	shalt  }
0x44: {  	_ =	shalt  }
0x45: {  	_ =	shalt  }
0x46: {  	_ =	shalt  }
0x47: {  	_ =	shalt  }
0x48: {  	_ =	shalt  }
0x49: {  	_ =	shalt  }
0x4a: {  	_ =	shalt  }
0x4b: {  	_ =	shalt  }
0x4c: {  	_ =	shalt  }
0x4d: {  	_ =	shalt  }
0x4e: {  	_ =	shalt  }
0x4f: {  	_ =	shalt  }
0x50: {  	_ =	shalt  }
0x51: {  	_ =	shalt  }
0x52: {  	_ =	shalt  }
0x53: {  	_ =	shalt  }
0x54: {  	_ =	shalt  }
0x55: {  	_ =	shalt  }
0x56: {  	_ =	shalt  }
0x57: {  	_ =	shalt  }
0x58: {  	_ =	shalt  }
0x59: {  	_ =	shalt  }
0x5a: {  	_ =	shalt  }
0x5b: {  	_ =	shalt  }
0x5c: {  	_ =	shalt  }
0x5d: {  	_ =	shalt  }
0x5e: {  	_ =	shalt  }
0x5f: {  	_ =	shalt  }
0x60: {  	_ =	shalt  }
0x61: {  	_ =	shalt  }
0x62: {  	_ =	shalt  }
0x63: {  	_ =	shalt  }
0x64: {  	_ =	shalt  }
0x65: {  	_ =	shalt  }
0x66: {  	_ =	shalt  }
0x67: {  	_ =	shalt  }
0x68: {  	_ =	shalt  }
0x69: {  	_ =	shalt  }
0x6a: {  	_ =	shalt  }
0x6b: {  	_ =	shalt  }
0x6c: {  	_ =	shalt  }
0x6d: {  	_ =	shalt  }
0x6e: {  	_ =	shalt  }
0x6f: {  	_ =	shalt  }
0x70: {  	_ =	shalt  }
0x71: {  	_ =	shalt  }
0x72: {  	_ =	shalt  }
0x73: {  	_ =	shalt  }
0x74: {  	_ =	shalt  }
0x75: {  	_ =	shalt  }
0x76: {  	_ =	shalt  }
0x77: {  	_ =	shalt  }
0x78: {  	_ =	shalt  }
0x79: {  	_ =	shalt  }
0x7a: {  	_ =	shalt  }
0x7b: {  	_ =	shalt  }
0x7c: {  	_ =	shalt  }
0x7d: {  	_ =	shalt  }
0x7e: {  	_ =	shalt  }
0x7f: {  	_ =	shalt  }
0x80: {  	_ =	shalt  }
0x81: {  	_ =	shalt  }
0x82: {  	_ =	shalt  }
0x83: {  	_ =	shalt  }
0x84: {  	_ =	shalt  }
0x85: {  	_ =	shalt  }
0x86: {  	_ =	shalt  }
0x87: {  	_ =	shalt  }
.Lfunc_end0:
.L_simem_size_0:
called_computation.1_lowered:
.L_overlay_start_0:
0x88: {  	s2 =	sld [smem:$0x3FD9]  }
0x89: {  	s3 =	sld [smem:$0x3FFE];
	_ =	sdelay $0x1  }
0x8a: {  	s1 =	srdreg.scid  }
0x8b: {  	s0 =	sand.u32 $0x1, s1  }
0x8c: {  	s17 =	sshll.u32 s0, $0xA;
	s2 =	sadd.s32 s3, s2  }
0x8d: {  	s2 =	sadd.s32 s2, s17  }
0x8e: {  	[smem:$0x3FC0] =	sst s2  }
0x8f: {  	_ = 	snop  }
0x90: {  	s2 =	sld [smem:$0x3FD0];
	(tm) =	ssettm $0x1  }
0x91: {  	s18 =	sld [smem:$0x3FFB];
	_ =	sdelay $0x3  }
0x92: {  	_ =	strace s18  }
0x93: {  	s3 =	sld [smem:$0x3FFC];
	_ =	sdelay $0x3  }
0x94: {  	_ =	strace s3  }
0x95: {  	s3 =	sld [smem:$0x3FFD];
	_ =	sdelay $0x3  }
0x96: {  	_ =	strace s3  }
0x97: {  	_ =	strace $0x8FFFFFFF  }
0x98: {  	s19 =	sld [smem:$0x3FDB];
	_ =	sdelay $0x1  }
0x99: {  	s4 =	simm.s32 $_scs_section_size  }
0x9a: {  	s5 =	simm.s32 $_size__tile_overlayer_lowered;
	s6 =	simm.s32 $_tile_overlayer_lowered  }
0x9b: {  	s22 =	simm.s32 $0x1BFF;
	s21 =	sshll.u32 s6, $0x1;
	s3 =	sadd.s32 s4, s19  }
0x9c: {  	s7 =	simm.s32 $0x0;
	s20 =	sshll.u32 s5, $0x1;
	s5 =	sadd.s32 s21, s3  }
0x9d: {  	[timem:s7], [sflag:s22] =	dma.local [hbm:s5], s20  }
0x9e: {  	_ =	swait.ge [sflag:s22], s20  }
0x9f: {  	s4 =	ssub.s32 $0x0, s20;
	[sflag:s22] =	ssyncset.done $0x0  }
0xa0: {  	[sflag:s22] =	ssyncadd.s32 s4;
	_ =	sdelay $0x1  }
0xa1: {  	s23 =	simm.s32 $0x1B8B  }
0xa2: {  	_ =	swait.ge [sflag:s23], $0x1  }
0xa3: {  	[sflag:s23] =	ssyncset.done $0x0  }
0xa4: {  	s25 =	simm.s32 $0x1B8E;
	s24 =	sld [smem:$0x3FFE];
	[sflag:s23] =	ssyncadd.s32 $0xFFFFFFFF  }
0xa5: {  	s26 =	simm.s32 $execute0_lowered;
	[smem:$0x3FD2] =	sst s25  }
0xa6: {  	s5 =	sshll.u32 s26, $0x1;
	_ =	strace $0x80000049;
	[dreg:$0x1] =	wrdreg $0xFFFFFFFF  }
0xa7: {  	s28 =	simm.s32 $_size_execute0_lowered;
	s3 =	sadd.s32 s3, s5;
	[dreg:$0x0] =	wrdreg $0x0  }
0xa8: {  	s5 =	sshll.u32 s28, $0x1;
	[dreg:$0x2] =	wrdreg s3  }
0xa9: {  	[dreg:$0x3] =	wrdreg s5  }
0xaa: {  	[dreg:$0x4] =	wrdreg $0xC0  }
0xab: {  	_ =	task [dreg:s7], $0x5FFFF  }
0xac: {  	[dreg:$0x1] =	wrdreg $0xFFFFFFFF  }
0xad: {  	[dreg:$0x0] =	wrdreg $0x60  }
0xae: {  	[dreg:$0x2] =	wrdreg s2  }
0xaf: {  	[dreg:$0x3] =	wrdreg s24  }
0xb0: {  	[dreg:$0x4] =	wrdreg $0xA8000  }
0xb1: {  	[dreg:$0x5] =	wrdreg $0x9  }
0xb2: {  	_ =	task.clear_ibuf [dreg:s7], $0x6FFFF;
	_ =	strace $0x90000049  }
0xb3: {  	s29 =	simm.s32 $0x9;
	_ =	strace $0x8000004B  }
0xb4: {  	_ =	swait.ge [sflag:s29], $0x1  }
0xb5: {  	[sflag:s29] =	ssyncadd.s32 $0xFFFFFFFF  }
0xb6: {  	_ =	strace $0x9000004B  }
0xb7: {  	_ =	sfence  }
0xb8: {  	s30 =	sld [smem:$0x0];
	_ =	sdelay $0x2  }
0xb9: {  	s31 =	sshll.u32 s1, $0xD;
	s1 =	sshrl.u32 s1, $0x2  }
0xba: {  	s3 =	sand.u32 $0x4000, s31;
	s1 =	sadd.s32 s1, s30  }
0xbb: {  	s0 =	sor.u32 s3, s0;
	s1 =	sshll.u32 s1, $0x11  }
0xbc: {  	s0 =	sor.u32 s1, s0  }
0xbd: {  	s0 =	sadd.s32 $0x8F2B, s0  }
0xbe: {  	[sflag:s0] =	ssyncadd.remote.s32 $0x1  }
0xbf: {  	_ =	sfence.sel $0xFFFF  }
0xc0: {  	[dreg:$0x0] =	wrdreg $0xFFFFFFFF;
	(pc) =	sbr.abs _section_cstart, $3  }
0xc1: {  	[dreg:$0x1] =	wrdreg $0xFFFFFFFF  }
0xc2: {  	_ =	task.clear_ibuf [dreg:s7], $0x2FFFF;
	_ =	strace $0x9FFFFFFF  }
0xc3: {  	(tm) =	ssettm $0x7FFFFFFF  }
tec
execute0_lowered:
.L_overlay_start_1:
0x0: {  	(tag) =	ssettag $0x1  }
0x1: {  	s0 =	srdreg.scid;
	s1 =	rddreg [dreg:$0x0]  }
0x2: {  	s9 =	stileid.u32;
	s5 =	rddreg [dreg:$0x1]  }
0x3: {  	s3 =	rddreg [dreg:$0x2];
	s4 =	simm.s32 $0x0;
	s24 =	simm.s32 $0x100  }
0x4: {  	s26 =	simm.s32 $0x880;
	s11 =	simm.s32 $0x180;
	[smem:$0x7FF] =	sst s4  }
0x5: {  	s28 =	simm.s32 $0x1000;
	_ =	strace $0x8000004A;
	[dreg:$0x6] =	wrdreg s24  }
0x6: {  	s0 =	sand.u32 $0x1, s0;
	s2 =	smul.u32 $0x5000, s9;
	[dreg:$0x7] =	wrdreg s26  }
0x7: {  	s13 =	smul.u32 $0x4E000, s9;
	[dreg:$0x8] =	wrdreg s11;
	s24 =	simm.s32 $0xB00  }
0x8: {  	s6 =	smul.u32 $0x2800, s0;
	s26 =	simm.s32 $0xB80;
	[dreg:$0x11] =	wrdreg s24  }
0x9: {  	s29 =	simm.s32 $0x5000;
	s30 =	simm.s32 $0x1;
	[dreg:$0x13] =	wrdreg s26  }
0xa: {  	s2 =	sadd.s32 s6, s2;
	s6 =	sshrl.u32 s13, $0x2;
	s13 =	simm.s32 $0x900  }
0xb: {  	s31 =	simm.s32 $0x3;
	s23 =	sadd.s32 s6, s3;
	[dreg:$0x9] =	wrdreg s13  }
0xc: {  	p0 =	sne.s32 s9, $0x0;
	s6 =	sadd.s32 $0x1800, s23;
	[dreg:$0x14] =	wrdreg s23  }
0xd: {  	s7 =	ssub.s32 $0x2, s0;
	s14 =	sadd.s32 $0x3000, s23;
	[dreg:$0x15] =	wrdreg s6  }
0xe: {  	s12 =	smul.u32 $0x27100, s0;
	s15 =	sadd.s32 $0x4800, s23;
	[dreg:$0x16] =	wrdreg s14  }
0xf: {  	s0 =	smul.u32 $0x138800, s0;
	s16 =	sadd.s32 $0x6000, s23;
	[dreg:$0x17] =	wrdreg s15  }
0x10: {  	s11 =	simm.s32 $0xD00;
	s17 =	sadd.s32 $0x7800, s23;
	[dreg:$0x18] =	wrdreg s16  }
0x11: {  	s8 =	sshrl.u32 s7, $0x1;
	s18 =	sadd.s32 $0x9000, s23;
	[dreg:$0x19] =	wrdreg s17  }
0x12: {  	s24 =	simm.s32 $0x6;
	s19 =	sadd.s32 $0xA800, s23;
	[dreg:$0x1a] =	wrdreg s18  }
0x13: {  	s26 =	simm.s32 $0x80;
	s20 =	sadd.s32 $0xC000, s23;
	[dreg:$0x1b] =	wrdreg s19  }
0x14: {  	s7 =	ssub.s32 s7, s8;
	s10 =	sadd.s32 $0xD800, s23;
	[dreg:$0x1c] =	wrdreg s20  }
0x15: {  	s2 =	sshrl.u32 s2, $0x3;
	s22 =	sadd.s32 $0xF000, s23;
	[dreg:$0x1d] =	wrdreg s10  }
0x16: {  	s2 =	sadd.s32 s2, s5;
	s25 =	sadd.s32 $0x10800, s23;
	[dreg:$0x1e] =	wrdreg s22  }
0x17: {  	s8 =	smul.u32 $0x2700, s9;
	s21 =	sadd.s32 $0xC200, s2;
	[dreg:$0x1f] =	wrdreg s25  }
0x18: {  	s0 =	sshrl.u32 s0, $0x3;
	s2 =	sadd.s32 $0x16200, s2;
	[dreg:$0x4] =	wrdreg s21  }
0x19: {  	s9 =	simm.s32 $0xC80;
	s10 =	sadd.s32 $0x12000, s23;
	[dreg:$0x5] =	wrdreg s2  }
0x1a: {  	s13 =	simm.s32 $0xD80;
	s14 =	sadd.s32 $0x138000, s3;
	[smem:$0x7F9] =	sst s10  }
0x1b: {  	s5 =	sadd.s32 $0x20200, s5;
	s15 =	simm.s32 $0x200;
	[smem:$0x7FA] =	sst s14  }
0x1c: {  	s6 =	sadd.s32 s8, s12;
	s16 =	simm.s32 $0x980;
	[dreg:$0xa] =	wrdreg s15  }
0x1d: {  	s17 =	simm.s32 $0x280;
	s18 =	simm.s32 $0xA00;
	[dreg:$0xb] =	wrdreg s16  }
0x1e: {  	s19 =	simm.s32 $0x300;
	s0 =	sadd.s32 s5, s0;
	[dreg:$0xc] =	wrdreg s17  }
0x1f: {  	s20 =	simm.s32 $0xA80;
	s22 =	smax.u32 s7, $0x1;
	[dreg:$0xd] =	wrdreg s18  }
0x20: {  	s25 =	simm.s32 $0x400;
	s7 =	simm.s32 $0xC00;
	[dreg:$0xe] =	wrdreg s19  }
0x21: {  	s8 =	simm.s32 $0x500;
	s12 =	simm.s32 $0x600;
	[dreg:$0xf] =	wrdreg s20  }
0x22: {  	s6 =	sadd.s32 s5, s6;
	s0 =	sadd.s32 $0x27000, s0;
	[smem:$0x7FD] =	sst s22  }
0x23: {  	s21 =	simm.s32 $0x380;
	[dreg:$0x12] =	wrdreg s25;
	s25 =	simm.s32 $0x800  }
0x24: {  	s2 =	simm.s32 $0x2;
	s10 =	simm.s32 $0x580;
	s14 =	simm.s32 $0x680  }
0x25: {  	s15 =	simm.s32 $0xE00;
	s16 =	simm.s32 $0x700;
	[smem:$0x7FB] =	sst s6  }
0x26: {  	s17 =	simm.s32 $0xE80;
	s19 =	simm.s32 $0x780;
	[smem:$0x7FC] =	sst s0  }
0x27: {  	s20 =	simm.s32 $0xF00;
	s22 =	simm.s32 $0x0;
	[dreg:$0x10] =	wrdreg s21  }
0x28: {  	v0 =	vimm.f32 $0.0e+00;
	s0 =	simm.s32 $0x4;
	s6 =	simm.s32 $0x480;
	s21 =	simm.s32 $0xF80  }
.LBB2_1:
0x29: {  	[smem:$0x7F8] =	sst s22;
	s5 =	simm.s32 $0x70;
	s22 =	simm.s32 $0x3C0  }
.LBB2_2:
0x2a: {  	p1 =	sne.s32 s22, $0x5FC0;
	[tilespmem:s5+$0x9000] =	vst v0  }
0x2b: {  	[tilespmem:s5+$0x8F90] =	vst v0  }
0x2c: {  	[tilespmem:s5+$0x8FA0] =	vst v0  }
.Ltmp0:
0x2d: {  	[tilespmem:s5+$0x8FB0] =	vst v0;
	(pc) =	sbr.rel @p1 .LBB2_2-.Ltmp0, $4  }
0x2e: {  	[tilespmem:s5+$0x8FC0] =	vst v0  }
0x2f: {  	[tilespmem:s5+$0x8FD0] =	vst v0  }
0x30: {  	[tilespmem:s5+$0x8FE0] =	vst v0  }
0x31: {  	[tilespmem:s5+$0x8FF0] =	vst v0;
	s5 =	sshra.s32 s22, $0x2;
	s22 =	sadd.s32 $0x200, s22  }
0x32: {  	[tilespmem:s5+$0x9000] =	vst v0  }
0x33: {  	[tilespmem:s5+$0x8F90] =	vst v0  }
0x34: {  	[tilespmem:s5+$0x8FA0] =	vst v0  }
0x35: {  	[tilespmem:s5+$0x8FB0] =	vst v0  }
0x36: {  	[tilespmem:s5+$0x8FC0] =	vst v0  }
0x37: {  	[tilespmem:s5+$0x8FD0] =	vst v0  }
0x38: {  	[tilespmem:s5+$0x8FE0] =	vst v0  }
0x39: {  	[tilespmem:s5+$0x8FF0] =	vst v0;
	s18 =	simm.s32 $0x9000;
	s22 =	rddreg [dreg:$0x15]  }
0x3a: {  	[spmem:s23] =	stream.linear.scatter [tilespmem:s18], [sflag:$0x5], $0x1800, $0x38;
	[tilespmem:$0x1E800] =	vst v63  }
0x3b: {  	s23 =	rddreg [dreg:$0x16]  }
0x3c: {  	[spmem:s22] =	stream.linear.scatter [tilespmem:s18], [sflag:$0x5], $0x1800, $0x38;
	[tilespmem:$0x1E800] =	vst v63  }
0x3d: {  	s22 =	rddreg [dreg:$0x17]  }
0x3e: {  	[spmem:s23] =	stream.linear.scatter [tilespmem:s18], [sflag:$0x5], $0x1800, $0x38;
	[tilespmem:$0x1E800] =	vst v63  }
0x3f: {  	s23 =	rddreg [dreg:$0x18]  }
0x40: {  	[spmem:s22] =	stream.linear.scatter [tilespmem:s18], [sflag:$0x5], $0x1800, $0x38;
	[tilespmem:$0x1E800] =	vst v63  }
0x41: {  	s22 =	rddreg [dreg:$0x19]  }
0x42: {  	[spmem:s23] =	stream.linear.scatter [tilespmem:s18], [sflag:$0x5], $0x1800, $0x38;
	[tilespmem:$0x1E800] =	vst v63  }
0x43: {  	s23 =	rddreg [dreg:$0x1a]  }
0x44: {  	[spmem:s22] =	stream.linear.scatter [tilespmem:s18], [sflag:$0x5], $0x1800, $0x38;
	[tilespmem:$0x1E800] =	vst v63  }
0x45: {  	s22 =	rddreg [dreg:$0x1b]  }
0x46: {  	[spmem:s23] =	stream.linear.scatter [tilespmem:s18], [sflag:$0x5], $0x1800, $0x38;
	[tilespmem:$0x1E800] =	vst v63  }
0x47: {  	s23 =	rddreg [dreg:$0x1c]  }
0x48: {  	[spmem:s22] =	stream.linear.scatter [tilespmem:s18], [sflag:$0x5], $0x1800, $0x38;
	[tilespmem:$0x1E800] =	vst v63  }
0x49: {  	s22 =	rddreg [dreg:$0x1d]  }
0x4a: {  	[spmem:s23] =	stream.linear.scatter [tilespmem:s18], [sflag:$0x5], $0x1800, $0x38;
	[tilespmem:$0x1E800] =	vst v63  }
0x4b: {  	s23 =	rddreg [dreg:$0x1e]  }
0x4c: {  	[spmem:s22] =	stream.linear.scatter [tilespmem:s18], [sflag:$0x5], $0x1800, $0x38;
	[tilespmem:$0x1E800] =	vst v63  }
0x4d: {  	s22 =	rddreg [dreg:$0x1f]  }
0x4e: {  	[spmem:s23] =	stream.linear.scatter [tilespmem:s18], [sflag:$0x5], $0x1800, $0x38;
	[tilespmem:$0x1E800] =	vst v63  }
0x4f: {  	s23 =	sld [smem:$0x7F9]  }
0x50: {  	[spmem:s22] =	stream.linear.scatter [tilespmem:s18], [sflag:$0x5], $0x1800, $0x38;
	[tilespmem:$0x1E800] =	vst v63  }
0x51: {  	_ = 	snop  }
0x52: {  	[spmem:s23] =	stream.linear.scatter [tilespmem:s18], [sflag:$0x5], $0x1800, $0x38;
	[tilespmem:$0x1E800] =	vst v63  }
0x53: {  	s18 =	sld [smem:$0x7FA];
	_ =	sdelay $0x1  }
0x54: {  	s5 =	simm.s32 @!p0 $0x9000  }
0x55: {  	[spmem:s18] =	stream.linear.scatter @!p0 [tilespmem:s5], [sflag:$0x5], $0x800, $0x38;
	[tilespmem:$0x1E800] =	vst v63  }
0x56: {  	s5 =	simm.s32 @!p0 $0x5  }
0x57: {  	_ =	swait.ge @!p0 [sflag:s5], $0x800  }
0x58: {  	[sflag:s5] =	ssyncset.done @!p0 $0x0  }
0x59: {  	s22 =	simm.s32 $0x5;
	[sflag:s5] =	ssyncadd.s32 @!p0 $0xFFFFF800  }
0x5a: {  	_ =	swait.ge [sflag:s22], $0x1800  }
0x5b: {  	[sflag:s22] =	ssyncset.done $0x0  }
0x5c: {  	[sflag:s22] =	ssyncadd.s32 $0xFFFFE800  }
0x5d: {  	_ =	swait.ge [sflag:s22], $0x1800  }
0x5e: {  	[sflag:s22] =	ssyncset.done $0x0  }
0x5f: {  	[sflag:s22] =	ssyncadd.s32 $0xFFFFE800  }
0x60: {  	_ =	swait.ge [sflag:s22], $0x1800  }
0x61: {  	[sflag:s22] =	ssyncset.done $0x0  }
0x62: {  	[sflag:s22] =	ssyncadd.s32 $0xFFFFE800  }
0x63: {  	_ =	swait.ge [sflag:s22], $0x1800  }
0x64: {  	[sflag:s22] =	ssyncset.done $0x0  }
0x65: {  	[sflag:s22] =	ssyncadd.s32 $0xFFFFE800  }
0x66: {  	_ =	swait.ge [sflag:s22], $0x1800  }
0x67: {  	[sflag:s22] =	ssyncset.done $0x0  }
0x68: {  	[sflag:s22] =	ssyncadd.s32 $0xFFFFE800  }
0x69: {  	_ =	swait.ge [sflag:s22], $0x1800  }
0x6a: {  	[sflag:s22] =	ssyncset.done $0x0  }
0x6b: {  	[sflag:s22] =	ssyncadd.s32 $0xFFFFE800  }
0x6c: {  	_ =	swait.ge [sflag:s22], $0x1800  }
0x6d: {  	[sflag:s22] =	ssyncset.done $0x0  }
0x6e: {  	[sflag:s22] =	ssyncadd.s32 $0xFFFFE800  }
0x6f: {  	_ =	swait.ge [sflag:s22], $0x1800  }
0x70: {  	[sflag:s22] =	ssyncset.done $0x0  }
0x71: {  	[sflag:s22] =	ssyncadd.s32 $0xFFFFE800  }
0x72: {  	_ =	swait.ge [sflag:s22], $0x1800  }
0x73: {  	[sflag:s22] =	ssyncset.done $0x0  }
0x74: {  	[sflag:s22] =	ssyncadd.s32 $0xFFFFE800  }
0x75: {  	_ =	swait.ge [sflag:s22], $0x1800  }
0x76: {  	[sflag:s22] =	ssyncset.done $0x0  }
0x77: {  	[sflag:s22] =	ssyncadd.s32 $0xFFFFE800  }
0x78: {  	_ =	swait.ge [sflag:s22], $0x1800  }
0x79: {  	[sflag:s22] =	ssyncset.done $0x0  }
0x7a: {  	[sflag:s22] =	ssyncadd.s32 $0xFFFFE800  }
0x7b: {  	_ =	swait.ge [sflag:s22], $0x1800  }
0x7c: {  	[sflag:s22] =	ssyncset.done $0x0  }
0x7d: {  	[sflag:s22] =	ssyncadd.s32 $0xFFFFE800  }
0x7e: {  	_ =	swait.ge [sflag:s22], $0x1800  }
0x7f: {  	[sflag:s22] =	ssyncset.done $0x0  }
0x80: {  	[sflag:s22] =	ssyncadd.s32 $0xFFFFE800  }
0x81: {  	[bflag:$0x0] =	sbarrier.arrive $0xFFFF  }
0x82: {  	s23 =	rddreg [dreg:$0x5]  }
0x83: {  	s5 =	sadd.s32 $0x0, s23  }
0x84: {  	[tilespmem:s4], [sflag:$0x6] =	stream.linear.gather [hbm4b:s5+s4], $0x800, $0x38;
	[tilespmem:$0x1E800] =	vst v63  }
0x85: {  	_ =	swait.ge [sflag:s24], $0x800  }
0x86: {  	s18 =	rddreg [dreg:$0x4];
	[sflag:s24] =	ssyncset.done $0x0  }
0x87: {  	[sflag:s24] =	ssyncadd.s32 $0xFFFFF800;
	s5 =	sadd.s32 $0x0, s18  }
0x88: {  	[tilespmem:s25], [sflag:$0x6] =	stream.linear.gather [hbm4b:s5+s4], $0x800, $0x38;
	[tilespmem:$0x1E800] =	vst v63  }
0x89: {  	_ =	swait.ge [sflag:s24], $0x800  }
0x8a: {  	[sflag:s24] =	ssyncset.done $0x0  }
0x8b: {  	[sflag:s24] =	ssyncadd.s32 $0xFFFFF800  }
0x8c: {  	[tilespmem:s28], [sflag:$0x1] =	stream.indirect.gather [hbm4b:s1+s26], $0x80, s4, s26, $0xb8;
	[tilespmem:$0x1E800] =	vst v63  }
0x8d: {  	_ = 	snop  }
0x8e: {  	[tilespmem:s29], [sflag:$0x2] =	stream.indirect.gather [hbm4b:s1+s26], $0x80, s26, s26, $0xb8;
	[tilespmem:$0x1E800] =	vst v63  }
0x8f: {  	_ =	swait.ge [sflag:s30], $0x4000  }
0x90: {  	[sflag:s30] =	ssyncset.done $0x0  }
0x91: {  	[sflag:s30] =	ssyncadd.s32 $0xFFFFC000  }
0x92: {  	[spmem:s3] =	stream.indirect.scatter.add.f32 [tilespmem:s28], [sflag:$0x3], $0x80, s25, s26, $0xb8;
	[tilespmem:$0x1E800] =	vst v63  }
0x93: {  	_ =	swait.ge [sflag:s31], $0x4000  }
0x94: {  	[sflag:s31] =	ssyncset.done $0x0  }
0x95: {  	s22 =	rddreg [dreg:$0x6];
	[sflag:s31] =	ssyncadd.s32 $0xFFFFC000  }
0x96: {  	[tilespmem:s28], [sflag:$0x1] =	stream.indirect.gather [hbm4b:s1+s26], $0x80, s22, s26, $0xb8;
	[tilespmem:$0x1E800] =	vst v63  }
0x97: {  	_ =	swait.ge [sflag:s2], $0x4000  }
0x98: {  	[sflag:s2] =	ssyncset.done $0x0  }
0x99: {  	s23 =	rddreg [dreg:$0x7];
	[sflag:s2] =	ssyncadd.s32 $0xFFFFC000  }
0x9a: {  	[spmem:s3] =	stream.indirect.scatter.add.f32 [tilespmem:s29], [sflag:$0x4], $0x80, s23, s26, $0xb8;
	[tilespmem:$0x1E800] =	vst v63  }
0x9b: {  	_ =	swait.ge [sflag:s0], $0x4000  }
0x9c: {  	[sflag:s0] =	ssyncset.done $0x0  }
0x9d: {  	s18 =	rddreg [dreg:$0x8];
	[sflag:s0] =	ssyncadd.s32 $0xFFFFC000  }
0x9e: {  	[tilespmem:s29], [sflag:$0x2] =	stream.indirect.gather [hbm4b:s1+s26], $0x80, s18, s26, $0xb8;
	[tilespmem:$0x1E800] =	vst v63  }
0x9f: {  	_ =	swait.ge [sflag:s30], $0x4000  }
0xa0: {  	[sflag:s30] =	ssyncset.done $0x0  }
0xa1: {  	s22 =	rddreg [dreg:$0x9];
	[sflag:s30] =	ssyncadd.s32 $0xFFFFC000  }
0xa2: {  	[spmem:s3] =	stream.indirect.scatter.add.f32 [tilespmem:s28], [sflag:$0x3], $0x80, s22, s26, $0xb8;
	[tilespmem:$0x1E800] =	vst v63  }
0xa3: {  	_ =	swait.ge [sflag:s31], $0x4000  }
0xa4: {  	[sflag:s31] =	ssyncset.done $0x0  }
0xa5: {  	s23 =	rddreg [dreg:$0xa];
	[sflag:s31] =	ssyncadd.s32 $0xFFFFC000  }
0xa6: {  	[tilespmem:s28], [sflag:$0x1] =	stream.indirect.gather [hbm4b:s1+s26], $0x80, s23, s26, $0xb8;
	[tilespmem:$0x1E800] =	vst v63  }
0xa7: {  	_ =	swait.ge [sflag:s2], $0x4000  }
0xa8: {  	[sflag:s2] =	ssyncset.done $0x0  }
0xa9: {  	s18 =	rddreg [dreg:$0xb];
	[sflag:s2] =	ssyncadd.s32 $0xFFFFC000  }
0xaa: {  	[spmem:s3] =	stream.indirect.scatter.add.f32 [tilespmem:s29], [sflag:$0x4], $0x80, s18, s26, $0xb8;
	[tilespmem:$0x1E800] =	vst v63  }
0xab: {  	_ =	swait.ge [sflag:s0], $0x4000  }
0xac: {  	[sflag:s0] =	ssyncset.done $0x0  }
0xad: {  	s22 =	rddreg [dreg:$0xc];
	[sflag:s0] =	ssyncadd.s32 $0xFFFFC000  }
0xae: {  	[tilespmem:s29], [sflag:$0x2] =	stream.indirect.gather [hbm4b:s1+s26], $0x80, s22, s26, $0xb8;
	[tilespmem:$0x1E800] =	vst v63  }
0xaf: {  	_ =	swait.ge [sflag:s30], $0x4000  }
0xb0: {  	[sflag:s30] =	ssyncset.done $0x0  }
0xb1: {  	s23 =	rddreg [dreg:$0xd];
	[sflag:s30] =	ssyncadd.s32 $0xFFFFC000  }
0xb2: {  	[spmem:s3] =	stream.indirect.scatter.add.f32 [tilespmem:s28], [sflag:$0x3], $0x80, s23, s26, $0xb8;
	[tilespmem:$0x1E800] =	vst v63  }
0xb3: {  	_ =	swait.ge [sflag:s31], $0x4000  }
0xb4: {  	[sflag:s31] =	ssyncset.done $0x0  }
0xb5: {  	s18 =	rddreg [dreg:$0xe];
	[sflag:s31] =	ssyncadd.s32 $0xFFFFC000  }
0xb6: {  	[tilespmem:s28], [sflag:$0x1] =	stream.indirect.gather [hbm4b:s1+s26], $0x80, s18, s26, $0xb8;
	[tilespmem:$0x1E800] =	vst v63  }
0xb7: {  	_ =	swait.ge [sflag:s2], $0x4000  }
0xb8: {  	[sflag:s2] =	ssyncset.done $0x0  }
0xb9: {  	s22 =	rddreg [dreg:$0xf];
	[sflag:s2] =	ssyncadd.s32 $0xFFFFC000  }
0xba: {  	[spmem:s3] =	stream.indirect.scatter.add.f32 [tilespmem:s29], [sflag:$0x4], $0x80, s22, s26, $0xb8;
	[tilespmem:$0x1E800] =	vst v63  }
0xbb: {  	_ =	swait.ge [sflag:s0], $0x4000  }
0xbc: {  	[sflag:s0] =	ssyncset.done $0x0  }
0xbd: {  	s23 =	rddreg [dreg:$0x10];
	[sflag:s0] =	ssyncadd.s32 $0xFFFFC000  }
0xbe: {  	[tilespmem:s29], [sflag:$0x2] =	stream.indirect.gather [hbm4b:s1+s26], $0x80, s23, s26, $0xb8;
	[tilespmem:$0x1E800] =	vst v63  }
0xbf: {  	_ =	swait.ge [sflag:s30], $0x4000  }
0xc0: {  	[sflag:s30] =	ssyncset.done $0x0  }
0xc1: {  	s18 =	rddreg [dreg:$0x11];
	[sflag:s30] =	ssyncadd.s32 $0xFFFFC000  }
0xc2: {  	[spmem:s3] =	stream.indirect.scatter.add.f32 [tilespmem:s28], [sflag:$0x3], $0x80, s18, s26, $0xb8;
	[tilespmem:$0x1E800] =	vst v63  }
0xc3: {  	_ =	swait.ge [sflag:s31], $0x4000  }
0xc4: {  	[sflag:s31] =	ssyncset.done $0x0  }
0xc5: {  	s22 =	rddreg [dreg:$0x12];
	[sflag:s31] =	ssyncadd.s32 $0xFFFFC000  }
0xc6: {  	[tilespmem:s28], [sflag:$0x1] =	stream.indirect.gather [hbm4b:s1+s26], $0x80, s22, s26, $0xb8;
	[tilespmem:$0x1E800] =	vst v63  }
0xc7: {  	_ =	swait.ge [sflag:s2], $0x4000  }
0xc8: {  	[sflag:s2] =	ssyncset.done $0x0  }
0xc9: {  	s23 =	rddreg [dreg:$0x13];
	[sflag:s2] =	ssyncadd.s32 $0xFFFFC000  }
0xca: {  	[spmem:s3] =	stream.indirect.scatter.add.f32 [tilespmem:s29], [sflag:$0x4], $0x80, s23, s26, $0xb8;
	[tilespmem:$0x1E800] =	vst v63  }
0xcb: {  	_ =	swait.ge [sflag:s0], $0x4000  }
0xcc: {  	[sflag:s0] =	ssyncset.done $0x0  }
0xcd: {  	[sflag:s0] =	ssyncadd.s32 $0xFFFFC000  }
0xce: {  	[tilespmem:s29], [sflag:$0x2] =	stream.indirect.gather [hbm4b:s1+s26], $0x80, s6, s26, $0xb8;
	[tilespmem:$0x1E800] =	vst v63  }
0xcf: {  	_ =	swait.ge [sflag:s30], $0x4000  }
0xd0: {  	[sflag:s30] =	ssyncset.done $0x0  }
0xd1: {  	[sflag:s30] =	ssyncadd.s32 $0xFFFFC000  }
0xd2: {  	[spmem:s3] =	stream.indirect.scatter.add.f32 [tilespmem:s28], [sflag:$0x3], $0x80, s7, s26, $0xb8;
	[tilespmem:$0x1E800] =	vst v63  }
0xd3: {  	_ =	swait.ge [sflag:s31], $0x4000  }
0xd4: {  	[sflag:s31] =	ssyncset.done $0x0  }
0xd5: {  	[sflag:s31] =	ssyncadd.s32 $0xFFFFC000  }
0xd6: {  	[tilespmem:s28], [sflag:$0x1] =	stream.indirect.gather [hbm4b:s1+s26], $0x80, s8, s26, $0xb8;
	[tilespmem:$0x1E800] =	vst v63  }
0xd7: {  	_ =	swait.ge [sflag:s2], $0x4000  }
0xd8: {  	[sflag:s2] =	ssyncset.done $0x0  }
0xd9: {  	[sflag:s2] =	ssyncadd.s32 $0xFFFFC000  }
0xda: {  	[spmem:s3] =	stream.indirect.scatter.add.f32 [tilespmem:s29], [sflag:$0x4], $0x80, s9, s26, $0xb8;
	[tilespmem:$0x1E800] =	vst v63  }
0xdb: {  	_ =	swait.ge [sflag:s0], $0x4000  }
0xdc: {  	[sflag:s0] =	ssyncset.done $0x0  }
0xdd: {  	[sflag:s0] =	ssyncadd.s32 $0xFFFFC000  }
0xde: {  	[tilespmem:s29], [sflag:$0x2] =	stream.indirect.gather [hbm4b:s1+s26], $0x80, s10, s26, $0xb8;
	[tilespmem:$0x1E800] =	vst v63  }
0xdf: {  	_ =	swait.ge [sflag:s30], $0x4000  }
0xe0: {  	[sflag:s30] =	ssyncset.done $0x0  }
0xe1: {  	[sflag:s30] =	ssyncadd.s32 $0xFFFFC000  }
0xe2: {  	[spmem:s3] =	stream.indirect.scatter.add.f32 [tilespmem:s28], [sflag:$0x3], $0x80, s11, s26, $0xb8;
	[tilespmem:$0x1E800] =	vst v63  }
0xe3: {  	_ =	swait.ge [sflag:s31], $0x4000  }
0xe4: {  	[sflag:s31] =	ssyncset.done $0x0  }
0xe5: {  	[sflag:s31] =	ssyncadd.s32 $0xFFFFC000  }
0xe6: {  	[tilespmem:s28], [sflag:$0x1] =	stream.indirect.gather [hbm4b:s1+s26], $0x80, s12, s26, $0xb8;
	[tilespmem:$0x1E800] =	vst v63  }
0xe7: {  	_ =	swait.ge [sflag:s2], $0x4000  }
0xe8: {  	[sflag:s2] =	ssyncset.done $0x0  }
0xe9: {  	[sflag:s2] =	ssyncadd.s32 $0xFFFFC000  }
0xea: {  	[spmem:s3] =	stream.indirect.scatter.add.f32 [tilespmem:s29], [sflag:$0x4], $0x80, s13, s26, $0xb8;
	[tilespmem:$0x1E800] =	vst v63  }
0xeb: {  	_ =	swait.ge [sflag:s0], $0x4000  }
0xec: {  	[sflag:s0] =	ssyncset.done $0x0  }
0xed: {  	[sflag:s0] =	ssyncadd.s32 $0xFFFFC000  }
0xee: {  	[tilespmem:s29], [sflag:$0x2] =	stream.indirect.gather [hbm4b:s1+s26], $0x80, s14, s26, $0xb8;
	[tilespmem:$0x1E800] =	vst v63  }
0xef: {  	_ =	swait.ge [sflag:s30], $0x4000  }
0xf0: {  	[sflag:s30] =	ssyncset.done $0x0  }
0xf1: {  	[sflag:s30] =	ssyncadd.s32 $0xFFFFC000  }
0xf2: {  	[spmem:s3] =	stream.indirect.scatter.add.f32 [tilespmem:s28], [sflag:$0x3], $0x80, s15, s26, $0xb8;
	[tilespmem:$0x1E800] =	vst v63  }
0xf3: {  	_ =	swait.ge [sflag:s31], $0x4000  }
0xf4: {  	[sflag:s31] =	ssyncset.done $0x0  }
0xf5: {  	[sflag:s31] =	ssyncadd.s32 $0xFFFFC000  }
0xf6: {  	[tilespmem:s28], [sflag:$0x1] =	stream.indirect.gather [hbm4b:s1+s26], $0x80, s16, s26, $0xb8;
	[tilespmem:$0x1E800] =	vst v63  }
0xf7: {  	_ =	swait.ge [sflag:s2], $0x4000  }
0xf8: {  	[sflag:s2] =	ssyncset.done $0x0  }
0xf9: {  	[sflag:s2] =	ssyncadd.s32 $0xFFFFC000  }
0xfa: {  	[spmem:s3] =	stream.indirect.scatter.add.f32 [tilespmem:s29], [sflag:$0x4], $0x80, s17, s26, $0xb8;
	[tilespmem:$0x1E800] =	vst v63  }
0xfb: {  	_ =	swait.ge [sflag:s0], $0x4000  }
0xfc: {  	[sflag:s0] =	ssyncset.done $0x0  }
0xfd: {  	[sflag:s0] =	ssyncadd.s32 $0xFFFFC000  }
0xfe: {  	[tilespmem:s29], [sflag:$0x2] =	stream.indirect.gather [hbm4b:s1+s26], $0x80, s19, s26, $0xb8;
	[tilespmem:$0x1E800] =	vst v63  }
0xff: {  	_ =	swait.ge [sflag:s30], $0x4000  }
0x100: {  	[sflag:s30] =	ssyncset.done $0x0  }
0x101: {  	[sflag:s30] =	ssyncadd.s32 $0xFFFFC000  }
0x102: {  	[spmem:s3] =	stream.indirect.scatter.add.f32 [tilespmem:s28], [sflag:$0x3], $0x80, s20, s26, $0xb8;
	[tilespmem:$0x1E800] =	vst v63  }
0x103: {  	_ =	swait.ge [sflag:s2], $0x4000  }
0x104: {  	[sflag:s2] =	ssyncset.done $0x0  }
0x105: {  	[sflag:s2] =	ssyncadd.s32 $0xFFFFC000  }
0x106: {  	[spmem:s3] =	stream.indirect.scatter.add.f32 [tilespmem:s29], [sflag:$0x4], $0x80, s21, s26, $0xb8;
	[tilespmem:$0x1E800] =	vst v63  }
0x107: {  	_ =	swait.ge [sflag:s31], $0x4000  }
0x108: {  	[sflag:s31] =	ssyncset.done $0x0  }
0x109: {  	[sflag:s31] =	ssyncadd.s32 $0xFFFFC000  }
0x10a: {  	s5 =	simm.s32 $0x100;
	_ =	swait.ge [sflag:s0], $0x4000  }
0x10b: {  	s22 =	simm.s32 $0x200;
	s18 =	rddreg [dreg:$0x5];
	[sflag:s0] =	ssyncset.done $0x0  }
.LBB2_4:
0x10c: {  	[sflag:s0] =	ssyncadd.s32 $0xFFFFC000;
	s18 =	sadd.s32 s5, s18  }
0x10d: {  	[tilespmem:s4], [sflag:$0x6] =	stream.linear.gather [hbm4b:s18+s4], $0x800, $0x38;
	[tilespmem:$0x1E800] =	vst v63  }
0x10e: {  	_ =	swait.ge [sflag:s24], $0x800  }
0x10f: {  	s18 =	rddreg [dreg:$0x4];
	[sflag:s24] =	ssyncset.done $0x0  }
0x110: {  	[sflag:s24] =	ssyncadd.s32 $0xFFFFF800;
	s18 =	sadd.s32 s5, s18  }
0x111: {  	[tilespmem:s25], [sflag:$0x6] =	stream.linear.gather [hbm4b:s18+s4], $0x800, $0x38;
	[tilespmem:$0x1E800] =	vst v63  }
0x112: {  	_ =	swait.ge [sflag:s24], $0x800  }
0x113: {  	[sflag:s24] =	ssyncset.done $0x0  }
0x114: {  	[sflag:s24] =	ssyncadd.s32 $0xFFFFF800  }
0x115: {  	[tilespmem:s28], [sflag:$0x1] =	stream.indirect.gather [hbm4b:s1+s26], $0x80, s4, s26, $0xb8;
	[tilespmem:$0x1E800] =	vst v63  }
0x116: {  	_ = 	snop  }
0x117: {  	[tilespmem:s29], [sflag:$0x2] =	stream.indirect.gather [hbm4b:s1+s26], $0x80, s26, s26, $0xb8;
	[tilespmem:$0x1E800] =	vst v63  }
0x118: {  	_ =	swait.ge [sflag:s30], $0x4000  }
0x119: {  	[sflag:s30] =	ssyncset.done $0x0  }
0x11a: {  	[sflag:s30] =	ssyncadd.s32 $0xFFFFC000  }
0x11b: {  	[spmem:s3] =	stream.indirect.scatter.add.f32 [tilespmem:s28], [sflag:$0x3], $0x80, s25, s26, $0xb8;
	[tilespmem:$0x1E800] =	vst v63  }
0x11c: {  	_ =	swait.ge [sflag:s31], $0x4000  }
0x11d: {  	s23 =	smov.u32 s22;
	[sflag:s31] =	ssyncset.done $0x0  }
0x11e: {  	s5 =	smov.u32 s23;
	s23 =	rddreg [dreg:$0x6];
	[sflag:s31] =	ssyncadd.s32 $0xFFFFC000  }
0x11f: {  	[tilespmem:s28], [sflag:$0x1] =	stream.indirect.gather [hbm4b:s1+s26], $0x80, s23, s26, $0xb8;
	[tilespmem:$0x1E800] =	vst v63  }
0x120: {  	_ =	swait.ge [sflag:s2], $0x4000  }
0x121: {  	[sflag:s2] =	ssyncset.done $0x0  }
0x122: {  	s23 =	rddreg [dreg:$0x7];
	[sflag:s2] =	ssyncadd.s32 $0xFFFFC000  }
0x123: {  	[spmem:s3] =	stream.indirect.scatter.add.f32 [tilespmem:s29], [sflag:$0x4], $0x80, s23, s26, $0xb8;
	[tilespmem:$0x1E800] =	vst v63  }
0x124: {  	_ =	swait.ge [sflag:s0], $0x4000  }
0x125: {  	[sflag:s0] =	ssyncset.done $0x0  }
0x126: {  	s23 =	rddreg [dreg:$0x8];
	[sflag:s0] =	ssyncadd.s32 $0xFFFFC000  }
0x127: {  	[tilespmem:s29], [sflag:$0x2] =	stream.indirect.gather [hbm4b:s1+s26], $0x80, s23, s26, $0xb8;
	[tilespmem:$0x1E800] =	vst v63  }
0x128: {  	_ =	swait.ge [sflag:s30], $0x4000  }
0x129: {  	[sflag:s30] =	ssyncset.done $0x0  }
0x12a: {  	s23 =	rddreg [dreg:$0x9];
	[sflag:s30] =	ssyncadd.s32 $0xFFFFC000  }
0x12b: {  	[spmem:s3] =	stream.indirect.scatter.add.f32 [tilespmem:s28], [sflag:$0x3], $0x80, s23, s26, $0xb8;
	[tilespmem:$0x1E800] =	vst v63  }
0x12c: {  	_ =	swait.ge [sflag:s31], $0x4000  }
0x12d: {  	[sflag:s31] =	ssyncset.done $0x0  }
0x12e: {  	s23 =	rddreg [dreg:$0xa];
	[sflag:s31] =	ssyncadd.s32 $0xFFFFC000  }
0x12f: {  	[tilespmem:s28], [sflag:$0x1] =	stream.indirect.gather [hbm4b:s1+s26], $0x80, s23, s26, $0xb8;
	[tilespmem:$0x1E800] =	vst v63  }
0x130: {  	_ =	swait.ge [sflag:s2], $0x4000  }
0x131: {  	[sflag:s2] =	ssyncset.done $0x0  }
0x132: {  	s23 =	rddreg [dreg:$0xb];
	[sflag:s2] =	ssyncadd.s32 $0xFFFFC000  }
0x133: {  	[spmem:s3] =	stream.indirect.scatter.add.f32 [tilespmem:s29], [sflag:$0x4], $0x80, s23, s26, $0xb8;
	[tilespmem:$0x1E800] =	vst v63  }
0x134: {  	_ =	swait.ge [sflag:s0], $0x4000  }
0x135: {  	[sflag:s0] =	ssyncset.done $0x0  }
0x136: {  	s23 =	rddreg [dreg:$0xc];
	[sflag:s0] =	ssyncadd.s32 $0xFFFFC000  }
0x137: {  	[tilespmem:s29], [sflag:$0x2] =	stream.indirect.gather [hbm4b:s1+s26], $0x80, s23, s26, $0xb8;
	[tilespmem:$0x1E800] =	vst v63  }
0x138: {  	_ =	swait.ge [sflag:s30], $0x4000  }
0x139: {  	[sflag:s30] =	ssyncset.done $0x0  }
0x13a: {  	s23 =	rddreg [dreg:$0xd];
	[sflag:s30] =	ssyncadd.s32 $0xFFFFC000  }
0x13b: {  	[spmem:s3] =	stream.indirect.scatter.add.f32 [tilespmem:s28], [sflag:$0x3], $0x80, s23, s26, $0xb8;
	[tilespmem:$0x1E800] =	vst v63  }
0x13c: {  	_ =	swait.ge [sflag:s31], $0x4000  }
0x13d: {  	[sflag:s31] =	ssyncset.done $0x0  }
0x13e: {  	s23 =	rddreg [dreg:$0xe];
	[sflag:s31] =	ssyncadd.s32 $0xFFFFC000  }
0x13f: {  	[tilespmem:s28], [sflag:$0x1] =	stream.indirect.gather [hbm4b:s1+s26], $0x80, s23, s26, $0xb8;
	[tilespmem:$0x1E800] =	vst v63  }
0x140: {  	_ =	swait.ge [sflag:s2], $0x4000  }
0x141: {  	[sflag:s2] =	ssyncset.done $0x0  }
0x142: {  	s23 =	rddreg [dreg:$0xf];
	[sflag:s2] =	ssyncadd.s32 $0xFFFFC000  }
0x143: {  	[spmem:s3] =	stream.indirect.scatter.add.f32 [tilespmem:s29], [sflag:$0x4], $0x80, s23, s26, $0xb8;
	[tilespmem:$0x1E800] =	vst v63  }
0x144: {  	_ =	swait.ge [sflag:s0], $0x4000  }
0x145: {  	[sflag:s0] =	ssyncset.done $0x0  }
0x146: {  	s23 =	rddreg [dreg:$0x10];
	[sflag:s0] =	ssyncadd.s32 $0xFFFFC000  }
0x147: {  	[tilespmem:s29], [sflag:$0x2] =	stream.indirect.gather [hbm4b:s1+s26], $0x80, s23, s26, $0xb8;
	[tilespmem:$0x1E800] =	vst v63  }
0x148: {  	_ =	swait.ge [sflag:s30], $0x4000  }
0x149: {  	[sflag:s30] =	ssyncset.done $0x0  }
0x14a: {  	s23 =	rddreg [dreg:$0x11];
	[sflag:s30] =	ssyncadd.s32 $0xFFFFC000  }
0x14b: {  	[spmem:s3] =	stream.indirect.scatter.add.f32 [tilespmem:s28], [sflag:$0x3], $0x80, s23, s26, $0xb8;
	[tilespmem:$0x1E800] =	vst v63  }
0x14c: {  	_ =	swait.ge [sflag:s31], $0x4000  }
0x14d: {  	[sflag:s31] =	ssyncset.done $0x0  }
0x14e: {  	s23 =	rddreg [dreg:$0x12];
	[sflag:s31] =	ssyncadd.s32 $0xFFFFC000  }
0x14f: {  	[tilespmem:s28], [sflag:$0x1] =	stream.indirect.gather [hbm4b:s1+s26], $0x80, s23, s26, $0xb8;
	[tilespmem:$0x1E800] =	vst v63  }
0x150: {  	_ =	swait.ge [sflag:s2], $0x4000  }
0x151: {  	[sflag:s2] =	ssyncset.done $0x0  }
0x152: {  	s23 =	rddreg [dreg:$0x13];
	[sflag:s2] =	ssyncadd.s32 $0xFFFFC000  }
0x153: {  	[spmem:s3] =	stream.indirect.scatter.add.f32 [tilespmem:s29], [sflag:$0x4], $0x80, s23, s26, $0xb8;
	[tilespmem:$0x1E800] =	vst v63  }
0x154: {  	_ =	swait.ge [sflag:s0], $0x4000  }
0x155: {  	[sflag:s0] =	ssyncset.done $0x0  }
0x156: {  	[sflag:s0] =	ssyncadd.s32 $0xFFFFC000  }
0x157: {  	[tilespmem:s29], [sflag:$0x2] =	stream.indirect.gather [hbm4b:s1+s26], $0x80, s6, s26, $0xb8;
	[tilespmem:$0x1E800] =	vst v63  }
0x158: {  	_ =	swait.ge [sflag:s30], $0x4000  }
0x159: {  	[sflag:s30] =	ssyncset.done $0x0  }
0x15a: {  	[sflag:s30] =	ssyncadd.s32 $0xFFFFC000  }
0x15b: {  	[spmem:s3] =	stream.indirect.scatter.add.f32 [tilespmem:s28], [sflag:$0x3], $0x80, s7, s26, $0xb8;
	[tilespmem:$0x1E800] =	vst v63  }
0x15c: {  	_ =	swait.ge [sflag:s31], $0x4000  }
0x15d: {  	[sflag:s31] =	ssyncset.done $0x0  }
0x15e: {  	[sflag:s31] =	ssyncadd.s32 $0xFFFFC000  }
0x15f: {  	[tilespmem:s28], [sflag:$0x1] =	stream.indirect.gather [hbm4b:s1+s26], $0x80, s8, s26, $0xb8;
	[tilespmem:$0x1E800] =	vst v63  }
0x160: {  	_ =	swait.ge [sflag:s2], $0x4000  }
0x161: {  	[sflag:s2] =	ssyncset.done $0x0  }
0x162: {  	[sflag:s2] =	ssyncadd.s32 $0xFFFFC000  }
0x163: {  	[spmem:s3] =	stream.indirect.scatter.add.f32 [tilespmem:s29], [sflag:$0x4], $0x80, s9, s26, $0xb8;
	[tilespmem:$0x1E800] =	vst v63  }
0x164: {  	_ =	swait.ge [sflag:s0], $0x4000  }
0x165: {  	[sflag:s0] =	ssyncset.done $0x0  }
0x166: {  	[sflag:s0] =	ssyncadd.s32 $0xFFFFC000  }
0x167: {  	[tilespmem:s29], [sflag:$0x2] =	stream.indirect.gather [hbm4b:s1+s26], $0x80, s10, s26, $0xb8;
	[tilespmem:$0x1E800] =	vst v63  }
0x168: {  	_ =	swait.ge [sflag:s30], $0x4000  }
0x169: {  	[sflag:s30] =	ssyncset.done $0x0  }
0x16a: {  	[sflag:s30] =	ssyncadd.s32 $0xFFFFC000  }
0x16b: {  	[spmem:s3] =	stream.indirect.scatter.add.f32 [tilespmem:s28], [sflag:$0x3], $0x80, s11, s26, $0xb8;
	[tilespmem:$0x1E800] =	vst v63  }
0x16c: {  	_ =	swait.ge [sflag:s31], $0x4000  }
0x16d: {  	[sflag:s31] =	ssyncset.done $0x0  }
0x16e: {  	[sflag:s31] =	ssyncadd.s32 $0xFFFFC000  }
0x16f: {  	[tilespmem:s28], [sflag:$0x1] =	stream.indirect.gather [hbm4b:s1+s26], $0x80, s12, s26, $0xb8;
	[tilespmem:$0x1E800] =	vst v63  }
0x170: {  	_ =	swait.ge [sflag:s2], $0x4000  }
0x171: {  	[sflag:s2] =	ssyncset.done $0x0  }
0x172: {  	[sflag:s2] =	ssyncadd.s32 $0xFFFFC000  }
0x173: {  	[spmem:s3] =	stream.indirect.scatter.add.f32 [tilespmem:s29], [sflag:$0x4], $0x80, s13, s26, $0xb8;
	[tilespmem:$0x1E800] =	vst v63  }
0x174: {  	_ =	swait.ge [sflag:s0], $0x4000  }
0x175: {  	[sflag:s0] =	ssyncset.done $0x0  }
0x176: {  	[sflag:s0] =	ssyncadd.s32 $0xFFFFC000  }
0x177: {  	[tilespmem:s29], [sflag:$0x2] =	stream.indirect.gather [hbm4b:s1+s26], $0x80, s14, s26, $0xb8;
	[tilespmem:$0x1E800] =	vst v63  }
0x178: {  	_ =	swait.ge [sflag:s30], $0x4000  }
0x179: {  	[sflag:s30] =	ssyncset.done $0x0  }
0x17a: {  	[sflag:s30] =	ssyncadd.s32 $0xFFFFC000  }
0x17b: {  	[spmem:s3] =	stream.indirect.scatter.add.f32 [tilespmem:s28], [sflag:$0x3], $0x80, s15, s26, $0xb8;
	[tilespmem:$0x1E800] =	vst v63  }
0x17c: {  	_ =	swait.ge [sflag:s31], $0x4000  }
0x17d: {  	[sflag:s31] =	ssyncset.done $0x0  }
0x17e: {  	[sflag:s31] =	ssyncadd.s32 $0xFFFFC000  }
0x17f: {  	[tilespmem:s28], [sflag:$0x1] =	stream.indirect.gather [hbm4b:s1+s26], $0x80, s16, s26, $0xb8;
	[tilespmem:$0x1E800] =	vst v63  }
0x180: {  	_ =	swait.ge [sflag:s2], $0x4000  }
0x181: {  	[sflag:s2] =	ssyncset.done $0x0  }
0x182: {  	[sflag:s2] =	ssyncadd.s32 $0xFFFFC000  }
0x183: {  	[spmem:s3] =	stream.indirect.scatter.add.f32 [tilespmem:s29], [sflag:$0x4], $0x80, s17, s26, $0xb8;
	[tilespmem:$0x1E800] =	vst v63  }
0x184: {  	_ =	swait.ge [sflag:s0], $0x4000  }
0x185: {  	[sflag:s0] =	ssyncset.done $0x0  }
0x186: {  	[sflag:s0] =	ssyncadd.s32 $0xFFFFC000  }
0x187: {  	[tilespmem:s29], [sflag:$0x2] =	stream.indirect.gather [hbm4b:s1+s26], $0x80, s19, s26, $0xb8;
	[tilespmem:$0x1E800] =	vst v63  }
0x188: {  	_ =	swait.ge [sflag:s30], $0x4000  }
0x189: {  	[sflag:s30] =	ssyncset.done $0x0  }
0x18a: {  	[sflag:s30] =	ssyncadd.s32 $0xFFFFC000  }
0x18b: {  	[spmem:s3] =	stream.indirect.scatter.add.f32 [tilespmem:s28], [sflag:$0x3], $0x80, s20, s26, $0xb8;
	[tilespmem:$0x1E800] =	vst v63  }
0x18c: {  	_ =	swait.ge [sflag:s2], $0x4000  }
0x18d: {  	[sflag:s2] =	ssyncset.done $0x0  }
0x18e: {  	p1 =	sne.s32 s22, $0x400;
	[sflag:s2] =	ssyncadd.s32 $0xFFFFC000  }
0x18f: {  	[spmem:s3] =	stream.indirect.scatter.add.f32 [tilespmem:s29], [sflag:$0x4], $0x80, s21, s26, $0xb8;
	[tilespmem:$0x1E800] =	vst v63  }
.Ltmp1:
0x190: {  	_ =	swait.ge [sflag:s31], $0x4000;
	(pc) =	sbr.rel @p1 .LBB2_4-.Ltmp1, $4  }
0x191: {  	[sflag:s31] =	ssyncset.done $0x0  }
0x192: {  	[sflag:s31] =	ssyncadd.s32 $0xFFFFC000  }
0x193: {  	_ =	swait.ge [sflag:s0], $0x4000  }
0x194: {  	s22 =	sadd.s32 $0x100, s22;
	s18 =	rddreg [dreg:$0x5];
	[sflag:s0] =	ssyncset.done $0x0  }
0x195: {  	[sflag:s0] =	ssyncadd.s32 $0xFFFFC000;
	s18 =	sadd.s32 s5, s18  }
0x196: {  	[tilespmem:s4], [sflag:$0x6] =	stream.linear.gather [hbm4b:s18+s4], $0x800, $0x38;
	[tilespmem:$0x1E800] =	vst v63  }
0x197: {  	_ =	swait.ge [sflag:s24], $0x800  }
0x198: {  	s22 =	rddreg [dreg:$0x4];
	[sflag:s24] =	ssyncset.done $0x0  }
0x199: {  	[sflag:s24] =	ssyncadd.s32 $0xFFFFF800;
	s23 =	sadd.s32 s5, s22  }
0x19a: {  	[tilespmem:s25], [sflag:$0x6] =	stream.linear.gather [hbm4b:s23+s4], $0x800, $0x38;
	[tilespmem:$0x1E800] =	vst v63  }
0x19b: {  	_ =	swait.ge [sflag:s24], $0x800  }
0x19c: {  	[sflag:s24] =	ssyncset.done $0x0  }
0x19d: {  	[sflag:s24] =	ssyncadd.s32 $0xFFFFF800  }
0x19e: {  	[tilespmem:s28], [sflag:$0x1] =	stream.indirect.gather [hbm4b:s1+s26], $0x80, s4, s26, $0xb8;
	[tilespmem:$0x1E800] =	vst v63  }
0x19f: {  	_ = 	snop  }
0x1a0: {  	[tilespmem:s29], [sflag:$0x2] =	stream.indirect.gather [hbm4b:s1+s26], $0x80, s26, s26, $0xb8;
	[tilespmem:$0x1E800] =	vst v63  }
0x1a1: {  	_ =	swait.ge [sflag:s30], $0x4000  }
0x1a2: {  	[sflag:s30] =	ssyncset.done $0x0  }
0x1a3: {  	[sflag:s30] =	ssyncadd.s32 $0xFFFFC000  }
0x1a4: {  	[spmem:s3] =	stream.indirect.scatter.add.f32 [tilespmem:s28], [sflag:$0x3], $0x80, s25, s26, $0xb8;
	[tilespmem:$0x1E800] =	vst v63  }
0x1a5: {  	_ =	swait.ge [sflag:s31], $0x4000  }
0x1a6: {  	[sflag:s31] =	ssyncset.done $0x0  }
0x1a7: {  	s18 =	rddreg [dreg:$0x6];
	[sflag:s31] =	ssyncadd.s32 $0xFFFFC000  }
0x1a8: {  	[tilespmem:s28], [sflag:$0x1] =	stream.indirect.gather [hbm4b:s1+s26], $0x80, s18, s26, $0xb8;
	[tilespmem:$0x1E800] =	vst v63  }
0x1a9: {  	_ =	swait.ge [sflag:s2], $0x4000  }
0x1aa: {  	[sflag:s2] =	ssyncset.done $0x0  }
0x1ab: {  	s22 =	rddreg [dreg:$0x7];
	[sflag:s2] =	ssyncadd.s32 $0xFFFFC000  }
0x1ac: {  	[spmem:s3] =	stream.indirect.scatter.add.f32 [tilespmem:s29], [sflag:$0x4], $0x80, s22, s26, $0xb8;
	[tilespmem:$0x1E800] =	vst v63  }
0x1ad: {  	_ =	swait.ge [sflag:s0], $0x4000  }
0x1ae: {  	[sflag:s0] =	ssyncset.done $0x0  }
0x1af: {  	s23 =	rddreg [dreg:$0x8];
	[sflag:s0] =	ssyncadd.s32 $0xFFFFC000  }
0x1b0: {  	[tilespmem:s29], [sflag:$0x2] =	stream.indirect.gather [hbm4b:s1+s26], $0x80, s23, s26, $0xb8;
	[tilespmem:$0x1E800] =	vst v63  }
0x1b1: {  	_ =	swait.ge [sflag:s30], $0x4000  }
0x1b2: {  	[sflag:s30] =	ssyncset.done $0x0  }
0x1b3: {  	s18 =	rddreg [dreg:$0x9];
	[sflag:s30] =	ssyncadd.s32 $0xFFFFC000  }
0x1b4: {  	[spmem:s3] =	stream.indirect.scatter.add.f32 [tilespmem:s28], [sflag:$0x3], $0x80, s18, s26, $0xb8;
	[tilespmem:$0x1E800] =	vst v63  }
0x1b5: {  	_ =	swait.ge [sflag:s31], $0x4000  }
0x1b6: {  	[sflag:s31] =	ssyncset.done $0x0  }
0x1b7: {  	s22 =	rddreg [dreg:$0xa];
	[sflag:s31] =	ssyncadd.s32 $0xFFFFC000  }
0x1b8: {  	[tilespmem:s28], [sflag:$0x1] =	stream.indirect.gather [hbm4b:s1+s26], $0x80, s22, s26, $0xb8;
	[tilespmem:$0x1E800] =	vst v63  }
0x1b9: {  	_ =	swait.ge [sflag:s2], $0x4000  }
0x1ba: {  	[sflag:s2] =	ssyncset.done $0x0  }
0x1bb: {  	s23 =	rddreg [dreg:$0xb];
	[sflag:s2] =	ssyncadd.s32 $0xFFFFC000  }
0x1bc: {  	[spmem:s3] =	stream.indirect.scatter.add.f32 [tilespmem:s29], [sflag:$0x4], $0x80, s23, s26, $0xb8;
	[tilespmem:$0x1E800] =	vst v63  }
0x1bd: {  	_ =	swait.ge [sflag:s0], $0x4000  }
0x1be: {  	[sflag:s0] =	ssyncset.done $0x0  }
0x1bf: {  	s18 =	rddreg [dreg:$0xc];
	[sflag:s0] =	ssyncadd.s32 $0xFFFFC000  }
0x1c0: {  	[tilespmem:s29], [sflag:$0x2] =	stream.indirect.gather [hbm4b:s1+s26], $0x80, s18, s26, $0xb8;
	[tilespmem:$0x1E800] =	vst v63  }
0x1c1: {  	_ =	swait.ge [sflag:s30], $0x4000  }
0x1c2: {  	[sflag:s30] =	ssyncset.done $0x0  }
0x1c3: {  	s22 =	rddreg [dreg:$0xd];
	[sflag:s30] =	ssyncadd.s32 $0xFFFFC000  }
0x1c4: {  	[spmem:s3] =	stream.indirect.scatter.add.f32 [tilespmem:s28], [sflag:$0x3], $0x80, s22, s26, $0xb8;
	[tilespmem:$0x1E800] =	vst v63  }
0x1c5: {  	_ =	swait.ge [sflag:s31], $0x4000  }
0x1c6: {  	[sflag:s31] =	ssyncset.done $0x0  }
0x1c7: {  	s23 =	rddreg [dreg:$0xe];
	[sflag:s31] =	ssyncadd.s32 $0xFFFFC000  }
0x1c8: {  	[tilespmem:s28], [sflag:$0x1] =	stream.indirect.gather [hbm4b:s1+s26], $0x80, s23, s26, $0xb8;
	[tilespmem:$0x1E800] =	vst v63  }
0x1c9: {  	_ =	swait.ge [sflag:s2], $0x4000  }
0x1ca: {  	[sflag:s2] =	ssyncset.done $0x0  }
0x1cb: {  	s18 =	rddreg [dreg:$0xf];
	[sflag:s2] =	ssyncadd.s32 $0xFFFFC000  }
0x1cc: {  	[spmem:s3] =	stream.indirect.scatter.add.f32 [tilespmem:s29], [sflag:$0x4], $0x80, s18, s26, $0xb8;
	[tilespmem:$0x1E800] =	vst v63  }
0x1cd: {  	_ =	swait.ge [sflag:s0], $0x4000  }
0x1ce: {  	[sflag:s0] =	ssyncset.done $0x0  }
0x1cf: {  	s22 =	rddreg [dreg:$0x10];
	[sflag:s0] =	ssyncadd.s32 $0xFFFFC000  }
0x1d0: {  	[tilespmem:s29], [sflag:$0x2] =	stream.indirect.gather [hbm4b:s1+s26], $0x80, s22, s26, $0xb8;
	[tilespmem:$0x1E800] =	vst v63  }
0x1d1: {  	_ =	swait.ge [sflag:s30], $0x4000  }
0x1d2: {  	[sflag:s30] =	ssyncset.done $0x0  }
0x1d3: {  	s23 =	rddreg [dreg:$0x11];
	[sflag:s30] =	ssyncadd.s32 $0xFFFFC000  }
0x1d4: {  	[spmem:s3] =	stream.indirect.scatter.add.f32 [tilespmem:s28], [sflag:$0x3], $0x80, s23, s26, $0xb8;
	[tilespmem:$0x1E800] =	vst v63  }
0x1d5: {  	_ =	swait.ge [sflag:s31], $0x4000  }
0x1d6: {  	[sflag:s31] =	ssyncset.done $0x0  }
0x1d7: {  	s18 =	rddreg [dreg:$0x12];
	[sflag:s31] =	ssyncadd.s32 $0xFFFFC000  }
0x1d8: {  	[tilespmem:s28], [sflag:$0x1] =	stream.indirect.gather [hbm4b:s1+s26], $0x80, s18, s26, $0xb8;
	[tilespmem:$0x1E800] =	vst v63  }
0x1d9: {  	_ =	swait.ge [sflag:s2], $0x4000  }
0x1da: {  	[sflag:s2] =	ssyncset.done $0x0  }
0x1db: {  	s22 =	rddreg [dreg:$0x13];
	[sflag:s2] =	ssyncadd.s32 $0xFFFFC000  }
0x1dc: {  	[spmem:s3] =	stream.indirect.scatter.add.f32 [tilespmem:s29], [sflag:$0x4], $0x80, s22, s26, $0xb8;
	[tilespmem:$0x1E800] =	vst v63  }
0x1dd: {  	_ =	swait.ge [sflag:s0], $0x4000  }
0x1de: {  	[sflag:s0] =	ssyncset.done $0x0  }
0x1df: {  	[sflag:s0] =	ssyncadd.s32 $0xFFFFC000  }
0x1e0: {  	[tilespmem:s29], [sflag:$0x2] =	stream.indirect.gather [hbm4b:s1+s26], $0x80, s6, s26, $0xb8;
	[tilespmem:$0x1E800] =	vst v63  }
0x1e1: {  	_ =	swait.ge [sflag:s30], $0x4000  }
0x1e2: {  	[sflag:s30] =	ssyncset.done $0x0  }
0x1e3: {  	[sflag:s30] =	ssyncadd.s32 $0xFFFFC000  }
0x1e4: {  	[spmem:s3] =	stream.indirect.scatter.add.f32 [tilespmem:s28], [sflag:$0x3], $0x80, s7, s26, $0xb8;
	[tilespmem:$0x1E800] =	vst v63  }
0x1e5: {  	_ =	swait.ge [sflag:s31], $0x4000  }
0x1e6: {  	[sflag:s31] =	ssyncset.done $0x0  }
0x1e7: {  	[sflag:s31] =	ssyncadd.s32 $0xFFFFC000  }
0x1e8: {  	[tilespmem:s28], [sflag:$0x1] =	stream.indirect.gather [hbm4b:s1+s26], $0x80, s8, s26, $0xb8;
	[tilespmem:$0x1E800] =	vst v63  }
0x1e9: {  	_ =	swait.ge [sflag:s2], $0x4000  }
0x1ea: {  	[sflag:s2] =	ssyncset.done $0x0  }
0x1eb: {  	[sflag:s2] =	ssyncadd.s32 $0xFFFFC000  }
0x1ec: {  	[spmem:s3] =	stream.indirect.scatter.add.f32 [tilespmem:s29], [sflag:$0x4], $0x80, s9, s26, $0xb8;
	[tilespmem:$0x1E800] =	vst v63  }
0x1ed: {  	_ =	swait.ge [sflag:s0], $0x4000  }
0x1ee: {  	[sflag:s0] =	ssyncset.done $0x0  }
0x1ef: {  	[sflag:s0] =	ssyncadd.s32 $0xFFFFC000  }
0x1f0: {  	[tilespmem:s29], [sflag:$0x2] =	stream.indirect.gather [hbm4b:s1+s26], $0x80, s10, s26, $0xb8;
	[tilespmem:$0x1E800] =	vst v63  }
0x1f1: {  	_ =	swait.ge [sflag:s30], $0x4000  }
0x1f2: {  	[sflag:s30] =	ssyncset.done $0x0  }
0x1f3: {  	[sflag:s30] =	ssyncadd.s32 $0xFFFFC000  }
0x1f4: {  	[spmem:s3] =	stream.indirect.scatter.add.f32 [tilespmem:s28], [sflag:$0x3], $0x80, s11, s26, $0xb8;
	[tilespmem:$0x1E800] =	vst v63  }
0x1f5: {  	_ =	swait.ge [sflag:s31], $0x4000  }
0x1f6: {  	[sflag:s31] =	ssyncset.done $0x0  }
0x1f7: {  	[sflag:s31] =	ssyncadd.s32 $0xFFFFC000  }
0x1f8: {  	[tilespmem:s28], [sflag:$0x1] =	stream.indirect.gather [hbm4b:s1+s26], $0x80, s12, s26, $0xb8;
	[tilespmem:$0x1E800] =	vst v63  }
0x1f9: {  	_ =	swait.ge [sflag:s2], $0x4000  }
0x1fa: {  	[sflag:s2] =	ssyncset.done $0x0  }
0x1fb: {  	[sflag:s2] =	ssyncadd.s32 $0xFFFFC000  }
0x1fc: {  	[spmem:s3] =	stream.indirect.scatter.add.f32 [tilespmem:s29], [sflag:$0x4], $0x80, s13, s26, $0xb8;
	[tilespmem:$0x1E800] =	vst v63  }
0x1fd: {  	_ =	swait.ge [sflag:s0], $0x4000  }
0x1fe: {  	[sflag:s0] =	ssyncset.done $0x0  }
0x1ff: {  	[sflag:s0] =	ssyncadd.s32 $0xFFFFC000  }
0x200: {  	[tilespmem:s29], [sflag:$0x2] =	stream.indirect.gather [hbm4b:s1+s26], $0x80, s14, s26, $0xb8;
	[tilespmem:$0x1E800] =	vst v63  }
0x201: {  	_ =	swait.ge [sflag:s30], $0x4000  }
0x202: {  	[sflag:s30] =	ssyncset.done $0x0  }
0x203: {  	[sflag:s30] =	ssyncadd.s32 $0xFFFFC000  }
0x204: {  	[spmem:s3] =	stream.indirect.scatter.add.f32 [tilespmem:s28], [sflag:$0x3], $0x80, s15, s26, $0xb8;
	[tilespmem:$0x1E800] =	vst v63  }
0x205: {  	_ =	swait.ge [sflag:s31], $0x4000  }
0x206: {  	[sflag:s31] =	ssyncset.done $0x0  }
0x207: {  	[sflag:s31] =	ssyncadd.s32 $0xFFFFC000  }
0x208: {  	[tilespmem:s28], [sflag:$0x1] =	stream.indirect.gather [hbm4b:s1+s26], $0x80, s16, s26, $0xb8;
	[tilespmem:$0x1E800] =	vst v63  }
0x209: {  	_ =	swait.ge [sflag:s2], $0x4000  }
0x20a: {  	[sflag:s2] =	ssyncset.done $0x0  }
0x20b: {  	[sflag:s2] =	ssyncadd.s32 $0xFFFFC000  }
0x20c: {  	[spmem:s3] =	stream.indirect.scatter.add.f32 [tilespmem:s29], [sflag:$0x4], $0x80, s17, s26, $0xb8;
	[tilespmem:$0x1E800] =	vst v63  }
0x20d: {  	_ =	swait.ge [sflag:s0], $0x4000  }
0x20e: {  	[sflag:s0] =	ssyncset.done $0x0  }
0x20f: {  	[sflag:s0] =	ssyncadd.s32 $0xFFFFC000  }
0x210: {  	[tilespmem:s29], [sflag:$0x2] =	stream.indirect.gather [hbm4b:s1+s26], $0x80, s19, s26, $0xb8;
	[tilespmem:$0x1E800] =	vst v63  }
0x211: {  	_ =	swait.ge [sflag:s30], $0x4000  }
0x212: {  	[sflag:s30] =	ssyncset.done $0x0  }
0x213: {  	[sflag:s30] =	ssyncadd.s32 $0xFFFFC000  }
0x214: {  	[spmem:s3] =	stream.indirect.scatter.add.f32 [tilespmem:s28], [sflag:$0x3], $0x80, s20, s26, $0xb8;
	[tilespmem:$0x1E800] =	vst v63  }
0x215: {  	_ =	swait.ge [sflag:s2], $0x4000  }
0x216: {  	[sflag:s2] =	ssyncset.done $0x0  }
0x217: {  	[sflag:s2] =	ssyncadd.s32 $0xFFFFC000  }
0x218: {  	[spmem:s3] =	stream.indirect.scatter.add.f32 [tilespmem:s29], [sflag:$0x4], $0x80, s21, s26, $0xb8;
	[tilespmem:$0x1E800] =	vst v63  }
0x219: {  	_ =	swait.ge [sflag:s31], $0x4000  }
0x21a: {  	[sflag:s31] =	ssyncset.done $0x0  }
0x21b: {  	[sflag:s31] =	ssyncadd.s32 $0xFFFFC000  }
0x21c: {  	_ =	swait.ge [sflag:s0], $0x4000  }
0x21d: {  	[sflag:s0] =	ssyncset.done $0x0  }
0x21e: {  	[sflag:s0] =	ssyncadd.s32 $0xFFFFC000  }
0x21f: {  	[bflag:$0x0] =	sbarrier.arrive $0xFFFF  }
0x220: {  	s23 =	stileid.u32;
	s22 =	sld [smem:$0x7FB]  }
0x221: {  	s5 =	sshll.u32 s23, $0x6;
	s23 =	rddreg [dreg:$0x14]  }
0x222: {  	s5 =	sor.u32 $0x1C06, s5;
	s18 =	sshrl.u32 s23, $0x3  }
0x223: {  	[hbm:s22], [sflag:s5] =	dma.local [spmem:s18], $0x2700  }
0x224: {  	_ =	swait.ge [sflag:s24], $0x2700  }
0x225: {  	s18 =	sld [smem:$0x7FA]  }
0x226: {  	s22 =	sld [smem:$0x7FC]  }
0x227: {  	[sflag:s24] =	ssyncset.done $0x0  }
0x228: {  	[sflag:s24] =	ssyncadd.s32 $0xFFFFD900;
	s18 =	sshrl.u32 @!p0 s18, $0x3  }
0x229: {  	[hbm:s22], [sflag:s5] =	dma.local @!p0 [spmem:s18], $0x100  }
0x22a: {  	s5 =	simm.s32 @!p0 $0x6  }
0x22b: {  	_ =	swait.ge @!p0 [sflag:s5], $0x100  }
0x22c: {  	s18 =	sld [smem:$0x7F8];
	_ =	sdelay $0x2  }
0x22d: {  	s22 =	sadd.s32 $0x1, s18;
	s18 =	sld [smem:$0x7FD];
	_ =	sdelay $0x2  }
0x22e: {  	p1 =	sne.s32 s22, s18  }
.Ltmp2:
0x22f: {  	_ = 	snop;
	(pc) =	sbr.rel @p1 .LBB2_1-.Ltmp2, $3  }
0x230: {  	_ =	sdelay $0x1  }
0x231: {  	[sflag:s5] =	ssyncset.done @!p0 $0x0  }
0x232: {  	[sflag:s5] =	ssyncadd.s32 @!p0 $0xFFFFFF00  }
0x233: {  	_ =	sfence.sel $0x180000  }
0x234: {  	[bflag:$0x0] =	sbarrier.arrive $0xFFFF  }
0x235: {  	_ =	strace $0x9000004A  }
0x236: {  	[bflag:$0x2] =	sbarrier.arrive $0xFFFF  }
0x237: {  	s0 =	rddreg [dreg:$0x3]  }
0x238: {  	s0 =	sadd.s32 @!p0 $0x100000, s0  }
0x239: {  	[sflag:s0] =	ssyncadd.tile.s32 @!p0 $0x1;
	_ =	shalt  }
.Lfunc_end2:
_tile_overlayer_lowered:
.L_overlay_start_2:
0x23a: {  	(tag) =	ssettag $0x2  }
0x23b: {  	s0 =	rddreg [dreg:$0x0];
	s2 =	stileid.u32  }
0x23c: {  	s1 =	rddreg [dreg:$0x1];
	p0 =	sne.s32 s2, $0x0  }
0x23d: {  	s3 =	rddreg [dreg:$0x2];
	[bflag:$0x3] =	sbarrier.arrive $0xFFFF;
	s2 =	simm.s32 @!p0 $0x1C06  }
0x23e: {  	[timem:s3], [sflag:s2] =	dma.local @!p0 [hbm:s0], s1  }
0x23f: {  	s0 =	simm.s32 @!p0 $0x6  }
0x240: {  	_ =	swait.ge @!p0 [sflag:s0], s1  }
0x241: {  	s1 =	ssub.s32 @!p0 $0x0, s1;
	[sflag:s0] =	ssyncset.done @!p0 $0x0  }
0x242: {  	[sflag:s0] =	ssyncadd.s32 @!p0 s1  }
0x243: {  	[bflag:$0x3] =	sbarrier.arrive $0xFFFF  }
0x244: {  	_ =	shalt  }

// kernel: kernel.15.cloned.1.call-start
scs
__scs_entry_jumppad:
0x0: {  	(pc) =	sbr.rel $0x88, $3  }
0x1: {  	(tag) =	ssettag $0x0;
	lr =	simm.s32 $0x1  }
0x2: {  	[smem:$0x3F99] =	sst lr;
	_ =	strace $0xD0000000  }
0x3: {  	_ = 	snop  }
0x4: {  	_ = 	snop  }
0x5: {  	_ = 	snop  }
0x6: {  	_ = 	snop  }
0x7: {  	_ = 	snop  }
__scs_overlays_trampoline_lowered:
0x8: {  	[smem:$0x3FA8] =	sst s0  }
0x9: {  	[smem:$0x3FA9] =	sst s1  }
0xa: {  	[smem:$0x3FAA] =	sst s2  }
0xb: {  	[smem:$0x3FAB] =	sst s3  }
0xc: {  	[smem:$0x3FAC] =	sst s4  }
0xd: {  	[smem:$0x3FAD] =	sst s5  }
0xe: {  	[smem:$0x3FAE] =	sst s6  }
0xf: {  	[smem:$0x3FAF] =	sst s7  }
0x10: {  	[smem:$0x3FB0] =	sst s8  }
0x11: {  	[smem:$0x3FB1] =	sst s9;
	s0 =	simm.s32 @!p0 $0x0  }
0x12: {  	s1 =	sld [smem:$0x3F97];
	s0 =	simm.s32 @p0 $0x1  }
0x13: {  	[smem:$0x3FB2] =	sst s0;
	s0 =	simm.s32 @!p1 $0x0  }
0x14: {  	s2 =	sld [smem:$0x3F96];
	s0 =	simm.s32 @p1 $0x1  }
0x15: {  	[smem:$0x3FB3] =	sst s0;
	s0 =	simm.s32 @!p2 $0x0  }
0x16: {  	s3 =	sld [smem:$0x3FDB];
	s0 =	simm.s32 @p2 $0x1  }
0x17: {  	s4 =	simm.s32 $0x1BF5;
	[smem:$0x3FB5] =	sst s0  }
0x18: {  	s0 =	sld [smem:$0x3F98];
	_ =	swait.ge [sflag:s4], $0x0  }
0x19: {  	s7 =	sld [smem:$0x3F99]  }
0x1a: {  	s8 =	sadd.s32 $0xFFFFE003, lr  }
0x1b: {  	s9 =	sadd.s32 $0xFFFFFEF7, lr;
	s5 =	simm.s32 $0xFFFFFFFF;
	p2 =	slt.u32 s8, $0xFFFFF086  }
0x1c: {  	p1 =	slt.u32 s9, $0xF7A;
	s5 =	simm.s32 @!p2 $0x0  }
0x1d: {  	s5 =	simm.s32 @p1 $0x1;
	p0 =	seq.s32 s7, s2  }
0x1e: {  	s7 =	smul.u32 @!p0 $0xF7A, s2;
	p2 =	seq.s32 @!p0 s5, $0x0  }
0x1f: {  	s9 =	smul.u32 $0xF7A, s1;
	s8 =	simm.s32 @!p0 $0x1BF5;
	p2 =	por !p2, p0  }
0x20: {  	[sflag:s8] =	ssyncset.s32 @!p0 $0xFFFFF086;
	s6 =	sadd.s32 @!p0 s3, s7;
	s7 =	simm.s32 @!p0 $0x108  }
0x21: {  	s3 =	sadd.s32 s3, s9;
	s6 =	sadd.s32 @!p0 $0x88, s6;
	s7 =	simm.s32 @p2 $0x1082  }
0x22: {  	[simem:s7], [sflag:s8] =	dma.local @!p0 [hbm:s6], $0xF7A  }
0x23: {  	s9 =	sor.u32 $0xD0000000, s2;
	s6 =	simm.s32 $0x108;
	_ =	swait.ge @!p0 [sflag:s8], $0x0  }
0x24: {  	s3 =	sadd.s32 $0x88, s3;
	s6 =	simm.s32 @!p1 $0x1082;
	[sflag:s4] =	ssyncset.s32 $0xFFFFF086  }
0x25: {  	[simem:s6], [sflag:s4] =	dma.local [hbm:s3], $0xF7A  }
0x26: {  	[smem:$0x3F99] =	sst s1;
	(tag) =	ssettag s2;
	_ =	strace s9  }
0x27: {  	s1 =	sld [smem:$0x3FA9]  }
0x28: {  	s2 =	sld [smem:$0x3FAA]  }
0x29: {  	s4 =	sld [smem:$0x3FAC]  }
0x2a: {  	p0 =	seq.s32 s5, $0x0;
	s5 =	sld [smem:$0x3FAD]  }
0x2b: {  	s6 =	sld [smem:$0x3FAE]  }
0x2c: {  	s7 =	sld [smem:$0x3FAF]  }
0x2d: {  	s3 =	simm.s32 $0x108;
	s8 =	sld [smem:$0x3FB0]  }
0x2e: {  	s3 =	simm.s32 @!p0 $0x1082;
	s9 =	sld [smem:$0x3FB1]  }
0x2f: {  	lr =	sadd.s32 s0, s3;
	s0 =	sld [smem:$0x3FA8]  }
0x30: {  	s3 =	sld [smem:$0x3FAB]  }
0x31: {  	[smem:$0x3FB4] =	sst s10  }
0x32: {  	s10 =	sld [smem:$0x3FB2];
	_ =	sdelay $0x3  }
0x33: {  	p0 =	seq.s32 s10, $0x1;
	s10 =	sld [smem:$0x3FB4];
	_ =	sdelay $0x3  }
0x34: {  	[smem:$0x3FB4] =	sst s10  }
0x35: {  	s10 =	sld [smem:$0x3FB3];
	_ =	sdelay $0x3  }
0x36: {  	p1 =	seq.s32 s10, $0x1;
	s10 =	sld [smem:$0x3FB4];
	_ =	sdelay $0x3  }
0x37: {  	[smem:$0x3FB4] =	sst s10  }
0x38: {  	s10 =	sld [smem:$0x3FB5]  }
0x39: {  	_ = 	snop;
	(pc) =	sbr.ind lr, $3  }
0x3a: {  	_ = 	snop  }
0x3b: {  	_ = 	snop  }
0x3c: {  	p2 =	seq.s32 s10, $0x1;
	s10 =	sld [smem:$0x3FB4]  }
0x3d: {  	_ =	shalt  }
0x3e: {  	_ =	shalt  }
0x3f: {  	_ =	shalt  }
0x40: {  	_ =	shalt  }
0x41: {  	_ =	shalt  }
0x42: {  	_ =	shalt  }
0x43: {  	_ =	shalt  }
0x44: {  	_ =	shalt  }
0x45: {  	_ =	shalt  }
0x46: {  	_ =	shalt  }
0x47: {  	_ =	shalt  }
0x48: {  	_ =	shalt  }
0x49: {  	_ =	shalt  }
0x4a: {  	_ =	shalt  }
0x4b: {  	_ =	shalt  }
0x4c: {  	_ =	shalt  }
0x4d: {  	_ =	shalt  }
0x4e: {  	_ =	shalt  }
0x4f: {  	_ =	shalt  }
0x50: {  	_ =	shalt  }
0x51: {  	_ =	shalt  }
0x52: {  	_ =	shalt  }
0x53: {  	_ =	shalt  }
0x54: {  	_ =	shalt  }
0x55: {  	_ =	shalt  }
0x56: {  	_ =	shalt  }
0x57: {  	_ =	shalt  }
0x58: {  	_ =	shalt  }
0x59: {  	_ =	shalt  }
0x5a: {  	_ =	shalt  }
0x5b: {  	_ =	shalt  }
0x5c: {  	_ =	shalt  }
0x5d: {  	_ =	shalt  }
0x5e: {  	_ =	shalt  }
0x5f: {  	_ =	shalt  }
0x60: {  	_ =	shalt  }
0x61: {  	_ =	shalt  }
0x62: {  	_ =	shalt  }
0x63: {  	_ =	shalt  }
0x64: {  	_ =	shalt  }
0x65: {  	_ =	shalt  }
0x66: {  	_ =	shalt  }
0x67: {  	_ =	shalt  }
0x68: {  	_ =	shalt  }
0x69: {  	_ =	shalt  }
0x6a: {  	_ =	shalt  }
0x6b: {  	_ =	shalt  }
0x6c: {  	_ =	shalt  }
0x6d: {  	_ =	shalt  }
0x6e: {  	_ =	shalt  }
0x6f: {  	_ =	shalt  }
0x70: {  	_ =	shalt  }
0x71: {  	_ =	shalt  }
0x72: {  	_ =	shalt  }
0x73: {  	_ =	shalt  }
0x74: {  	_ =	shalt  }
0x75: {  	_ =	shalt  }
0x76: {  	_ =	shalt  }
0x77: {  	_ =	shalt  }
0x78: {  	_ =	shalt  }
0x79: {  	_ =	shalt  }
0x7a: {  	_ =	shalt  }
0x7b: {  	_ =	shalt  }
0x7c: {  	_ =	shalt  }
0x7d: {  	_ =	shalt  }
0x7e: {  	_ =	shalt  }
0x7f: {  	_ =	shalt  }
0x80: {  	_ =	shalt  }
0x81: {  	_ =	shalt  }
0x82: {  	_ =	shalt  }
0x83: {  	_ =	shalt  }
0x84: {  	_ =	shalt  }
0x85: {  	_ =	shalt  }
0x86: {  	_ =	shalt  }
0x87: {  	_ =	shalt  }
.Lfunc_end0:
.L_simem_size_0:
called_computation.2_lowered:
.L_overlay_start_0:
0x88: {  	s2 =	sld [smem:$0x3FD9]  }
0x89: {  	s3 =	sld [smem:$0x3FFE];
	_ =	sdelay $0x1  }
0x8a: {  	s1 =	srdreg.scid  }
0x8b: {  	s0 =	sand.u32 $0x1, s1  }
0x8c: {  	s17 =	sshll.u32 s0, $0xA;
	s2 =	sadd.s32 s3, s2  }
0x8d: {  	s2 =	sadd.s32 s2, s17  }
0x8e: {  	[smem:$0x3FC0] =	sst s2  }
0x8f: {  	_ = 	snop  }
0x90: {  	s2 =	sld [smem:$0x3FD0];
	(tm) =	ssettm $0x1  }
0x91: {  	s18 =	sld [smem:$0x3FFB];
	_ =	sdelay $0x3  }
0x92: {  	_ =	strace s18  }
0x93: {  	s3 =	sld [smem:$0x3FFC];
	_ =	sdelay $0x3  }
0x94: {  	_ =	strace s3  }
0x95: {  	s3 =	sld [smem:$0x3FFD];
	_ =	sdelay $0x3  }
0x96: {  	_ =	strace s3  }
0x97: {  	_ =	strace $0x8FFFFFFF  }
0x98: {  	s19 =	sld [smem:$0x3FDB];
	_ =	sdelay $0x1  }
0x99: {  	s4 =	simm.s32 $_scs_section_size  }
0x9a: {  	s5 =	simm.s32 $_size__tile_overlayer_lowered;
	s6 =	simm.s32 $_tile_overlayer_lowered  }
0x9b: {  	s22 =	simm.s32 $0x1BFF;
	s21 =	sshll.u32 s6, $0x1;
	s3 =	sadd.s32 s4, s19  }
0x9c: {  	s7 =	simm.s32 $0x0;
	s20 =	sshll.u32 s5, $0x1;
	s5 =	sadd.s32 s21, s3  }
0x9d: {  	[timem:s7], [sflag:s22] =	dma.local [hbm:s5], s20  }
0x9e: {  	_ =	swait.ge [sflag:s22], s20  }
0x9f: {  	s4 =	ssub.s32 $0x0, s20;
	[sflag:s22] =	ssyncset.done $0x0  }
0xa0: {  	[sflag:s22] =	ssyncadd.s32 s4;
	_ =	sdelay $0x1  }
0xa1: {  	s23 =	simm.s32 $0x1B8B  }
0xa2: {  	_ =	swait.ge [sflag:s23], $0x1  }
0xa3: {  	[sflag:s23] =	ssyncset.done $0x0  }
0xa4: {  	s25 =	simm.s32 $0x1B8E;
	s24 =	sld [smem:$0x3FFE];
	[sflag:s23] =	ssyncadd.s32 $0xFFFFFFFF  }
0xa5: {  	s26 =	simm.s32 $execute0_lowered;
	[smem:$0x3FD2] =	sst s25  }
0xa6: {  	s5 =	sshll.u32 s26, $0x1;
	_ =	strace $0x8000004C;
	[dreg:$0x1] =	wrdreg $0xFFFFFFFF  }
0xa7: {  	s28 =	simm.s32 $_size_execute0_lowered;
	s3 =	sadd.s32 s3, s5;
	[dreg:$0x0] =	wrdreg $0x0  }
0xa8: {  	s5 =	sshll.u32 s28, $0x1;
	[dreg:$0x2] =	wrdreg s3  }
0xa9: {  	[dreg:$0x3] =	wrdreg s5  }
0xaa: {  	[dreg:$0x4] =	wrdreg $0xC0  }
0xab: {  	_ =	task [dreg:s7], $0x5FFFF  }
0xac: {  	[dreg:$0x1] =	wrdreg $0xFFFFFFFF  }
0xad: {  	[dreg:$0x0] =	wrdreg $0x60  }
0xae: {  	[dreg:$0x2] =	wrdreg s2  }
0xaf: {  	[dreg:$0x3] =	wrdreg s24  }
0xb0: {  	[dreg:$0x4] =	wrdreg $0xA8000  }
0xb1: {  	[dreg:$0x5] =	wrdreg $0x9  }
0xb2: {  	_ =	task.clear_ibuf [dreg:s7], $0x6FFFF;
	_ =	strace $0x9000004C  }
0xb3: {  	s29 =	simm.s32 $0x9;
	_ =	strace $0x8000004E  }
0xb4: {  	_ =	swait.ge [sflag:s29], $0x1  }
0xb5: {  	[sflag:s29] =	ssyncadd.s32 $0xFFFFFFFF  }
0xb6: {  	_ =	strace $0x9000004E  }
0xb7: {  	_ =	sfence  }
0xb8: {  	s30 =	sld [smem:$0x0];
	_ =	sdelay $0x2  }
0xb9: {  	s31 =	sshll.u32 s1, $0xD;
	s1 =	sshrl.u32 s1, $0x2  }
0xba: {  	s3 =	sand.u32 $0x4000, s31;
	s1 =	sadd.s32 s1, s30  }
0xbb: {  	s0 =	sor.u32 s3, s0;
	s1 =	sshll.u32 s1, $0x11  }
0xbc: {  	s0 =	sor.u32 s1, s0  }
0xbd: {  	s0 =	sadd.s32 $0x8F2B, s0  }
0xbe: {  	[sflag:s0] =	ssyncadd.remote.s32 $0x1  }
0xbf: {  	_ =	sfence.sel $0xFFFF  }
0xc0: {  	[dreg:$0x0] =	wrdreg $0xFFFFFFFF;
	(pc) =	sbr.abs _section_cstart, $3  }
0xc1: {  	[dreg:$0x1] =	wrdreg $0xFFFFFFFF  }
0xc2: {  	_ =	task.clear_ibuf [dreg:s7], $0x2FFFF;
	_ =	strace $0x9FFFFFFF  }
0xc3: {  	(tm) =	ssettm $0x7FFFFFFF  }
tec
execute0_lowered:
.L_overlay_start_1:
0x0: {  	(tag) =	ssettag $0x1  }
0x1: {  	s0 =	srdreg.scid;
	s1 =	rddreg [dreg:$0x0]  }
0x2: {  	s9 =	stileid.u32;
	s5 =	rddreg [dreg:$0x1]  }
0x3: {  	s3 =	rddreg [dreg:$0x2];
	s4 =	simm.s32 $0x0;
	s24 =	simm.s32 $0x100  }
0x4: {  	s26 =	simm.s32 $0x880;
	s11 =	simm.s32 $0x180;
	[smem:$0x7FF] =	sst s4  }
0x5: {  	s28 =	simm.s32 $0x1000;
	_ =	strace $0x8000004D;
	[dreg:$0x6] =	wrdreg s24  }
0x6: {  	s0 =	sand.u32 $0x1, s0;
	s2 =	smul.u32 $0x5000, s9;
	[dreg:$0x7] =	wrdreg s26  }
0x7: {  	s13 =	smul.u32 $0x4E000, s9;
	[dreg:$0x8] =	wrdreg s11;
	s24 =	simm.s32 $0xB00  }
0x8: {  	s6 =	smul.u32 $0x2800, s0;
	s26 =	simm.s32 $0xB80;
	[dreg:$0x11] =	wrdreg s24  }
0x9: {  	s29 =	simm.s32 $0x5000;
	s30 =	simm.s32 $0x1;
	[dreg:$0x13] =	wrdreg s26  }
0xa: {  	s2 =	sadd.s32 s6, s2;
	s6 =	sshrl.u32 s13, $0x2;
	s13 =	simm.s32 $0x900  }
0xb: {  	s31 =	simm.s32 $0x3;
	s23 =	sadd.s32 s6, s3;
	[dreg:$0x9] =	wrdreg s13  }
0xc: {  	p0 =	sne.s32 s9, $0x0;
	s6 =	sadd.s32 $0x1800, s23;
	[dreg:$0x14] =	wrdreg s23  }
0xd: {  	s7 =	ssub.s32 $0x2, s0;
	s14 =	sadd.s32 $0x3000, s23;
	[dreg:$0x15] =	wrdreg s6  }
0xe: {  	s12 =	smul.u32 $0x27100, s0;
	s15 =	sadd.s32 $0x4800, s23;
	[dreg:$0x16] =	wrdreg s14  }
0xf: {  	s0 =	smul.u32 $0x138800, s0;
	s16 =	sadd.s32 $0x6000, s23;
	[dreg:$0x17] =	wrdreg s15  }
0x10: {  	s11 =	simm.s32 $0xD00;
	s17 =	sadd.s32 $0x7800, s23;
	[dreg:$0x18] =	wrdreg s16  }
0x11: {  	s8 =	sshrl.u32 s7, $0x1;
	s18 =	sadd.s32 $0x9000, s23;
	[dreg:$0x19] =	wrdreg s17  }
0x12: {  	s24 =	simm.s32 $0x6;
	s19 =	sadd.s32 $0xA800, s23;
	[dreg:$0x1a] =	wrdreg s18  }
0x13: {  	s26 =	simm.s32 $0x80;
	s20 =	sadd.s32 $0xC000, s23;
	[dreg:$0x1b] =	wrdreg s19  }
0x14: {  	s7 =	ssub.s32 s7, s8;
	s10 =	sadd.s32 $0xD800, s23;
	[dreg:$0x1c] =	wrdreg s20  }
0x15: {  	s2 =	sshrl.u32 s2, $0x3;
	s22 =	sadd.s32 $0xF000, s23;
	[dreg:$0x1d] =	wrdreg s10  }
0x16: {  	s2 =	sadd.s32 s2, s5;
	s25 =	sadd.s32 $0x10800, s23;
	[dreg:$0x1e] =	wrdreg s22  }
0x17: {  	s8 =	smul.u32 $0x2700, s9;
	s21 =	sadd.s32 $0xC200, s2;
	[dreg:$0x1f] =	wrdreg s25  }
0x18: {  	s0 =	sshrl.u32 s0, $0x3;
	s2 =	sadd.s32 $0x16200, s2;
	[dreg:$0x4] =	wrdreg s21  }
0x19: {  	s9 =	simm.s32 $0xC80;
	s10 =	sadd.s32 $0x12000, s23;
	[dreg:$0x5] =	wrdreg s2  }
0x1a: {  	s13 =	simm.s32 $0xD80;
	s14 =	sadd.s32 $0x138000, s3;
	[smem:$0x7F9] =	sst s10  }
0x1b: {  	s5 =	sadd.s32 $0x20200, s5;
	s15 =	simm.s32 $0x200;
	[smem:$0x7FA] =	sst s14  }
0x1c: {  	s6 =	sadd.s32 s8, s12;
	s16 =	simm.s32 $0x980;
	[dreg:$0xa] =	wrdreg s15  }
0x1d: {  	s17 =	simm.s32 $0x280;
	s18 =	simm.s32 $0xA00;
	[dreg:$0xb] =	wrdreg s16  }
0x1e: {  	s19 =	simm.s32 $0x300;
	s0 =	sadd.s32 s5, s0;
	[dreg:$0xc] =	wrdreg s17  }
0x1f: {  	s20 =	simm.s32 $0xA80;
	s22 =	smax.u32 s7, $0x1;
	[dreg:$0xd] =	wrdreg s18  }
0x20: {  	s25 =	simm.s32 $0x400;
	s7 =	simm.s32 $0xC00;
	[dreg:$0xe] =	wrdreg s19  }
0x21: {  	s8 =	simm.s32 $0x500;
	s12 =	simm.s32 $0x600;
	[dreg:$0xf] =	wrdreg s20  }
0x22: {  	s6 =	sadd.s32 s5, s6;
	s0 =	sadd.s32 $0x27000, s0;
	[smem:$0x7FD] =	sst s22  }
0x23: {  	s21 =	simm.s32 $0x380;
	[dreg:$0x12] =	wrdreg s25;
	s25 =	simm.s32 $0x800  }
0x24: {  	s2 =	simm.s32 $0x2;
	s10 =	simm.s32 $0x580;
	s14 =	simm.s32 $0x680  }
0x25: {  	s15 =	simm.s32 $0xE00;
	s16 =	simm.s32 $0x700;
	[smem:$0x7FB] =	sst s6  }
0x26: {  	s17 =	simm.s32 $0xE80;
	s19 =	simm.s32 $0x780;
	[smem:$0x7FC] =	sst s0  }
0x27: {  	s20 =	simm.s32 $0xF00;
	s22 =	simm.s32 $0x0;
	[dreg:$0x10] =	wrdreg s21  }
0x28: {  	v0 =	vimm.f32 $0.0e+00;
	s0 =	simm.s32 $0x4;
	s6 =	simm.s32 $0x480;
	s21 =	simm.s32 $0xF80  }
.LBB2_1:
0x29: {  	[smem:$0x7F8] =	sst s22;
	s5 =	simm.s32 $0x70;
	s22 =	simm.s32 $0x3C0  }
.LBB2_2:
0x2a: {  	p1 =	sne.s32 s22, $0x5FC0;
	[tilespmem:s5+$0x9000] =	vst v0  }
0x2b: {  	[tilespmem:s5+$0x8F90] =	vst v0  }
0x2c: {  	[tilespmem:s5+$0x8FA0] =	vst v0  }
.Ltmp0:
0x2d: {  	[tilespmem:s5+$0x8FB0] =	vst v0;
	(pc) =	sbr.rel @p1 .LBB2_2-.Ltmp0, $4  }
0x2e: {  	[tilespmem:s5+$0x8FC0] =	vst v0  }
0x2f: {  	[tilespmem:s5+$0x8FD0] =	vst v0  }
0x30: {  	[tilespmem:s5+$0x8FE0] =	vst v0  }
0x31: {  	[tilespmem:s5+$0x8FF0] =	vst v0;
	s5 =	sshra.s32 s22, $0x2;
	s22 =	sadd.s32 $0x200, s22  }
0x32: {  	[tilespmem:s5+$0x9000] =	vst v0  }
0x33: {  	[tilespmem:s5+$0x8F90] =	vst v0  }
0x34: {  	[tilespmem:s5+$0x8FA0] =	vst v0  }
0x35: {  	[tilespmem:s5+$0x8FB0] =	vst v0  }
0x36: {  	[tilespmem:s5+$0x8FC0] =	vst v0  }
0x37: {  	[tilespmem:s5+$0x8FD0] =	vst v0  }
0x38: {  	[tilespmem:s5+$0x8FE0] =	vst v0  }
0x39: {  	[tilespmem:s5+$0x8FF0] =	vst v0;
	s18 =	simm.s32 $0x9000;
	s22 =	rddreg [dreg:$0x15]  }
0x3a: {  	[spmem:s23] =	stream.linear.scatter [tilespmem:s18], [sflag:$0x5], $0x1800, $0x38;
	[tilespmem:$0x1E800] =	vst v63  }
0x3b: {  	s23 =	rddreg [dreg:$0x16]  }
0x3c: {  	[spmem:s22] =	stream.linear.scatter [tilespmem:s18], [sflag:$0x5], $0x1800, $0x38;
	[tilespmem:$0x1E800] =	vst v63  }
0x3d: {  	s22 =	rddreg [dreg:$0x17]  }
0x3e: {  	[spmem:s23] =	stream.linear.scatter [tilespmem:s18], [sflag:$0x5], $0x1800, $0x38;
	[tilespmem:$0x1E800] =	vst v63  }
0x3f: {  	s23 =	rddreg [dreg:$0x18]  }
0x40: {  	[spmem:s22] =	stream.linear.scatter [tilespmem:s18], [sflag:$0x5], $0x1800, $0x38;
	[tilespmem:$0x1E800] =	vst v63  }
0x41: {  	s22 =	rddreg [dreg:$0x19]  }
0x42: {  	[spmem:s23] =	stream.linear.scatter [tilespmem:s18], [sflag:$0x5], $0x1800, $0x38;
	[tilespmem:$0x1E800] =	vst v63  }
0x43: {  	s23 =	rddreg [dreg:$0x1a]  }
0x44: {  	[spmem:s22] =	stream.linear.scatter [tilespmem:s18], [sflag:$0x5], $0x1800, $0x38;
	[tilespmem:$0x1E800] =	vst v63  }
0x45: {  	s22 =	rddreg [dreg:$0x1b]  }
0x46: {  	[spmem:s23] =	stream.linear.scatter [tilespmem:s18], [sflag:$0x5], $0x1800, $0x38;
	[tilespmem:$0x1E800] =	vst v63  }
0x47: {  	s23 =	rddreg [dreg:$0x1c]  }
0x48: {  	[spmem:s22] =	stream.linear.scatter [tilespmem:s18], [sflag:$0x5], $0x1800, $0x38;
	[tilespmem:$0x1E800] =	vst v63  }
0x49: {  	s22 =	rddreg [dreg:$0x1d]  }
0x4a: {  	[spmem:s23] =	stream.linear.scatter [tilespmem:s18], [sflag:$0x5], $0x1800, $0x38;
	[tilespmem:$0x1E800] =	vst v63  }
0x4b: {  	s23 =	rddreg [dreg:$0x1e]  }
0x4c: {  	[spmem:s22] =	stream.linear.scatter [tilespmem:s18], [sflag:$0x5], $0x1800, $0x38;
	[tilespmem:$0x1E800] =	vst v63  }
0x4d: {  	s22 =	rddreg [dreg:$0x1f]  }
0x4e: {  	[spmem:s23] =	stream.linear.scatter [tilespmem:s18], [sflag:$0x5], $0x1800, $0x38;
	[tilespmem:$0x1E800] =	vst v63  }
0x4f: {  	s23 =	sld [smem:$0x7F9]  }
0x50: {  	[spmem:s22] =	stream.linear.scatter [tilespmem:s18], [sflag:$0x5], $0x1800, $0x38;
	[tilespmem:$0x1E800] =	vst v63  }
0x51: {  	_ = 	snop  }
0x52: {  	[spmem:s23] =	stream.linear.scatter [tilespmem:s18], [sflag:$0x5], $0x1800, $0x38;
	[tilespmem:$0x1E800] =	vst v63  }
0x53: {  	s18 =	sld [smem:$0x7FA];
	_ =	sdelay $0x1  }
0x54: {  	s5 =	simm.s32 @!p0 $0x9000  }
0x55: {  	[spmem:s18] =	stream.linear.scatter @!p0 [tilespmem:s5], [sflag:$0x5], $0x800, $0x38;
	[tilespmem:$0x1E800] =	vst v63  }
0x56: {  	s5 =	simm.s32 @!p0 $0x5  }
0x57: {  	_ =	swait.ge @!p0 [sflag:s5], $0x800  }
0x58: {  	[sflag:s5] =	ssyncset.done @!p0 $0x0  }
0x59: {  	s22 =	simm.s32 $0x5;
	[sflag:s5] =	ssyncadd.s32 @!p0 $0xFFFFF800  }
0x5a: {  	_ =	swait.ge [sflag:s22], $0x1800  }
0x5b: {  	[sflag:s22] =	ssyncset.done $0x0  }
0x5c: {  	[sflag:s22] =	ssyncadd.s32 $0xFFFFE800  }
0x5d: {  	_ =	swait.ge [sflag:s22], $0x1800  }
0x5e: {  	[sflag:s22] =	ssyncset.done $0x0  }
0x5f: {  	[sflag:s22] =	ssyncadd.s32 $0xFFFFE800  }
0x60: {  	_ =	swait.ge [sflag:s22], $0x1800  }
0x61: {  	[sflag:s22] =	ssyncset.done $0x0  }
0x62: {  	[sflag:s22] =	ssyncadd.s32 $0xFFFFE800  }
0x63: {  	_ =	swait.ge [sflag:s22], $0x1800  }
0x64: {  	[sflag:s22] =	ssyncset.done $0x0  }
0x65: {  	[sflag:s22] =	ssyncadd.s32 $0xFFFFE800  }
0x66: {  	_ =	swait.ge [sflag:s22], $0x1800  }
0x67: {  	[sflag:s22] =	ssyncset.done $0x0  }
0x68: {  	[sflag:s22] =	ssyncadd.s32 $0xFFFFE800  }
0x69: {  	_ =	swait.ge [sflag:s22], $0x1800  }
0x6a: {  	[sflag:s22] =	ssyncset.done $0x0  }
0x6b: {  	[sflag:s22] =	ssyncadd.s32 $0xFFFFE800  }
0x6c: {  	_ =	swait.ge [sflag:s22], $0x1800  }
0x6d: {  	[sflag:s22] =	ssyncset.done $0x0  }
0x6e: {  	[sflag:s22] =	ssyncadd.s32 $0xFFFFE800  }
0x6f: {  	_ =	swait.ge [sflag:s22], $0x1800  }
0x70: {  	[sflag:s22] =	ssyncset.done $0x0  }
0x71: {  	[sflag:s22] =	ssyncadd.s32 $0xFFFFE800  }
0x72: {  	_ =	swait.ge [sflag:s22], $0x1800  }
0x73: {  	[sflag:s22] =	ssyncset.done $0x0  }
0x74: {  	[sflag:s22] =	ssyncadd.s32 $0xFFFFE800  }
0x75: {  	_ =	swait.ge [sflag:s22], $0x1800  }
0x76: {  	[sflag:s22] =	ssyncset.done $0x0  }
0x77: {  	[sflag:s22] =	ssyncadd.s32 $0xFFFFE800  }
0x78: {  	_ =	swait.ge [sflag:s22], $0x1800  }
0x79: {  	[sflag:s22] =	ssyncset.done $0x0  }
0x7a: {  	[sflag:s22] =	ssyncadd.s32 $0xFFFFE800  }
0x7b: {  	_ =	swait.ge [sflag:s22], $0x1800  }
0x7c: {  	[sflag:s22] =	ssyncset.done $0x0  }
0x7d: {  	[sflag:s22] =	ssyncadd.s32 $0xFFFFE800  }
0x7e: {  	_ =	swait.ge [sflag:s22], $0x1800  }
0x7f: {  	[sflag:s22] =	ssyncset.done $0x0  }
0x80: {  	[sflag:s22] =	ssyncadd.s32 $0xFFFFE800  }
0x81: {  	[bflag:$0x0] =	sbarrier.arrive $0xFFFF  }
0x82: {  	s23 =	rddreg [dreg:$0x5]  }
0x83: {  	s5 =	sadd.s32 $0x0, s23  }
0x84: {  	[tilespmem:s4], [sflag:$0x6] =	stream.linear.gather [hbm4b:s5+s4], $0x800, $0x38;
	[tilespmem:$0x1E800] =	vst v63  }
0x85: {  	_ =	swait.ge [sflag:s24], $0x800  }
0x86: {  	s18 =	rddreg [dreg:$0x4];
	[sflag:s24] =	ssyncset.done $0x0  }
0x87: {  	[sflag:s24] =	ssyncadd.s32 $0xFFFFF800;
	s5 =	sadd.s32 $0x0, s18  }
0x88: {  	[tilespmem:s25], [sflag:$0x6] =	stream.linear.gather [hbm4b:s5+s4], $0x800, $0x38;
	[tilespmem:$0x1E800] =	vst v63  }
0x89: {  	_ =	swait.ge [sflag:s24], $0x800  }
0x8a: {  	[sflag:s24] =	ssyncset.done $0x0  }
0x8b: {  	[sflag:s24] =	ssyncadd.s32 $0xFFFFF800  }
0x8c: {  	[tilespmem:s28], [sflag:$0x1] =	stream.indirect.gather [hbm4b:s1+s26], $0x80, s4, s26, $0xb8;
	[tilespmem:$0x1E800] =	vst v63  }
0x8d: {  	_ = 	snop  }
0x8e: {  	[tilespmem:s29], [sflag:$0x2] =	stream.indirect.gather [hbm4b:s1+s26], $0x80, s26, s26, $0xb8;
	[tilespmem:$0x1E800] =	vst v63  }
0x8f: {  	_ =	swait.ge [sflag:s30], $0x4000  }
0x90: {  	[sflag:s30] =	ssyncset.done $0x0  }
0x91: {  	[sflag:s30] =	ssyncadd.s32 $0xFFFFC000  }
0x92: {  	[spmem:s3] =	stream.indirect.scatter.add.f32 [tilespmem:s28], [sflag:$0x3], $0x80, s25, s26, $0xb8;
	[tilespmem:$0x1E800] =	vst v63  }
0x93: {  	_ =	swait.ge [sflag:s31], $0x4000  }
0x94: {  	[sflag:s31] =	ssyncset.done $0x0  }
0x95: {  	s22 =	rddreg [dreg:$0x6];
	[sflag:s31] =	ssyncadd.s32 $0xFFFFC000  }
0x96: {  	[tilespmem:s28], [sflag:$0x1] =	stream.indirect.gather [hbm4b:s1+s26], $0x80, s22, s26, $0xb8;
	[tilespmem:$0x1E800] =	vst v63  }
0x97: {  	_ =	swait.ge [sflag:s2], $0x4000  }
0x98: {  	[sflag:s2] =	ssyncset.done $0x0  }
0x99: {  	s23 =	rddreg [dreg:$0x7];
	[sflag:s2] =	ssyncadd.s32 $0xFFFFC000  }
0x9a: {  	[spmem:s3] =	stream.indirect.scatter.add.f32 [tilespmem:s29], [sflag:$0x4], $0x80, s23, s26, $0xb8;
	[tilespmem:$0x1E800] =	vst v63  }
0x9b: {  	_ =	swait.ge [sflag:s0], $0x4000  }
0x9c: {  	[sflag:s0] =	ssyncset.done $0x0  }
0x9d: {  	s18 =	rddreg [dreg:$0x8];
	[sflag:s0] =	ssyncadd.s32 $0xFFFFC000  }
0x9e: {  	[tilespmem:s29], [sflag:$0x2] =	stream.indirect.gather [hbm4b:s1+s26], $0x80, s18, s26, $0xb8;
	[tilespmem:$0x1E800] =	vst v63  }
0x9f: {  	_ =	swait.ge [sflag:s30], $0x4000  }
0xa0: {  	[sflag:s30] =	ssyncset.done $0x0  }
0xa1: {  	s22 =	rddreg [dreg:$0x9];
	[sflag:s30] =	ssyncadd.s32 $0xFFFFC000  }
0xa2: {  	[spmem:s3] =	stream.indirect.scatter.add.f32 [tilespmem:s28], [sflag:$0x3], $0x80, s22, s26, $0xb8;
	[tilespmem:$0x1E800] =	vst v63  }
0xa3: {  	_ =	swait.ge [sflag:s31], $0x4000  }
0xa4: {  	[sflag:s31] =	ssyncset.done $0x0  }
0xa5: {  	s23 =	rddreg [dreg:$0xa];
	[sflag:s31] =	ssyncadd.s32 $0xFFFFC000  }
0xa6: {  	[tilespmem:s28], [sflag:$0x1] =	stream.indirect.gather [hbm4b:s1+s26], $0x80, s23, s26, $0xb8;
	[tilespmem:$0x1E800] =	vst v63  }
0xa7: {  	_ =	swait.ge [sflag:s2], $0x4000  }
0xa8: {  	[sflag:s2] =	ssyncset.done $0x0  }
0xa9: {  	s18 =	rddreg [dreg:$0xb];
	[sflag:s2] =	ssyncadd.s32 $0xFFFFC000  }
0xaa: {  	[spmem:s3] =	stream.indirect.scatter.add.f32 [tilespmem:s29], [sflag:$0x4], $0x80, s18, s26, $0xb8;
	[tilespmem:$0x1E800] =	vst v63  }
0xab: {  	_ =	swait.ge [sflag:s0], $0x4000  }
0xac: {  	[sflag:s0] =	ssyncset.done $0x0  }
0xad: {  	s22 =	rddreg [dreg:$0xc];
	[sflag:s0] =	ssyncadd.s32 $0xFFFFC000  }
0xae: {  	[tilespmem:s29], [sflag:$0x2] =	stream.indirect.gather [hbm4b:s1+s26], $0x80, s22, s26, $0xb8;
	[tilespmem:$0x1E800] =	vst v63  }
0xaf: {  	_ =	swait.ge [sflag:s30], $0x4000  }
0xb0: {  	[sflag:s30] =	ssyncset.done $0x0  }
0xb1: {  	s23 =	rddreg [dreg:$0xd];
	[sflag:s30] =	ssyncadd.s32 $0xFFFFC000  }
0xb2: {  	[spmem:s3] =	stream.indirect.scatter.add.f32 [tilespmem:s28], [sflag:$0x3], $0x80, s23, s26, $0xb8;
	[tilespmem:$0x1E800] =	vst v63  }
0xb3: {  	_ =	swait.ge [sflag:s31], $0x4000  }
0xb4: {  	[sflag:s31] =	ssyncset.done $0x0  }
0xb5: {  	s18 =	rddreg [dreg:$0xe];
	[sflag:s31] =	ssyncadd.s32 $0xFFFFC000  }
0xb6: {  	[tilespmem:s28], [sflag:$0x1] =	stream.indirect.gather [hbm4b:s1+s26], $0x80, s18, s26, $0xb8;
	[tilespmem:$0x1E800] =	vst v63  }
0xb7: {  	_ =	swait.ge [sflag:s2], $0x4000  }
0xb8: {  	[sflag:s2] =	ssyncset.done $0x0  }
0xb9: {  	s22 =	rddreg [dreg:$0xf];
	[sflag:s2] =	ssyncadd.s32 $0xFFFFC000  }
0xba: {  	[spmem:s3] =	stream.indirect.scatter.add.f32 [tilespmem:s29], [sflag:$0x4], $0x80, s22, s26, $0xb8;
	[tilespmem:$0x1E800] =	vst v63  }
0xbb: {  	_ =	swait.ge [sflag:s0], $0x4000  }
0xbc: {  	[sflag:s0] =	ssyncset.done $0x0  }
0xbd: {  	s23 =	rddreg [dreg:$0x10];
	[sflag:s0] =	ssyncadd.s32 $0xFFFFC000  }
0xbe: {  	[tilespmem:s29], [sflag:$0x2] =	stream.indirect.gather [hbm4b:s1+s26], $0x80, s23, s26, $0xb8;
	[tilespmem:$0x1E800] =	vst v63  }
0xbf: {  	_ =	swait.ge [sflag:s30], $0x4000  }
0xc0: {  	[sflag:s30] =	ssyncset.done $0x0  }
0xc1: {  	s18 =	rddreg [dreg:$0x11];
	[sflag:s30] =	ssyncadd.s32 $0xFFFFC000  }
0xc2: {  	[spmem:s3] =	stream.indirect.scatter.add.f32 [tilespmem:s28], [sflag:$0x3], $0x80, s18, s26, $0xb8;
	[tilespmem:$0x1E800] =	vst v63  }
0xc3: {  	_ =	swait.ge [sflag:s31], $0x4000  }
0xc4: {  	[sflag:s31] =	ssyncset.done $0x0  }
0xc5: {  	s22 =	rddreg [dreg:$0x12];
	[sflag:s31] =	ssyncadd.s32 $0xFFFFC000  }
0xc6: {  	[tilespmem:s28], [sflag:$0x1] =	stream.indirect.gather [hbm4b:s1+s26], $0x80, s22, s26, $0xb8;
	[tilespmem:$0x1E800] =	vst v63  }
0xc7: {  	_ =	swait.ge [sflag:s2], $0x4000  }
0xc8: {  	[sflag:s2] =	ssyncset.done $0x0  }
0xc9: {  	s23 =	rddreg [dreg:$0x13];
	[sflag:s2] =	ssyncadd.s32 $0xFFFFC000  }
0xca: {  	[spmem:s3] =	stream.indirect.scatter.add.f32 [tilespmem:s29], [sflag:$0x4], $0x80, s23, s26, $0xb8;
	[tilespmem:$0x1E800] =	vst v63  }
0xcb: {  	_ =	swait.ge [sflag:s0], $0x4000  }
0xcc: {  	[sflag:s0] =	ssyncset.done $0x0  }
0xcd: {  	[sflag:s0] =	ssyncadd.s32 $0xFFFFC000  }
0xce: {  	[tilespmem:s29], [sflag:$0x2] =	stream.indirect.gather [hbm4b:s1+s26], $0x80, s6, s26, $0xb8;
	[tilespmem:$0x1E800] =	vst v63  }
0xcf: {  	_ =	swait.ge [sflag:s30], $0x4000  }
0xd0: {  	[sflag:s30] =	ssyncset.done $0x0  }
0xd1: {  	[sflag:s30] =	ssyncadd.s32 $0xFFFFC000  }
0xd2: {  	[spmem:s3] =	stream.indirect.scatter.add.f32 [tilespmem:s28], [sflag:$0x3], $0x80, s7, s26, $0xb8;
	[tilespmem:$0x1E800] =	vst v63  }
0xd3: {  	_ =	swait.ge [sflag:s31], $0x4000  }
0xd4: {  	[sflag:s31] =	ssyncset.done $0x0  }
0xd5: {  	[sflag:s31] =	ssyncadd.s32 $0xFFFFC000  }
0xd6: {  	[tilespmem:s28], [sflag:$0x1] =	stream.indirect.gather [hbm4b:s1+s26], $0x80, s8, s26, $0xb8;
	[tilespmem:$0x1E800] =	vst v63  }
0xd7: {  	_ =	swait.ge [sflag:s2], $0x4000  }
0xd8: {  	[sflag:s2] =	ssyncset.done $0x0  }
0xd9: {  	[sflag:s2] =	ssyncadd.s32 $0xFFFFC000  }
0xda: {  	[spmem:s3] =	stream.indirect.scatter.add.f32 [tilespmem:s29], [sflag:$0x4], $0x80, s9, s26, $0xb8;
	[tilespmem:$0x1E800] =	vst v63  }
0xdb: {  	_ =	swait.ge [sflag:s0], $0x4000  }
0xdc: {  	[sflag:s0] =	ssyncset.done $0x0  }
0xdd: {  	[sflag:s0] =	ssyncadd.s32 $0xFFFFC000  }
0xde: {  	[tilespmem:s29], [sflag:$0x2] =	stream.indirect.gather [hbm4b:s1+s26], $0x80, s10, s26, $0xb8;
	[tilespmem:$0x1E800] =	vst v63  }
0xdf: {  	_ =	swait.ge [sflag:s30], $0x4000  }
0xe0: {  	[sflag:s30] =	ssyncset.done $0x0  }
0xe1: {  	[sflag:s30] =	ssyncadd.s32 $0xFFFFC000  }
0xe2: {  	[spmem:s3] =	stream.indirect.scatter.add.f32 [tilespmem:s28], [sflag:$0x3], $0x80, s11, s26, $0xb8;
	[tilespmem:$0x1E800] =	vst v63  }
0xe3: {  	_ =	swait.ge [sflag:s31], $0x4000  }
0xe4: {  	[sflag:s31] =	ssyncset.done $0x0  }
0xe5: {  	[sflag:s31] =	ssyncadd.s32 $0xFFFFC000  }
0xe6: {  	[tilespmem:s28], [sflag:$0x1] =	stream.indirect.gather [hbm4b:s1+s26], $0x80, s12, s26, $0xb8;
	[tilespmem:$0x1E800] =	vst v63  }
0xe7: {  	_ =	swait.ge [sflag:s2], $0x4000  }
0xe8: {  	[sflag:s2] =	ssyncset.done $0x0  }
0xe9: {  	[sflag:s2] =	ssyncadd.s32 $0xFFFFC000  }
0xea: {  	[spmem:s3] =	stream.indirect.scatter.add.f32 [tilespmem:s29], [sflag:$0x4], $0x80, s13, s26, $0xb8;
	[tilespmem:$0x1E800] =	vst v63  }
0xeb: {  	_ =	swait.ge [sflag:s0], $0x4000  }
0xec: {  	[sflag:s0] =	ssyncset.done $0x0  }
0xed: {  	[sflag:s0] =	ssyncadd.s32 $0xFFFFC000  }
0xee: {  	[tilespmem:s29], [sflag:$0x2] =	stream.indirect.gather [hbm4b:s1+s26], $0x80, s14, s26, $0xb8;
	[tilespmem:$0x1E800] =	vst v63  }
0xef: {  	_ =	swait.ge [sflag:s30], $0x4000  }
0xf0: {  	[sflag:s30] =	ssyncset.done $0x0  }
0xf1: {  	[sflag:s30] =	ssyncadd.s32 $0xFFFFC000  }
0xf2: {  	[spmem:s3] =	stream.indirect.scatter.add.f32 [tilespmem:s28], [sflag:$0x3], $0x80, s15, s26, $0xb8;
	[tilespmem:$0x1E800] =	vst v63  }
0xf3: {  	_ =	swait.ge [sflag:s31], $0x4000  }
0xf4: {  	[sflag:s31] =	ssyncset.done $0x0  }
0xf5: {  	[sflag:s31] =	ssyncadd.s32 $0xFFFFC000  }
0xf6: {  	[tilespmem:s28], [sflag:$0x1] =	stream.indirect.gather [hbm4b:s1+s26], $0x80, s16, s26, $0xb8;
	[tilespmem:$0x1E800] =	vst v63  }
0xf7: {  	_ =	swait.ge [sflag:s2], $0x4000  }
0xf8: {  	[sflag:s2] =	ssyncset.done $0x0  }
0xf9: {  	[sflag:s2] =	ssyncadd.s32 $0xFFFFC000  }
0xfa: {  	[spmem:s3] =	stream.indirect.scatter.add.f32 [tilespmem:s29], [sflag:$0x4], $0x80, s17, s26, $0xb8;
	[tilespmem:$0x1E800] =	vst v63  }
0xfb: {  	_ =	swait.ge [sflag:s0], $0x4000  }
0xfc: {  	[sflag:s0] =	ssyncset.done $0x0  }
0xfd: {  	[sflag:s0] =	ssyncadd.s32 $0xFFFFC000  }
0xfe: {  	[tilespmem:s29], [sflag:$0x2] =	stream.indirect.gather [hbm4b:s1+s26], $0x80, s19, s26, $0xb8;
	[tilespmem:$0x1E800] =	vst v63  }
0xff: {  	_ =	swait.ge [sflag:s30], $0x4000  }
0x100: {  	[sflag:s30] =	ssyncset.done $0x0  }
0x101: {  	[sflag:s30] =	ssyncadd.s32 $0xFFFFC000  }
0x102: {  	[spmem:s3] =	stream.indirect.scatter.add.f32 [tilespmem:s28], [sflag:$0x3], $0x80, s20, s26, $0xb8;
	[tilespmem:$0x1E800] =	vst v63  }
0x103: {  	_ =	swait.ge [sflag:s2], $0x4000  }
0x104: {  	[sflag:s2] =	ssyncset.done $0x0  }
0x105: {  	[sflag:s2] =	ssyncadd.s32 $0xFFFFC000  }
0x106: {  	[spmem:s3] =	stream.indirect.scatter.add.f32 [tilespmem:s29], [sflag:$0x4], $0x80, s21, s26, $0xb8;
	[tilespmem:$0x1E800] =	vst v63  }
0x107: {  	_ =	swait.ge [sflag:s31], $0x4000  }
0x108: {  	[sflag:s31] =	ssyncset.done $0x0  }
0x109: {  	[sflag:s31] =	ssyncadd.s32 $0xFFFFC000  }
0x10a: {  	s5 =	simm.s32 $0x100;
	_ =	swait.ge [sflag:s0], $0x4000  }
0x10b: {  	s22 =	simm.s32 $0x200;
	s18 =	rddreg [dreg:$0x5];
	[sflag:s0] =	ssyncset.done $0x0  }
.LBB2_4:
0x10c: {  	[sflag:s0] =	ssyncadd.s32 $0xFFFFC000;
	s18 =	sadd.s32 s5, s18  }
0x10d: {  	[tilespmem:s4], [sflag:$0x6] =	stream.linear.gather [hbm4b:s18+s4], $0x800, $0x38;
	[tilespmem:$0x1E800] =	vst v63  }
0x10e: {  	_ =	swait.ge [sflag:s24], $0x800  }
0x10f: {  	s18 =	rddreg [dreg:$0x4];
	[sflag:s24] =	ssyncset.done $0x0  }
0x110: {  	[sflag:s24] =	ssyncadd.s32 $0xFFFFF800;
	s18 =	sadd.s32 s5, s18  }
0x111: {  	[tilespmem:s25], [sflag:$0x6] =	stream.linear.gather [hbm4b:s18+s4], $0x800, $0x38;
	[tilespmem:$0x1E800] =	vst v63  }
0x112: {  	_ =	swait.ge [sflag:s24], $0x800  }
0x113: {  	[sflag:s24] =	ssyncset.done $0x0  }
0x114: {  	[sflag:s24] =	ssyncadd.s32 $0xFFFFF800  }
0x115: {  	[tilespmem:s28], [sflag:$0x1] =	stream.indirect.gather [hbm4b:s1+s26], $0x80, s4, s26, $0xb8;
	[tilespmem:$0x1E800] =	vst v63  }
0x116: {  	_ = 	snop  }
0x117: {  	[tilespmem:s29], [sflag:$0x2] =	stream.indirect.gather [hbm4b:s1+s26], $0x80, s26, s26, $0xb8;
	[tilespmem:$0x1E800] =	vst v63  }
0x118: {  	_ =	swait.ge [sflag:s30], $0x4000  }
0x119: {  	[sflag:s30] =	ssyncset.done $0x0  }
0x11a: {  	[sflag:s30] =	ssyncadd.s32 $0xFFFFC000  }
0x11b: {  	[spmem:s3] =	stream.indirect.scatter.add.f32 [tilespmem:s28], [sflag:$0x3], $0x80, s25, s26, $0xb8;
	[tilespmem:$0x1E800] =	vst v63  }
0x11c: {  	_ =	swait.ge [sflag:s31], $0x4000  }
0x11d: {  	s23 =	smov.u32 s22;
	[sflag:s31] =	ssyncset.done $0x0  }
0x11e: {  	s5 =	smov.u32 s23;
	s23 =	rddreg [dreg:$0x6];
	[sflag:s31] =	ssyncadd.s32 $0xFFFFC000  }
0x11f: {  	[tilespmem:s28], [sflag:$0x1] =	stream.indirect.gather [hbm4b:s1+s26], $0x80, s23, s26, $0xb8;
	[tilespmem:$0x1E800] =	vst v63  }
0x120: {  	_ =	swait.ge [sflag:s2], $0x4000  }
0x121: {  	[sflag:s2] =	ssyncset.done $0x0  }
0x122: {  	s23 =	rddreg [dreg:$0x7];
	[sflag:s2] =	ssyncadd.s32 $0xFFFFC000  }
0x123: {  	[spmem:s3] =	stream.indirect.scatter.add.f32 [tilespmem:s29], [sflag:$0x4], $0x80, s23, s26, $0xb8;
	[tilespmem:$0x1E800] =	vst v63  }
0x124: {  	_ =	swait.ge [sflag:s0], $0x4000  }
0x125: {  	[sflag:s0] =	ssyncset.done $0x0  }
0x126: {  	s23 =	rddreg [dreg:$0x8];
	[sflag:s0] =	ssyncadd.s32 $0xFFFFC000  }
0x127: {  	[tilespmem:s29], [sflag:$0x2] =	stream.indirect.gather [hbm4b:s1+s26], $0x80, s23, s26, $0xb8;
	[tilespmem:$0x1E800] =	vst v63  }
0x128: {  	_ =	swait.ge [sflag:s30], $0x4000  }
0x129: {  	[sflag:s30] =	ssyncset.done $0x0  }
0x12a: {  	s23 =	rddreg [dreg:$0x9];
	[sflag:s30] =	ssyncadd.s32 $0xFFFFC000  }
0x12b: {  	[spmem:s3] =	stream.indirect.scatter.add.f32 [tilespmem:s28], [sflag:$0x3], $0x80, s23, s26, $0xb8;
	[tilespmem:$0x1E800] =	vst v63  }
0x12c: {  	_ =	swait.ge [sflag:s31], $0x4000  }
0x12d: {  	[sflag:s31] =	ssyncset.done $0x0  }
0x12e: {  	s23 =	rddreg [dreg:$0xa];
	[sflag:s31] =	ssyncadd.s32 $0xFFFFC000  }
0x12f: {  	[tilespmem:s28], [sflag:$0x1] =	stream.indirect.gather [hbm4b:s1+s26], $0x80, s23, s26, $0xb8;
	[tilespmem:$0x1E800] =	vst v63  }
0x130: {  	_ =	swait.ge [sflag:s2], $0x4000  }
0x131: {  	[sflag:s2] =	ssyncset.done $0x0  }
0x132: {  	s23 =	rddreg [dreg:$0xb];
	[sflag:s2] =	ssyncadd.s32 $0xFFFFC000  }
0x133: {  	[spmem:s3] =	stream.indirect.scatter.add.f32 [tilespmem:s29], [sflag:$0x4], $0x80, s23, s26, $0xb8;
	[tilespmem:$0x1E800] =	vst v63  }
0x134: {  	_ =	swait.ge [sflag:s0], $0x4000  }
0x135: {  	[sflag:s0] =	ssyncset.done $0x0  }
0x136: {  	s23 =	rddreg [dreg:$0xc];
	[sflag:s0] =	ssyncadd.s32 $0xFFFFC000  }
0x137: {  	[tilespmem:s29], [sflag:$0x2] =	stream.indirect.gather [hbm4b:s1+s26], $0x80, s23, s26, $0xb8;
	[tilespmem:$0x1E800] =	vst v63  }
0x138: {  	_ =	swait.ge [sflag:s30], $0x4000  }
0x139: {  	[sflag:s30] =	ssyncset.done $0x0  }
0x13a: {  	s23 =	rddreg [dreg:$0xd];
	[sflag:s30] =	ssyncadd.s32 $0xFFFFC000  }
0x13b: {  	[spmem:s3] =	stream.indirect.scatter.add.f32 [tilespmem:s28], [sflag:$0x3], $0x80, s23, s26, $0xb8;
	[tilespmem:$0x1E800] =	vst v63  }
0x13c: {  	_ =	swait.ge [sflag:s31], $0x4000  }
0x13d: {  	[sflag:s31] =	ssyncset.done $0x0  }
0x13e: {  	s23 =	rddreg [dreg:$0xe];
	[sflag:s31] =	ssyncadd.s32 $0xFFFFC000  }
0x13f: {  	[tilespmem:s28], [sflag:$0x1] =	stream.indirect.gather [hbm4b:s1+s26], $0x80, s23, s26, $0xb8;
	[tilespmem:$0x1E800] =	vst v63  }
0x140: {  	_ =	swait.ge [sflag:s2], $0x4000  }
0x141: {  	[sflag:s2] =	ssyncset.done $0x0  }
0x142: {  	s23 =	rddreg [dreg:$0xf];
	[sflag:s2] =	ssyncadd.s32 $0xFFFFC000  }
0x143: {  	[spmem:s3] =	stream.indirect.scatter.add.f32 [tilespmem:s29], [sflag:$0x4], $0x80, s23, s26, $0xb8;
	[tilespmem:$0x1E800] =	vst v63  }
0x144: {  	_ =	swait.ge [sflag:s0], $0x4000  }
0x145: {  	[sflag:s0] =	ssyncset.done $0x0  }
0x146: {  	s23 =	rddreg [dreg:$0x10];
	[sflag:s0] =	ssyncadd.s32 $0xFFFFC000  }
0x147: {  	[tilespmem:s29], [sflag:$0x2] =	stream.indirect.gather [hbm4b:s1+s26], $0x80, s23, s26, $0xb8;
	[tilespmem:$0x1E800] =	vst v63  }
0x148: {  	_ =	swait.ge [sflag:s30], $0x4000  }
0x149: {  	[sflag:s30] =	ssyncset.done $0x0  }
0x14a: {  	s23 =	rddreg [dreg:$0x11];
	[sflag:s30] =	ssyncadd.s32 $0xFFFFC000  }
0x14b: {  	[spmem:s3] =	stream.indirect.scatter.add.f32 [tilespmem:s28], [sflag:$0x3], $0x80, s23, s26, $0xb8;
	[tilespmem:$0x1E800] =	vst v63  }
0x14c: {  	_ =	swait.ge [sflag:s31], $0x4000  }
0x14d: {  	[sflag:s31] =	ssyncset.done $0x0  }
0x14e: {  	s23 =	rddreg [dreg:$0x12];
	[sflag:s31] =	ssyncadd.s32 $0xFFFFC000  }
0x14f: {  	[tilespmem:s28], [sflag:$0x1] =	stream.indirect.gather [hbm4b:s1+s26], $0x80, s23, s26, $0xb8;
	[tilespmem:$0x1E800] =	vst v63  }
0x150: {  	_ =	swait.ge [sflag:s2], $0x4000  }
0x151: {  	[sflag:s2] =	ssyncset.done $0x0  }
0x152: {  	s23 =	rddreg [dreg:$0x13];
	[sflag:s2] =	ssyncadd.s32 $0xFFFFC000  }
0x153: {  	[spmem:s3] =	stream.indirect.scatter.add.f32 [tilespmem:s29], [sflag:$0x4], $0x80, s23, s26, $0xb8;
	[tilespmem:$0x1E800] =	vst v63  }
0x154: {  	_ =	swait.ge [sflag:s0], $0x4000  }
0x155: {  	[sflag:s0] =	ssyncset.done $0x0  }
0x156: {  	[sflag:s0] =	ssyncadd.s32 $0xFFFFC000  }
0x157: {  	[tilespmem:s29], [sflag:$0x2] =	stream.indirect.gather [hbm4b:s1+s26], $0x80, s6, s26, $0xb8;
	[tilespmem:$0x1E800] =	vst v63  }
0x158: {  	_ =	swait.ge [sflag:s30], $0x4000  }
0x159: {  	[sflag:s30] =	ssyncset.done $0x0  }
0x15a: {  	[sflag:s30] =	ssyncadd.s32 $0xFFFFC000  }
0x15b: {  	[spmem:s3] =	stream.indirect.scatter.add.f32 [tilespmem:s28], [sflag:$0x3], $0x80, s7, s26, $0xb8;
	[tilespmem:$0x1E800] =	vst v63  }
0x15c: {  	_ =	swait.ge [sflag:s31], $0x4000  }
0x15d: {  	[sflag:s31] =	ssyncset.done $0x0  }
0x15e: {  	[sflag:s31] =	ssyncadd.s32 $0xFFFFC000  }
0x15f: {  	[tilespmem:s28], [sflag:$0x1] =	stream.indirect.gather [hbm4b:s1+s26], $0x80, s8, s26, $0xb8;
	[tilespmem:$0x1E800] =	vst v63  }
0x160: {  	_ =	swait.ge [sflag:s2], $0x4000  }
0x161: {  	[sflag:s2] =	ssyncset.done $0x0  }
0x162: {  	[sflag:s2] =	ssyncadd.s32 $0xFFFFC000  }
0x163: {  	[spmem:s3] =	stream.indirect.scatter.add.f32 [tilespmem:s29], [sflag:$0x4], $0x80, s9, s26, $0xb8;
	[tilespmem:$0x1E800] =	vst v63  }
0x164: {  	_ =	swait.ge [sflag:s0], $0x4000  }
0x165: {  	[sflag:s0] =	ssyncset.done $0x0  }
0x166: {  	[sflag:s0] =	ssyncadd.s32 $0xFFFFC000  }
0x167: {  	[tilespmem:s29], [sflag:$0x2] =	stream.indirect.gather [hbm4b:s1+s26], $0x80, s10, s26, $0xb8;
	[tilespmem:$0x1E800] =	vst v63  }
0x168: {  	_ =	swait.ge [sflag:s30], $0x4000  }
0x169: {  	[sflag:s30] =	ssyncset.done $0x0  }
0x16a: {  	[sflag:s30] =	ssyncadd.s32 $0xFFFFC000  }
0x16b: {  	[spmem:s3] =	stream.indirect.scatter.add.f32 [tilespmem:s28], [sflag:$0x3], $0x80, s11, s26, $0xb8;
	[tilespmem:$0x1E800] =	vst v63  }
0x16c: {  	_ =	swait.ge [sflag:s31], $0x4000  }
0x16d: {  	[sflag:s31] =	ssyncset.done $0x0  }
0x16e: {  	[sflag:s31] =	ssyncadd.s32 $0xFFFFC000  }
0x16f: {  	[tilespmem:s28], [sflag:$0x1] =	stream.indirect.gather [hbm4b:s1+s26], $0x80, s12, s26, $0xb8;
	[tilespmem:$0x1E800] =	vst v63  }
0x170: {  	_ =	swait.ge [sflag:s2], $0x4000  }
0x171: {  	[sflag:s2] =	ssyncset.done $0x0  }
0x172: {  	[sflag:s2] =	ssyncadd.s32 $0xFFFFC000  }
0x173: {  	[spmem:s3] =	stream.indirect.scatter.add.f32 [tilespmem:s29], [sflag:$0x4], $0x80, s13, s26, $0xb8;
	[tilespmem:$0x1E800] =	vst v63  }
0x174: {  	_ =	swait.ge [sflag:s0], $0x4000  }
0x175: {  	[sflag:s0] =	ssyncset.done $0x0  }
0x176: {  	[sflag:s0] =	ssyncadd.s32 $0xFFFFC000  }
0x177: {  	[tilespmem:s29], [sflag:$0x2] =	stream.indirect.gather [hbm4b:s1+s26], $0x80, s14, s26, $0xb8;
	[tilespmem:$0x1E800] =	vst v63  }
0x178: {  	_ =	swait.ge [sflag:s30], $0x4000  }
0x179: {  	[sflag:s30] =	ssyncset.done $0x0  }
0x17a: {  	[sflag:s30] =	ssyncadd.s32 $0xFFFFC000  }
0x17b: {  	[spmem:s3] =	stream.indirect.scatter.add.f32 [tilespmem:s28], [sflag:$0x3], $0x80, s15, s26, $0xb8;
	[tilespmem:$0x1E800] =	vst v63  }
0x17c: {  	_ =	swait.ge [sflag:s31], $0x4000  }
0x17d: {  	[sflag:s31] =	ssyncset.done $0x0  }
0x17e: {  	[sflag:s31] =	ssyncadd.s32 $0xFFFFC000  }
0x17f: {  	[tilespmem:s28], [sflag:$0x1] =	stream.indirect.gather [hbm4b:s1+s26], $0x80, s16, s26, $0xb8;
	[tilespmem:$0x1E800] =	vst v63  }
0x180: {  	_ =	swait.ge [sflag:s2], $0x4000  }
0x181: {  	[sflag:s2] =	ssyncset.done $0x0  }
0x182: {  	[sflag:s2] =	ssyncadd.s32 $0xFFFFC000  }
0x183: {  	[spmem:s3] =	stream.indirect.scatter.add.f32 [tilespmem:s29], [sflag:$0x4], $0x80, s17, s26, $0xb8;
	[tilespmem:$0x1E800] =	vst v63  }
0x184: {  	_ =	swait.ge [sflag:s0], $0x4000  }
0x185: {  	[sflag:s0] =	ssyncset.done $0x0  }
0x186: {  	[sflag:s0] =	ssyncadd.s32 $0xFFFFC000  }
0x187: {  	[tilespmem:s29], [sflag:$0x2] =	stream.indirect.gather [hbm4b:s1+s26], $0x80, s19, s26, $0xb8;
	[tilespmem:$0x1E800] =	vst v63  }
0x188: {  	_ =	swait.ge [sflag:s30], $0x4000  }
0x189: {  	[sflag:s30] =	ssyncset.done $0x0  }
0x18a: {  	[sflag:s30] =	ssyncadd.s32 $0xFFFFC000  }
0x18b: {  	[spmem:s3] =	stream.indirect.scatter.add.f32 [tilespmem:s28], [sflag:$0x3], $0x80, s20, s26, $0xb8;
	[tilespmem:$0x1E800] =	vst v63  }
0x18c: {  	_ =	swait.ge [sflag:s2], $0x4000  }
0x18d: {  	[sflag:s2] =	ssyncset.done $0x0  }
0x18e: {  	p1 =	sne.s32 s22, $0x400;
	[sflag:s2] =	ssyncadd.s32 $0xFFFFC000  }
0x18f: {  	[spmem:s3] =	stream.indirect.scatter.add.f32 [tilespmem:s29], [sflag:$0x4], $0x80, s21, s26, $0xb8;
	[tilespmem:$0x1E800] =	vst v63  }
.Ltmp1:
0x190: {  	_ =	swait.ge [sflag:s31], $0x4000;
	(pc) =	sbr.rel @p1 .LBB2_4-.Ltmp1, $4  }
0x191: {  	[sflag:s31] =	ssyncset.done $0x0  }
0x192: {  	[sflag:s31] =	ssyncadd.s32 $0xFFFFC000  }
0x193: {  	_ =	swait.ge [sflag:s0], $0x4000  }
0x194: {  	s22 =	sadd.s32 $0x100, s22;
	s18 =	rddreg [dreg:$0x5];
	[sflag:s0] =	ssyncset.done $0x0  }
0x195: {  	[sflag:s0] =	ssyncadd.s32 $0xFFFFC000;
	s18 =	sadd.s32 s5, s18  }
0x196: {  	[tilespmem:s4], [sflag:$0x6] =	stream.linear.gather [hbm4b:s18+s4], $0x800, $0x38;
	[tilespmem:$0x1E800] =	vst v63  }
0x197: {  	_ =	swait.ge [sflag:s24], $0x800  }
0x198: {  	s22 =	rddreg [dreg:$0x4];
	[sflag:s24] =	ssyncset.done $0x0  }
0x199: {  	[sflag:s24] =	ssyncadd.s32 $0xFFFFF800;
	s23 =	sadd.s32 s5, s22  }
0x19a: {  	[tilespmem:s25], [sflag:$0x6] =	stream.linear.gather [hbm4b:s23+s4], $0x800, $0x38;
	[tilespmem:$0x1E800] =	vst v63  }
0x19b: {  	_ =	swait.ge [sflag:s24], $0x800  }
0x19c: {  	[sflag:s24] =	ssyncset.done $0x0  }
0x19d: {  	[sflag:s24] =	ssyncadd.s32 $0xFFFFF800  }
0x19e: {  	[tilespmem:s28], [sflag:$0x1] =	stream.indirect.gather [hbm4b:s1+s26], $0x80, s4, s26, $0xb8;
	[tilespmem:$0x1E800] =	vst v63  }
0x19f: {  	_ = 	snop  }
0x1a0: {  	[tilespmem:s29], [sflag:$0x2] =	stream.indirect.gather [hbm4b:s1+s26], $0x80, s26, s26, $0xb8;
	[tilespmem:$0x1E800] =	vst v63  }
0x1a1: {  	_ =	swait.ge [sflag:s30], $0x4000  }
0x1a2: {  	[sflag:s30] =	ssyncset.done $0x0  }
0x1a3: {  	[sflag:s30] =	ssyncadd.s32 $0xFFFFC000  }
0x1a4: {  	[spmem:s3] =	stream.indirect.scatter.add.f32 [tilespmem:s28], [sflag:$0x3], $0x80, s25, s26, $0xb8;
	[tilespmem:$0x1E800] =	vst v63  }
0x1a5: {  	_ =	swait.ge [sflag:s31], $0x4000  }
0x1a6: {  	[sflag:s31] =	ssyncset.done $0x0  }
0x1a7: {  	s18 =	rddreg [dreg:$0x6];
	[sflag:s31] =	ssyncadd.s32 $0xFFFFC000  }
0x1a8: {  	[tilespmem:s28], [sflag:$0x1] =	stream.indirect.gather [hbm4b:s1+s26], $0x80, s18, s26, $0xb8;
	[tilespmem:$0x1E800] =	vst v63  }
0x1a9: {  	_ =	swait.ge [sflag:s2], $0x4000  }
0x1aa: {  	[sflag:s2] =	ssyncset.done $0x0  }
0x1ab: {  	s22 =	rddreg [dreg:$0x7];
	[sflag:s2] =	ssyncadd.s32 $0xFFFFC000  }
0x1ac: {  	[spmem:s3] =	stream.indirect.scatter.add.f32 [tilespmem:s29], [sflag:$0x4], $0x80, s22, s26, $0xb8;
	[tilespmem:$0x1E800] =	vst v63  }
0x1ad: {  	_ =	swait.ge [sflag:s0], $0x4000  }
0x1ae: {  	[sflag:s0] =	ssyncset.done $0x0  }
0x1af: {  	s23 =	rddreg [dreg:$0x8];
	[sflag:s0] =	ssyncadd.s32 $0xFFFFC000  }
0x1b0: {  	[tilespmem:s29], [sflag:$0x2] =	stream.indirect.gather [hbm4b:s1+s26], $0x80, s23, s26, $0xb8;
	[tilespmem:$0x1E800] =	vst v63  }
0x1b1: {  	_ =	swait.ge [sflag:s30], $0x4000  }
0x1b2: {  	[sflag:s30] =	ssyncset.done $0x0  }
0x1b3: {  	s18 =	rddreg [dreg:$0x9];
	[sflag:s30] =	ssyncadd.s32 $0xFFFFC000  }
0x1b4: {  	[spmem:s3] =	stream.indirect.scatter.add.f32 [tilespmem:s28], [sflag:$0x3], $0x80, s18, s26, $0xb8;
	[tilespmem:$0x1E800] =	vst v63  }
0x1b5: {  	_ =	swait.ge [sflag:s31], $0x4000  }
0x1b6: {  	[sflag:s31] =	ssyncset.done $0x0  }
0x1b7: {  	s22 =	rddreg [dreg:$0xa];
	[sflag:s31] =	ssyncadd.s32 $0xFFFFC000  }
0x1b8: {  	[tilespmem:s28], [sflag:$0x1] =	stream.indirect.gather [hbm4b:s1+s26], $0x80, s22, s26, $0xb8;
	[tilespmem:$0x1E800] =	vst v63  }
0x1b9: {  	_ =	swait.ge [sflag:s2], $0x4000  }
0x1ba: {  	[sflag:s2] =	ssyncset.done $0x0  }
0x1bb: {  	s23 =	rddreg [dreg:$0xb];
	[sflag:s2] =	ssyncadd.s32 $0xFFFFC000  }
0x1bc: {  	[spmem:s3] =	stream.indirect.scatter.add.f32 [tilespmem:s29], [sflag:$0x4], $0x80, s23, s26, $0xb8;
	[tilespmem:$0x1E800] =	vst v63  }
0x1bd: {  	_ =	swait.ge [sflag:s0], $0x4000  }
0x1be: {  	[sflag:s0] =	ssyncset.done $0x0  }
0x1bf: {  	s18 =	rddreg [dreg:$0xc];
	[sflag:s0] =	ssyncadd.s32 $0xFFFFC000  }
0x1c0: {  	[tilespmem:s29], [sflag:$0x2] =	stream.indirect.gather [hbm4b:s1+s26], $0x80, s18, s26, $0xb8;
	[tilespmem:$0x1E800] =	vst v63  }
0x1c1: {  	_ =	swait.ge [sflag:s30], $0x4000  }
0x1c2: {  	[sflag:s30] =	ssyncset.done $0x0  }
0x1c3: {  	s22 =	rddreg [dreg:$0xd];
	[sflag:s30] =	ssyncadd.s32 $0xFFFFC000  }
0x1c4: {  	[spmem:s3] =	stream.indirect.scatter.add.f32 [tilespmem:s28], [sflag:$0x3], $0x80, s22, s26, $0xb8;
	[tilespmem:$0x1E800] =	vst v63  }
0x1c5: {  	_ =	swait.ge [sflag:s31], $0x4000  }
0x1c6: {  	[sflag:s31] =	ssyncset.done $0x0  }
0x1c7: {  	s23 =	rddreg [dreg:$0xe];
	[sflag:s31] =	ssyncadd.s32 $0xFFFFC000  }
0x1c8: {  	[tilespmem:s28], [sflag:$0x1] =	stream.indirect.gather [hbm4b:s1+s26], $0x80, s23, s26, $0xb8;
	[tilespmem:$0x1E800] =	vst v63  }
0x1c9: {  	_ =	swait.ge [sflag:s2], $0x4000  }
0x1ca: {  	[sflag:s2] =	ssyncset.done $0x0  }
0x1cb: {  	s18 =	rddreg [dreg:$0xf];
	[sflag:s2] =	ssyncadd.s32 $0xFFFFC000  }
0x1cc: {  	[spmem:s3] =	stream.indirect.scatter.add.f32 [tilespmem:s29], [sflag:$0x4], $0x80, s18, s26, $0xb8;
	[tilespmem:$0x1E800] =	vst v63  }
0x1cd: {  	_ =	swait.ge [sflag:s0], $0x4000  }
0x1ce: {  	[sflag:s0] =	ssyncset.done $0x0  }
0x1cf: {  	s22 =	rddreg [dreg:$0x10];
	[sflag:s0] =	ssyncadd.s32 $0xFFFFC000  }
0x1d0: {  	[tilespmem:s29], [sflag:$0x2] =	stream.indirect.gather [hbm4b:s1+s26], $0x80, s22, s26, $0xb8;
	[tilespmem:$0x1E800] =	vst v63  }
0x1d1: {  	_ =	swait.ge [sflag:s30], $0x4000  }
0x1d2: {  	[sflag:s30] =	ssyncset.done $0x0  }
0x1d3: {  	s23 =	rddreg [dreg:$0x11];
	[sflag:s30] =	ssyncadd.s32 $0xFFFFC000  }
0x1d4: {  	[spmem:s3] =	stream.indirect.scatter.add.f32 [tilespmem:s28], [sflag:$0x3], $0x80, s23, s26, $0xb8;
	[tilespmem:$0x1E800] =	vst v63  }
0x1d5: {  	_ =	swait.ge [sflag:s31], $0x4000  }
0x1d6: {  	[sflag:s31] =	ssyncset.done $0x0  }
0x1d7: {  	s18 =	rddreg [dreg:$0x12];
	[sflag:s31] =	ssyncadd.s32 $0xFFFFC000  }
0x1d8: {  	[tilespmem:s28], [sflag:$0x1] =	stream.indirect.gather [hbm4b:s1+s26], $0x80, s18, s26, $0xb8;
	[tilespmem:$0x1E800] =	vst v63  }
0x1d9: {  	_ =	swait.ge [sflag:s2], $0x4000  }
0x1da: {  	[sflag:s2] =	ssyncset.done $0x0  }
0x1db: {  	s22 =	rddreg [dreg:$0x13];
	[sflag:s2] =	ssyncadd.s32 $0xFFFFC000  }
0x1dc: {  	[spmem:s3] =	stream.indirect.scatter.add.f32 [tilespmem:s29], [sflag:$0x4], $0x80, s22, s26, $0xb8;
	[tilespmem:$0x1E800] =	vst v63  }
0x1dd: {  	_ =	swait.ge [sflag:s0], $0x4000  }
0x1de: {  	[sflag:s0] =	ssyncset.done $0x0  }
0x1df: {  	[sflag:s0] =	ssyncadd.s32 $0xFFFFC000  }
0x1e0: {  	[tilespmem:s29], [sflag:$0x2] =	stream.indirect.gather [hbm4b:s1+s26], $0x80, s6, s26, $0xb8;
	[tilespmem:$0x1E800] =	vst v63  }
0x1e1: {  	_ =	swait.ge [sflag:s30], $0x4000  }
0x1e2: {  	[sflag:s30] =	ssyncset.done $0x0  }
0x1e3: {  	[sflag:s30] =	ssyncadd.s32 $0xFFFFC000  }
0x1e4: {  	[spmem:s3] =	stream.indirect.scatter.add.f32 [tilespmem:s28], [sflag:$0x3], $0x80, s7, s26, $0xb8;
	[tilespmem:$0x1E800] =	vst v63  }
0x1e5: {  	_ =	swait.ge [sflag:s31], $0x4000  }
0x1e6: {  	[sflag:s31] =	ssyncset.done $0x0  }
0x1e7: {  	[sflag:s31] =	ssyncadd.s32 $0xFFFFC000  }
0x1e8: {  	[tilespmem:s28], [sflag:$0x1] =	stream.indirect.gather [hbm4b:s1+s26], $0x80, s8, s26, $0xb8;
	[tilespmem:$0x1E800] =	vst v63  }
0x1e9: {  	_ =	swait.ge [sflag:s2], $0x4000  }
0x1ea: {  	[sflag:s2] =	ssyncset.done $0x0  }
0x1eb: {  	[sflag:s2] =	ssyncadd.s32 $0xFFFFC000  }
0x1ec: {  	[spmem:s3] =	stream.indirect.scatter.add.f32 [tilespmem:s29], [sflag:$0x4], $0x80, s9, s26, $0xb8;
	[tilespmem:$0x1E800] =	vst v63  }
0x1ed: {  	_ =	swait.ge [sflag:s0], $0x4000  }
0x1ee: {  	[sflag:s0] =	ssyncset.done $0x0  }
0x1ef: {  	[sflag:s0] =	ssyncadd.s32 $0xFFFFC000  }
0x1f0: {  	[tilespmem:s29], [sflag:$0x2] =	stream.indirect.gather [hbm4b:s1+s26], $0x80, s10, s26, $0xb8;
	[tilespmem:$0x1E800] =	vst v63  }
0x1f1: {  	_ =	swait.ge [sflag:s30], $0x4000  }
0x1f2: {  	[sflag:s30] =	ssyncset.done $0x0  }
0x1f3: {  	[sflag:s30] =	ssyncadd.s32 $0xFFFFC000  }
0x1f4: {  	[spmem:s3] =	stream.indirect.scatter.add.f32 [tilespmem:s28], [sflag:$0x3], $0x80, s11, s26, $0xb8;
	[tilespmem:$0x1E800] =	vst v63  }
0x1f5: {  	_ =	swait.ge [sflag:s31], $0x4000  }
0x1f6: {  	[sflag:s31] =	ssyncset.done $0x0  }
0x1f7: {  	[sflag:s31] =	ssyncadd.s32 $0xFFFFC000  }
0x1f8: {  	[tilespmem:s28], [sflag:$0x1] =	stream.indirect.gather [hbm4b:s1+s26], $0x80, s12, s26, $0xb8;
	[tilespmem:$0x1E800] =	vst v63  }
0x1f9: {  	_ =	swait.ge [sflag:s2], $0x4000  }
0x1fa: {  	[sflag:s2] =	ssyncset.done $0x0  }
0x1fb: {  	[sflag:s2] =	ssyncadd.s32 $0xFFFFC000  }
0x1fc: {  	[spmem:s3] =	stream.indirect.scatter.add.f32 [tilespmem:s29], [sflag:$0x4], $0x80, s13, s26, $0xb8;
	[tilespmem:$0x1E800] =	vst v63  }
0x1fd: {  	_ =	swait.ge [sflag:s0], $0x4000  }
0x1fe: {  	[sflag:s0] =	ssyncset.done $0x0  }
0x1ff: {  	[sflag:s0] =	ssyncadd.s32 $0xFFFFC000  }
0x200: {  	[tilespmem:s29], [sflag:$0x2] =	stream.indirect.gather [hbm4b:s1+s26], $0x80, s14, s26, $0xb8;
	[tilespmem:$0x1E800] =	vst v63  }
0x201: {  	_ =	swait.ge [sflag:s30], $0x4000  }
0x202: {  	[sflag:s30] =	ssyncset.done $0x0  }
0x203: {  	[sflag:s30] =	ssyncadd.s32 $0xFFFFC000  }
0x204: {  	[spmem:s3] =	stream.indirect.scatter.add.f32 [tilespmem:s28], [sflag:$0x3], $0x80, s15, s26, $0xb8;
	[tilespmem:$0x1E800] =	vst v63  }
0x205: {  	_ =	swait.ge [sflag:s31], $0x4000  }
0x206: {  	[sflag:s31] =	ssyncset.done $0x0  }
0x207: {  	[sflag:s31] =	ssyncadd.s32 $0xFFFFC000  }
0x208: {  	[tilespmem:s28], [sflag:$0x1] =	stream.indirect.gather [hbm4b:s1+s26], $0x80, s16, s26, $0xb8;
	[tilespmem:$0x1E800] =	vst v63  }
0x209: {  	_ =	swait.ge [sflag:s2], $0x4000  }
0x20a: {  	[sflag:s2] =	ssyncset.done $0x0  }
0x20b: {  	[sflag:s2] =	ssyncadd.s32 $0xFFFFC000  }
0x20c: {  	[spmem:s3] =	stream.indirect.scatter.add.f32 [tilespmem:s29], [sflag:$0x4], $0x80, s17, s26, $0xb8;
	[tilespmem:$0x1E800] =	vst v63  }
0x20d: {  	_ =	swait.ge [sflag:s0], $0x4000  }
0x20e: {  	[sflag:s0] =	ssyncset.done $0x0  }
0x20f: {  	[sflag:s0] =	ssyncadd.s32 $0xFFFFC000  }
0x210: {  	[tilespmem:s29], [sflag:$0x2] =	stream.indirect.gather [hbm4b:s1+s26], $0x80, s19, s26, $0xb8;
	[tilespmem:$0x1E800] =	vst v63  }
0x211: {  	_ =	swait.ge [sflag:s30], $0x4000  }
0x212: {  	[sflag:s30] =	ssyncset.done $0x0  }
0x213: {  	[sflag:s30] =	ssyncadd.s32 $0xFFFFC000  }
0x214: {  	[spmem:s3] =	stream.indirect.scatter.add.f32 [tilespmem:s28], [sflag:$0x3], $0x80, s20, s26, $0xb8;
	[tilespmem:$0x1E800] =	vst v63  }
0x215: {  	_ =	swait.ge [sflag:s2], $0x4000  }
0x216: {  	[sflag:s2] =	ssyncset.done $0x0  }
0x217: {  	[sflag:s2] =	ssyncadd.s32 $0xFFFFC000  }
0x218: {  	[spmem:s3] =	stream.indirect.scatter.add.f32 [tilespmem:s29], [sflag:$0x4], $0x80, s21, s26, $0xb8;
	[tilespmem:$0x1E800] =	vst v63  }
0x219: {  	_ =	swait.ge [sflag:s31], $0x4000  }
0x21a: {  	[sflag:s31] =	ssyncset.done $0x0  }
0x21b: {  	[sflag:s31] =	ssyncadd.s32 $0xFFFFC000  }
0x21c: {  	_ =	swait.ge [sflag:s0], $0x4000  }
0x21d: {  	[sflag:s0] =	ssyncset.done $0x0  }
0x21e: {  	[sflag:s0] =	ssyncadd.s32 $0xFFFFC000  }
0x21f: {  	[bflag:$0x0] =	sbarrier.arrive $0xFFFF  }
0x220: {  	s23 =	stileid.u32;
	s22 =	sld [smem:$0x7FB]  }
0x221: {  	s5 =	sshll.u32 s23, $0x6;
	s23 =	rddreg [dreg:$0x14]  }
0x222: {  	s5 =	sor.u32 $0x1C06, s5;
	s18 =	sshrl.u32 s23, $0x3  }
0x223: {  	[hbm:s22], [sflag:s5] =	dma.local [spmem:s18], $0x2700  }
0x224: {  	_ =	swait.ge [sflag:s24], $0x2700  }
0x225: {  	s18 =	sld [smem:$0x7FA]  }
0x226: {  	s22 =	sld [smem:$0x7FC]  }
0x227: {  	[sflag:s24] =	ssyncset.done $0x0  }
0x228: {  	[sflag:s24] =	ssyncadd.s32 $0xFFFFD900;
	s18 =	sshrl.u32 @!p0 s18, $0x3  }
0x229: {  	[hbm:s22], [sflag:s5] =	dma.local @!p0 [spmem:s18], $0x100  }
0x22a: {  	s5 =	simm.s32 @!p0 $0x6  }
0x22b: {  	_ =	swait.ge @!p0 [sflag:s5], $0x100  }
0x22c: {  	s18 =	sld [smem:$0x7F8];
	_ =	sdelay $0x2  }
0x22d: {  	s22 =	sadd.s32 $0x1, s18;
	s18 =	sld [smem:$0x7FD];
	_ =	sdelay $0x2  }
0x22e: {  	p1 =	sne.s32 s22, s18  }
.Ltmp2:
0x22f: {  	_ = 	snop;
	(pc) =	sbr.rel @p1 .LBB2_1-.Ltmp2, $3  }
0x230: {  	_ =	sdelay $0x1  }
0x231: {  	[sflag:s5] =	ssyncset.done @!p0 $0x0  }
0x232: {  	[sflag:s5] =	ssyncadd.s32 @!p0 $0xFFFFFF00  }
0x233: {  	_ =	sfence.sel $0x180000  }
0x234: {  	[bflag:$0x0] =	sbarrier.arrive $0xFFFF  }
0x235: {  	_ =	strace $0x9000004D  }
0x236: {  	[bflag:$0x2] =	sbarrier.arrive $0xFFFF  }
0x237: {  	s0 =	rddreg [dreg:$0x3]  }
0x238: {  	s0 =	sadd.s32 @!p0 $0x100000, s0  }
0x239: {  	[sflag:s0] =	ssyncadd.tile.s32 @!p0 $0x1;
	_ =	shalt  }
.Lfunc_end2:
_tile_overlayer_lowered:
.L_overlay_start_2:
0x23a: {  	(tag) =	ssettag $0x2  }
0x23b: {  	s0 =	rddreg [dreg:$0x0];
	s2 =	stileid.u32  }
0x23c: {  	s1 =	rddreg [dreg:$0x1];
	p0 =	sne.s32 s2, $0x0  }
0x23d: {  	s3 =	rddreg [dreg:$0x2];
	[bflag:$0x3] =	sbarrier.arrive $0xFFFF;
	s2 =	simm.s32 @!p0 $0x1C06  }
0x23e: {  	[timem:s3], [sflag:s2] =	dma.local @!p0 [hbm:s0], s1  }
0x23f: {  	s0 =	simm.s32 @!p0 $0x6  }
0x240: {  	_ =	swait.ge @!p0 [sflag:s0], s1  }
0x241: {  	s1 =	ssub.s32 @!p0 $0x0, s1;
	[sflag:s0] =	ssyncset.done @!p0 $0x0  }
0x242: {  	[sflag:s0] =	ssyncadd.s32 @!p0 s1  }
0x243: {  	[bflag:$0x3] =	sbarrier.arrive $0xFFFF  }
0x244: {  	_ =	shalt  }

// kernel: kernel.9.cloned.1.call-start
scs
__scs_entry_jumppad:
0x0: {  	(pc) =	sbr.rel $0x88, $3  }
0x1: {  	(tag) =	ssettag $0x0;
	lr =	simm.s32 $0x1  }
0x2: {  	[smem:$0x3F99] =	sst lr;
	_ =	strace $0xD0000000  }
0x3: {  	_ = 	snop  }
0x4: {  	_ = 	snop  }
0x5: {  	_ = 	snop  }
0x6: {  	_ = 	snop  }
0x7: {  	_ = 	snop  }
__scs_overlays_trampoline_lowered:
0x8: {  	[smem:$0x3FA8] =	sst s0  }
0x9: {  	[smem:$0x3FA9] =	sst s1  }
0xa: {  	[smem:$0x3FAA] =	sst s2  }
0xb: {  	[smem:$0x3FAB] =	sst s3  }
0xc: {  	[smem:$0x3FAC] =	sst s4  }
0xd: {  	[smem:$0x3FAD] =	sst s5  }
0xe: {  	[smem:$0x3FAE] =	sst s6  }
0xf: {  	[smem:$0x3FAF] =	sst s7  }
0x10: {  	[smem:$0x3FB0] =	sst s8  }
0x11: {  	[smem:$0x3FB1] =	sst s9;
	s0 =	simm.s32 @!p0 $0x0  }
0x12: {  	s1 =	sld [smem:$0x3F97];
	s0 =	simm.s32 @p0 $0x1  }
0x13: {  	[smem:$0x3FB2] =	sst s0;
	s0 =	simm.s32 @!p1 $0x0  }
0x14: {  	s2 =	sld [smem:$0x3F96];
	s0 =	simm.s32 @p1 $0x1  }
0x15: {  	[smem:$0x3FB3] =	sst s0;
	s0 =	simm.s32 @!p2 $0x0  }
0x16: {  	s3 =	sld [smem:$0x3FDB];
	s0 =	simm.s32 @p2 $0x1  }
0x17: {  	s4 =	simm.s32 $0x1BF5;
	[smem:$0x3FB5] =	sst s0  }
0x18: {  	s0 =	sld [smem:$0x3F98];
	_ =	swait.ge [sflag:s4], $0x0  }
0x19: {  	s7 =	sld [smem:$0x3F99]  }
0x1a: {  	s8 =	sadd.s32 $0xFFFFE003, lr  }
0x1b: {  	s9 =	sadd.s32 $0xFFFFFEF7, lr;
	s5 =	simm.s32 $0xFFFFFFFF;
	p2 =	slt.u32 s8, $0xFFFFF086  }
0x1c: {  	p1 =	slt.u32 s9, $0xF7A;
	s5 =	simm.s32 @!p2 $0x0  }
0x1d: {  	s5 =	simm.s32 @p1 $0x1;
	p0 =	seq.s32 s7, s2  }
0x1e: {  	s7 =	smul.u32 @!p0 $0xF7A, s2;
	p2 =	seq.s32 @!p0 s5, $0x0  }
0x1f: {  	s9 =	smul.u32 $0xF7A, s1;
	s8 =	simm.s32 @!p0 $0x1BF5;
	p2 =	por !p2, p0  }
0x20: {  	[sflag:s8] =	ssyncset.s32 @!p0 $0xFFFFF086;
	s6 =	sadd.s32 @!p0 s3, s7;
	s7 =	simm.s32 @!p0 $0x108  }
0x21: {  	s3 =	sadd.s32 s3, s9;
	s6 =	sadd.s32 @!p0 $0x88, s6;
	s7 =	simm.s32 @p2 $0x1082  }
0x22: {  	[simem:s7], [sflag:s8] =	dma.local @!p0 [hbm:s6], $0xF7A  }
0x23: {  	s9 =	sor.u32 $0xD0000000, s2;
	s6 =	simm.s32 $0x108;
	_ =	swait.ge @!p0 [sflag:s8], $0x0  }
0x24: {  	s3 =	sadd.s32 $0x88, s3;
	s6 =	simm.s32 @!p1 $0x1082;
	[sflag:s4] =	ssyncset.s32 $0xFFFFF086  }
0x25: {  	[simem:s6], [sflag:s4] =	dma.local [hbm:s3], $0xF7A  }
0x26: {  	[smem:$0x3F99] =	sst s1;
	(tag) =	ssettag s2;
	_ =	strace s9  }
0x27: {  	s1 =	sld [smem:$0x3FA9]  }
0x28: {  	s2 =	sld [smem:$0x3FAA]  }
0x29: {  	s4 =	sld [smem:$0x3FAC]  }
0x2a: {  	p0 =	seq.s32 s5, $0x0;
	s5 =	sld [smem:$0x3FAD]  }
0x2b: {  	s6 =	sld [smem:$0x3FAE]  }
0x2c: {  	s7 =	sld [smem:$0x3FAF]  }
0x2d: {  	s3 =	simm.s32 $0x108;
	s8 =	sld [smem:$0x3FB0]  }
0x2e: {  	s3 =	simm.s32 @!p0 $0x1082;
	s9 =	sld [smem:$0x3FB1]  }
0x2f: {  	lr =	sadd.s32 s0, s3;
	s0 =	sld [smem:$0x3FA8]  }
0x30: {  	s3 =	sld [smem:$0x3FAB]  }
0x31: {  	[smem:$0x3FB4] =	sst s10  }
0x32: {  	s10 =	sld [smem:$0x3FB2];
	_ =	sdelay $0x3  }
0x33: {  	p0 =	seq.s32 s10, $0x1;
	s10 =	sld [smem:$0x3FB4];
	_ =	sdelay $0x3  }
0x34: {  	[smem:$0x3FB4] =	sst s10  }
0x35: {  	s10 =	sld [smem:$0x3FB3];
	_ =	sdelay $0x3  }
0x36: {  	p1 =	seq.s32 s10, $0x1;
	s10 =	sld [smem:$0x3FB4];
	_ =	sdelay $0x3  }
0x37: {  	[smem:$0x3FB4] =	sst s10  }
0x38: {  	s10 =	sld [smem:$0x3FB5]  }
0x39: {  	_ = 	snop;
	(pc) =	sbr.ind lr, $3  }
0x3a: {  	_ = 	snop  }
0x3b: {  	_ = 	snop  }
0x3c: {  	p2 =	seq.s32 s10, $0x1;
	s10 =	sld [smem:$0x3FB4]  }
0x3d: {  	_ =	shalt  }
0x3e: {  	_ =	shalt  }
0x3f: {  	_ =	shalt  }
0x40: {  	_ =	shalt  }
0x41: {  	_ =	shalt  }
0x42: {  	_ =	shalt  }
0x43: {  	_ =	shalt  }
0x44: {  	_ =	shalt  }
0x45: {  	_ =	shalt  }
0x46: {  	_ =	shalt  }
0x47: {  	_ =	shalt  }
0x48: {  	_ =	shalt  }
0x49: {  	_ =	shalt  }
0x4a: {  	_ =	shalt  }
0x4b: {  	_ =	shalt  }
0x4c: {  	_ =	shalt  }
0x4d: {  	_ =	shalt  }
0x4e: {  	_ =	shalt  }
0x4f: {  	_ =	shalt  }
0x50: {  	_ =	shalt  }
0x51: {  	_ =	shalt  }
0x52: {  	_ =	shalt  }
0x53: {  	_ =	shalt  }
0x54: {  	_ =	shalt  }
0x55: {  	_ =	shalt  }
0x56: {  	_ =	shalt  }
0x57: {  	_ =	shalt  }
0x58: {  	_ =	shalt  }
0x59: {  	_ =	shalt  }
0x5a: {  	_ =	shalt  }
0x5b: {  	_ =	shalt  }
0x5c: {  	_ =	shalt  }
0x5d: {  	_ =	shalt  }
0x5e: {  	_ =	shalt  }
0x5f: {  	_ =	shalt  }
0x60: {  	_ =	shalt  }
0x61: {  	_ =	shalt  }
0x62: {  	_ =	shalt  }
0x63: {  	_ =	shalt  }
0x64: {  	_ =	shalt  }
0x65: {  	_ =	shalt  }
0x66: {  	_ =	shalt  }
0x67: {  	_ =	shalt  }
0x68: {  	_ =	shalt  }
0x69: {  	_ =	shalt  }
0x6a: {  	_ =	shalt  }
0x6b: {  	_ =	shalt  }
0x6c: {  	_ =	shalt  }
0x6d: {  	_ =	shalt  }
0x6e: {  	_ =	shalt  }
0x6f: {  	_ =	shalt  }
0x70: {  	_ =	shalt  }
0x71: {  	_ =	shalt  }
0x72: {  	_ =	shalt  }
0x73: {  	_ =	shalt  }
0x74: {  	_ =	shalt  }
0x75: {  	_ =	shalt  }
0x76: {  	_ =	shalt  }
0x77: {  	_ =	shalt  }
0x78: {  	_ =	shalt  }
0x79: {  	_ =	shalt  }
0x7a: {  	_ =	shalt  }
0x7b: {  	_ =	shalt  }
0x7c: {  	_ =	shalt  }
0x7d: {  	_ =	shalt  }
0x7e: {  	_ =	shalt  }
0x7f: {  	_ =	shalt  }
0x80: {  	_ =	shalt  }
0x81: {  	_ =	shalt  }
0x82: {  	_ =	shalt  }
0x83: {  	_ =	shalt  }
0x84: {  	_ =	shalt  }
0x85: {  	_ =	shalt  }
0x86: {  	_ =	shalt  }
0x87: {  	_ =	shalt  }
.Lfunc_end0:
.L_simem_size_0:
called_computation_lowered:
.L_overlay_start_0:
0x88: {  	s2 =	sld [smem:$0x3FD9]  }
0x89: {  	s3 =	sld [smem:$0x3FFE];
	_ =	sdelay $0x1  }
0x8a: {  	s1 =	srdreg.scid  }
0x8b: {  	s0 =	sand.u32 $0x1, s1  }
0x8c: {  	s17 =	sshll.u32 s0, $0xA;
	s2 =	sadd.s32 s3, s2  }
0x8d: {  	s2 =	sadd.s32 s2, s17  }
0x8e: {  	[smem:$0x3FC0] =	sst s2  }
0x8f: {  	_ = 	snop  }
0x90: {  	s2 =	sld [smem:$0x3FD0];
	(tm) =	ssettm $0x1  }
0x91: {  	s18 =	sld [smem:$0x3FFB];
	_ =	sdelay $0x3  }
0x92: {  	_ =	strace s18  }
0x93: {  	s3 =	sld [smem:$0x3FFC];
	_ =	sdelay $0x3  }
0x94: {  	_ =	strace s3  }
0x95: {  	s3 =	sld [smem:$0x3FFD];
	_ =	sdelay $0x3  }
0x96: {  	_ =	strace s3  }
0x97: {  	_ =	strace $0x8FFFFFFF  }
0x98: {  	s19 =	sld [smem:$0x3FDB];
	_ =	sdelay $0x1  }
0x99: {  	s4 =	simm.s32 $_scs_section_size  }
0x9a: {  	s5 =	simm.s32 $_size__tile_overlayer_lowered;
	s6 =	simm.s32 $_tile_overlayer_lowered  }
0x9b: {  	s22 =	simm.s32 $0x1BFF;
	s21 =	sshll.u32 s6, $0x1;
	s3 =	sadd.s32 s4, s19  }
0x9c: {  	s7 =	simm.s32 $0x0;
	s20 =	sshll.u32 s5, $0x1;
	s5 =	sadd.s32 s21, s3  }
0x9d: {  	[timem:s7], [sflag:s22] =	dma.local [hbm:s5], s20  }
0x9e: {  	_ =	swait.ge [sflag:s22], s20  }
0x9f: {  	s4 =	ssub.s32 $0x0, s20;
	[sflag:s22] =	ssyncset.done $0x0  }
0xa0: {  	[sflag:s22] =	ssyncadd.s32 s4;
	_ =	sdelay $0x1  }
0xa1: {  	s23 =	simm.s32 $0x1B8B  }
0xa2: {  	_ =	swait.ge [sflag:s23], $0x1  }
0xa3: {  	[sflag:s23] =	ssyncset.done $0x0  }
0xa4: {  	s25 =	simm.s32 $0x1B8E;
	s24 =	sld [smem:$0x3FFE];
	[sflag:s23] =	ssyncadd.s32 $0xFFFFFFFF  }
0xa5: {  	s26 =	simm.s32 $execute0_lowered;
	[smem:$0x3FD2] =	sst s25  }
0xa6: {  	s5 =	sshll.u32 s26, $0x1;
	_ =	strace $0x80000046;
	[dreg:$0x1] =	wrdreg $0xFFFFFFFF  }
0xa7: {  	s28 =	simm.s32 $_size_execute0_lowered;
	s3 =	sadd.s32 s3, s5;
	[dreg:$0x0] =	wrdreg $0x0  }
0xa8: {  	s5 =	sshll.u32 s28, $0x1;
	[dreg:$0x2] =	wrdreg s3  }
0xa9: {  	[dreg:$0x3] =	wrdreg s5  }
0xaa: {  	[dreg:$0x4] =	wrdreg $0xC0  }
0xab: {  	_ =	task [dreg:s7], $0x5FFFF  }
0xac: {  	[dreg:$0x1] =	wrdreg $0xFFFFFFFF  }
0xad: {  	[dreg:$0x0] =	wrdreg $0x60  }
0xae: {  	[dreg:$0x2] =	wrdreg s2  }
0xaf: {  	[dreg:$0x3] =	wrdreg s24  }
0xb0: {  	[dreg:$0x4] =	wrdreg $0x9  }
0xb1: {  	_ =	task.clear_ibuf [dreg:s7], $0x5FFFF;
	_ =	strace $0x90000046  }
0xb2: {  	s29 =	simm.s32 $0x9;
	_ =	strace $0x80000048  }
0xb3: {  	_ =	swait.ge [sflag:s29], $0x1  }
0xb4: {  	[sflag:s29] =	ssyncadd.s32 $0xFFFFFFFF  }
0xb5: {  	_ =	strace $0x90000048  }
0xb6: {  	_ =	sfence  }
0xb7: {  	s30 =	sld [smem:$0x0];
	_ =	sdelay $0x2  }
0xb8: {  	s31 =	sshll.u32 s1, $0xD;
	s1 =	sshrl.u32 s1, $0x2  }
0xb9: {  	s3 =	sand.u32 $0x4000, s31;
	s1 =	sadd.s32 s1, s30  }
0xba: {  	s0 =	sor.u32 s3, s0;
	s1 =	sshll.u32 s1, $0x11  }
0xbb: {  	s0 =	sor.u32 s1, s0  }
0xbc: {  	s0 =	sadd.s32 $0x8F2B, s0  }
0xbd: {  	[sflag:s0] =	ssyncadd.remote.s32 $0x1  }
0xbe: {  	_ =	sfence.sel $0xFFFF  }
0xbf: {  	[dreg:$0x0] =	wrdreg $0xFFFFFFFF;
	(pc) =	sbr.abs _section_cstart, $3  }
0xc0: {  	[dreg:$0x1] =	wrdreg $0xFFFFFFFF  }
0xc1: {  	_ =	task.clear_ibuf [dreg:s7], $0x2FFFF;
	_ =	strace $0x9FFFFFFF  }
0xc2: {  	(tm) =	ssettm $0x7FFFFFFF  }
0xc3: {  	_ =	shalt  }
tec
execute0_lowered:
.L_overlay_start_1:
0x0: {  	(tag) =	ssettag $0x1  }
0x1: {  	s3 =	rddreg [dreg:$0x0];
	s1 =	srdreg.scid  }
0x2: {  	s0 =	stileid.u32;
	s4 =	rddreg [dreg:$0x1];
	s2 =	simm.s32 $0x0  }
0x3: {  	s8 =	simm.s32 $0x2;
	s5 =	sand.u32 $0x1, s1;
	s6 =	sshll.u32 s0, $0x1  }
0x4: {  	s9 =	simm.s32 $0x0;
	s6 =	sor.u32 s5, s6;
	s5 =	ssub.s32 $0x2, s5  }
0x5: {  	[smem:$0x7FF] =	sst s2;
	s6 =	smul.u32 $0x500, s6;
	s7 =	sshrl.u32 s5, $0x1  }
0x6: {  	s1 =	rddreg [dreg:$0x2];
	_ =	strace $0x80000047;
	s5 =	ssub.s32 s5, s7  }
0x7: {  	s7 =	simm.s32 $0x2800;
	s4 =	sadd.s32 s6, s4;
	s3 =	sadd.s32 s3, s6  }
0x8: {  	v0 =	vimm.f32 $0.0e+00;
	v1 =	vimm.f32 $1.000000000e+00;
	s5 =	smax.u32 s5, $0x1;
	s6 =	simm.s32 $0x1;
	s4 =	sadd.s32 $0x2200, s4  }
.LBB2_1:
0x9: {  	[tilespmem:s2], [sflag:$0x1] =	stream.linear.gather [hbm4b:s3+s2], $0x2800, $0x38;
	[tilespmem:$0x5000] =	vst v63  }
0xa: {  	s10 =	simm.s32 $0x40;
	s11 =	simm.s32 $0x0  }
.LBB2_2:
0xb: {  	p0 =	sne.s32 s10, $0x9FC0;
	[tilespmem:s11+$0x2800] =	vst v0;
	s11 =	smov.u32 s10;
	s10 =	sadd.s32 $0x40, s10  }
.Ltmp0:
0xc: {  	(pc) =	sbr.rel @p0 .LBB2_2-.Ltmp0, $2  }
0xd: {  	_ =	sdelay $0x2  }
0xe: {  	s11 =	sshra.s32 s11, $0x2  }
0xf: {  	[tilespmem:s11+$0x2800] =	vst v0  }
0x10: {  	_ =	swait.ge [sflag:s6], $0x2800  }
0x11: {  	[sflag:s6] =	ssyncset.done $0x0  }
0x12: {  	s11 =	simm.s32 $0x0;
	s10 =	simm.s32 $0x40;
	[sflag:s6] =	ssyncadd.s32 $0xFFFFD800  }
.LBB2_4:
0x13: {  	p0 =	sne.s32 s10, $0x9FC0;
	v2 =	vld [tilespmem:s11+$0x0];
	_ =	sdelay $0x3  }
.Ltmp1:
0x14: {  	(pc) =	sbr.rel @p0 .LBB2_4-.Ltmp1, $2  }
0x15: {  	_ =	sdelay $0x2  }
0x16: {  	s11 =	sshra.s32 s10, $0x2;
	s10 =	sadd.s32 $0x40, s10;
	[tilespmem:v2+s7+$0x0] =	vst.idx.add.f32.msk $0xffff, v1  }
0x17: {  	v2 =	vld [tilespmem:s11+$0x0];
	_ =	sdelay $0x5  }
0x18: {  	s9 =	sadd.s32 $0x1, s9  }
0x19: {  	p0 =	sne.s32 s9, s5  }
.Ltmp2:
0x1a: {  	[tilespmem:v2+s7+$0x0] =	vst.idx.add.f32.msk $0xffff, v1;
	(pc) =	sbr.rel @p0 .LBB2_1-.Ltmp2, $4  }
0x1b: {  	[hbm4b:s4+s2] =	stream.linear.scatter [tilespmem:s7], [sflag:$0x2], $0x2800, $0x38;
	[tilespmem:$0x5000] =	vst v63  }
0x1c: {  	_ =	swait.ge [sflag:s8], $0x2800  }
0x1d: {  	[sflag:s8] =	ssyncset.done $0x0  }
0x1e: {  	[sflag:s8] =	ssyncadd.s32 $0xFFFFD800  }
0x1f: {  	_ =	sfence.sel $0x180000  }
0x20: {  	[bflag:$0x0] =	sbarrier.arrive $0xFFFF  }
0x21: {  	p0 =	sne.s32 s0, $0x0;
	_ =	strace $0x90000047  }
0x22: {  	s0 =	sadd.s32 @!p0 $0x100000, s1;
	[bflag:$0x2] =	sbarrier.arrive $0xFFFF  }
0x23: {  	[sflag:s0] =	ssyncadd.tile.s32 @!p0 $0x1;
	_ =	shalt  }
.Lfunc_end2:
_tile_overlayer_lowered:
.L_overlay_start_2:
0x24: {  	(tag) =	ssettag $0x2  }
0x25: {  	s0 =	rddreg [dreg:$0x0];
	s2 =	stileid.u32  }
0x26: {  	s1 =	rddreg [dreg:$0x1];
	p0 =	sne.s32 s2, $0x0  }
0x27: {  	s3 =	rddreg [dreg:$0x2];
	[bflag:$0x3] =	sbarrier.arrive $0xFFFF;
	s2 =	simm.s32 @!p0 $0x1C02  }
0x28: {  	[timem:s3], [sflag:s2] =	dma.local @!p0 [hbm:s0], s1  }
0x29: {  	s0 =	simm.s32 @!p0 $0x2  }
0x2a: {  	_ =	swait.ge @!p0 [sflag:s0], s1  }
0x2b: {  	s1 =	ssub.s32 @!p0 $0x0, s1;
	[sflag:s0] =	ssyncset.done @!p0 $0x0  }
0x2c: {  	[sflag:s0] =	ssyncadd.s32 @!p0 s1  }
0x2d: {  	[bflag:$0x3] =	sbarrier.arrive $0xFFFF  }
0x2e: {  	_ =	shalt  }

</sc_bundles>
